<compile_context>
chip_gen: v7x
topology: tpu7x:2x2x1
jax: 0.10.2.dev20260603
libtpu: 0.0.44.dev20260713+nightly
codegen_flags: <defaults>
</compile_context>

<pallas_src>
import functools

import jax
import jax.numpy as jnp
from jax.experimental import pallas as pl
from jax.experimental.pallas import tpu as pltpu
from jax.experimental.pallas import tpu_sc as plsc

NC = 2
NS = 16
NW = NC * NS
CHUNK = 128
NBUF = 4
D = 128
BM = 1000


def _sc_degree(dst2d, ones_hbm, zeros_hbm, acc_rows, rpt, cpw):
    mesh = plsc.VectorSubcoreMesh(core_axis_name="c", subcore_axis_name="s")

    @functools.partial(
        pl.kernel,
        out_type=jax.ShapeDtypeStruct((NC, acc_rows, D), jnp.float32),
        mesh=mesh,
        scratch_types=[
            pltpu.VMEM_SHARED((acc_rows, D), jnp.float32),
            pltpu.VMEM((CHUNK, D), jnp.float32),
            pltpu.VMEM((cpw, CHUNK), jnp.int32),
            pltpu.SemaphoreType.DMA((NBUF,)),
        ],
    )
    def k(dst_hbm, ones_h, zeros_h, out_hbm, acc, ones_v, didx_v, sems):
        cid = jax.lax.axis_index("c")
        sid = jax.lax.axis_index("s")
        wid = cid * NS + sid
        r0 = sid * rpt
        pltpu.sync_copy(zeros_h.at[pl.ds(r0, rpt)], acc.at[pl.ds(r0, rpt)])
        pltpu.sync_copy(ones_h, ones_v)
        pltpu.sync_copy(dst_hbm.at[pl.ds(wid * cpw, cpw)], didx_v)
        plsc.subcore_barrier()

        @pl.loop(0, cpw // NBUF)
        def _(it):
            c0 = it * NBUF
            for s in range(NBUF):
                pltpu.async_copy(ones_v, acc.at[didx_v.at[c0 + s]],
                                 sems.at[s], add=True)
            for s in range(NBUF):
                pltpu.make_async_copy(ones_v, acc.at[didx_v.at[c0 + s]],
                                      sems.at[s]).wait()

        plsc.subcore_barrier()
        pltpu.sync_copy(acc.at[pl.ds(r0, rpt)],
                        out_hbm.at[cid, pl.ds(r0, rpt)])

    return k(dst2d, ones_hbm, zeros_hbm)


def _sc_gather_scatter(table, src2d, dst2d, zeros_hbm, acc_rows, rpt,
                       cpw0, cpw1):
    mesh = plsc.VectorSubcoreMesh(core_axis_name="c", subcore_axis_name="s")
    nseg = 4
    seg0 = cpw0 // nseg
    seg1 = cpw1 // nseg

    @functools.partial(
        pl.kernel,
        out_type=jax.ShapeDtypeStruct((NC, acc_rows, D), jnp.float32),
        mesh=mesh,
        scratch_types=[
            pltpu.VMEM_SHARED((acc_rows, D), jnp.float32),
            pltpu.VMEM((2, CHUNK, D), jnp.float32),
            pltpu.VMEM((seg0, CHUNK), jnp.int32),
            pltpu.VMEM((seg0, CHUNK), jnp.int32),
            pltpu.SemaphoreType.DMA((2,)),
            pltpu.SemaphoreType.DMA((2,)),
        ],
    )
    def k(tab_hbm, src_hbm, dst_hbm, zeros_h, out_hbm,
          acc, rows_v, sidx_v, didx_v, gsem, ssem):
        cid = jax.lax.axis_index("c")
        sid = jax.lax.axis_index("s")
        r0 = sid * rpt
        pltpu.sync_copy(zeros_h.at[pl.ds(r0, rpt)], acc.at[pl.ds(r0, rpt)])
        plsc.subcore_barrier()

        seg_c = jnp.where(cid == 0, seg0, seg1)
        base_c = jnp.where(cid == 0, sid * cpw0, NS * cpw0 + sid * cpw1)

        for h in range(nseg):
            hb = base_c + h * seg_c

            @pl.when(seg_c > 0)
            def _():
                pltpu.sync_copy(src_hbm.at[pl.ds(hb, seg0)], sidx_v)
                pltpu.sync_copy(dst_hbm.at[pl.ds(hb, seg0)], didx_v)
                for s in range(2):
                    pltpu.async_copy(tab_hbm.at[sidx_v.at[s]],
                                     rows_v.at[s], gsem.at[s])

            @pl.loop(0, seg0 // 2)
            def _(it):
                c0 = it * 2
                for s in range(2):
                    c = c0 + s

                    @pl.when(c < seg_c)
                    def _():
                        pltpu.make_async_copy(tab_hbm.at[sidx_v.at[c]],
                                              rows_v.at[s],
                                              gsem.at[s]).wait()
                        pltpu.async_copy(rows_v.at[s], acc.at[didx_v.at[c]],
                                         ssem.at[s], add=True)
                        pltpu.make_async_copy(rows_v.at[s],
                                              acc.at[didx_v.at[c]],
                                              ssem.at[s]).wait()

                        @pl.when(c + 2 < seg_c)
                        def _():
                            pltpu.async_copy(tab_hbm.at[sidx_v.at[c + 2]],
                                             rows_v.at[s], gsem.at[s])

        plsc.subcore_barrier()
        pltpu.sync_copy(acc.at[pl.ds(r0, rpt)],
                        out_hbm.at[cid, pl.ds(r0, rpt)])

    return k(table, src2d, dst2d, zeros_hbm)


def _mm(x, w, dinv=None):
    m, kdim = x.shape
    n = w.shape[1]
    in_specs = [
        pl.BlockSpec((BM, kdim), lambda i: (i, 0)),
        pl.BlockSpec((kdim, n), lambda i: (0, 0)),
    ]
    args = [x, w]
    if dinv is not None:
        in_specs.append(pl.BlockSpec((BM, 1), lambda i: (i, 0)))
        args.append(dinv)

    def body(x_ref, w_ref, *rest):
        if dinv is not None:
            d_ref, o_ref = rest
        else:
            (o_ref,) = rest
        acc = jax.lax.dot_general(
            x_ref[...], w_ref[...], (((1,), (0,)), ((), ())),
            preferred_element_type=jnp.float32,
            precision=jax.lax.Precision.HIGHEST)
        if dinv is not None:
            acc = acc * d_ref[...]
        o_ref[...] = acc

    return pl.pallas_call(
        body, grid=(m // BM,), in_specs=in_specs,
        out_specs=pl.BlockSpec((BM, n), lambda i: (i, 0)),
        out_shape=jax.ShapeDtypeStruct((m, n), jnp.float32))(*args)


def _prep(degp, xw):
    m = xw.shape[0]

    def body(dp_ref, xw_ref, dinv_ref, y_ref):
        deg = dp_ref[0, :, 0:1] + dp_ref[1, :, 0:1] + 1.0
        dinv = jax.lax.rsqrt(deg)
        dinv_ref[...] = dinv
        y_ref[...] = xw_ref[...] * dinv

    return pl.pallas_call(
        body, grid=(m // BM,),
        in_specs=[
            pl.BlockSpec((NC, BM, D), lambda i: (0, i, 0)),
            pl.BlockSpec((BM, D), lambda i: (i, 0)),
        ],
        out_specs=[
            pl.BlockSpec((BM, 1), lambda i: (i, 0)),
            pl.BlockSpec((BM, D), lambda i: (i, 0)),
        ],
        out_shape=[
            jax.ShapeDtypeStruct((m, 1), jnp.float32),
            jax.ShapeDtypeStruct((m, D), jnp.float32),
        ])(degp, xw)


def _combine(sp, y, dinv, b, apply_tanh):
    m = y.shape[0]

    def body(sp_ref, y_ref, d_ref, b_ref, o_ref):
        z = (sp_ref[0] + sp_ref[1] + y_ref[...]) * d_ref[...] + b_ref[...]
        o_ref[...] = jnp.tanh(z) if apply_tanh else z

    return pl.pallas_call(
        body, grid=(m // BM,),
        in_specs=[
            pl.BlockSpec((NC, BM, D), lambda i: (0, i, 0)),
            pl.BlockSpec((BM, D), lambda i: (i, 0)),
            pl.BlockSpec((BM, 1), lambda i: (i, 0)),
            pl.BlockSpec((1, D), lambda i: (0, 0)),
        ],
        out_specs=pl.BlockSpec((BM, D), lambda i: (i, 0)),
        out_shape=jax.ShapeDtypeStruct((m, D), jnp.float32))(sp, y, dinv, b)


def kernel(x, edge_index, W1, b1, W2, b2):
    n = x.shape[0]
    e = edge_index.shape[1]
    src = edge_index[0].astype(jnp.int32)
    dst = edge_index[1].astype(jnp.int32)

    epg = NW * CHUNK * NBUF
    ep = ((e + epg - 1) // epg) * epg
    cpw = ep // (NW * CHUNK)
    cpw1 = max(4, (2 * cpw) // 5) & ~3
    cpw0 = 2 * cpw - cpw1
    ep_all = ep + (cpw0 // 4) * CHUNK
    src = jnp.concatenate(
        [src, jnp.zeros((ep_all - e,), jnp.int32)])
    dst = jnp.concatenate(
        [dst, jnp.full((ep_all - e,), n, jnp.int32)])
    src2d = src.reshape(ep_all // CHUNK, CHUNK)
    dst2d = dst.reshape(ep_all // CHUNK, CHUNK)

    acc_rows = ((n + 1 + NS * 8 - 1) // (NS * 8)) * (NS * 8)
    rpt = acc_rows // NS

    ones128 = jnp.ones((CHUNK, D), jnp.float32)
    zeros128 = jnp.zeros((acc_rows, D), jnp.float32)

    degp = _sc_degree(dst2d, ones128, zeros128, acc_rows, rpt, cpw)
    xw1 = _mm(x, W1)
    dinv, y1 = _prep(degp, xw1)
    s1 = _sc_gather_scatter(y1, src2d, dst2d, zeros128, acc_rows, rpt,
                            cpw0, cpw1)
    h = _combine(s1, y1, dinv, b1.reshape(1, D), True)
    y2 = _mm(h, W2, dinv)
    s2 = _sc_gather_scatter(y2, src2d, dst2d, zeros128, acc_rows, rpt,
                            cpw0, cpw1)
    out = _combine(s2, y2, dinv, b2.reshape(1, D), False)
    return out

# --- scband reference (transcript-rebuilt; emitter-appended) ---
"""Pipeline reference for scband-combined-hidden-pradadecoder-369367188152 (READ-ONLY COPY).

The authoritative reference and input builder live on the scoring server;
editing this copy changes nothing except your own understanding.
"""

import jax, jax.numpy as jnp
import numpy as np

N_NODES = 10000
N_EDGES = 320000
IN_DIM = 128
HID_DIM = 128
OUT_DIM = 128


def gcn_conv(x, edge_index, W, b):
    # PyG GCNConv with add_self_loops=True, symmetric normalization, bias after aggregation
    num_nodes = x.shape[0]
    loop = jnp.arange(num_nodes, dtype=edge_index.dtype)
    src = jnp.concatenate([edge_index[0], loop])
    dst = jnp.concatenate([edge_index[1], loop])
    # linear transform first (GCNConv: lin(x))
    xw = x @ W
    # degree computed on dst (col) with unit edge weights, incl. self loops
    deg = jnp.zeros((num_nodes,), dtype=x.dtype).at[dst].add(1.0)
    dinv = jnp.where(deg > 0, deg ** -0.5, 0.0)
    norm = dinv[src] * dinv[dst]
    msg = xw[src] * norm[:, None]
    out = jnp.zeros((num_nodes, xw.shape[1]), dtype=x.dtype).at[dst].add(msg)
    return out + b


def setup_inputs(seed: int = 0) -> dict:
    key = jax.random.key(seed)
    k1, k2, k3, k4, k5, k6 = jax.random.split(key, 6)
    x = jax.random.normal(k1, (N_NODES, IN_DIM), dtype=jnp.float32)
    edge_index = jax.random.randint(k2, (2, N_EDGES), 0, N_NODES, dtype=jnp.int64)
    # Glorot-style init for GCN weights, zeros for bias (PyG default)
    s1 = float(np.sqrt(6.0 / (IN_DIM + HID_DIM)))
    s2 = float(np.sqrt(6.0 / (HID_DIM + OUT_DIM)))
    W1 = jax.random.uniform(k3, (IN_DIM, HID_DIM), minval=-s1, maxval=s1, dtype=jnp.float32)
    b1 = jnp.zeros((HID_DIM,), dtype=jnp.float32)
    W2 = jax.random.uniform(k4, (HID_DIM, OUT_DIM), minval=-s2, maxval=s2, dtype=jnp.float32)
    b2 = jnp.zeros((OUT_DIM,), dtype=jnp.float32)
    return {"x": x, "edge_index": edge_index, "W1": W1, "b1": b1, "W2": W2, "b2": b2}


def reference(x, edge_index, W1, b1, W2, b2):
    h = jnp.tanh(gcn_conv(x, edge_index, W1, b1))
    out = gcn_conv(h, edge_index, W2, b2)
    return out

if __name__ == "__main__":
    import jax
    _d = setup_inputs()
    print(jax.jit(kernel)(*tuple(_d.values())))

</pallas_src>

<mosaic_0001>
#map = affine_map<(d0, d1) -> (0, 0)>
#map1 = affine_map<(d0, d1) -> (0, 0, 0)>
module attributes {stable_mosaic.version = 14 : i64} {
  func.func @k(%arg0: i32, %arg1: i32, %arg2: memref<2592x128xi32, #tpu.memory_space<hbm>>, %arg3: memref<128x128xf32, #tpu.memory_space<hbm>>, %arg4: memref<10112x128xf32, #tpu.memory_space<hbm>>, %arg5: memref<2x10112x128xf32, #tpu.memory_space<hbm>>, %arg6: memref<10112x128xf32, #tpu.memory_space<vmem_shared>>, %arg7: memref<128x128xf32, #tpu.memory_space<vmem>>, %arg8: memref<80x128xi32, #tpu.memory_space<vmem>>, %arg9: memref<4x!tpu.dma_semaphore, #tpu.memory_space<semaphore_mem>>) attributes {dimension_semantics = [#tpu.dimension_semantics<core_parallel>, #tpu.dimension_semantics<subcore_parallel>], iteration_bounds = array<i64: 2, 16>, scalar_prefetch = 0 : i64, scratch_operands = 4 : i64, tpu.core_type = #tpu.core_type<sc_vector_subcore>, window_params = [{transform_indices = #map}, {transform_indices = #map}, {transform_indices = #map}, {transform_indices = #map1}]} {
    %mul3A = arith.constant 16 : i32
    %mul3A_0 = arith.muli %arg0, %mul3A : i32
    %add3A = arith.addi %mul3A_0, %arg1 : i32
    %mul3A_1 = arith.constant 632 : i32
    %mul3A_2 = arith.muli %arg1, %mul3A_1 : i32
    "tpu.region"() ({
      %run_scoped3A = tpu.sem_alloc : memref<!tpu.dma_semaphore, #tpu.memory_space<semaphore_mem>>
      %dma_start3A = arith.constant 0 : i32
      %dma_start3A_10 = tpu.memref_slice %arg6[%mul3A_2, %dma_start3A] : memref<10112x128xf32, #tpu.memory_space<vmem_shared>> -> memref<632x128xf32, #tpu.memory_space<vmem_shared>>
      %dma_start3A_11 = arith.constant 0 : i32
      %dma_start3A_12 = tpu.memref_slice %arg4[%mul3A_2, %dma_start3A_11] : memref<10112x128xf32, #tpu.memory_space<hbm>> -> memref<632x128xf32, #tpu.memory_space<hbm>>
      tpu.enqueue_dma source(%dma_start3A_12 : memref<632x128xf32, #tpu.memory_space<hbm>>) target(%dma_start3A_10 : memref<632x128xf32, #tpu.memory_space<vmem_shared>>) target_semaphore(%run_scoped3A : memref<!tpu.dma_semaphore, #tpu.memory_space<semaphore_mem>>)
      %dma_wait3A = arith.constant 0 : i32
      %dma_wait3A_13 = tpu.memref_slice %arg6[%mul3A_2, %dma_wait3A] : memref<10112x128xf32, #tpu.memory_space<vmem_shared>> -> memref<632x128xf32, #tpu.memory_space<vmem_shared>>
      %dma_wait3A_14 = arith.constant 0 : i32
      %dma_wait3A_15 = tpu.memref_slice %arg4[%mul3A_2, %dma_wait3A_14] : memref<10112x128xf32, #tpu.memory_space<hbm>> -> memref<632x128xf32, #tpu.memory_space<hbm>>
      tpu.wait_dma2 semaphore(%run_scoped3A : memref<!tpu.dma_semaphore, #tpu.memory_space<semaphore_mem>>) src(%dma_wait3A_15 : memref<632x128xf32, #tpu.memory_space<hbm>>) dst(%dma_wait3A_13 : memref<632x128xf32, #tpu.memory_space<vmem_shared>>)
      tpu.yield
    }) : () -> ()
    "tpu.region"() ({
      %run_scoped3A = tpu.sem_alloc : memref<!tpu.dma_semaphore, #tpu.memory_space<semaphore_mem>>
      tpu.enqueue_dma source(%arg3 : memref<128x128xf32, #tpu.memory_space<hbm>>) target(%arg7 : memref<128x128xf32, #tpu.memory_space<vmem>>) target_semaphore(%run_scoped3A : memref<!tpu.dma_semaphore, #tpu.memory_space<semaphore_mem>>)
      tpu.wait_dma2 semaphore(%run_scoped3A : memref<!tpu.dma_semaphore, #tpu.memory_space<semaphore_mem>>) src(%arg3 : memref<128x128xf32, #tpu.memory_space<hbm>>) dst(%arg7 : memref<128x128xf32, #tpu.memory_space<vmem>>)
      tpu.yield
    }) : () -> ()
    %mul3A_3 = arith.constant 80 : i32
    %mul3A_4 = arith.muli %add3A, %mul3A_3 : i32
    "tpu.region"() ({
      %run_scoped3A = tpu.sem_alloc : memref<!tpu.dma_semaphore, #tpu.memory_space<semaphore_mem>>
      %dma_start3A = arith.constant 0 : i32
      %dma_start3A_10 = tpu.memref_slice %arg2[%mul3A_4, %dma_start3A] : memref<2592x128xi32, #tpu.memory_space<hbm>> -> memref<80x128xi32, #tpu.memory_space<hbm>>
      %dma_start3A_11 = arith.constant 0 : i32
      %dma_start3A_12 = tpu.memref_slice %arg2[%mul3A_4, %dma_start3A_11] : memref<2592x128xi32, #tpu.memory_space<hbm>> -> memref<80x128xi32, #tpu.memory_space<hbm>>
      tpu.enqueue_dma source(%dma_start3A_12 : memref<80x128xi32, #tpu.memory_space<hbm>>) target(%arg8 : memref<80x128xi32, #tpu.memory_space<vmem>>) target_semaphore(%run_scoped3A : memref<!tpu.dma_semaphore, #tpu.memory_space<semaphore_mem>>)
      %dma_wait3A = arith.constant 0 : i32
      %dma_wait3A_13 = tpu.memref_slice %arg2[%mul3A_4, %dma_wait3A] : memref<2592x128xi32, #tpu.memory_space<hbm>> -> memref<80x128xi32, #tpu.memory_space<hbm>>
      %dma_wait3A_14 = arith.constant 0 : i32
      %dma_wait3A_15 = tpu.memref_slice %arg2[%mul3A_4, %dma_wait3A_14] : memref<2592x128xi32, #tpu.memory_space<hbm>> -> memref<80x128xi32, #tpu.memory_space<hbm>>
      tpu.wait_dma2 semaphore(%run_scoped3A : memref<!tpu.dma_semaphore, #tpu.memory_space<semaphore_mem>>) src(%dma_wait3A_15 : memref<80x128xi32, #tpu.memory_space<hbm>>) dst(%arg8 : memref<80x128xi32, #tpu.memory_space<vmem>>)
      tpu.yield
    }) : () -> ()
    %barrier3A = arith.constant 0 : index
    tpu.barrier barrier_id(%barrier3A)
    %scan3A = arith.constant 0 : i32
    %scan3A_5 = arith.constant 20 : i32
    %scan3A_6 = arith.addi %scan3A, %scan3A_5 : i32
    %scan3A_7 = arith.constant 1 : i32
    scf.for %scan3A_10 = %scan3A to %scan3A_6 step %scan3A_7  : i32 {
      %mul3A_11 = arith.constant 1 : i32
      %mul3A_12 = arith.muli %scan3A_10, %mul3A_11 : i32
      %add3A_13 = arith.constant 0 : i32
      %add3A_14 = arith.addi %add3A_13, %mul3A_12 : i32
      %mul3A_15 = arith.constant 4 : i32
      %mul3A_16 = arith.muli %add3A_14, %mul3A_15 : i32
      %add3A_17 = arith.constant 0 : i32
      %add3A_18 = arith.addi %mul3A_16, %add3A_17 : i32
      %dma_start3A = arith.constant 0 : i32
      %dma_start3A_19 = arith.constant 0 : i32
      %dma_start3A_20 = tpu.memref_slice %arg8[%add3A_18, %dma_start3A_19] : memref<80x128xi32, #tpu.memory_space<vmem>> -> memref<1x128xi32, #tpu.memory_space<vmem>>
      %dma_start3A_21 = tpu.memref_squeeze %dma_start3A_20 : memref<1x128xi32, #tpu.memory_space<vmem>> -> memref<128xi32, #tpu.memory_space<vmem>>
      %dma_start3A_22 = arith.constant 0 : i32
      %dma_start3A_23 = arith.constant 0 : i32
      %dma_start3A_24 = tpu.memref_slice %arg6[%dma_start3A_22, %dma_start3A_23] : memref<10112x128xf32, #tpu.memory_space<vmem_shared>> -> memref<10112x128xf32, #tpu.memory_space<vmem_shared>>
      %dma_start3A_25 = tpu.memref_slice %arg9[%dma_start3A] : memref<4x!tpu.dma_semaphore, #tpu.memory_space<semaphore_mem>> -> memref<1x!tpu.dma_semaphore, #tpu.memory_space<semaphore_mem>>
      %dma_start3A_26 = tpu.memref_squeeze %dma_start3A_25 : memref<1x!tpu.dma_semaphore, #tpu.memory_space<semaphore_mem>> -> memref<!tpu.dma_semaphore, #tpu.memory_space<semaphore_mem>>
      tpu.enqueue_indirect_dma source(%arg7 : memref<128x128xf32, #tpu.memory_space<vmem>>) target(%dma_start3A_24 : memref<10112x128xf32, #tpu.memory_space<vmem_shared>>) offsets(%dma_start3A_21 : memref<128xi32, #tpu.memory_space<vmem>>) semaphore(%dma_start3A_26 : memref<!tpu.dma_semaphore, #tpu.memory_space<semaphore_mem>>) {add = true}
      %add3A_27 = arith.constant 1 : i32
      %add3A_28 = arith.addi %mul3A_16, %add3A_27 : i32
      %dma_start3A_29 = arith.constant 1 : i32
      %dma_start3A_30 = arith.constant 0 : i32
      %dma_start3A_31 = tpu.memref_slice %arg8[%add3A_28, %dma_start3A_30] : memref<80x128xi32, #tpu.memory_space<vmem>> -> memref<1x128xi32, #tpu.memory_space<vmem>>
      %dma_start3A_32 = tpu.memref_squeeze %dma_start3A_31 : memref<1x128xi32, #tpu.memory_space<vmem>> -> memref<128xi32, #tpu.memory_space<vmem>>
      %dma_start3A_33 = arith.constant 0 : i32
      %dma_start3A_34 = arith.constant 0 : i32
      %dma_start3A_35 = tpu.memref_slice %arg6[%dma_start3A_33, %dma_start3A_34] : memref<10112x128xf32, #tpu.memory_space<vmem_shared>> -> memref<10112x128xf32, #tpu.memory_space<vmem_shared>>
      %dma_start3A_36 = tpu.memref_slice %arg9[%dma_start3A_29] : memref<4x!tpu.dma_semaphore, #tpu.memory_space<semaphore_mem>> -> memref<1x!tpu.dma_semaphore, #tpu.memory_space<semaphore_mem>>
      %dma_start3A_37 = tpu.memref_squeeze %dma_start3A_36 : memref<1x!tpu.dma_semaphore, #tpu.memory_space<semaphore_mem>> -> memref<!tpu.dma_semaphore, #tpu.memory_space<semaphore_mem>>
      tpu.enqueue_indirect_dma source(%arg7 : memref<128x128xf32, #tpu.memory_space<vmem>>) target(%dma_start3A_35 : memref<10112x128xf32, #tpu.memory_space<vmem_shared>>) offsets(%dma_start3A_32 : memref<128xi32, #tpu.memory_space<vmem>>) semaphore(%dma_start3A_37 : memref<!tpu.dma_semaphore, #tpu.memory_space<semaphore_mem>>) {add = true}
      %add3A_38 = arith.constant 2 : i32
      %add3A_39 = arith.addi %mul3A_16, %add3A_38 : i32
      %dma_start3A_40 = arith.constant 2 : i32
      %dma_start3A_41 = arith.constant 0 : i32
      %dma_start3A_42 = tpu.memref_slice %arg8[%add3A_39, %dma_start3A_41] : memref<80x128xi32, #tpu.memory_space<vmem>> -> memref<1x128xi32, #tpu.memory_space<vmem>>
      %dma_start3A_43 = tpu.memref_squeeze %dma_start3A_42 : memref<1x128xi32, #tpu.memory_space<vmem>> -> memref<128xi32, #tpu.memory_space<vmem>>
      %dma_start3A_44 = arith.constant 0 : i32
      %dma_start3A_45 = arith.constant 0 : i32
      %dma_start3A_46 = tpu.memref_slice %arg6[%dma_start3A_44, %dma_start3A_45] : memref<10112x128xf32, #tpu.memory_space<vmem_shared>> -> memref<10112x128xf32, #tpu.memory_space<vmem_shared>>
      %dma_start3A_47 = tpu.memref_slice %arg9[%dma_start3A_40] : memref<4x!tpu.dma_semaphore, #tpu.memory_space<semaphore_mem>> -> memref<1x!tpu.dma_semaphore, #tpu.memory_space<semaphore_mem>>
      %dma_start3A_48 = tpu.memref_squeeze %dma_start3A_47 : memref<1x!tpu.dma_semaphore, #tpu.memory_space<semaphore_mem>> -> memref<!tpu.dma_semaphore, #tpu.memory_space<semaphore_mem>>
      tpu.enqueue_indirect_dma source(%arg7 : memref<128x128xf32, #tpu.memory_space<vmem>>) target(%dma_start3A_46 : memref<10112x128xf32, #tpu.memory_space<vmem_shared>>) offsets(%dma_start3A_43 : memref<128xi32, #tpu.memory_space<vmem>>) semaphore(%dma_start3A_48 : memref<!tpu.dma_semaphore, #tpu.memory_space<semaphore_mem>>) {add = true}
      %add3A_49 = arith.constant 3 : i32
      %add3A_50 = arith.addi %mul3A_16, %add3A_49 : i32
      %dma_start3A_51 = arith.constant 3 : i32
      %dma_start3A_52 = arith.constant 0 : i32
      %dma_start3A_53 = tpu.memref_slice %arg8[%add3A_50, %dma_start3A_52] : memref<80x128xi32, #tpu.memory_space<vmem>> -> memref<1x128xi32, #tpu.memory_space<vmem>>
      %dma_start3A_54 = tpu.memref_squeeze %dma_start3A_53 : memref<1x128xi32, #tpu.memory_space<vmem>> -> memref<128xi32, #tpu.memory_space<vmem>>
      %dma_start3A_55 = arith.constant 0 : i32
      %dma_start3A_56 = arith.constant 0 : i32
      %dma_start3A_57 = tpu.memref_slice %arg6[%dma_start3A_55, %dma_start3A_56] : memref<10112x128xf32, #tpu.memory_space<vmem_shared>> -> memref<10112x128xf32, #tpu.memory_space<vmem_shared>>
      %dma_start3A_58 = tpu.memref_slice %arg9[%dma_start3A_51] : memref<4x!tpu.dma_semaphore, #tpu.memory_space<semaphore_mem>> -> memref<1x!tpu.dma_semaphore, #tpu.memory_space<semaphore_mem>>
      %dma_start3A_59 = tpu.memref_squeeze %dma_start3A_58 : memref<1x!tpu.dma_semaphore, #tpu.memory_space<semaphore_mem>> -> memref<!tpu.dma_semaphore, #tpu.memory_space<semaphore_mem>>
      tpu.enqueue_indirect_dma source(%arg7 : memref<128x128xf32, #tpu.memory_space<vmem>>) target(%dma_start3A_57 : memref<10112x128xf32, #tpu.memory_space<vmem_shared>>) offsets(%dma_start3A_54 : memref<128xi32, #tpu.memory_space<vmem>>) semaphore(%dma_start3A_59 : memref<!tpu.dma_semaphore, #tpu.memory_space<semaphore_mem>>) {add = true}
      %add3A_60 = arith.constant 0 : i32
      %add3A_61 = arith.addi %mul3A_16, %add3A_60 : i32
      %dma_wait3A = arith.constant 0 : i32
      %dma_wait3A_62 = arith.constant 0 : i32
      %dma_wait3A_63 = tpu.memref_slice %arg8[%add3A_61, %dma_wait3A_62] : memref<80x128xi32, #tpu.memory_space<vmem>> -> memref<1x128xi32, #tpu.memory_space<vmem>>
      %dma_wait3A_64 = tpu.memref_squeeze %dma_wait3A_63 : memref<1x128xi32, #tpu.memory_space<vmem>> -> memref<128xi32, #tpu.memory_space<vmem>>
      %dma_wait3A_65 = arith.constant 0 : i32
      %dma_wait3A_66 = arith.constant 0 : i32
      %dma_wait3A_67 = tpu.memref_slice %arg6[%dma_wait3A_65, %dma_wait3A_66] : memref<10112x128xf32, #tpu.memory_space<vmem_shared>> -> memref<10112x128xf32, #tpu.memory_space<vmem_shared>>
      %dma_wait3A_68 = tpu.memref_slice %arg9[%dma_wait3A] : memref<4x!tpu.dma_semaphore, #tpu.memory_space<semaphore_mem>> -> memref<1x!tpu.dma_semaphore, #tpu.memory_space<semaphore_mem>>
      %dma_wait3A_69 = tpu.memref_squeeze %dma_wait3A_68 : memref<1x!tpu.dma_semaphore, #tpu.memory_space<semaphore_mem>> -> memref<!tpu.dma_semaphore, #tpu.memory_space<semaphore_mem>>
      tpu.wait_indirect_dma semaphore(%dma_wait3A_69 : memref<!tpu.dma_semaphore, #tpu.memory_space<semaphore_mem>>) src(%arg7 : memref<128x128xf32, #tpu.memory_space<vmem>>) dst(%dma_wait3A_67 : memref<10112x128xf32, #tpu.memory_space<vmem_shared>>)
      %add3A_70 = arith.constant 1 : i32
      %add3A_71 = arith.addi %mul3A_16, %add3A_70 : i32
      %dma_wait3A_72 = arith.constant 1 : i32
      %dma_wait3A_73 = arith.constant 0 : i32
      %dma_wait3A_74 = tpu.memref_slice %arg8[%add3A_71, %dma_wait3A_73] : memref<80x128xi32, #tpu.memory_space<vmem>> -> memref<1x128xi32, #tpu.memory_space<vmem>>
      %dma_wait3A_75 = tpu.memref_squeeze %dma_wait3A_74 : memref<1x128xi32, #tpu.memory_space<vmem>> -> memref<128xi32, #tpu.memory_space<vmem>>
      %dma_wait3A_76 = arith.constant 0 : i32
      %dma_wait3A_77 = arith.constant 0 : i32
      %dma_wait3A_78 = tpu.memref_slice %arg6[%dma_wait3A_76, %dma_wait3A_77] : memref<10112x128xf32, #tpu.memory_space<vmem_shared>> -> memref<10112x128xf32, #tpu.memory_space<vmem_shared>>
      %dma_wait3A_79 = tpu.memref_slice %arg9[%dma_wait3A_72] : memref<4x!tpu.dma_semaphore, #tpu.memory_space<semaphore_mem>> -> memref<1x!tpu.dma_semaphore, #tpu.memory_space<semaphore_mem>>
      %dma_wait3A_80 = tpu.memref_squeeze %dma_wait3A_79 : memref<1x!tpu.dma_semaphore, #tpu.memory_space<semaphore_mem>> -> memref<!tpu.dma_semaphore, #tpu.memory_space<semaphore_mem>>
      tpu.wait_indirect_dma semaphore(%dma_wait3A_80 : memref<!tpu.dma_semaphore, #tpu.memory_space<semaphore_mem>>) src(%arg7 : memref<128x128xf32, #tpu.memory_space<vmem>>) dst(%dma_wait3A_78 : memref<10112x128xf32, #tpu.memory_space<vmem_shared>>)
      %add3A_81 = arith.constant 2 : i32
      %add3A_82 = arith.addi %mul3A_16, %add3A_81 : i32
      %dma_wait3A_83 = arith.constant 2 : i32
      %dma_wait3A_84 = arith.constant 0 : i32
      %dma_wait3A_85 = tpu.memref_slice %arg8[%add3A_82, %dma_wait3A_84] : memref<80x128xi32, #tpu.memory_space<vmem>> -> memref<1x128xi32, #tpu.memory_space<vmem>>
      %dma_wait3A_86 = tpu.memref_squeeze %dma_wait3A_85 : memref<1x128xi32, #tpu.memory_space<vmem>> -> memref<128xi32, #tpu.memory_space<vmem>>
      %dma_wait3A_87 = arith.constant 0 : i32
      %dma_wait3A_88 = arith.constant 0 : i32
      %dma_wait3A_89 = tpu.memref_slice %arg6[%dma_wait3A_87, %dma_wait3A_88] : memref<10112x128xf32, #tpu.memory_space<vmem_shared>> -> memref<10112x128xf32, #tpu.memory_space<vmem_shared>>
      %dma_wait3A_90 = tpu.memref_slice %arg9[%dma_wait3A_83] : memref<4x!tpu.dma_semaphore, #tpu.memory_space<semaphore_mem>> -> memref<1x!tpu.dma_semaphore, #tpu.memory_space<semaphore_mem>>
      %dma_wait3A_91 = tpu.memref_squeeze %dma_wait3A_90 : memref<1x!tpu.dma_semaphore, #tpu.memory_space<semaphore_mem>> -> memref<!tpu.dma_semaphore, #tpu.memory_space<semaphore_mem>>
      tpu.wait_indirect_dma semaphore(%dma_wait3A_91 : memref<!tpu.dma_semaphore, #tpu.memory_space<semaphore_mem>>) src(%arg7 : memref<128x128xf32, #tpu.memory_space<vmem>>) dst(%dma_wait3A_89 : memref<10112x128xf32, #tpu.memory_space<vmem_shared>>)
      %add3A_92 = arith.constant 3 : i32
      %add3A_93 = arith.addi %mul3A_16, %add3A_92 : i32
      %dma_wait3A_94 = arith.constant 3 : i32
      %dma_wait3A_95 = arith.constant 0 : i32
      %dma_wait3A_96 = tpu.memref_slice %arg8[%add3A_93, %dma_wait3A_95] : memref<80x128xi32, #tpu.memory_space<vmem>> -> memref<1x128xi32, #tpu.memory_space<vmem>>
      %dma_wait3A_97 = tpu.memref_squeeze %dma_wait3A_96 : memref<1x128xi32, #tpu.memory_space<vmem>> -> memref<128xi32, #tpu.memory_space<vmem>>
      %dma_wait3A_98 = arith.constant 0 : i32
      %dma_wait3A_99 = arith.constant 0 : i32
      %dma_wait3A_100 = tpu.memref_slice %arg6[%dma_wait3A_98, %dma_wait3A_99] : memref<10112x128xf32, #tpu.memory_space<vmem_shared>> -> memref<10112x128xf32, #tpu.memory_space<vmem_shared>>
      %dma_wait3A_101 = tpu.memref_slice %arg9[%dma_wait3A_94] : memref<4x!tpu.dma_semaphore, #tpu.memory_space<semaphore_mem>> -> memref<1x!tpu.dma_semaphore, #tpu.memory_space<semaphore_mem>>
      %dma_wait3A_102 = tpu.memref_squeeze %dma_wait3A_101 : memref<1x!tpu.dma_semaphore, #tpu.memory_space<semaphore_mem>> -> memref<!tpu.dma_semaphore, #tpu.memory_space<semaphore_mem>>
      tpu.wait_indirect_dma semaphore(%dma_wait3A_102 : memref<!tpu.dma_semaphore, #tpu.memory_space<semaphore_mem>>) src(%arg7 : memref<128x128xf32, #tpu.memory_space<vmem>>) dst(%dma_wait3A_100 : memref<10112x128xf32, #tpu.memory_space<vmem_shared>>)
    }
    %scan3A_8 = arith.constant 20 : i32
    %barrier3A_9 = arith.constant 0 : index
    tpu.barrier barrier_id(%barrier3A_9)
    "tpu.region"() ({
      %run_scoped3A = tpu.sem_alloc : memref<!tpu.dma_semaphore, #tpu.memory_space<semaphore_mem>>
      %dma_start3A = arith.constant 0 : i32
      %dma_start3A_10 = tpu.memref_slice %arg5[%arg0, %mul3A_2, %dma_start3A] : memref<2x10112x128xf32, #tpu.memory_space<hbm>> -> memref<1x632x128xf32, #tpu.memory_space<hbm>>
      %dma_start3A_11 = tpu.memref_squeeze %dma_start3A_10 : memref<1x632x128xf32, #tpu.memory_space<hbm>> -> memref<632x128xf32, #tpu.memory_space<hbm>>
      %dma_start3A_12 = arith.constant 0 : i32
      %dma_start3A_13 = tpu.memref_slice %arg6[%mul3A_2, %dma_start3A_12] : memref<10112x128xf32, #tpu.memory_space<vmem_shared>> -> memref<632x128xf32, #tpu.memory_space<vmem_shared>>
      tpu.enqueue_dma source(%dma_start3A_13 : memref<632x128xf32, #tpu.memory_space<vmem_shared>>) target(%dma_start3A_11 : memref<632x128xf32, #tpu.memory_space<hbm>>) target_semaphore(%run_scoped3A : memref<!tpu.dma_semaphore, #tpu.memory_space<semaphore_mem>>)
      %dma_wait3A = arith.constant 0 : i32
      %dma_wait3A_14 = tpu.memref_slice %arg5[%arg0, %mul3A_2, %dma_wait3A] : memref<2x10112x128xf32, #tpu.memory_space<hbm>> -> memref<1x632x128xf32, #tpu.memory_space<hbm>>
      %dma_wait3A_15 = tpu.memref_squeeze %dma_wait3A_14 : memref<1x632x128xf32, #tpu.memory_space<hbm>> -> memref<632x128xf32, #tpu.memory_space<hbm>>
      %dma_wait3A_16 = arith.constant 0 : i32
      %dma_wait3A_17 = tpu.memref_slice %arg6[%mul3A_2, %dma_wait3A_16] : memref<10112x128xf32, #tpu.memory_space<vmem_shared>> -> memref<632x128xf32, #tpu.memory_space<vmem_shared>>
      tpu.wait_dma2 semaphore(%run_scoped3A : memref<!tpu.dma_semaphore, #tpu.memory_space<semaphore_mem>>) src(%dma_wait3A_17 : memref<632x128xf32, #tpu.memory_space<vmem_shared>>) dst(%dma_wait3A_15 : memref<632x128xf32, #tpu.memory_space<hbm>>)
      tpu.yield
    }) : () -> ()
    return
  }
}

#map = affine_map<(d0, d1) -> (0, 0)>
#map1 = affine_map<(d0, d1) -> (0, 0, 0)>
module attributes {stable_mosaic.version = 14 : i64} {
  func.func @k(%arg0: i32, %arg1: i32, %arg2: memref<10000x128xf32, #tpu.memory_space<hbm>>, %arg3: memref<2592x128xi32, #tpu.memory_space<hbm>>, %arg4: memref<2592x128xi32, #tpu.memory_space<hbm>>, %arg5: memref<10112x128xf32, #tpu.memory_space<hbm>>, %arg6: memref<2x10112x128xf32, #tpu.memory_space<hbm>>, %arg7: memref<10112x128xf32, #tpu.memory_space<vmem_shared>>, %arg8: memref<2x128x128xf32, #tpu.memory_space<vmem>>, %arg9: memref<32x128xi32, #tpu.memory_space<vmem>>, %arg10: memref<32x128xi32, #tpu.memory_space<vmem>>, %arg11: memref<2x!tpu.dma_semaphore, #tpu.memory_space<semaphore_mem>>, %arg12: memref<2x!tpu.dma_semaphore, #tpu.memory_space<semaphore_mem>>) attributes {dimension_semantics = [#tpu.dimension_semantics<core_parallel>, #tpu.dimension_semantics<subcore_parallel>], iteration_bounds = array<i64: 2, 16>, scalar_prefetch = 0 : i64, scratch_operands = 6 : i64, tpu.core_type = #tpu.core_type<sc_vector_subcore>, window_params = [{transform_indices = #map}, {transform_indices = #map}, {transform_indices = #map}, {transform_indices = #map}, {transform_indices = #map1}]} {
    %mul3A = arith.constant 632 : i32
    %mul3A_0 = arith.muli %arg1, %mul3A : i32
    "tpu.region"() ({
      %run_scoped3A = tpu.sem_alloc : memref<!tpu.dma_semaphore, #tpu.memory_space<semaphore_mem>>
      %dma_start3A = arith.constant 0 : i32
      %dma_start3A_60 = tpu.memref_slice %arg7[%mul3A_0, %dma_start3A] : memref<10112x128xf32, #tpu.memory_space<vmem_shared>> -> memref<632x128xf32, #tpu.memory_space<vmem_shared>>
      %dma_start3A_61 = arith.constant 0 : i32
      %dma_start3A_62 = tpu.memref_slice %arg5[%mul3A_0, %dma_start3A_61] : memref<10112x128xf32, #tpu.memory_space<hbm>> -> memref<632x128xf32, #tpu.memory_space<hbm>>
      tpu.enqueue_dma source(%dma_start3A_62 : memref<632x128xf32, #tpu.memory_space<hbm>>) target(%dma_start3A_60 : memref<632x128xf32, #tpu.memory_space<vmem_shared>>) target_semaphore(%run_scoped3A : memref<!tpu.dma_semaphore, #tpu.memory_space<semaphore_mem>>)
      %dma_wait3A = arith.constant 0 : i32
      %dma_wait3A_63 = tpu.memref_slice %arg7[%mul3A_0, %dma_wait3A] : memref<10112x128xf32, #tpu.memory_space<vmem_shared>> -> memref<632x128xf32, #tpu.memory_space<vmem_shared>>
      %dma_wait3A_64 = arith.constant 0 : i32
      %dma_wait3A_65 = tpu.memref_slice %arg5[%mul3A_0, %dma_wait3A_64] : memref<10112x128xf32, #tpu.memory_space<hbm>> -> memref<632x128xf32, #tpu.memory_space<hbm>>
      tpu.wait_dma2 semaphore(%run_scoped3A : memref<!tpu.dma_semaphore, #tpu.memory_space<semaphore_mem>>) src(%dma_wait3A_65 : memref<632x128xf32, #tpu.memory_space<hbm>>) dst(%dma_wait3A_63 : memref<632x128xf32, #tpu.memory_space<vmem_shared>>)
      tpu.yield
    }) : () -> ()
    %barrier3A = arith.constant 0 : index
    tpu.barrier barrier_id(%barrier3A)
    %eq3A = arith.constant 0 : i32
    %eq3A_1 = arith.cmpi eq, %arg0, %eq3A : i32
    %jit3A = arith.constant 32 : i32
    %jit3A_2 = arith.constant 8 : i32
    %select_n3A = arith.select %eq3A_1, %jit3A, %jit3A_2 : i32
    %eq3A_3 = arith.constant 0 : i32
    %eq3A_4 = arith.cmpi eq, %arg0, %eq3A_3 : i32
    %mul3A_5 = arith.constant 128 : i32
    %mul3A_6 = arith.muli %arg1, %mul3A_5 : i32
    %mul3A_7 = arith.constant 32 : i32
    %mul3A_8 = arith.muli %arg1, %mul3A_7 : i32
    %add3A = arith.constant 2048 : i32
    %add3A_9 = arith.addi %add3A, %mul3A_8 : i32
    %select_n3A_10 = arith.select %eq3A_4, %mul3A_6, %add3A_9 : i32
    %mul3A_11 = arith.constant 0 : i32
    %mul3A_12 = arith.muli %mul3A_11, %select_n3A : i32
    %add3A_13 = arith.addi %select_n3A_10, %mul3A_12 : i32
    %gt3A = arith.constant 0 : i32
    %gt3A_14 = arith.cmpi sgt, %select_n3A, %gt3A : i32
    %convert_element_type3A = arith.extui %gt3A_14 : i1 to i32
    %cond3A = arith.constant 0 : i32
    %cond3A_15 = arith.cmpi ne, %convert_element_type3A, %cond3A : i32
    scf.if %cond3A_15 {
      "tpu.region"() ({
        %run_scoped3A = tpu.sem_alloc : memref<!tpu.dma_semaphore, #tpu.memory_space<semaphore_mem>>
        %dma_start3A_89 = arith.constant 0 : i32
        %dma_start3A_90 = tpu.memref_slice %arg3[%add3A_13, %dma_start3A_89] : memref<2592x128xi32, #tpu.memory_space<hbm>> -> memref<32x128xi32, #tpu.memory_space<hbm>>
        %dma_start3A_91 = arith.constant 0 : i32
        %dma_start3A_92 = tpu.memref_slice %arg3[%add3A_13, %dma_start3A_91] : memref<2592x128xi32, #tpu.memory_space<hbm>> -> memref<32x128xi32, #tpu.memory_space<hbm>>
        tpu.enqueue_dma source(%dma_start3A_92 : memref<32x128xi32, #tpu.memory_space<hbm>>) target(%arg9 : memref<32x128xi32, #tpu.memory_space<vmem>>) target_semaphore(%run_scoped3A : memref<!tpu.dma_semaphore, #tpu.memory_space<semaphore_mem>>)
        %dma_wait3A = arith.constant 0 : i32
        %dma_wait3A_93 = tpu.memref_slice %arg3[%add3A_13, %dma_wait3A] : memref<2592x128xi32, #tpu.memory_space<hbm>> -> memref<32x128xi32, #tpu.memory_space<hbm>>
        %dma_wait3A_94 = arith.constant 0 : i32
        %dma_wait3A_95 = tpu.memref_slice %arg3[%add3A_13, %dma_wait3A_94] : memref<2592x128xi32, #tpu.memory_space<hbm>> -> memref<32x128xi32, #tpu.memory_space<hbm>>
        tpu.wait_dma2 semaphore(%run_scoped3A : memref<!tpu.dma_semaphore, #tpu.memory_space<semaphore_mem>>) src(%dma_wait3A_95 : memref<32x128xi32, #tpu.memory_space<hbm>>) dst(%arg9 : memref<32x128xi32, #tpu.memory_space<vmem>>)
        tpu.yield
      }) : () -> ()
      "tpu.region"() ({
        %run_scoped3A = tpu.sem_alloc : memref<!tpu.dma_semaphore, #tpu.memory_space<semaphore_mem>>
        %dma_start3A_89 = arith.constant 0 : i32
        %dma_start3A_90 = tpu.memref_slice %arg4[%add3A_13, %dma_start3A_89] : memref<2592x128xi32, #tpu.memory_space<hbm>> -> memref<32x128xi32, #tpu.memory_space<hbm>>
        %dma_start3A_91 = arith.constant 0 : i32
        %dma_start3A_92 = tpu.memref_slice %arg4[%add3A_13, %dma_start3A_91] : memref<2592x128xi32, #tpu.memory_space<hbm>> -> memref<32x128xi32, #tpu.memory_space<hbm>>
        tpu.enqueue_dma source(%dma_start3A_92 : memref<32x128xi32, #tpu.memory_space<hbm>>) target(%arg10 : memref<32x128xi32, #tpu.memory_space<vmem>>) target_semaphore(%run_scoped3A : memref<!tpu.dma_semaphore, #tpu.memory_space<semaphore_mem>>)
        %dma_wait3A = arith.constant 0 : i32
        %dma_wait3A_93 = tpu.memref_slice %arg4[%add3A_13, %dma_wait3A] : memref<2592x128xi32, #tpu.memory_space<hbm>> -> memref<32x128xi32, #tpu.memory_space<hbm>>
        %dma_wait3A_94 = arith.constant 0 : i32
        %dma_wait3A_95 = tpu.memref_slice %arg4[%add3A_13, %dma_wait3A_94] : memref<2592x128xi32, #tpu.memory_space<hbm>> -> memref<32x128xi32, #tpu.memory_space<hbm>>
        tpu.wait_dma2 semaphore(%run_scoped3A : memref<!tpu.dma_semaphore, #tpu.memory_space<semaphore_mem>>) src(%dma_wait3A_95 : memref<32x128xi32, #tpu.memory_space<hbm>>) dst(%arg10 : memref<32x128xi32, #tpu.memory_space<vmem>>)
        tpu.yield
      }) : () -> ()
      %dma_start3A = arith.constant 0 : i32
      %dma_start3A_60 = arith.constant 0 : i32
      %dma_start3A_61 = arith.constant 0 : i32
      %dma_start3A_62 = arith.constant 0 : i32
      %dma_start3A_63 = arith.constant 0 : i32
      %dma_start3A_64 = tpu.memref_slice %arg8[%dma_start3A_60, %dma_start3A_62, %dma_start3A_63] : memref<2x128x128xf32, #tpu.memory_space<vmem>> -> memref<1x128x128xf32, #tpu.memory_space<vmem>>
      %dma_start3A_65 = tpu.memref_squeeze %dma_start3A_64 : memref<1x128x128xf32, #tpu.memory_space<vmem>> -> memref<128x128xf32, #tpu.memory_space<vmem>>
      %dma_start3A_66 = arith.constant 0 : i32
      %dma_start3A_67 = tpu.memref_slice %arg9[%dma_start3A, %dma_start3A_66] : memref<32x128xi32, #tpu.memory_space<vmem>> -> memref<1x128xi32, #tpu.memory_space<vmem>>
      %dma_start3A_68 = tpu.memref_squeeze %dma_start3A_67 : memref<1x128xi32, #tpu.memory_space<vmem>> -> memref<128xi32, #tpu.memory_space<vmem>>
      %dma_start3A_69 = arith.constant 0 : i32
      %dma_start3A_70 = arith.constant 0 : i32
      %dma_start3A_71 = tpu.memref_slice %arg2[%dma_start3A_69, %dma_start3A_70] : memref<10000x128xf32, #tpu.memory_space<hbm>> -> memref<10000x128xf32, #tpu.memory_space<hbm>>
      %dma_start3A_72 = tpu.memref_slice %arg11[%dma_start3A_61] : memref<2x!tpu.dma_semaphore, #tpu.memory_space<semaphore_mem>> -> memref<1x!tpu.dma_semaphore, #tpu.memory_space<semaphore_mem>>
      %dma_start3A_73 = tpu.memref_squeeze %dma_start3A_72 : memref<1x!tpu.dma_semaphore, #tpu.memory_space<semaphore_mem>> -> memref<!tpu.dma_semaphore, #tpu.memory_space<semaphore_mem>>
      tpu.enqueue_indirect_dma source(%dma_start3A_71 : memref<10000x128xf32, #tpu.memory_space<hbm>>) target(%dma_start3A_65 : memref<128x128xf32, #tpu.memory_space<vmem>>) offsets(%dma_start3A_68 : memref<128xi32, #tpu.memory_space<vmem>>) semaphore(%dma_start3A_73 : memref<!tpu.dma_semaphore, #tpu.memory_space<semaphore_mem>>)
      %dma_start3A_74 = arith.constant 1 : i32
      %dma_start3A_75 = arith.constant 1 : i32
      %dma_start3A_76 = arith.constant 1 : i32
      %dma_start3A_77 = arith.constant 0 : i32
      %dma_start3A_78 = arith.constant 0 : i32
      %dma_start3A_79 = tpu.memref_slice %arg8[%dma_start3A_75, %dma_start3A_77, %dma_start3A_78] : memref<2x128x128xf32, #tpu.memory_space<vmem>> -> memref<1x128x128xf32, #tpu.memory_space<vmem>>
      %dma_start3A_80 = tpu.memref_squeeze %dma_start3A_79 : memref<1x128x128xf32, #tpu.memory_space<vmem>> -> memref<128x128xf32, #tpu.memory_space<vmem>>
      %dma_start3A_81 = arith.constant 0 : i32
      %dma_start3A_82 = tpu.memref_slice %arg9[%dma_start3A_74, %dma_start3A_81] : memref<32x128xi32, #tpu.memory_space<vmem>> -> memref<1x128xi32, #tpu.memory_space<vmem>>
      %dma_start3A_83 = tpu.memref_squeeze %dma_start3A_82 : memref<1x128xi32, #tpu.memory_space<vmem>> -> memref<128xi32, #tpu.memory_space<vmem>>
      %dma_start3A_84 = arith.constant 0 : i32
      %dma_start3A_85 = arith.constant 0 : i32
      %dma_start3A_86 = tpu.memref_slice %arg2[%dma_start3A_84, %dma_start3A_85] : memref<10000x128xf32, #tpu.memory_space<hbm>> -> memref<10000x128xf32, #tpu.memory_space<hbm>>
      %dma_start3A_87 = tpu.memref_slice %arg11[%dma_start3A_76] : memref<2x!tpu.dma_semaphore, #tpu.memory_space<semaphore_mem>> -> memref<1x!tpu.dma_semaphore, #tpu.memory_space<semaphore_mem>>
      %dma_start3A_88 = tpu.memref_squeeze %dma_start3A_87 : memref<1x!tpu.dma_semaphore, #tpu.memory_space<semaphore_mem>> -> memref<!tpu.dma_semaphore, #tpu.memory_space<semaphore_mem>>
      tpu.enqueue_indirect_dma source(%dma_start3A_86 : memref<10000x128xf32, #tpu.memory_space<hbm>>) target(%dma_start3A_80 : memref<128x128xf32, #tpu.memory_space<vmem>>) offsets(%dma_start3A_83 : memref<128xi32, #tpu.memory_space<vmem>>) semaphore(%dma_start3A_88 : memref<!tpu.dma_semaphore, #tpu.memory_space<semaphore_mem>>)
    } else {
    }
    %scan3A = arith.constant 0 : i32
    %scan3A_16 = arith.constant 16 : i32
    %scan3A_17 = arith.addi %scan3A, %scan3A_16 : i32
    %scan3A_18 = arith.constant 1 : i32
    scf.for %scan3A_60 = %scan3A to %scan3A_17 step %scan3A_18  : i32 {
      %mul3A_61 = arith.constant 1 : i32
      %mul3A_62 = arith.muli %scan3A_60, %mul3A_61 : i32
      %add3A_63 = arith.constant 0 : i32
      %add3A_64 = arith.addi %add3A_63, %mul3A_62 : i32
      %mul3A_65 = arith.constant 2 : i32
      %mul3A_66 = arith.muli %add3A_64, %mul3A_65 : i32
      %add3A_67 = arith.constant 0 : i32
      %add3A_68 = arith.addi %mul3A_66, %add3A_67 : i32
      %lt3A = arith.cmpi slt, %add3A_68, %select_n3A : i32
      %convert_element_type3A_69 = arith.extui %lt3A : i1 to i32
      %cond3A_70 = arith.constant 0 : i32
      %cond3A_71 = arith.cmpi ne, %convert_element_type3A_69, %cond3A_70 : i32
      scf.if %cond3A_71 {
        %dma_wait3A = arith.constant 0 : i32
        %dma_wait3A_78 = arith.constant 0 : i32
        %dma_wait3A_79 = arith.constant 0 : i32
        %dma_wait3A_80 = arith.constant 0 : i32
        %dma_wait3A_81 = tpu.memref_slice %arg8[%dma_wait3A, %dma_wait3A_79, %dma_wait3A_80] : memref<2x128x128xf32, #tpu.memory_space<vmem>> -> memref<1x128x128xf32, #tpu.memory_space<vmem>>
        %dma_wait3A_82 = tpu.memref_squeeze %dma_wait3A_81 : memref<1x128x128xf32, #tpu.memory_space<vmem>> -> memref<128x128xf32, #tpu.memory_space<vmem>>
        %dma_wait3A_83 = arith.constant 0 : i32
        %dma_wait3A_84 = tpu.memref_slice %arg9[%add3A_68, %dma_wait3A_83] : memref<32x128xi32, #tpu.memory_space<vmem>> -> memref<1x128xi32, #tpu.memory_space<vmem>>
        %dma_wait3A_85 = tpu.memref_squeeze %dma_wait3A_84 : memref<1x128xi32, #tpu.memory_space<vmem>> -> memref<128xi32, #tpu.memory_space<vmem>>
        %dma_wait3A_86 = arith.constant 0 : i32
        %dma_wait3A_87 = arith.constant 0 : i32
        %dma_wait3A_88 = tpu.memref_slice %arg2[%dma_wait3A_86, %dma_wait3A_87] : memref<10000x128xf32, #tpu.memory_space<hbm>> -> memref<10000x128xf32, #tpu.memory_space<hbm>>
        %dma_wait3A_89 = tpu.memref_slice %arg11[%dma_wait3A_78] : memref<2x!tpu.dma_semaphore, #tpu.memory_space<semaphore_mem>> -> memref<1x!tpu.dma_semaphore, #tpu.memory_space<semaphore_mem>>
        %dma_wait3A_90 = tpu.memref_squeeze %dma_wait3A_89 : memref<1x!tpu.dma_semaphore, #tpu.memory_space<semaphore_mem>> -> memref<!tpu.dma_semaphore, #tpu.memory_space<semaphore_mem>>
        tpu.wait_indirect_dma semaphore(%dma_wait3A_90 : memref<!tpu.dma_semaphore, #tpu.memory_space<semaphore_mem>>) src(%dma_wait3A_88 : memref<10000x128xf32, #tpu.memory_space<hbm>>) dst(%dma_wait3A_82 : memref<128x128xf32, #tpu.memory_space<vmem>>)
        %dma_start3A = arith.constant 0 : i32
        %dma_start3A_91 = arith.constant 0 : i32
        %dma_start3A_92 = arith.constant 0 : i32
        %dma_start3A_93 = arith.constant 0 : i32
        %dma_start3A_94 = tpu.memref_slice %arg8[%dma_start3A, %dma_start3A_92, %dma_start3A_93] : memref<2x128x128xf32, #tpu.memory_space<vmem>> -> memref<1x128x128xf32, #tpu.memory_space<vmem>>
        %dma_start3A_95 = tpu.memref_squeeze %dma_start3A_94 : memref<1x128x128xf32, #tpu.memory_space<vmem>> -> memref<128x128xf32, #tpu.memory_space<vmem>>
        %dma_start3A_96 = arith.constant 0 : i32
        %dma_start3A_97 = tpu.memref_slice %arg10[%add3A_68, %dma_start3A_96] : memref<32x128xi32, #tpu.memory_space<vmem>> -> memref<1x128xi32, #tpu.memory_space<vmem>>
        %dma_start3A_98 = tpu.memref_squeeze %dma_start3A_97 : memref<1x128xi32, #tpu.memory_space<vmem>> -> memref<128xi32, #tpu.memory_space<vmem>>
        %dma_start3A_99 = arith.constant 0 : i32
        %dma_start3A_100 = arith.constant 0 : i32
        %dma_start3A_101 = tpu.memref_slice %arg7[%dma_start3A_99, %dma_start3A_100] : memref<10112x128xf32, #tpu.memory_space<vmem_shared>> -> memref<10112x128xf32, #tpu.memory_space<vmem_shared>>
        %dma_start3A_102 = tpu.memref_slice %arg12[%dma_start3A_91] : memref<2x!tpu.dma_semaphore, #tpu.memory_space<semaphore_mem>> -> memref<1x!tpu.dma_semaphore, #tpu.memory_space<semaphore_mem>>
        %dma_start3A_103 = tpu.memref_squeeze %dma_start3A_102 : memref<1x!tpu.dma_semaphore, #tpu.memory_space<semaphore_mem>> -> memref<!tpu.dma_semaphore, #tpu.memory_space<semaphore_mem>>
        tpu.enqueue_indirect_dma source(%dma_start3A_95 : memref<128x128xf32, #tpu.memory_space<vmem>>) target(%dma_start3A_101 : memref<10112x128xf32, #tpu.memory_space<vmem_shared>>) offsets(%dma_start3A_98 : memref<128xi32, #tpu.memory_space<vmem>>) semaphore(%dma_start3A_103 : memref<!tpu.dma_semaphore, #tpu.memory_space<semaphore_mem>>) {add = true}
        %dma_wait3A_104 = arith.constant 0 : i32
        %dma_wait3A_105 = arith.constant 0 : i32
        %dma_wait3A_106 = arith.constant 0 : i32
        %dma_wait3A_107 = arith.constant 0 : i32
        %dma_wait3A_108 = tpu.memref_slice %arg8[%dma_wait3A_104, %dma_wait3A_106, %dma_wait3A_107] : memref<2x128x128xf32, #tpu.memory_space<vmem>> -> memref<1x128x128xf32, #tpu.memory_space<vmem>>
        %dma_wait3A_109 = tpu.memref_squeeze %dma_wait3A_108 : memref<1x128x128xf32, #tpu.memory_space<vmem>> -> memref<128x128xf32, #tpu.memory_space<vmem>>
        %dma_wait3A_110 = arith.constant 0 : i32
        %dma_wait3A_111 = tpu.memref_slice %arg10[%add3A_68, %dma_wait3A_110] : memref<32x128xi32, #tpu.memory_space<vmem>> -> memref<1x128xi32, #tpu.memory_space<vmem>>
        %dma_wait3A_112 = tpu.memref_squeeze %dma_wait3A_111 : memref<1x128xi32, #tpu.memory_space<vmem>> -> memref<128xi32, #tpu.memory_space<vmem>>
        %dma_wait3A_113 = arith.constant 0 : i32
        %dma_wait3A_114 = arith.constant 0 : i32
        %dma_wait3A_115 = tpu.memref_slice %arg7[%dma_wait3A_113, %dma_wait3A_114] : memref<10112x128xf32, #tpu.memory_space<vmem_shared>> -> memref<10112x128xf32, #tpu.memory_space<vmem_shared>>
        %dma_wait3A_116 = tpu.memref_slice %arg12[%dma_wait3A_105] : memref<2x!tpu.dma_semaphore, #tpu.memory_space<semaphore_mem>> -> memref<1x!tpu.dma_semaphore, #tpu.memory_space<semaphore_mem>>
        %dma_wait3A_117 = tpu.memref_squeeze %dma_wait3A_116 : memref<1x!tpu.dma_semaphore, #tpu.memory_space<semaphore_mem>> -> memref<!tpu.dma_semaphore, #tpu.memory_space<semaphore_mem>>
        tpu.wait_indirect_dma semaphore(%dma_wait3A_117 : memref<!tpu.dma_semaphore, #tpu.memory_space<semaphore_mem>>) src(%dma_wait3A_109 : memref<128x128xf32, #tpu.memory_space<vmem>>) dst(%dma_wait3A_115 : memref<10112x128xf32, #tpu.memory_space<vmem_shared>>)
        %add3A_118 = arith.constant 2 : i32
        %add3A_119 = arith.addi %add3A_68, %add3A_118 : i32
        %lt3A_120 = arith.cmpi slt, %add3A_119, %select_n3A : i32
        %convert_element_type3A_121 = arith.extui %lt3A_120 : i1 to i32
        %cond3A_122 = arith.constant 0 : i32
        %cond3A_123 = arith.cmpi ne, %convert_element_type3A_121, %cond3A_122 : i32
        scf.if %cond3A_123 {
          %add3A_124 = arith.constant 2 : i32
          %add3A_125 = arith.addi %add3A_68, %add3A_124 : i32
          %dma_start3A_126 = arith.constant 0 : i32
          %dma_start3A_127 = arith.constant 0 : i32
          %dma_start3A_128 = arith.constant 0 : i32
          %dma_start3A_129 = arith.constant 0 : i32
          %dma_start3A_130 = tpu.memref_slice %arg8[%dma_start3A_126, %dma_start3A_128, %dma_start3A_129] : memref<2x128x128xf32, #tpu.memory_space<vmem>> -> memref<1x128x128xf32, #tpu.memory_space<vmem>>
          %dma_start3A_131 = tpu.memref_squeeze %dma_start3A_130 : memref<1x128x128xf32, #tpu.memory_space<vmem>> -> memref<128x128xf32, #tpu.memory_space<vmem>>
          %dma_start3A_132 = arith.constant 0 : i32
          %dma_start3A_133 = tpu.memref_slice %arg9[%add3A_125, %dma_start3A_132] : memref<32x128xi32, #tpu.memory_space<vmem>> -> memref<1x128xi32, #tpu.memory_space<vmem>>
          %dma_start3A_134 = tpu.memref_squeeze %dma_start3A_133 : memref<1x128xi32, #tpu.memory_space<vmem>> -> memref<128xi32, #tpu.memory_space<vmem>>
          %dma_start3A_135 = arith.constant 0 : i32
          %dma_start3A_136 = arith.constant 0 : i32
          %dma_start3A_137 = tpu.memref_slice %arg2[%dma_start3A_135, %dma_start3A_136] : memref<10000x128xf32, #tpu.memory_space<hbm>> -> memref<10000x128xf32, #tpu.memory_space<hbm>>
          %dma_start3A_138 = tpu.memref_slice %arg11[%dma_start3A_127] : memref<2x!tpu.dma_semaphore, #tpu.memory_space<semaphore_mem>> -> memref<1x!tpu.dma_semaphore, #tpu.memory_space<semaphore_mem>>
          %dma_start3A_139 = tpu.memref_squeeze %dma_start3A_138 : memref<1x!tpu.dma_semaphore, #tpu.memory_space<semaphore_mem>> -> memref<!tpu.dma_semaphore, #tpu.memory_space<semaphore_mem>>
          tpu.enqueue_indirect_dma source(%dma_start3A_137 : memref<10000x128xf32, #tpu.memory_space<hbm>>) target(%dma_start3A_131 : memref<128x128xf32, #tpu.memory_space<vmem>>) offsets(%dma_start3A_134 : memref<128xi32, #tpu.memory_space<vmem>>) semaphore(%dma_start3A_139 : memref<!tpu.dma_semaphore, #tpu.memory_space<semaphore_mem>>)
        } else {
        }
      } else {
      }
      %add3A_72 = arith.constant 1 : i32
      %add3A_73 = arith.addi %mul3A_66, %add3A_72 : i32
      %lt3A_74 = arith.cmpi slt, %add3A_73, %select_n3A : i32
      %convert_element_type3A_75 = arith.extui %lt3A_74 : i1 to i32
      %cond3A_76 = arith.constant 0 : i32
      %cond3A_77 = arith.cmpi ne, %convert_element_type3A_75, %cond3A_76 : i32
      scf.if %cond3A_77 {
        %dma_wait3A = arith.constant 1 : i32
        %dma_wait3A_78 = arith.constant 1 : i32
        %dma_wait3A_79 = arith.constant 0 : i32
        %dma_wait3A_80 = arith.constant 0 : i32
        %dma_wait3A_81 = tpu.memref_slice %arg8[%dma_wait3A, %dma_wait3A_79, %dma_wait3A_80] : memref<2x128x128xf32, #tpu.memory_space<vmem>> -> memref<1x128x128xf32, #tpu.memory_space<vmem>>
        %dma_wait3A_82 = tpu.memref_squeeze %dma_wait3A_81 : memref<1x128x128xf32, #tpu.memory_space<vmem>> -> memref<128x128xf32, #tpu.memory_space<vmem>>
        %dma_wait3A_83 = arith.constant 0 : i32
        %dma_wait3A_84 = tpu.memref_slice %arg9[%add3A_73, %dma_wait3A_83] : memref<32x128xi32, #tpu.memory_space<vmem>> -> memref<1x128xi32, #tpu.memory_space<vmem>>
        %dma_wait3A_85 = tpu.memref_squeeze %dma_wait3A_84 : memref<1x128xi32, #tpu.memory_space<vmem>> -> memref<128xi32, #tpu.memory_space<vmem>>
        %dma_wait3A_86 = arith.constant 0 : i32
        %dma_wait3A_87 = arith.constant 0 : i32
        %dma_wait3A_88 = tpu.memref_slice %arg2[%dma_wait3A_86, %dma_wait3A_87] : memref<10000x128xf32, #tpu.memory_space<hbm>> -> memref<10000x128xf32, #tpu.memory_space<hbm>>
        %dma_wait3A_89 = tpu.memref_slice %arg11[%dma_wait3A_78] : memref<2x!tpu.dma_semaphore, #tpu.memory_space<semaphore_mem>> -> memref<1x!tpu.dma_semaphore, #tpu.memory_space<semaphore_mem>>
        %dma_wait3A_90 = tpu.memref_squeeze %dma_wait3A_89 : memref<1x!tpu.dma_semaphore, #tpu.memory_space<semaphore_mem>> -> memref<!tpu.dma_semaphore, #tpu.memory_space<semaphore_mem>>
        tpu.wait_indirect_dma semaphore(%dma_wait3A_90 : memref<!tpu.dma_semaphore, #tpu.memory_space<semaphore_mem>>) src(%dma_wait3A_88 : memref<10000x128xf32, #tpu.memory_space<hbm>>) dst(%dma_wait3A_82 : memref<128x128xf32, #tpu.memory_space<vmem>>)
        %dma_start3A = arith.constant 1 : i32
        %dma_start3A_91 = arith.constant 1 : i32
        %dma_start3A_92 = arith.constant 0 : i32
        %dma_start3A_93 = arith.constant 0 : i32
        %dma_start3A_94 = tpu.memref_slice %arg8[%dma_start3A, %dma_start3A_92, %dma_start3A_93] : memref<2x128x128xf32, #tpu.memory_space<vmem>> -> memref<1x128x128xf32, #tpu.memory_space<vmem>>
        %dma_start3A_95 = tpu.memref_squeeze %dma_start3A_94 : memref<1x128x128xf32, #tpu.memory_space<vmem>> -> memref<128x128xf32, #tpu.memory_space<vmem>>
        %dma_start3A_96 = arith.constant 0 : i32
        %dma_start3A_97 = tpu.memref_slice %arg10[%add3A_73, %dma_start3A_96] : memref<32x128xi32, #tpu.memory_space<vmem>> -> memref<1x128xi32, #tpu.memory_space<vmem>>
        %dma_start3A_98 = tpu.memref_squeeze %dma_start3A_97 : memref<1x128xi32, #tpu.memory_space<vmem>> -> memref<128xi32, #tpu.memory_space<vmem>>
        %dma_start3A_99 = arith.constant 0 : i32
        %dma_start3A_100 = arith.constant 0 : i32
        %dma_start3A_101 = tpu.memref_slice %arg7[%dma_start3A_99, %dma_start3A_100] : memref<10112x128xf32, #tpu.memory_space<vmem_shared>> -> memref<10112x128xf32, #tpu.memory_space<vmem_shared>>
        %dma_start3A_102 = tpu.memref_slice %arg12[%dma_start3A_91] : memref<2x!tpu.dma_semaphore, #tpu.memory_space<semaphore_mem>> -> memref<1x!tpu.dma_semaphore, #tpu.memory_space<semaphore_mem>>
        %dma_start3A_103 = tpu.memref_squeeze %dma_start3A_102 : memref<1x!tpu.dma_semaphore, #tpu.memory_space<semaphore_mem>> -> memref<!tpu.dma_semaphore, #tpu.memory_space<semaphore_mem>>
        tpu.enqueue_indirect_dma source(%dma_start3A_95 : memref<128x128xf32, #tpu.memory_space<vmem>>) target(%dma_start3A_101 : memref<10112x128xf32, #tpu.memory_space<vmem_shared>>) offsets(%dma_start3A_98 : memref<128xi32, #tpu.memory_space<vmem>>) semaphore(%dma_start3A_103 : memref<!tpu.dma_semaphore, #tpu.memory_space<semaphore_mem>>) {add = true}
        %dma_wait3A_104 = arith.constant 1 : i32
        %dma_wait3A_105 = arith.constant 1 : i32
        %dma_wait3A_106 = arith.constant 0 : i32
        %dma_wait3A_107 = arith.constant 0 : i32
        %dma_wait3A_108 = tpu.memref_slice %arg8[%dma_wait3A_104, %dma_wait3A_106, %dma_wait3A_107] : memref<2x128x128xf32, #tpu.memory_space<vmem>> -> memref<1x128x128xf32, #tpu.memory_space<vmem>>
        %dma_wait3A_109 = tpu.memref_squeeze %dma_wait3A_108 : memref<1x128x128xf32, #tpu.memory_space<vmem>> -> memref<128x128xf32, #tpu.memory_space<vmem>>
        %dma_wait3A_110 = arith.constant 0 : i32
        %dma_wait3A_111 = tpu.memref_slice %arg10[%add3A_73, %dma_wait3A_110] : memref<32x128xi32, #tpu.memory_space<vmem>> -> memref<1x128xi32, #tpu.memory_space<vmem>>
        %dma_wait3A_112 = tpu.memref_squeeze %dma_wait3A_111 : memref<1x128xi32, #tpu.memory_space<vmem>> -> memref<128xi32, #tpu.memory_space<vmem>>
        %dma_wait3A_113 = arith.constant 0 : i32
        %dma_wait3A_114 = arith.constant 0 : i32
        %dma_wait3A_115 = tpu.memref_slice %arg7[%dma_wait3A_113, %dma_wait3A_114] : memref<10112x128xf32, #tpu.memory_space<vmem_shared>> -> memref<10112x128xf32, #tpu.memory_space<vmem_shared>>
        %dma_wait3A_116 = tpu.memref_slice %arg12[%dma_wait3A_105] : memref<2x!tpu.dma_semaphore, #tpu.memory_space<semaphore_mem>> -> memref<1x!tpu.dma_semaphore, #tpu.memory_space<semaphore_mem>>
        %dma_wait3A_117 = tpu.memref_squeeze %dma_wait3A_116 : memref<1x!tpu.dma_semaphore, #tpu.memory_space<semaphore_mem>> -> memref<!tpu.dma_semaphore, #tpu.memory_space<semaphore_mem>>
        tpu.wait_indirect_dma semaphore(%dma_wait3A_117 : memref<!tpu.dma_semaphore, #tpu.memory_space<semaphore_mem>>) src(%dma_wait3A_109 : memref<128x128xf32, #tpu.memory_space<vmem>>) dst(%dma_wait3A_115 : memref<10112x128xf32, #tpu.memory_space<vmem_shared>>)
        %add3A_118 = arith.constant 2 : i32
        %add3A_119 = arith.addi %add3A_73, %add3A_118 : i32
        %lt3A_120 = arith.cmpi slt, %add3A_119, %select_n3A : i32
        %convert_element_type3A_121 = arith.extui %lt3A_120 : i1 to i32
        %cond3A_122 = arith.constant 0 : i32
        %cond3A_123 = arith.cmpi ne, %convert_element_type3A_121, %cond3A_122 : i32
        scf.if %cond3A_123 {
          %add3A_124 = arith.constant 2 : i32
          %add3A_125 = arith.addi %add3A_73, %add3A_124 : i32
          %dma_start3A_126 = arith.constant 1 : i32
          %dma_start3A_127 = arith.constant 1 : i32
          %dma_start3A_128 = arith.constant 0 : i32
          %dma_start3A_129 = arith.constant 0 : i32
          %dma_start3A_130 = tpu.memref_slice %arg8[%dma_start3A_126, %dma_start3A_128, %dma_start3A_129] : memref<2x128x128xf32, #tpu.memory_space<vmem>> -> memref<1x128x128xf32, #tpu.memory_space<vmem>>
          %dma_start3A_131 = tpu.memref_squeeze %dma_start3A_130 : memref<1x128x128xf32, #tpu.memory_space<vmem>> -> memref<128x128xf32, #tpu.memory_space<vmem>>
          %dma_start3A_132 = arith.constant 0 : i32
          %dma_start3A_133 = tpu.memref_slice %arg9[%add3A_125, %dma_start3A_132] : memref<32x128xi32, #tpu.memory_space<vmem>> -> memref<1x128xi32, #tpu.memory_space<vmem>>
          %dma_start3A_134 = tpu.memref_squeeze %dma_start3A_133 : memref<1x128xi32, #tpu.memory_space<vmem>> -> memref<128xi32, #tpu.memory_space<vmem>>
          %dma_start3A_135 = arith.constant 0 : i32
          %dma_start3A_136 = arith.constant 0 : i32
          %dma_start3A_137 = tpu.memref_slice %arg2[%dma_start3A_135, %dma_start3A_136] : memref<10000x128xf32, #tpu.memory_space<hbm>> -> memref<10000x128xf32, #tpu.memory_space<hbm>>
          %dma_start3A_138 = tpu.memref_slice %arg11[%dma_start3A_127] : memref<2x!tpu.dma_semaphore, #tpu.memory_space<semaphore_mem>> -> memref<1x!tpu.dma_semaphore, #tpu.memory_space<semaphore_mem>>
          %dma_start3A_139 = tpu.memref_squeeze %dma_start3A_138 : memref<1x!tpu.dma_semaphore, #tpu.memory_space<semaphore_mem>> -> memref<!tpu.dma_semaphore, #tpu.memory_space<semaphore_mem>>
          tpu.enqueue_indirect_dma source(%dma_start3A_137 : memref<10000x128xf32, #tpu.memory_space<hbm>>) target(%dma_start3A_131 : memref<128x128xf32, #tpu.memory_space<vmem>>) offsets(%dma_start3A_134 : memref<128xi32, #tpu.memory_space<vmem>>) semaphore(%dma_start3A_139 : memref<!tpu.dma_semaphore, #tpu.memory_space<semaphore_mem>>)
        } else {
        }
      } else {
      }
    }
    %scan3A_19 = arith.constant 16 : i32
    %mul3A_20 = arith.constant 1 : i32
    %mul3A_21 = arith.muli %mul3A_20, %select_n3A : i32
    %add3A_22 = arith.addi %select_n3A_10, %mul3A_21 : i32
    %gt3A_23 = arith.constant 0 : i32
    %gt3A_24 = arith.cmpi sgt, %select_n3A, %gt3A_23 : i32
    %convert_element_type3A_25 = arith.extui %gt3A_24 : i1 to i32
    %cond3A_26 = arith.constant 0 : i32
    %cond3A_27 = arith.cmpi ne, %convert_element_type3A_25, %cond3A_26 : i32
    scf.if %cond3A_27 {
      "tpu.region"() ({
        %run_scoped3A = tpu.sem_alloc : memref<!tpu.dma_semaphore, #tpu.memory_space<semaphore_mem>>
        %dma_start3A_89 = arith.constant 0 : i32
        %dma_start3A_90 = tpu.memref_slice %arg3[%add3A_22, %dma_start3A_89] : memref<2592x128xi32, #tpu.memory_space<hbm>> -> memref<32x128xi32, #tpu.memory_space<hbm>>
        %dma_start3A_91 = arith.constant 0 : i32
        %dma_start3A_92 = tpu.memref_slice %arg3[%add3A_22, %dma_start3A_91] : memref<2592x128xi32, #tpu.memory_space<hbm>> -> memref<32x128xi32, #tpu.memory_space<hbm>>
        tpu.enqueue_dma source(%dma_start3A_92 : memref<32x128xi32, #tpu.memory_space<hbm>>) target(%arg9 : memref<32x128xi32, #tpu.memory_space<vmem>>) target_semaphore(%run_scoped3A : memref<!tpu.dma_semaphore, #tpu.memory_space<semaphore_mem>>)
        %dma_wait3A = arith.constant 0 : i32
        %dma_wait3A_93 = tpu.memref_slice %arg3[%add3A_22, %dma_wait3A] : memref<2592x128xi32, #tpu.memory_space<hbm>> -> memref<32x128xi32, #tpu.memory_space<hbm>>
        %dma_wait3A_94 = arith.constant 0 : i32
        %dma_wait3A_95 = tpu.memref_slice %arg3[%add3A_22, %dma_wait3A_94] : memref<2592x128xi32, #tpu.memory_space<hbm>> -> memref<32x128xi32, #tpu.memory_space<hbm>>
        tpu.wait_dma2 semaphore(%run_scoped3A : memref<!tpu.dma_semaphore, #tpu.memory_space<semaphore_mem>>) src(%dma_wait3A_95 : memref<32x128xi32, #tpu.memory_space<hbm>>) dst(%arg9 : memref<32x128xi32, #tpu.memory_space<vmem>>)
        tpu.yield
      }) : () -> ()
      "tpu.region"() ({
        %run_scoped3A = tpu.sem_alloc : memref<!tpu.dma_semaphore, #tpu.memory_space<semaphore_mem>>
        %dma_start3A_89 = arith.constant 0 : i32
        %dma_start3A_90 = tpu.memref_slice %arg4[%add3A_22, %dma_start3A_89] : memref<2592x128xi32, #tpu.memory_space<hbm>> -> memref<32x128xi32, #tpu.memory_space<hbm>>
        %dma_start3A_91 = arith.constant 0 : i32
        %dma_start3A_92 = tpu.memref_slice %arg4[%add3A_22, %dma_start3A_91] : memref<2592x128xi32, #tpu.memory_space<hbm>> -> memref<32x128xi32, #tpu.memory_space<hbm>>
        tpu.enqueue_dma source(%dma_start3A_92 : memref<32x128xi32, #tpu.memory_space<hbm>>) target(%arg10 : memref<32x128xi32, #tpu.memory_space<vmem>>) target_semaphore(%run_scoped3A : memref<!tpu.dma_semaphore, #tpu.memory_space<semaphore_mem>>)
        %dma_wait3A = arith.constant 0 : i32
        %dma_wait3A_93 = tpu.memref_slice %arg4[%add3A_22, %dma_wait3A] : memref<2592x128xi32, #tpu.memory_space<hbm>> -> memref<32x128xi32, #tpu.memory_space<hbm>>
        %dma_wait3A_94 = arith.constant 0 : i32
        %dma_wait3A_95 = tpu.memref_slice %arg4[%add3A_22, %dma_wait3A_94] : memref<2592x128xi32, #tpu.memory_space<hbm>> -> memref<32x128xi32, #tpu.memory_space<hbm>>
        tpu.wait_dma2 semaphore(%run_scoped3A : memref<!tpu.dma_semaphore, #tpu.memory_space<semaphore_mem>>) src(%dma_wait3A_95 : memref<32x128xi32, #tpu.memory_space<hbm>>) dst(%arg10 : memref<32x128xi32, #tpu.memory_space<vmem>>)
        tpu.yield
      }) : () -> ()
      %dma_start3A = arith.constant 0 : i32
      %dma_start3A_60 = arith.constant 0 : i32
      %dma_start3A_61 = arith.constant 0 : i32
      %dma_start3A_62 = arith.constant 0 : i32
      %dma_start3A_63 = arith.constant 0 : i32
      %dma_start3A_64 = tpu.memref_slice %arg8[%dma_start3A_60, %dma_start3A_62, %dma_start3A_63] : memref<2x128x128xf32, #tpu.memory_space<vmem>> -> memref<1x128x128xf32, #tpu.memory_space<vmem>>
      %dma_start3A_65 = tpu.memref_squeeze %dma_start3A_64 : memref<1x128x128xf32, #tpu.memory_space<vmem>> -> memref<128x128xf32, #tpu.memory_space<vmem>>
      %dma_start3A_66 = arith.constant 0 : i32
      %dma_start3A_67 = tpu.memref_slice %arg9[%dma_start3A, %dma_start3A_66] : memref<32x128xi32, #tpu.memory_space<vmem>> -> memref<1x128xi32, #tpu.memory_space<vmem>>
      %dma_start3A_68 = tpu.memref_squeeze %dma_start3A_67 : memref<1x128xi32, #tpu.memory_space<vmem>> -> memref<128xi32, #tpu.memory_space<vmem>>
      %dma_start3A_69 = arith.constant 0 : i32
      %dma_start3A_70 = arith.constant 0 : i32
      %dma_start3A_71 = tpu.memref_slice %arg2[%dma_start3A_69, %dma_start3A_70] : memref<10000x128xf32, #tpu.memory_space<hbm>> -> memref<10000x128xf32, #tpu.memory_space<hbm>>
      %dma_start3A_72 = tpu.memref_slice %arg11[%dma_start3A_61] : memref<2x!tpu.dma_semaphore, #tpu.memory_space<semaphore_mem>> -> memref<1x!tpu.dma_semaphore, #tpu.memory_space<semaphore_mem>>
      %dma_start3A_73 = tpu.memref_squeeze %dma_start3A_72 : memref<1x!tpu.dma_semaphore, #tpu.memory_space<semaphore_mem>> -> memref<!tpu.dma_semaphore, #tpu.memory_space<semaphore_mem>>
      tpu.enqueue_indirect_dma source(%dma_start3A_71 : memref<10000x128xf32, #tpu.memory_space<hbm>>) target(%dma_start3A_65 : memref<128x128xf32, #tpu.memory_space<vmem>>) offsets(%dma_start3A_68 : memref<128xi32, #tpu.memory_space<vmem>>) semaphore(%dma_start3A_73 : memref<!tpu.dma_semaphore, #tpu.memory_space<semaphore_mem>>)
      %dma_start3A_74 = arith.constant 1 : i32
      %dma_start3A_75 = arith.constant 1 : i32
      %dma_start3A_76 = arith.constant 1 : i32
      %dma_start3A_77 = arith.constant 0 : i32
      %dma_start3A_78 = arith.constant 0 : i32
      %dma_start3A_79 = tpu.memref_slice %arg8[%dma_start3A_75, %dma_start3A_77, %dma_start3A_78] : memref<2x128x128xf32, #tpu.memory_space<vmem>> -> memref<1x128x128xf32, #tpu.memory_space<vmem>>
      %dma_start3A_80 = tpu.memref_squeeze %dma_start3A_79 : memref<1x128x128xf32, #tpu.memory_space<vmem>> -> memref<128x128xf32, #tpu.memory_space<vmem>>
      %dma_start3A_81 = arith.constant 0 : i32
      %dma_start3A_82 = tpu.memref_slice %arg9[%dma_start3A_74, %dma_start3A_81] : memref<32x128xi32, #tpu.memory_space<vmem>> -> memref<1x128xi32, #tpu.memory_space<vmem>>
      %dma_start3A_83 = tpu.memref_squeeze %dma_start3A_82 : memref<1x128xi32, #tpu.memory_space<vmem>> -> memref<128xi32, #tpu.memory_space<vmem>>
      %dma_start3A_84 = arith.constant 0 : i32
      %dma_start3A_85 = arith.constant 0 : i32
      %dma_start3A_86 = tpu.memref_slice %arg2[%dma_start3A_84, %dma_start3A_85] : memref<10000x128xf32, #tpu.memory_space<hbm>> -> memref<10000x128xf32, #tpu.memory_space<hbm>>
      %dma_start3A_87 = tpu.memref_slice %arg11[%dma_start3A_76] : memref<2x!tpu.dma_semaphore, #tpu.memory_space<semaphore_mem>> -> memref<1x!tpu.dma_semaphore, #tpu.memory_space<semaphore_mem>>
      %dma_start3A_88 = tpu.memref_squeeze %dma_start3A_87 : memref<1x!tpu.dma_semaphore, #tpu.memory_space<semaphore_mem>> -> memref<!tpu.dma_semaphore, #tpu.memory_space<semaphore_mem>>
      tpu.enqueue_indirect_dma source(%dma_start3A_86 : memref<10000x128xf32, #tpu.memory_space<hbm>>) target(%dma_start3A_80 : memref<128x128xf32, #tpu.memory_space<vmem>>) offsets(%dma_start3A_83 : memref<128xi32, #tpu.memory_space<vmem>>) semaphore(%dma_start3A_88 : memref<!tpu.dma_semaphore, #tpu.memory_space<semaphore_mem>>)
    } else {
    }
    %scan3A_28 = arith.constant 0 : i32
    %scan3A_29 = arith.constant 16 : i32
    %scan3A_30 = arith.addi %scan3A_28, %scan3A_29 : i32
    %scan3A_31 = arith.constant 1 : i32
    scf.for %scan3A_60 = %scan3A_28 to %scan3A_30 step %scan3A_31  : i32 {
      %mul3A_61 = arith.constant 1 : i32
      %mul3A_62 = arith.muli %scan3A_60, %mul3A_61 : i32
      %add3A_63 = arith.constant 0 : i32
      %add3A_64 = arith.addi %add3A_63, %mul3A_62 : i32
      %mul3A_65 = arith.constant 2 : i32
      %mul3A_66 = arith.muli %add3A_64, %mul3A_65 : i32
      %add3A_67 = arith.constant 0 : i32
      %add3A_68 = arith.addi %mul3A_66, %add3A_67 : i32
      %lt3A = arith.cmpi slt, %add3A_68, %select_n3A : i32
      %convert_element_type3A_69 = arith.extui %lt3A : i1 to i32
      %cond3A_70 = arith.constant 0 : i32
      %cond3A_71 = arith.cmpi ne, %convert_element_type3A_69, %cond3A_70 : i32
      scf.if %cond3A_71 {
        %dma_wait3A = arith.constant 0 : i32
        %dma_wait3A_78 = arith.constant 0 : i32
        %dma_wait3A_79 = arith.constant 0 : i32
        %dma_wait3A_80 = arith.constant 0 : i32
        %dma_wait3A_81 = tpu.memref_slice %arg8[%dma_wait3A, %dma_wait3A_79, %dma_wait3A_80] : memref<2x128x128xf32, #tpu.memory_space<vmem>> -> memref<1x128x128xf32, #tpu.memory_space<vmem>>
        %dma_wait3A_82 = tpu.memref_squeeze %dma_wait3A_81 : memref<1x128x128xf32, #tpu.memory_space<vmem>> -> memref<128x128xf32, #tpu.memory_space<vmem>>
        %dma_wait3A_83 = arith.constant 0 : i32
        %dma_wait3A_84 = tpu.memref_slice %arg9[%add3A_68, %dma_wait3A_83] : memref<32x128xi32, #tpu.memory_space<vmem>> -> memref<1x128xi32, #tpu.memory_space<vmem>>
        %dma_wait3A_85 = tpu.memref_squeeze %dma_wait3A_84 : memref<1x128xi32, #tpu.memory_space<vmem>> -> memref<128xi32, #tpu.memory_space<vmem>>
        %dma_wait3A_86 = arith.constant 0 : i32
        %dma_wait3A_87 = arith.constant 0 : i32
        %dma_wait3A_88 = tpu.memref_slice %arg2[%dma_wait3A_86, %dma_wait3A_87] : memref<10000x128xf32, #tpu.memory_space<hbm>> -> memref<10000x128xf32, #tpu.memory_space<hbm>>
        %dma_wait3A_89 = tpu.memref_slice %arg11[%dma_wait3A_78] : memref<2x!tpu.dma_semaphore, #tpu.memory_space<semaphore_mem>> -> memref<1x!tpu.dma_semaphore, #tpu.memory_space<semaphore_mem>>
        %dma_wait3A_90 = tpu.memref_squeeze %dma_wait3A_89 : memref<1x!tpu.dma_semaphore, #tpu.memory_space<semaphore_mem>> -> memref<!tpu.dma_semaphore, #tpu.memory_space<semaphore_mem>>
        tpu.wait_indirect_dma semaphore(%dma_wait3A_90 : memref<!tpu.dma_semaphore, #tpu.memory_space<semaphore_mem>>) src(%dma_wait3A_88 : memref<10000x128xf32, #tpu.memory_space<hbm>>) dst(%dma_wait3A_82 : memref<128x128xf32, #tpu.memory_space<vmem>>)
        %dma_start3A = arith.constant 0 : i32
        %dma_start3A_91 = arith.constant 0 : i32
        %dma_start3A_92 = arith.constant 0 : i32
        %dma_start3A_93 = arith.constant 0 : i32
        %dma_start3A_94 = tpu.memref_slice %arg8[%dma_start3A, %dma_start3A_92, %dma_start3A_93] : memref<2x128x128xf32, #tpu.memory_space<vmem>> -> memref<1x128x128xf32, #tpu.memory_space<vmem>>
        %dma_start3A_95 = tpu.memref_squeeze %dma_start3A_94 : memref<1x128x128xf32, #tpu.memory_space<vmem>> -> memref<128x128xf32, #tpu.memory_space<vmem>>
        %dma_start3A_96 = arith.constant 0 : i32
        %dma_start3A_97 = tpu.memref_slice %arg10[%add3A_68, %dma_start3A_96] : memref<32x128xi32, #tpu.memory_space<vmem>> -> memref<1x128xi32, #tpu.memory_space<vmem>>
        %dma_start3A_98 = tpu.memref_squeeze %dma_start3A_97 : memref<1x128xi32, #tpu.memory_space<vmem>> -> memref<128xi32, #tpu.memory_space<vmem>>
        %dma_start3A_99 = arith.constant 0 : i32
        %dma_start3A_100 = arith.constant 0 : i32
        %dma_start3A_101 = tpu.memref_slice %arg7[%dma_start3A_99, %dma_start3A_100] : memref<10112x128xf32, #tpu.memory_space<vmem_shared>> -> memref<10112x128xf32, #tpu.memory_space<vmem_shared>>
        %dma_start3A_102 = tpu.memref_slice %arg12[%dma_start3A_91] : memref<2x!tpu.dma_semaphore, #tpu.memory_space<semaphore_mem>> -> memref<1x!tpu.dma_semaphore, #tpu.memory_space<semaphore_mem>>
        %dma_start3A_103 = tpu.memref_squeeze %dma_start3A_102 : memref<1x!tpu.dma_semaphore, #tpu.memory_space<semaphore_mem>> -> memref<!tpu.dma_semaphore, #tpu.memory_space<semaphore_mem>>
        tpu.enqueue_indirect_dma source(%dma_start3A_95 : memref<128x128xf32, #tpu.memory_space<vmem>>) target(%dma_start3A_101 : memref<10112x128xf32, #tpu.memory_space<vmem_shared>>) offsets(%dma_start3A_98 : memref<128xi32, #tpu.memory_space<vmem>>) semaphore(%dma_start3A_103 : memref<!tpu.dma_semaphore, #tpu.memory_space<semaphore_mem>>) {add = true}
        %dma_wait3A_104 = arith.constant 0 : i32
        %dma_wait3A_105 = arith.constant 0 : i32
        %dma_wait3A_106 = arith.constant 0 : i32
        %dma_wait3A_107 = arith.constant 0 : i32
        %dma_wait3A_108 = tpu.memref_slice %arg8[%dma_wait3A_104, %dma_wait3A_106, %dma_wait3A_107] : memref<2x128x128xf32, #tpu.memory_space<vmem>> -> memref<1x128x128xf32, #tpu.memory_space<vmem>>
        %dma_wait3A_109 = tpu.memref_squeeze %dma_wait3A_108 : memref<1x128x128xf32, #tpu.memory_space<vmem>> -> memref<128x128xf32, #tpu.memory_space<vmem>>
        %dma_wait3A_110 = arith.constant 0 : i32
        %dma_wait3A_111 = tpu.memref_slice %arg10[%add3A_68, %dma_wait3A_110] : memref<32x128xi32, #tpu.memory_space<vmem>> -> memref<1x128xi32, #tpu.memory_space<vmem>>
        %dma_wait3A_112 = tpu.memref_squeeze %dma_wait3A_111 : memref<1x128xi32, #tpu.memory_space<vmem>> -> memref<128xi32, #tpu.memory_space<vmem>>
        %dma_wait3A_113 = arith.constant 0 : i32
        %dma_wait3A_114 = arith.constant 0 : i32
        %dma_wait3A_115 = tpu.memref_slice %arg7[%dma_wait3A_113, %dma_wait3A_114] : memref<10112x128xf32, #tpu.memory_space<vmem_shared>> -> memref<10112x128xf32, #tpu.memory_space<vmem_shared>>
        %dma_wait3A_116 = tpu.memref_slice %arg12[%dma_wait3A_105] : memref<2x!tpu.dma_semaphore, #tpu.memory_space<semaphore_mem>> -> memref<1x!tpu.dma_semaphore, #tpu.memory_space<semaphore_mem>>
        %dma_wait3A_117 = tpu.memref_squeeze %dma_wait3A_116 : memref<1x!tpu.dma_semaphore, #tpu.memory_space<semaphore_mem>> -> memref<!tpu.dma_semaphore, #tpu.memory_space<semaphore_mem>>
        tpu.wait_indirect_dma semaphore(%dma_wait3A_117 : memref<!tpu.dma_semaphore, #tpu.memory_space<semaphore_mem>>) src(%dma_wait3A_109 : memref<128x128xf32, #tpu.memory_space<vmem>>) dst(%dma_wait3A_115 : memref<10112x128xf32, #tpu.memory_space<vmem_shared>>)
        %add3A_118 = arith.constant 2 : i32
        %add3A_119 = arith.addi %add3A_68, %add3A_118 : i32
        %lt3A_120 = arith.cmpi slt, %add3A_119, %select_n3A : i32
        %convert_element_type3A_121 = arith.extui %lt3A_120 : i1 to i32
        %cond3A_122 = arith.constant 0 : i32
        %cond3A_123 = arith.cmpi ne, %convert_element_type3A_121, %cond3A_122 : i32
        scf.if %cond3A_123 {
          %add3A_124 = arith.constant 2 : i32
          %add3A_125 = arith.addi %add3A_68, %add3A_124 : i32
          %dma_start3A_126 = arith.constant 0 : i32
          %dma_start3A_127 = arith.constant 0 : i32
          %dma_start3A_128 = arith.constant 0 : i32
          %dma_start3A_129 = arith.constant 0 : i32
          %dma_start3A_130 = tpu.memref_slice %arg8[%dma_start3A_126, %dma_start3A_128, %dma_start3A_129] : memref<2x128x128xf32, #tpu.memory_space<vmem>> -> memref<1x128x128xf32, #tpu.memory_space<vmem>>
          %dma_start3A_131 = tpu.memref_squeeze %dma_start3A_130 : memref<1x128x128xf32, #tpu.memory_space<vmem>> -> memref<128x128xf32, #tpu.memory_space<vmem>>
          %dma_start3A_132 = arith.constant 0 : i32
          %dma_start3A_133 = tpu.memref_slice %arg9[%add3A_125, %dma_start3A_132] : memref<32x128xi32, #tpu.memory_space<vmem>> -> memref<1x128xi32, #tpu.memory_space<vmem>>
          %dma_start3A_134 = tpu.memref_squeeze %dma_start3A_133 : memref<1x128xi32, #tpu.memory_space<vmem>> -> memref<128xi32, #tpu.memory_space<vmem>>
          %dma_start3A_135 = arith.constant 0 : i32
          %dma_start3A_136 = arith.constant 0 : i32
          %dma_start3A_137 = tpu.memref_slice %arg2[%dma_start3A_135, %dma_start3A_136] : memref<10000x128xf32, #tpu.memory_space<hbm>> -> memref<10000x128xf32, #tpu.memory_space<hbm>>
          %dma_start3A_138 = tpu.memref_slice %arg11[%dma_start3A_127] : memref<2x!tpu.dma_semaphore, #tpu.memory_space<semaphore_mem>> -> memref<1x!tpu.dma_semaphore, #tpu.memory_space<semaphore_mem>>
          %dma_start3A_139 = tpu.memref_squeeze %dma_start3A_138 : memref<1x!tpu.dma_semaphore, #tpu.memory_space<semaphore_mem>> -> memref<!tpu.dma_semaphore, #tpu.memory_space<semaphore_mem>>
          tpu.enqueue_indirect_dma source(%dma_start3A_137 : memref<10000x128xf32, #tpu.memory_space<hbm>>) target(%dma_start3A_131 : memref<128x128xf32, #tpu.memory_space<vmem>>) offsets(%dma_start3A_134 : memref<128xi32, #tpu.memory_space<vmem>>) semaphore(%dma_start3A_139 : memref<!tpu.dma_semaphore, #tpu.memory_space<semaphore_mem>>)
        } else {
        }
      } else {
      }
      %add3A_72 = arith.constant 1 : i32
      %add3A_73 = arith.addi %mul3A_66, %add3A_72 : i32
      %lt3A_74 = arith.cmpi slt, %add3A_73, %select_n3A : i32
      %convert_element_type3A_75 = arith.extui %lt3A_74 : i1 to i32
      %cond3A_76 = arith.constant 0 : i32
      %cond3A_77 = arith.cmpi ne, %convert_element_type3A_75, %cond3A_76 : i32
      scf.if %cond3A_77 {
        %dma_wait3A = arith.constant 1 : i32
        %dma_wait3A_78 = arith.constant 1 : i32
        %dma_wait3A_79 = arith.constant 0 : i32
        %dma_wait3A_80 = arith.constant 0 : i32
        %dma_wait3A_81 = tpu.memref_slice %arg8[%dma_wait3A, %dma_wait3A_79, %dma_wait3A_80] : memref<2x128x128xf32, #tpu.memory_space<vmem>> -> memref<1x128x128xf32, #tpu.memory_space<vmem>>
        %dma_wait3A_82 = tpu.memref_squeeze %dma_wait3A_81 : memref<1x128x128xf32, #tpu.memory_space<vmem>> -> memref<128x128xf32, #tpu.memory_space<vmem>>
        %dma_wait3A_83 = arith.constant 0 : i32
        %dma_wait3A_84 = tpu.memref_slice %arg9[%add3A_73, %dma_wait3A_83] : memref<32x128xi32, #tpu.memory_space<vmem>> -> memref<1x128xi32, #tpu.memory_space<vmem>>
        %dma_wait3A_85 = tpu.memref_squeeze %dma_wait3A_84 : memref<1x128xi32, #tpu.memory_space<vmem>> -> memref<128xi32, #tpu.memory_space<vmem>>
        %dma_wait3A_86 = arith.constant 0 : i32
        %dma_wait3A_87 = arith.constant 0 : i32
        %dma_wait3A_88 = tpu.memref_slice %arg2[%dma_wait3A_86, %dma_wait3A_87] : memref<10000x128xf32, #tpu.memory_space<hbm>> -> memref<10000x128xf32, #tpu.memory_space<hbm>>
        %dma_wait3A_89 = tpu.memref_slice %arg11[%dma_wait3A_78] : memref<2x!tpu.dma_semaphore, #tpu.memory_space<semaphore_mem>> -> memref<1x!tpu.dma_semaphore, #tpu.memory_space<semaphore_mem>>
        %dma_wait3A_90 = tpu.memref_squeeze %dma_wait3A_89 : memref<1x!tpu.dma_semaphore, #tpu.memory_space<semaphore_mem>> -> memref<!tpu.dma_semaphore, #tpu.memory_space<semaphore_mem>>
        tpu.wait_indirect_dma semaphore(%dma_wait3A_90 : memref<!tpu.dma_semaphore, #tpu.memory_space<semaphore_mem>>) src(%dma_wait3A_88 : memref<10000x128xf32, #tpu.memory_space<hbm>>) dst(%dma_wait3A_82 : memref<128x128xf32, #tpu.memory_space<vmem>>)
        %dma_start3A = arith.constant 1 : i32
        %dma_start3A_91 = arith.constant 1 : i32
        %dma_start3A_92 = arith.constant 0 : i32
        %dma_start3A_93 = arith.constant 0 : i32
        %dma_start3A_94 = tpu.memref_slice %arg8[%dma_start3A, %dma_start3A_92, %dma_start3A_93] : memref<2x128x128xf32, #tpu.memory_space<vmem>> -> memref<1x128x128xf32, #tpu.memory_space<vmem>>
        %dma_start3A_95 = tpu.memref_squeeze %dma_start3A_94 : memref<1x128x128xf32, #tpu.memory_space<vmem>> -> memref<128x128xf32, #tpu.memory_space<vmem>>
        %dma_start3A_96 = arith.constant 0 : i32
        %dma_start3A_97 = tpu.memref_slice %arg10[%add3A_73, %dma_start3A_96] : memref<32x128xi32, #tpu.memory_space<vmem>> -> memref<1x128xi32, #tpu.memory_space<vmem>>
        %dma_start3A_98 = tpu.memref_squeeze %dma_start3A_97 : memref<1x128xi32, #tpu.memory_space<vmem>> -> memref<128xi32, #tpu.memory_space<vmem>>
        %dma_start3A_99 = arith.constant 0 : i32
        %dma_start3A_100 = arith.constant 0 : i32
        %dma_start3A_101 = tpu.memref_slice %arg7[%dma_start3A_99, %dma_start3A_100] : memref<10112x128xf32, #tpu.memory_space<vmem_shared>> -> memref<10112x128xf32, #tpu.memory_space<vmem_shared>>
        %dma_start3A_102 = tpu.memref_slice %arg12[%dma_start3A_91] : memref<2x!tpu.dma_semaphore, #tpu.memory_space<semaphore_mem>> -> memref<1x!tpu.dma_semaphore, #tpu.memory_space<semaphore_mem>>
        %dma_start3A_103 = tpu.memref_squeeze %dma_start3A_102 : memref<1x!tpu.dma_semaphore, #tpu.memory_space<semaphore_mem>> -> memref<!tpu.dma_semaphore, #tpu.memory_space<semaphore_mem>>
        tpu.enqueue_indirect_dma source(%dma_start3A_95 : memref<128x128xf32, #tpu.memory_space<vmem>>) target(%dma_start3A_101 : memref<10112x128xf32, #tpu.memory_space<vmem_shared>>) offsets(%dma_start3A_98 : memref<128xi32, #tpu.memory_space<vmem>>) semaphore(%dma_start3A_103 : memref<!tpu.dma_semaphore, #tpu.memory_space<semaphore_mem>>) {add = true}
        %dma_wait3A_104 = arith.constant 1 : i32
        %dma_wait3A_105 = arith.constant 1 : i32
        %dma_wait3A_106 = arith.constant 0 : i32
        %dma_wait3A_107 = arith.constant 0 : i32
        %dma_wait3A_108 = tpu.memref_slice %arg8[%dma_wait3A_104, %dma_wait3A_106, %dma_wait3A_107] : memref<2x128x128xf32, #tpu.memory_space<vmem>> -> memref<1x128x128xf32, #tpu.memory_space<vmem>>
        %dma_wait3A_109 = tpu.memref_squeeze %dma_wait3A_108 : memref<1x128x128xf32, #tpu.memory_space<vmem>> -> memref<128x128xf32, #tpu.memory_space<vmem>>
        %dma_wait3A_110 = arith.constant 0 : i32
        %dma_wait3A_111 = tpu.memref_slice %arg10[%add3A_73, %dma_wait3A_110] : memref<32x128xi32, #tpu.memory_space<vmem>> -> memref<1x128xi32, #tpu.memory_space<vmem>>
        %dma_wait3A_112 = tpu.memref_squeeze %dma_wait3A_111 : memref<1x128xi32, #tpu.memory_space<vmem>> -> memref<128xi32, #tpu.memory_space<vmem>>
        %dma_wait3A_113 = arith.constant 0 : i32
        %dma_wait3A_114 = arith.constant 0 : i32
        %dma_wait3A_115 = tpu.memref_slice %arg7[%dma_wait3A_113, %dma_wait3A_114] : memref<10112x128xf32, #tpu.memory_space<vmem_shared>> -> memref<10112x128xf32, #tpu.memory_space<vmem_shared>>
        %dma_wait3A_116 = tpu.memref_slice %arg12[%dma_wait3A_105] : memref<2x!tpu.dma_semaphore, #tpu.memory_space<semaphore_mem>> -> memref<1x!tpu.dma_semaphore, #tpu.memory_space<semaphore_mem>>
        %dma_wait3A_117 = tpu.memref_squeeze %dma_wait3A_116 : memref<1x!tpu.dma_semaphore, #tpu.memory_space<semaphore_mem>> -> memref<!tpu.dma_semaphore, #tpu.memory_space<semaphore_mem>>
        tpu.wait_indirect_dma semaphore(%dma_wait3A_117 : memref<!tpu.dma_semaphore, #tpu.memory_space<semaphore_mem>>) src(%dma_wait3A_109 : memref<128x128xf32, #tpu.memory_space<vmem>>) dst(%dma_wait3A_115 : memref<10112x128xf32, #tpu.memory_space<vmem_shared>>)
        %add3A_118 = arith.constant 2 : i32
        %add3A_119 = arith.addi %add3A_73, %add3A_118 : i32
        %lt3A_120 = arith.cmpi slt, %add3A_119, %select_n3A : i32
        %convert_element_type3A_121 = arith.extui %lt3A_120 : i1 to i32
        %cond3A_122 = arith.constant 0 : i32
        %cond3A_123 = arith.cmpi ne, %convert_element_type3A_121, %cond3A_122 : i32
        scf.if %cond3A_123 {
          %add3A_124 = arith.constant 2 : i32
          %add3A_125 = arith.addi %add3A_73, %add3A_124 : i32
          %dma_start3A_126 = arith.constant 1 : i32
          %dma_start3A_127 = arith.constant 1 : i32
          %dma_start3A_128 = arith.constant 0 : i32
          %dma_start3A_129 = arith.constant 0 : i32
          %dma_start3A_130 = tpu.memref_slice %arg8[%dma_start3A_126, %dma_start3A_128, %dma_start3A_129] : memref<2x128x128xf32, #tpu.memory_space<vmem>> -> memref<1x128x128xf32, #tpu.memory_space<vmem>>
          %dma_start3A_131 = tpu.memref_squeeze %dma_start3A_130 : memref<1x128x128xf32, #tpu.memory_space<vmem>> -> memref<128x128xf32, #tpu.memory_space<vmem>>
          %dma_start3A_132 = arith.constant 0 : i32
          %dma_start3A_133 = tpu.memref_slice %arg9[%add3A_125, %dma_start3A_132] : memref<32x128xi32, #tpu.memory_space<vmem>> -> memref<1x128xi32, #tpu.memory_space<vmem>>
          %dma_start3A_134 = tpu.memref_squeeze %dma_start3A_133 : memref<1x128xi32, #tpu.memory_space<vmem>> -> memref<128xi32, #tpu.memory_space<vmem>>
          %dma_start3A_135 = arith.constant 0 : i32
          %dma_start3A_136 = arith.constant 0 : i32
          %dma_start3A_137 = tpu.memref_slice %arg2[%dma_start3A_135, %dma_start3A_136] : memref<10000x128xf32, #tpu.memory_space<hbm>> -> memref<10000x128xf32, #tpu.memory_space<hbm>>
          %dma_start3A_138 = tpu.memref_slice %arg11[%dma_start3A_127] : memref<2x!tpu.dma_semaphore, #tpu.memory_space<semaphore_mem>> -> memref<1x!tpu.dma_semaphore, #tpu.memory_space<semaphore_mem>>
          %dma_start3A_139 = tpu.memref_squeeze %dma_start3A_138 : memref<1x!tpu.dma_semaphore, #tpu.memory_space<semaphore_mem>> -> memref<!tpu.dma_semaphore, #tpu.memory_space<semaphore_mem>>
          tpu.enqueue_indirect_dma source(%dma_start3A_137 : memref<10000x128xf32, #tpu.memory_space<hbm>>) target(%dma_start3A_131 : memref<128x128xf32, #tpu.memory_space<vmem>>) offsets(%dma_start3A_134 : memref<128xi32, #tpu.memory_space<vmem>>) semaphore(%dma_start3A_139 : memref<!tpu.dma_semaphore, #tpu.memory_space<semaphore_mem>>)
        } else {
        }
      } else {
      }
    }
    %scan3A_32 = arith.constant 16 : i32
    %mul3A_33 = arith.constant 2 : i32
    %mul3A_34 = arith.muli %mul3A_33, %select_n3A : i32
    %add3A_35 = arith.addi %select_n3A_10, %mul3A_34 : i32
    %gt3A_36 = arith.constant 0 : i32
    %gt3A_37 = arith.cmpi sgt, %select_n3A, %gt3A_36 : i32
    %convert_element_type3A_38 = arith.extui %gt3A_37 : i1 to i32
    %cond3A_39 = arith.constant 0 : i32
    %cond3A_40 = arith.cmpi ne, %convert_element_type3A_38, %cond3A_39 : i32
    scf.if %cond3A_40 {
      "tpu.region"() ({
        %run_scoped3A = tpu.sem_alloc : memref<!tpu.dma_semaphore, #tpu.memory_space<semaphore_mem>>
        %dma_start3A_89 = arith.constant 0 : i32
        %dma_start3A_90 = tpu.memref_slice %arg3[%add3A_35, %dma_start3A_89] : memref<2592x128xi32, #tpu.memory_space<hbm>> -> memref<32x128xi32, #tpu.memory_space<hbm>>
        %dma_start3A_91 = arith.constant 0 : i32
        %dma_start3A_92 = tpu.memref_slice %arg3[%add3A_35, %dma_start3A_91] : memref<2592x128xi32, #tpu.memory_space<hbm>> -> memref<32x128xi32, #tpu.memory_space<hbm>>
        tpu.enqueue_dma source(%dma_start3A_92 : memref<32x128xi32, #tpu.memory_space<hbm>>) target(%arg9 : memref<32x128xi32, #tpu.memory_space<vmem>>) target_semaphore(%run_scoped3A : memref<!tpu.dma_semaphore, #tpu.memory_space<semaphore_mem>>)
        %dma_wait3A = arith.constant 0 : i32
        %dma_wait3A_93 = tpu.memref_slice %arg3[%add3A_35, %dma_wait3A] : memref<2592x128xi32, #tpu.memory_space<hbm>> -> memref<32x128xi32, #tpu.memory_space<hbm>>
        %dma_wait3A_94 = arith.constant 0 : i32
        %dma_wait3A_95 = tpu.memref_slice %arg3[%add3A_35, %dma_wait3A_94] : memref<2592x128xi32, #tpu.memory_space<hbm>> -> memref<32x128xi32, #tpu.memory_space<hbm>>
        tpu.wait_dma2 semaphore(%run_scoped3A : memref<!tpu.dma_semaphore, #tpu.memory_space<semaphore_mem>>) src(%dma_wait3A_95 : memref<32x128xi32, #tpu.memory_space<hbm>>) dst(%arg9 : memref<32x128xi32, #tpu.memory_space<vmem>>)
        tpu.yield
      }) : () -> ()
      "tpu.region"() ({
        %run_scoped3A = tpu.sem_alloc : memref<!tpu.dma_semaphore, #tpu.memory_space<semaphore_mem>>
        %dma_start3A_89 = arith.constant 0 : i32
        %dma_start3A_90 = tpu.memref_slice %arg4[%add3A_35, %dma_start3A_89] : memref<2592x128xi32, #tpu.memory_space<hbm>> -> memref<32x128xi32, #tpu.memory_space<hbm>>
        %dma_start3A_91 = arith.constant 0 : i32
        %dma_start3A_92 = tpu.memref_slice %arg4[%add3A_35, %dma_start3A_91] : memref<2592x128xi32, #tpu.memory_space<hbm>> -> memref<32x128xi32, #tpu.memory_space<hbm>>
        tpu.enqueue_dma source(%dma_start3A_92 : memref<32x128xi32, #tpu.memory_space<hbm>>) target(%arg10 : memref<32x128xi32, #tpu.memory_space<vmem>>) target_semaphore(%run_scoped3A : memref<!tpu.dma_semaphore, #tpu.memory_space<semaphore_mem>>)
        %dma_wait3A = arith.constant 0 : i32
        %dma_wait3A_93 = tpu.memref_slice %arg4[%add3A_35, %dma_wait3A] : memref<2592x128xi32, #tpu.memory_space<hbm>> -> memref<32x128xi32, #tpu.memory_space<hbm>>
        %dma_wait3A_94 = arith.constant 0 : i32
        %dma_wait3A_95 = tpu.memref_slice %arg4[%add3A_35, %dma_wait3A_94] : memref<2592x128xi32, #tpu.memory_space<hbm>> -> memref<32x128xi32, #tpu.memory_space<hbm>>
        tpu.wait_dma2 semaphore(%run_scoped3A : memref<!tpu.dma_semaphore, #tpu.memory_space<semaphore_mem>>) src(%dma_wait3A_95 : memref<32x128xi32, #tpu.memory_space<hbm>>) dst(%arg10 : memref<32x128xi32, #tpu.memory_space<vmem>>)
        tpu.yield
      }) : () -> ()
      %dma_start3A = arith.constant 0 : i32
      %dma_start3A_60 = arith.constant 0 : i32
      %dma_start3A_61 = arith.constant 0 : i32
      %dma_start3A_62 = arith.constant 0 : i32
      %dma_start3A_63 = arith.constant 0 : i32
      %dma_start3A_64 = tpu.memref_slice %arg8[%dma_start3A_60, %dma_start3A_62, %dma_start3A_63] : memref<2x128x128xf32, #tpu.memory_space<vmem>> -> memref<1x128x128xf32, #tpu.memory_space<vmem>>
      %dma_start3A_65 = tpu.memref_squeeze %dma_start3A_64 : memref<1x128x128xf32, #tpu.memory_space<vmem>> -> memref<128x128xf32, #tpu.memory_space<vmem>>
      %dma_start3A_66 = arith.constant 0 : i32
      %dma_start3A_67 = tpu.memref_slice %arg9[%dma_start3A, %dma_start3A_66] : memref<32x128xi32, #tpu.memory_space<vmem>> -> memref<1x128xi32, #tpu.memory_space<vmem>>
      %dma_start3A_68 = tpu.memref_squeeze %dma_start3A_67 : memref<1x128xi32, #tpu.memory_space<vmem>> -> memref<128xi32, #tpu.memory_space<vmem>>
      %dma_start3A_69 = arith.constant 0 : i32
      %dma_start3A_70 = arith.constant 0 : i32
      %dma_start3A_71 = tpu.memref_slice %arg2[%dma_start3A_69, %dma_start3A_70] : memref<10000x128xf32, #tpu.memory_space<hbm>> -> memref<10000x128xf32, #tpu.memory_space<hbm>>
      %dma_start3A_72 = tpu.memref_slice %arg11[%dma_start3A_61] : memref<2x!tpu.dma_semaphore, #tpu.memory_space<semaphore_mem>> -> memref<1x!tpu.dma_semaphore, #tpu.memory_space<semaphore_mem>>
      %dma_start3A_73 = tpu.memref_squeeze %dma_start3A_72 : memref<1x!tpu.dma_semaphore, #tpu.memory_space<semaphore_mem>> -> memref<!tpu.dma_semaphore, #tpu.memory_space<semaphore_mem>>
      tpu.enqueue_indirect_dma source(%dma_start3A_71 : memref<10000x128xf32, #tpu.memory_space<hbm>>) target(%dma_start3A_65 : memref<128x128xf32, #tpu.memory_space<vmem>>) offsets(%dma_start3A_68 : memref<128xi32, #tpu.memory_space<vmem>>) semaphore(%dma_start3A_73 : memref<!tpu.dma_semaphore, #tpu.memory_space<semaphore_mem>>)
      %dma_start3A_74 = arith.constant 1 : i32
      %dma_start3A_75 = arith.constant 1 : i32
      %dma_start3A_76 = arith.constant 1 : i32
      %dma_start3A_77 = arith.constant 0 : i32
      %dma_start3A_78 = arith.constant 0 : i32
      %dma_start3A_79 = tpu.memref_slice %arg8[%dma_start3A_75, %dma_start3A_77, %dma_start3A_78] : memref<2x128x128xf32, #tpu.memory_space<vmem>> -> memref<1x128x128xf32, #tpu.memory_space<vmem>>
      %dma_start3A_80 = tpu.memref_squeeze %dma_start3A_79 : memref<1x128x128xf32, #tpu.memory_space<vmem>> -> memref<128x128xf32, #tpu.memory_space<vmem>>
      %dma_start3A_81 = arith.constant 0 : i32
      %dma_start3A_82 = tpu.memref_slice %arg9[%dma_start3A_74, %dma_start3A_81] : memref<32x128xi32, #tpu.memory_space<vmem>> -> memref<1x128xi32, #tpu.memory_space<vmem>>
      %dma_start3A_83 = tpu.memref_squeeze %dma_start3A_82 : memref<1x128xi32, #tpu.memory_space<vmem>> -> memref<128xi32, #tpu.memory_space<vmem>>
      %dma_start3A_84 = arith.constant 0 : i32
      %dma_start3A_85 = arith.constant 0 : i32
      %dma_start3A_86 = tpu.memref_slice %arg2[%dma_start3A_84, %dma_start3A_85] : memref<10000x128xf32, #tpu.memory_space<hbm>> -> memref<10000x128xf32, #tpu.memory_space<hbm>>
      %dma_start3A_87 = tpu.memref_slice %arg11[%dma_start3A_76] : memref<2x!tpu.dma_semaphore, #tpu.memory_space<semaphore_mem>> -> memref<1x!tpu.dma_semaphore, #tpu.memory_space<semaphore_mem>>
      %dma_start3A_88 = tpu.memref_squeeze %dma_start3A_87 : memref<1x!tpu.dma_semaphore, #tpu.memory_space<semaphore_mem>> -> memref<!tpu.dma_semaphore, #tpu.memory_space<semaphore_mem>>
      tpu.enqueue_indirect_dma source(%dma_start3A_86 : memref<10000x128xf32, #tpu.memory_space<hbm>>) target(%dma_start3A_80 : memref<128x128xf32, #tpu.memory_space<vmem>>) offsets(%dma_start3A_83 : memref<128xi32, #tpu.memory_space<vmem>>) semaphore(%dma_start3A_88 : memref<!tpu.dma_semaphore, #tpu.memory_space<semaphore_mem>>)
    } else {
    }
    %scan3A_41 = arith.constant 0 : i32
    %scan3A_42 = arith.constant 16 : i32
    %scan3A_43 = arith.addi %scan3A_41, %scan3A_42 : i32
    %scan3A_44 = arith.constant 1 : i32
    scf.for %scan3A_60 = %scan3A_41 to %scan3A_43 step %scan3A_44  : i32 {
      %mul3A_61 = arith.constant 1 : i32
      %mul3A_62 = arith.muli %scan3A_60, %mul3A_61 : i32
      %add3A_63 = arith.constant 0 : i32
      %add3A_64 = arith.addi %add3A_63, %mul3A_62 : i32
      %mul3A_65 = arith.constant 2 : i32
      %mul3A_66 = arith.muli %add3A_64, %mul3A_65 : i32
      %add3A_67 = arith.constant 0 : i32
      %add3A_68 = arith.addi %mul3A_66, %add3A_67 : i32
      %lt3A = arith.cmpi slt, %add3A_68, %select_n3A : i32
      %convert_element_type3A_69 = arith.extui %lt3A : i1 to i32
      %cond3A_70 = arith.constant 0 : i32
      %cond3A_71 = arith.cmpi ne, %convert_element_type3A_69, %cond3A_70 : i32
      scf.if %cond3A_71 {
        %dma_wait3A = arith.constant 0 : i32
        %dma_wait3A_78 = arith.constant 0 : i32
        %dma_wait3A_79 = arith.constant 0 : i32
        %dma_wait3A_80 = arith.constant 0 : i32
        %dma_wait3A_81 = tpu.memref_slice %arg8[%dma_wait3A, %dma_wait3A_79, %dma_wait3A_80] : memref<2x128x128xf32, #tpu.memory_space<vmem>> -> memref<1x128x128xf32, #tpu.memory_space<vmem>>
        %dma_wait3A_82 = tpu.memref_squeeze %dma_wait3A_81 : memref<1x128x128xf32, #tpu.memory_space<vmem>> -> memref<128x128xf32, #tpu.memory_space<vmem>>
        %dma_wait3A_83 = arith.constant 0 : i32
        %dma_wait3A_84 = tpu.memref_slice %arg9[%add3A_68, %dma_wait3A_83] : memref<32x128xi32, #tpu.memory_space<vmem>> -> memref<1x128xi32, #tpu.memory_space<vmem>>
        %dma_wait3A_85 = tpu.memref_squeeze %dma_wait3A_84 : memref<1x128xi32, #tpu.memory_space<vmem>> -> memref<128xi32, #tpu.memory_space<vmem>>
        %dma_wait3A_86 = arith.constant 0 : i32
        %dma_wait3A_87 = arith.constant 0 : i32
        %dma_wait3A_88 = tpu.memref_slice %arg2[%dma_wait3A_86, %dma_wait3A_87] : memref<10000x128xf32, #tpu.memory_space<hbm>> -> memref<10000x128xf32, #tpu.memory_space<hbm>>
        %dma_wait3A_89 = tpu.memref_slice %arg11[%dma_wait3A_78] : memref<2x!tpu.dma_semaphore, #tpu.memory_space<semaphore_mem>> -> memref<1x!tpu.dma_semaphore, #tpu.memory_space<semaphore_mem>>
        %dma_wait3A_90 = tpu.memref_squeeze %dma_wait3A_89 : memref<1x!tpu.dma_semaphore, #tpu.memory_space<semaphore_mem>> -> memref<!tpu.dma_semaphore, #tpu.memory_space<semaphore_mem>>
        tpu.wait_indirect_dma semaphore(%dma_wait3A_90 : memref<!tpu.dma_semaphore, #tpu.memory_space<semaphore_mem>>) src(%dma_wait3A_88 : memref<10000x128xf32, #tpu.memory_space<hbm>>) dst(%dma_wait3A_82 : memref<128x128xf32, #tpu.memory_space<vmem>>)
        %dma_start3A = arith.constant 0 : i32
        %dma_start3A_91 = arith.constant 0 : i32
        %dma_start3A_92 = arith.constant 0 : i32
        %dma_start3A_93 = arith.constant 0 : i32
        %dma_start3A_94 = tpu.memref_slice %arg8[%dma_start3A, %dma_start3A_92, %dma_start3A_93] : memref<2x128x128xf32, #tpu.memory_space<vmem>> -> memref<1x128x128xf32, #tpu.memory_space<vmem>>
        %dma_start3A_95 = tpu.memref_squeeze %dma_start3A_94 : memref<1x128x128xf32, #tpu.memory_space<vmem>> -> memref<128x128xf32, #tpu.memory_space<vmem>>
        %dma_start3A_96 = arith.constant 0 : i32
        %dma_start3A_97 = tpu.memref_slice %arg10[%add3A_68, %dma_start3A_96] : memref<32x128xi32, #tpu.memory_space<vmem>> -> memref<1x128xi32, #tpu.memory_space<vmem>>
        %dma_start3A_98 = tpu.memref_squeeze %dma_start3A_97 : memref<1x128xi32, #tpu.memory_space<vmem>> -> memref<128xi32, #tpu.memory_space<vmem>>
        %dma_start3A_99 = arith.constant 0 : i32
        %dma_start3A_100 = arith.constant 0 : i32
        %dma_start3A_101 = tpu.memref_slice %arg7[%dma_start3A_99, %dma_start3A_100] : memref<10112x128xf32, #tpu.memory_space<vmem_shared>> -> memref<10112x128xf32, #tpu.memory_space<vmem_shared>>
        %dma_start3A_102 = tpu.memref_slice %arg12[%dma_start3A_91] : memref<2x!tpu.dma_semaphore, #tpu.memory_space<semaphore_mem>> -> memref<1x!tpu.dma_semaphore, #tpu.memory_space<semaphore_mem>>
        %dma_start3A_103 = tpu.memref_squeeze %dma_start3A_102 : memref<1x!tpu.dma_semaphore, #tpu.memory_space<semaphore_mem>> -> memref<!tpu.dma_semaphore, #tpu.memory_space<semaphore_mem>>
        tpu.enqueue_indirect_dma source(%dma_start3A_95 : memref<128x128xf32, #tpu.memory_space<vmem>>) target(%dma_start3A_101 : memref<10112x128xf32, #tpu.memory_space<vmem_shared>>) offsets(%dma_start3A_98 : memref<128xi32, #tpu.memory_space<vmem>>) semaphore(%dma_start3A_103 : memref<!tpu.dma_semaphore, #tpu.memory_space<semaphore_mem>>) {add = true}
        %dma_wait3A_104 = arith.constant 0 : i32
        %dma_wait3A_105 = arith.constant 0 : i32
        %dma_wait3A_106 = arith.constant 0 : i32
        %dma_wait3A_107 = arith.constant 0 : i32
        %dma_wait3A_108 = tpu.memref_slice %arg8[%dma_wait3A_104, %dma_wait3A_106, %dma_wait3A_107] : memref<2x128x128xf32, #tpu.memory_space<vmem>> -> memref<1x128x128xf32, #tpu.memory_space<vmem>>
        %dma_wait3A_109 = tpu.memref_squeeze %dma_wait3A_108 : memref<1x128x128xf32, #tpu.memory_space<vmem>> -> memref<128x128xf32, #tpu.memory_space<vmem>>
        %dma_wait3A_110 = arith.constant 0 : i32
        %dma_wait3A_111 = tpu.memref_slice %arg10[%add3A_68, %dma_wait3A_110] : memref<32x128xi32, #tpu.memory_space<vmem>> -> memref<1x128xi32, #tpu.memory_space<vmem>>
        %dma_wait3A_112 = tpu.memref_squeeze %dma_wait3A_111 : memref<1x128xi32, #tpu.memory_space<vmem>> -> memref<128xi32, #tpu.memory_space<vmem>>
        %dma_wait3A_113 = arith.constant 0 : i32
        %dma_wait3A_114 = arith.constant 0 : i32
        %dma_wait3A_115 = tpu.memref_slice %arg7[%dma_wait3A_113, %dma_wait3A_114] : memref<10112x128xf32, #tpu.memory_space<vmem_shared>> -> memref<10112x128xf32, #tpu.memory_space<vmem_shared>>
        %dma_wait3A_116 = tpu.memref_slice %arg12[%dma_wait3A_105] : memref<2x!tpu.dma_semaphore, #tpu.memory_space<semaphore_mem>> -> memref<1x!tpu.dma_semaphore, #tpu.memory_space<semaphore_mem>>
        %dma_wait3A_117 = tpu.memref_squeeze %dma_wait3A_116 : memref<1x!tpu.dma_semaphore, #tpu.memory_space<semaphore_mem>> -> memref<!tpu.dma_semaphore, #tpu.memory_space<semaphore_mem>>
        tpu.wait_indirect_dma semaphore(%dma_wait3A_117 : memref<!tpu.dma_semaphore, #tpu.memory_space<semaphore_mem>>) src(%dma_wait3A_109 : memref<128x128xf32, #tpu.memory_space<vmem>>) dst(%dma_wait3A_115 : memref<10112x128xf32, #tpu.memory_space<vmem_shared>>)
        %add3A_118 = arith.constant 2 : i32
        %add3A_119 = arith.addi %add3A_68, %add3A_118 : i32
        %lt3A_120 = arith.cmpi slt, %add3A_119, %select_n3A : i32
        %convert_element_type3A_121 = arith.extui %lt3A_120 : i1 to i32
        %cond3A_122 = arith.constant 0 : i32
        %cond3A_123 = arith.cmpi ne, %convert_element_type3A_121, %cond3A_122 : i32
        scf.if %cond3A_123 {
          %add3A_124 = arith.constant 2 : i32
          %add3A_125 = arith.addi %add3A_68, %add3A_124 : i32
          %dma_start3A_126 = arith.constant 0 : i32
          %dma_start3A_127 = arith.constant 0 : i32
          %dma_start3A_128 = arith.constant 0 : i32
          %dma_start3A_129 = arith.constant 0 : i32
          %dma_start3A_130 = tpu.memref_slice %arg8[%dma_start3A_126, %dma_start3A_128, %dma_start3A_129] : memref<2x128x128xf32, #tpu.memory_space<vmem>> -> memref<1x128x128xf32, #tpu.memory_space<vmem>>
          %dma_start3A_131 = tpu.memref_squeeze %dma_start3A_130 : memref<1x128x128xf32, #tpu.memory_space<vmem>> -> memref<128x128xf32, #tpu.memory_space<vmem>>
          %dma_start3A_132 = arith.constant 0 : i32
          %dma_start3A_133 = tpu.memref_slice %arg9[%add3A_125, %dma_start3A_132] : memref<32x128xi32, #tpu.memory_space<vmem>> -> memref<1x128xi32, #tpu.memory_space<vmem>>
          %dma_start3A_134 = tpu.memref_squeeze %dma_start3A_133 : memref<1x128xi32, #tpu.memory_space<vmem>> -> memref<128xi32, #tpu.memory_space<vmem>>
          %dma_start3A_135 = arith.constant 0 : i32
          %dma_start3A_136 = arith.constant 0 : i32
          %dma_start3A_137 = tpu.memref_slice %arg2[%dma_start3A_135, %dma_start3A_136] : memref<10000x128xf32, #tpu.memory_space<hbm>> -> memref<10000x128xf32, #tpu.memory_space<hbm>>
          %dma_start3A_138 = tpu.memref_slice %arg11[%dma_start3A_127] : memref<2x!tpu.dma_semaphore, #tpu.memory_space<semaphore_mem>> -> memref<1x!tpu.dma_semaphore, #tpu.memory_space<semaphore_mem>>
          %dma_start3A_139 = tpu.memref_squeeze %dma_start3A_138 : memref<1x!tpu.dma_semaphore, #tpu.memory_space<semaphore_mem>> -> memref<!tpu.dma_semaphore, #tpu.memory_space<semaphore_mem>>
          tpu.enqueue_indirect_dma source(%dma_start3A_137 : memref<10000x128xf32, #tpu.memory_space<hbm>>) target(%dma_start3A_131 : memref<128x128xf32, #tpu.memory_space<vmem>>) offsets(%dma_start3A_134 : memref<128xi32, #tpu.memory_space<vmem>>) semaphore(%dma_start3A_139 : memref<!tpu.dma_semaphore, #tpu.memory_space<semaphore_mem>>)
        } else {
        }
      } else {
      }
      %add3A_72 = arith.constant 1 : i32
      %add3A_73 = arith.addi %mul3A_66, %add3A_72 : i32
      %lt3A_74 = arith.cmpi slt, %add3A_73, %select_n3A : i32
      %convert_element_type3A_75 = arith.extui %lt3A_74 : i1 to i32
      %cond3A_76 = arith.constant 0 : i32
      %cond3A_77 = arith.cmpi ne, %convert_element_type3A_75, %cond3A_76 : i32
      scf.if %cond3A_77 {
        %dma_wait3A = arith.constant 1 : i32
        %dma_wait3A_78 = arith.constant 1 : i32
        %dma_wait3A_79 = arith.constant 0 : i32
        %dma_wait3A_80 = arith.constant 0 : i32
        %dma_wait3A_81 = tpu.memref_slice %arg8[%dma_wait3A, %dma_wait3A_79, %dma_wait3A_80] : memref<2x128x128xf32, #tpu.memory_space<vmem>> -> memref<1x128x128xf32, #tpu.memory_space<vmem>>
        %dma_wait3A_82 = tpu.memref_squeeze %dma_wait3A_81 : memref<1x128x128xf32, #tpu.memory_space<vmem>> -> memref<128x128xf32, #tpu.memory_space<vmem>>
        %dma_wait3A_83 = arith.constant 0 : i32
        %dma_wait3A_84 = tpu.memref_slice %arg9[%add3A_73, %dma_wait3A_83] : memref<32x128xi32, #tpu.memory_space<vmem>> -> memref<1x128xi32, #tpu.memory_space<vmem>>
        %dma_wait3A_85 = tpu.memref_squeeze %dma_wait3A_84 : memref<1x128xi32, #tpu.memory_space<vmem>> -> memref<128xi32, #tpu.memory_space<vmem>>
        %dma_wait3A_86 = arith.constant 0 : i32
        %dma_wait3A_87 = arith.constant 0 : i32
        %dma_wait3A_88 = tpu.memref_slice %arg2[%dma_wait3A_86, %dma_wait3A_87] : memref<10000x128xf32, #tpu.memory_space<hbm>> -> memref<10000x128xf32, #tpu.memory_space<hbm>>
        %dma_wait3A_89 = tpu.memref_slice %arg11[%dma_wait3A_78] : memref<2x!tpu.dma_semaphore, #tpu.memory_space<semaphore_mem>> -> memref<1x!tpu.dma_semaphore, #tpu.memory_space<semaphore_mem>>
        %dma_wait3A_90 = tpu.memref_squeeze %dma_wait3A_89 : memref<1x!tpu.dma_semaphore, #tpu.memory_space<semaphore_mem>> -> memref<!tpu.dma_semaphore, #tpu.memory_space<semaphore_mem>>
        tpu.wait_indirect_dma semaphore(%dma_wait3A_90 : memref<!tpu.dma_semaphore, #tpu.memory_space<semaphore_mem>>) src(%dma_wait3A_88 : memref<10000x128xf32, #tpu.memory_space<hbm>>) dst(%dma_wait3A_82 : memref<128x128xf32, #tpu.memory_space<vmem>>)
        %dma_start3A = arith.constant 1 : i32
        %dma_start3A_91 = arith.constant 1 : i32
        %dma_start3A_92 = arith.constant 0 : i32
        %dma_start3A_93 = arith.constant 0 : i32
        %dma_start3A_94 = tpu.memref_slice %arg8[%dma_start3A, %dma_start3A_92, %dma_start3A_93] : memref<2x128x128xf32, #tpu.memory_space<vmem>> -> memref<1x128x128xf32, #tpu.memory_space<vmem>>
        %dma_start3A_95 = tpu.memref_squeeze %dma_start3A_94 : memref<1x128x128xf32, #tpu.memory_space<vmem>> -> memref<128x128xf32, #tpu.memory_space<vmem>>
        %dma_start3A_96 = arith.constant 0 : i32
        %dma_start3A_97 = tpu.memref_slice %arg10[%add3A_73, %dma_start3A_96] : memref<32x128xi32, #tpu.memory_space<vmem>> -> memref<1x128xi32, #tpu.memory_space<vmem>>
        %dma_start3A_98 = tpu.memref_squeeze %dma_start3A_97 : memref<1x128xi32, #tpu.memory_space<vmem>> -> memref<128xi32, #tpu.memory_space<vmem>>
        %dma_start3A_99 = arith.constant 0 : i32
        %dma_start3A_100 = arith.constant 0 : i32
        %dma_start3A_101 = tpu.memref_slice %arg7[%dma_start3A_99, %dma_start3A_100] : memref<10112x128xf32, #tpu.memory_space<vmem_shared>> -> memref<10112x128xf32, #tpu.memory_space<vmem_shared>>
        %dma_start3A_102 = tpu.memref_slice %arg12[%dma_start3A_91] : memref<2x!tpu.dma_semaphore, #tpu.memory_space<semaphore_mem>> -> memref<1x!tpu.dma_semaphore, #tpu.memory_space<semaphore_mem>>
        %dma_start3A_103 = tpu.memref_squeeze %dma_start3A_102 : memref<1x!tpu.dma_semaphore, #tpu.memory_space<semaphore_mem>> -> memref<!tpu.dma_semaphore, #tpu.memory_space<semaphore_mem>>
        tpu.enqueue_indirect_dma source(%dma_start3A_95 : memref<128x128xf32, #tpu.memory_space<vmem>>) target(%dma_start3A_101 : memref<10112x128xf32, #tpu.memory_space<vmem_shared>>) offsets(%dma_start3A_98 : memref<128xi32, #tpu.memory_space<vmem>>) semaphore(%dma_start3A_103 : memref<!tpu.dma_semaphore, #tpu.memory_space<semaphore_mem>>) {add = true}
        %dma_wait3A_104 = arith.constant 1 : i32
        %dma_wait3A_105 = arith.constant 1 : i32
        %dma_wait3A_106 = arith.constant 0 : i32
        %dma_wait3A_107 = arith.constant 0 : i32
        %dma_wait3A_108 = tpu.memref_slice %arg8[%dma_wait3A_104, %dma_wait3A_106, %dma_wait3A_107] : memref<2x128x128xf32, #tpu.memory_space<vmem>> -> memref<1x128x128xf32, #tpu.memory_space<vmem>>
        %dma_wait3A_109 = tpu.memref_squeeze %dma_wait3A_108 : memref<1x128x128xf32, #tpu.memory_space<vmem>> -> memref<128x128xf32, #tpu.memory_space<vmem>>
        %dma_wait3A_110 = arith.constant 0 : i32
        %dma_wait3A_111 = tpu.memref_slice %arg10[%add3A_73, %dma_wait3A_110] : memref<32x128xi32, #tpu.memory_space<vmem>> -> memref<1x128xi32, #tpu.memory_space<vmem>>
        %dma_wait3A_112 = tpu.memref_squeeze %dma_wait3A_111 : memref<1x128xi32, #tpu.memory_space<vmem>> -> memref<128xi32, #tpu.memory_space<vmem>>
        %dma_wait3A_113 = arith.constant 0 : i32
        %dma_wait3A_114 = arith.constant 0 : i32
        %dma_wait3A_115 = tpu.memref_slice %arg7[%dma_wait3A_113, %dma_wait3A_114] : memref<10112x128xf32, #tpu.memory_space<vmem_shared>> -> memref<10112x128xf32, #tpu.memory_space<vmem_shared>>
        %dma_wait3A_116 = tpu.memref_slice %arg12[%dma_wait3A_105] : memref<2x!tpu.dma_semaphore, #tpu.memory_space<semaphore_mem>> -> memref<1x!tpu.dma_semaphore, #tpu.memory_space<semaphore_mem>>
        %dma_wait3A_117 = tpu.memref_squeeze %dma_wait3A_116 : memref<1x!tpu.dma_semaphore, #tpu.memory_space<semaphore_mem>> -> memref<!tpu.dma_semaphore, #tpu.memory_space<semaphore_mem>>
        tpu.wait_indirect_dma semaphore(%dma_wait3A_117 : memref<!tpu.dma_semaphore, #tpu.memory_space<semaphore_mem>>) src(%dma_wait3A_109 : memref<128x128xf32, #tpu.memory_space<vmem>>) dst(%dma_wait3A_115 : memref<10112x128xf32, #tpu.memory_space<vmem_shared>>)
        %add3A_118 = arith.constant 2 : i32
        %add3A_119 = arith.addi %add3A_73, %add3A_118 : i32
        %lt3A_120 = arith.cmpi slt, %add3A_119, %select_n3A : i32
        %convert_element_type3A_121 = arith.extui %lt3A_120 : i1 to i32
        %cond3A_122 = arith.constant 0 : i32
        %cond3A_123 = arith.cmpi ne, %convert_element_type3A_121, %cond3A_122 : i32
        scf.if %cond3A_123 {
          %add3A_124 = arith.constant 2 : i32
          %add3A_125 = arith.addi %add3A_73, %add3A_124 : i32
          %dma_start3A_126 = arith.constant 1 : i32
          %dma_start3A_127 = arith.constant 1 : i32
          %dma_start3A_128 = arith.constant 0 : i32
          %dma_start3A_129 = arith.constant 0 : i32
          %dma_start3A_130 = tpu.memref_slice %arg8[%dma_start3A_126, %dma_start3A_128, %dma_start3A_129] : memref<2x128x128xf32, #tpu.memory_space<vmem>> -> memref<1x128x128xf32, #tpu.memory_space<vmem>>
          %dma_start3A_131 = tpu.memref_squeeze %dma_start3A_130 : memref<1x128x128xf32, #tpu.memory_space<vmem>> -> memref<128x128xf32, #tpu.memory_space<vmem>>
          %dma_start3A_132 = arith.constant 0 : i32
          %dma_start3A_133 = tpu.memref_slice %arg9[%add3A_125, %dma_start3A_132] : memref<32x128xi32, #tpu.memory_space<vmem>> -> memref<1x128xi32, #tpu.memory_space<vmem>>
          %dma_start3A_134 = tpu.memref_squeeze %dma_start3A_133 : memref<1x128xi32, #tpu.memory_space<vmem>> -> memref<128xi32, #tpu.memory_space<vmem>>
          %dma_start3A_135 = arith.constant 0 : i32
          %dma_start3A_136 = arith.constant 0 : i32
          %dma_start3A_137 = tpu.memref_slice %arg2[%dma_start3A_135, %dma_start3A_136] : memref<10000x128xf32, #tpu.memory_space<hbm>> -> memref<10000x128xf32, #tpu.memory_space<hbm>>
          %dma_start3A_138 = tpu.memref_slice %arg11[%dma_start3A_127] : memref<2x!tpu.dma_semaphore, #tpu.memory_space<semaphore_mem>> -> memref<1x!tpu.dma_semaphore, #tpu.memory_space<semaphore_mem>>
          %dma_start3A_139 = tpu.memref_squeeze %dma_start3A_138 : memref<1x!tpu.dma_semaphore, #tpu.memory_space<semaphore_mem>> -> memref<!tpu.dma_semaphore, #tpu.memory_space<semaphore_mem>>
          tpu.enqueue_indirect_dma source(%dma_start3A_137 : memref<10000x128xf32, #tpu.memory_space<hbm>>) target(%dma_start3A_131 : memref<128x128xf32, #tpu.memory_space<vmem>>) offsets(%dma_start3A_134 : memref<128xi32, #tpu.memory_space<vmem>>) semaphore(%dma_start3A_139 : memref<!tpu.dma_semaphore, #tpu.memory_space<semaphore_mem>>)
        } else {
        }
      } else {
      }
    }
    %scan3A_45 = arith.constant 16 : i32
    %mul3A_46 = arith.constant 3 : i32
    %mul3A_47 = arith.muli %mul3A_46, %select_n3A : i32
    %add3A_48 = arith.addi %select_n3A_10, %mul3A_47 : i32
    %gt3A_49 = arith.constant 0 : i32
    %gt3A_50 = arith.cmpi sgt, %select_n3A, %gt3A_49 : i32
    %convert_element_type3A_51 = arith.extui %gt3A_50 : i1 to i32
    %cond3A_52 = arith.constant 0 : i32
    %cond3A_53 = arith.cmpi ne, %convert_element_type3A_51, %cond3A_52 : i32
    scf.if %cond3A_53 {
      "tpu.region"() ({
        %run_scoped3A = tpu.sem_alloc : memref<!tpu.dma_semaphore, #tpu.memory_space<semaphore_mem>>
        %dma_start3A_89 = arith.constant 0 : i32
        %dma_start3A_90 = tpu.memref_slice %arg3[%add3A_48, %dma_start3A_89] : memref<2592x128xi32, #tpu.memory_space<hbm>> -> memref<32x128xi32, #tpu.memory_space<hbm>>
        %dma_start3A_91 = arith.constant 0 : i32
        %dma_start3A_92 = tpu.memref_slice %arg3[%add3A_48, %dma_start3A_91] : memref<2592x128xi32, #tpu.memory_space<hbm>> -> memref<32x128xi32, #tpu.memory_space<hbm>>
        tpu.enqueue_dma source(%dma_start3A_92 : memref<32x128xi32, #tpu.memory_space<hbm>>) target(%arg9 : memref<32x128xi32, #tpu.memory_space<vmem>>) target_semaphore(%run_scoped3A : memref<!tpu.dma_semaphore, #tpu.memory_space<semaphore_mem>>)
        %dma_wait3A = arith.constant 0 : i32
        %dma_wait3A_93 = tpu.memref_slice %arg3[%add3A_48, %dma_wait3A] : memref<2592x128xi32, #tpu.memory_space<hbm>> -> memref<32x128xi32, #tpu.memory_space<hbm>>
        %dma_wait3A_94 = arith.constant 0 : i32
        %dma_wait3A_95 = tpu.memref_slice %arg3[%add3A_48, %dma_wait3A_94] : memref<2592x128xi32, #tpu.memory_space<hbm>> -> memref<32x128xi32, #tpu.memory_space<hbm>>
        tpu.wait_dma2 semaphore(%run_scoped3A : memref<!tpu.dma_semaphore, #tpu.memory_space<semaphore_mem>>) src(%dma_wait3A_95 : memref<32x128xi32, #tpu.memory_space<hbm>>) dst(%arg9 : memref<32x128xi32, #tpu.memory_space<vmem>>)
        tpu.yield
      }) : () -> ()
      "tpu.region"() ({
        %run_scoped3A = tpu.sem_alloc : memref<!tpu.dma_semaphore, #tpu.memory_space<semaphore_mem>>
        %dma_start3A_89 = arith.constant 0 : i32
        %dma_start3A_90 = tpu.memref_slice %arg4[%add3A_48, %dma_start3A_89] : memref<2592x128xi32, #tpu.memory_space<hbm>> -> memref<32x128xi32, #tpu.memory_space<hbm>>
        %dma_start3A_91 = arith.constant 0 : i32
        %dma_start3A_92 = tpu.memref_slice %arg4[%add3A_48, %dma_start3A_91] : memref<2592x128xi32, #tpu.memory_space<hbm>> -> memref<32x128xi32, #tpu.memory_space<hbm>>
        tpu.enqueue_dma source(%dma_start3A_92 : memref<32x128xi32, #tpu.memory_space<hbm>>) target(%arg10 : memref<32x128xi32, #tpu.memory_space<vmem>>) target_semaphore(%run_scoped3A : memref<!tpu.dma_semaphore, #tpu.memory_space<semaphore_mem>>)
        %dma_wait3A = arith.constant 0 : i32
        %dma_wait3A_93 = tpu.memref_slice %arg4[%add3A_48, %dma_wait3A] : memref<2592x128xi32, #tpu.memory_space<hbm>> -> memref<32x128xi32, #tpu.memory_space<hbm>>
        %dma_wait3A_94 = arith.constant 0 : i32
        %dma_wait3A_95 = tpu.memref_slice %arg4[%add3A_48, %dma_wait3A_94] : memref<2592x128xi32, #tpu.memory_space<hbm>> -> memref<32x128xi32, #tpu.memory_space<hbm>>
        tpu.wait_dma2 semaphore(%run_scoped3A : memref<!tpu.dma_semaphore, #tpu.memory_space<semaphore_mem>>) src(%dma_wait3A_95 : memref<32x128xi32, #tpu.memory_space<hbm>>) dst(%arg10 : memref<32x128xi32, #tpu.memory_space<vmem>>)
        tpu.yield
      }) : () -> ()
      %dma_start3A = arith.constant 0 : i32
      %dma_start3A_60 = arith.constant 0 : i32
      %dma_start3A_61 = arith.constant 0 : i32
      %dma_start3A_62 = arith.constant 0 : i32
      %dma_start3A_63 = arith.constant 0 : i32
      %dma_start3A_64 = tpu.memref_slice %arg8[%dma_start3A_60, %dma_start3A_62, %dma_start3A_63] : memref<2x128x128xf32, #tpu.memory_space<vmem>> -> memref<1x128x128xf32, #tpu.memory_space<vmem>>
      %dma_start3A_65 = tpu.memref_squeeze %dma_start3A_64 : memref<1x128x128xf32, #tpu.memory_space<vmem>> -> memref<128x128xf32, #tpu.memory_space<vmem>>
      %dma_start3A_66 = arith.constant 0 : i32
      %dma_start3A_67 = tpu.memref_slice %arg9[%dma_start3A, %dma_start3A_66] : memref<32x128xi32, #tpu.memory_space<vmem>> -> memref<1x128xi32, #tpu.memory_space<vmem>>
      %dma_start3A_68 = tpu.memref_squeeze %dma_start3A_67 : memref<1x128xi32, #tpu.memory_space<vmem>> -> memref<128xi32, #tpu.memory_space<vmem>>
      %dma_start3A_69 = arith.constant 0 : i32
      %dma_start3A_70 = arith.constant 0 : i32
      %dma_start3A_71 = tpu.memref_slice %arg2[%dma_start3A_69, %dma_start3A_70] : memref<10000x128xf32, #tpu.memory_space<hbm>> -> memref<10000x128xf32, #tpu.memory_space<hbm>>
      %dma_start3A_72 = tpu.memref_slice %arg11[%dma_start3A_61] : memref<2x!tpu.dma_semaphore, #tpu.memory_space<semaphore_mem>> -> memref<1x!tpu.dma_semaphore, #tpu.memory_space<semaphore_mem>>
      %dma_start3A_73 = tpu.memref_squeeze %dma_start3A_72 : memref<1x!tpu.dma_semaphore, #tpu.memory_space<semaphore_mem>> -> memref<!tpu.dma_semaphore, #tpu.memory_space<semaphore_mem>>
      tpu.enqueue_indirect_dma source(%dma_start3A_71 : memref<10000x128xf32, #tpu.memory_space<hbm>>) target(%dma_start3A_65 : memref<128x128xf32, #tpu.memory_space<vmem>>) offsets(%dma_start3A_68 : memref<128xi32, #tpu.memory_space<vmem>>) semaphore(%dma_start3A_73 : memref<!tpu.dma_semaphore, #tpu.memory_space<semaphore_mem>>)
      %dma_start3A_74 = arith.constant 1 : i32
      %dma_start3A_75 = arith.constant 1 : i32
      %dma_start3A_76 = arith.constant 1 : i32
      %dma_start3A_77 = arith.constant 0 : i32
      %dma_start3A_78 = arith.constant 0 : i32
      %dma_start3A_79 = tpu.memref_slice %arg8[%dma_start3A_75, %dma_start3A_77, %dma_start3A_78] : memref<2x128x128xf32, #tpu.memory_space<vmem>> -> memref<1x128x128xf32, #tpu.memory_space<vmem>>
      %dma_start3A_80 = tpu.memref_squeeze %dma_start3A_79 : memref<1x128x128xf32, #tpu.memory_space<vmem>> -> memref<128x128xf32, #tpu.memory_space<vmem>>
      %dma_start3A_81 = arith.constant 0 : i32
      %dma_start3A_82 = tpu.memref_slice %arg9[%dma_start3A_74, %dma_start3A_81] : memref<32x128xi32, #tpu.memory_space<vmem>> -> memref<1x128xi32, #tpu.memory_space<vmem>>
      %dma_start3A_83 = tpu.memref_squeeze %dma_start3A_82 : memref<1x128xi32, #tpu.memory_space<vmem>> -> memref<128xi32, #tpu.memory_space<vmem>>
      %dma_start3A_84 = arith.constant 0 : i32
      %dma_start3A_85 = arith.constant 0 : i32
      %dma_start3A_86 = tpu.memref_slice %arg2[%dma_start3A_84, %dma_start3A_85] : memref<10000x128xf32, #tpu.memory_space<hbm>> -> memref<10000x128xf32, #tpu.memory_space<hbm>>
      %dma_start3A_87 = tpu.memref_slice %arg11[%dma_start3A_76] : memref<2x!tpu.dma_semaphore, #tpu.memory_space<semaphore_mem>> -> memref<1x!tpu.dma_semaphore, #tpu.memory_space<semaphore_mem>>
      %dma_start3A_88 = tpu.memref_squeeze %dma_start3A_87 : memref<1x!tpu.dma_semaphore, #tpu.memory_space<semaphore_mem>> -> memref<!tpu.dma_semaphore, #tpu.memory_space<semaphore_mem>>
      tpu.enqueue_indirect_dma source(%dma_start3A_86 : memref<10000x128xf32, #tpu.memory_space<hbm>>) target(%dma_start3A_80 : memref<128x128xf32, #tpu.memory_space<vmem>>) offsets(%dma_start3A_83 : memref<128xi32, #tpu.memory_space<vmem>>) semaphore(%dma_start3A_88 : memref<!tpu.dma_semaphore, #tpu.memory_space<semaphore_mem>>)
    } else {
    }
    %scan3A_54 = arith.constant 0 : i32
    %scan3A_55 = arith.constant 16 : i32
    %scan3A_56 = arith.addi %scan3A_54, %scan3A_55 : i32
    %scan3A_57 = arith.constant 1 : i32
    scf.for %scan3A_60 = %scan3A_54 to %scan3A_56 step %scan3A_57  : i32 {
      %mul3A_61 = arith.constant 1 : i32
      %mul3A_62 = arith.muli %scan3A_60, %mul3A_61 : i32
      %add3A_63 = arith.constant 0 : i32
      %add3A_64 = arith.addi %add3A_63, %mul3A_62 : i32
      %mul3A_65 = arith.constant 2 : i32
      %mul3A_66 = arith.muli %add3A_64, %mul3A_65 : i32
      %add3A_67 = arith.constant 0 : i32
      %add3A_68 = arith.addi %mul3A_66, %add3A_67 : i32
      %lt3A = arith.cmpi slt, %add3A_68, %select_n3A : i32
      %convert_element_type3A_69 = arith.extui %lt3A : i1 to i32
      %cond3A_70 = arith.constant 0 : i32
      %cond3A_71 = arith.cmpi ne, %convert_element_type3A_69, %cond3A_70 : i32
      scf.if %cond3A_71 {
        %dma_wait3A = arith.constant 0 : i32
        %dma_wait3A_78 = arith.constant 0 : i32
        %dma_wait3A_79 = arith.constant 0 : i32
        %dma_wait3A_80 = arith.constant 0 : i32
        %dma_wait3A_81 = tpu.memref_slice %arg8[%dma_wait3A, %dma_wait3A_79, %dma_wait3A_80] : memref<2x128x128xf32, #tpu.memory_space<vmem>> -> memref<1x128x128xf32, #tpu.memory_space<vmem>>
        %dma_wait3A_82 = tpu.memref_squeeze %dma_wait3A_81 : memref<1x128x128xf32, #tpu.memory_space<vmem>> -> memref<128x128xf32, #tpu.memory_space<vmem>>
        %dma_wait3A_83 = arith.constant 0 : i32
        %dma_wait3A_84 = tpu.memref_slice %arg9[%add3A_68, %dma_wait3A_83] : memref<32x128xi32, #tpu.memory_space<vmem>> -> memref<1x128xi32, #tpu.memory_space<vmem>>
        %dma_wait3A_85 = tpu.memref_squeeze %dma_wait3A_84 : memref<1x128xi32, #tpu.memory_space<vmem>> -> memref<128xi32, #tpu.memory_space<vmem>>
        %dma_wait3A_86 = arith.constant 0 : i32
        %dma_wait3A_87 = arith.constant 0 : i32
        %dma_wait3A_88 = tpu.memref_slice %arg2[%dma_wait3A_86, %dma_wait3A_87] : memref<10000x128xf32, #tpu.memory_space<hbm>> -> memref<10000x128xf32, #tpu.memory_space<hbm>>
        %dma_wait3A_89 = tpu.memref_slice %arg11[%dma_wait3A_78] : memref<2x!tpu.dma_semaphore, #tpu.memory_space<semaphore_mem>> -> memref<1x!tpu.dma_semaphore, #tpu.memory_space<semaphore_mem>>
        %dma_wait3A_90 = tpu.memref_squeeze %dma_wait3A_89 : memref<1x!tpu.dma_semaphore, #tpu.memory_space<semaphore_mem>> -> memref<!tpu.dma_semaphore, #tpu.memory_space<semaphore_mem>>
        tpu.wait_indirect_dma semaphore(%dma_wait3A_90 : memref<!tpu.dma_semaphore, #tpu.memory_space<semaphore_mem>>) src(%dma_wait3A_88 : memref<10000x128xf32, #tpu.memory_space<hbm>>) dst(%dma_wait3A_82 : memref<128x128xf32, #tpu.memory_space<vmem>>)
        %dma_start3A = arith.constant 0 : i32
        %dma_start3A_91 = arith.constant 0 : i32
        %dma_start3A_92 = arith.constant 0 : i32
        %dma_start3A_93 = arith.constant 0 : i32
        %dma_start3A_94 = tpu.memref_slice %arg8[%dma_start3A, %dma_start3A_92, %dma_start3A_93] : memref<2x128x128xf32, #tpu.memory_space<vmem>> -> memref<1x128x128xf32, #tpu.memory_space<vmem>>
        %dma_start3A_95 = tpu.memref_squeeze %dma_start3A_94 : memref<1x128x128xf32, #tpu.memory_space<vmem>> -> memref<128x128xf32, #tpu.memory_space<vmem>>
        %dma_start3A_96 = arith.constant 0 : i32
        %dma_start3A_97 = tpu.memref_slice %arg10[%add3A_68, %dma_start3A_96] : memref<32x128xi32, #tpu.memory_space<vmem>> -> memref<1x128xi32, #tpu.memory_space<vmem>>
        %dma_start3A_98 = tpu.memref_squeeze %dma_start3A_97 : memref<1x128xi32, #tpu.memory_space<vmem>> -> memref<128xi32, #tpu.memory_space<vmem>>
        %dma_start3A_99 = arith.constant 0 : i32
        %dma_start3A_100 = arith.constant 0 : i32
        %dma_start3A_101 = tpu.memref_slice %arg7[%dma_start3A_99, %dma_start3A_100] : memref<10112x128xf32, #tpu.memory_space<vmem_shared>> -> memref<10112x128xf32, #tpu.memory_space<vmem_shared>>
        %dma_start3A_102 = tpu.memref_slice %arg12[%dma_start3A_91] : memref<2x!tpu.dma_semaphore, #tpu.memory_space<semaphore_mem>> -> memref<1x!tpu.dma_semaphore, #tpu.memory_space<semaphore_mem>>
        %dma_start3A_103 = tpu.memref_squeeze %dma_start3A_102 : memref<1x!tpu.dma_semaphore, #tpu.memory_space<semaphore_mem>> -> memref<!tpu.dma_semaphore, #tpu.memory_space<semaphore_mem>>
        tpu.enqueue_indirect_dma source(%dma_start3A_95 : memref<128x128xf32, #tpu.memory_space<vmem>>) target(%dma_start3A_101 : memref<10112x128xf32, #tpu.memory_space<vmem_shared>>) offsets(%dma_start3A_98 : memref<128xi32, #tpu.memory_space<vmem>>) semaphore(%dma_start3A_103 : memref<!tpu.dma_semaphore, #tpu.memory_space<semaphore_mem>>) {add = true}
        %dma_wait3A_104 = arith.constant 0 : i32
        %dma_wait3A_105 = arith.constant 0 : i32
        %dma_wait3A_106 = arith.constant 0 : i32
        %dma_wait3A_107 = arith.constant 0 : i32
        %dma_wait3A_108 = tpu.memref_slice %arg8[%dma_wait3A_104, %dma_wait3A_106, %dma_wait3A_107] : memref<2x128x128xf32, #tpu.memory_space<vmem>> -> memref<1x128x128xf32, #tpu.memory_space<vmem>>
        %dma_wait3A_109 = tpu.memref_squeeze %dma_wait3A_108 : memref<1x128x128xf32, #tpu.memory_space<vmem>> -> memref<128x128xf32, #tpu.memory_space<vmem>>
        %dma_wait3A_110 = arith.constant 0 : i32
        %dma_wait3A_111 = tpu.memref_slice %arg10[%add3A_68, %dma_wait3A_110] : memref<32x128xi32, #tpu.memory_space<vmem>> -> memref<1x128xi32, #tpu.memory_space<vmem>>
        %dma_wait3A_112 = tpu.memref_squeeze %dma_wait3A_111 : memref<1x128xi32, #tpu.memory_space<vmem>> -> memref<128xi32, #tpu.memory_space<vmem>>
        %dma_wait3A_113 = arith.constant 0 : i32
        %dma_wait3A_114 = arith.constant 0 : i32
        %dma_wait3A_115 = tpu.memref_slice %arg7[%dma_wait3A_113, %dma_wait3A_114] : memref<10112x128xf32, #tpu.memory_space<vmem_shared>> -> memref<10112x128xf32, #tpu.memory_space<vmem_shared>>
        %dma_wait3A_116 = tpu.memref_slice %arg12[%dma_wait3A_105] : memref<2x!tpu.dma_semaphore, #tpu.memory_space<semaphore_mem>> -> memref<1x!tpu.dma_semaphore, #tpu.memory_space<semaphore_mem>>
        %dma_wait3A_117 = tpu.memref_squeeze %dma_wait3A_116 : memref<1x!tpu.dma_semaphore, #tpu.memory_space<semaphore_mem>> -> memref<!tpu.dma_semaphore, #tpu.memory_space<semaphore_mem>>
        tpu.wait_indirect_dma semaphore(%dma_wait3A_117 : memref<!tpu.dma_semaphore, #tpu.memory_space<semaphore_mem>>) src(%dma_wait3A_109 : memref<128x128xf32, #tpu.memory_space<vmem>>) dst(%dma_wait3A_115 : memref<10112x128xf32, #tpu.memory_space<vmem_shared>>)
        %add3A_118 = arith.constant 2 : i32
        %add3A_119 = arith.addi %add3A_68, %add3A_118 : i32
        %lt3A_120 = arith.cmpi slt, %add3A_119, %select_n3A : i32
        %convert_element_type3A_121 = arith.extui %lt3A_120 : i1 to i32
        %cond3A_122 = arith.constant 0 : i32
        %cond3A_123 = arith.cmpi ne, %convert_element_type3A_121, %cond3A_122 : i32
        scf.if %cond3A_123 {
          %add3A_124 = arith.constant 2 : i32
          %add3A_125 = arith.addi %add3A_68, %add3A_124 : i32
          %dma_start3A_126 = arith.constant 0 : i32
          %dma_start3A_127 = arith.constant 0 : i32
          %dma_start3A_128 = arith.constant 0 : i32
          %dma_start3A_129 = arith.constant 0 : i32
          %dma_start3A_130 = tpu.memref_slice %arg8[%dma_start3A_126, %dma_start3A_128, %dma_start3A_129] : memref<2x128x128xf32, #tpu.memory_space<vmem>> -> memref<1x128x128xf32, #tpu.memory_space<vmem>>
          %dma_start3A_131 = tpu.memref_squeeze %dma_start3A_130 : memref<1x128x128xf32, #tpu.memory_space<vmem>> -> memref<128x128xf32, #tpu.memory_space<vmem>>
          %dma_start3A_132 = arith.constant 0 : i32
          %dma_start3A_133 = tpu.memref_slice %arg9[%add3A_125, %dma_start3A_132] : memref<32x128xi32, #tpu.memory_space<vmem>> -> memref<1x128xi32, #tpu.memory_space<vmem>>
          %dma_start3A_134 = tpu.memref_squeeze %dma_start3A_133 : memref<1x128xi32, #tpu.memory_space<vmem>> -> memref<128xi32, #tpu.memory_space<vmem>>
          %dma_start3A_135 = arith.constant 0 : i32
          %dma_start3A_136 = arith.constant 0 : i32
          %dma_start3A_137 = tpu.memref_slice %arg2[%dma_start3A_135, %dma_start3A_136] : memref<10000x128xf32, #tpu.memory_space<hbm>> -> memref<10000x128xf32, #tpu.memory_space<hbm>>
          %dma_start3A_138 = tpu.memref_slice %arg11[%dma_start3A_127] : memref<2x!tpu.dma_semaphore, #tpu.memory_space<semaphore_mem>> -> memref<1x!tpu.dma_semaphore, #tpu.memory_space<semaphore_mem>>
          %dma_start3A_139 = tpu.memref_squeeze %dma_start3A_138 : memref<1x!tpu.dma_semaphore, #tpu.memory_space<semaphore_mem>> -> memref<!tpu.dma_semaphore, #tpu.memory_space<semaphore_mem>>
          tpu.enqueue_indirect_dma source(%dma_start3A_137 : memref<10000x128xf32, #tpu.memory_space<hbm>>) target(%dma_start3A_131 : memref<128x128xf32, #tpu.memory_space<vmem>>) offsets(%dma_start3A_134 : memref<128xi32, #tpu.memory_space<vmem>>) semaphore(%dma_start3A_139 : memref<!tpu.dma_semaphore, #tpu.memory_space<semaphore_mem>>)
        } else {
        }
      } else {
      }
      %add3A_72 = arith.constant 1 : i32
      %add3A_73 = arith.addi %mul3A_66, %add3A_72 : i32
      %lt3A_74 = arith.cmpi slt, %add3A_73, %select_n3A : i32
      %convert_element_type3A_75 = arith.extui %lt3A_74 : i1 to i32
      %cond3A_76 = arith.constant 0 : i32
      %cond3A_77 = arith.cmpi ne, %convert_element_type3A_75, %cond3A_76 : i32
      scf.if %cond3A_77 {
        %dma_wait3A = arith.constant 1 : i32
        %dma_wait3A_78 = arith.constant 1 : i32
        %dma_wait3A_79 = arith.constant 0 : i32
        %dma_wait3A_80 = arith.constant 0 : i32
        %dma_wait3A_81 = tpu.memref_slice %arg8[%dma_wait3A, %dma_wait3A_79, %dma_wait3A_80] : memref<2x128x128xf32, #tpu.memory_space<vmem>> -> memref<1x128x128xf32, #tpu.memory_space<vmem>>
        %dma_wait3A_82 = tpu.memref_squeeze %dma_wait3A_81 : memref<1x128x128xf32, #tpu.memory_space<vmem>> -> memref<128x128xf32, #tpu.memory_space<vmem>>
        %dma_wait3A_83 = arith.constant 0 : i32
        %dma_wait3A_84 = tpu.memref_slice %arg9[%add3A_73, %dma_wait3A_83] : memref<32x128xi32, #tpu.memory_space<vmem>> -> memref<1x128xi32, #tpu.memory_space<vmem>>
        %dma_wait3A_85 = tpu.memref_squeeze %dma_wait3A_84 : memref<1x128xi32, #tpu.memory_space<vmem>> -> memref<128xi32, #tpu.memory_space<vmem>>
        %dma_wait3A_86 = arith.constant 0 : i32
        %dma_wait3A_87 = arith.constant 0 : i32
        %dma_wait3A_88 = tpu.memref_slice %arg2[%dma_wait3A_86, %dma_wait3A_87] : memref<10000x128xf32, #tpu.memory_space<hbm>> -> memref<10000x128xf32, #tpu.memory_space<hbm>>
        %dma_wait3A_89 = tpu.memref_slice %arg11[%dma_wait3A_78] : memref<2x!tpu.dma_semaphore, #tpu.memory_space<semaphore_mem>> -> memref<1x!tpu.dma_semaphore, #tpu.memory_space<semaphore_mem>>
        %dma_wait3A_90 = tpu.memref_squeeze %dma_wait3A_89 : memref<1x!tpu.dma_semaphore, #tpu.memory_space<semaphore_mem>> -> memref<!tpu.dma_semaphore, #tpu.memory_space<semaphore_mem>>
        tpu.wait_indirect_dma semaphore(%dma_wait3A_90 : memref<!tpu.dma_semaphore, #tpu.memory_space<semaphore_mem>>) src(%dma_wait3A_88 : memref<10000x128xf32, #tpu.memory_space<hbm>>) dst(%dma_wait3A_82 : memref<128x128xf32, #tpu.memory_space<vmem>>)
        %dma_start3A = arith.constant 1 : i32
        %dma_start3A_91 = arith.constant 1 : i32
        %dma_start3A_92 = arith.constant 0 : i32
        %dma_start3A_93 = arith.constant 0 : i32
        %dma_start3A_94 = tpu.memref_slice %arg8[%dma_start3A, %dma_start3A_92, %dma_start3A_93] : memref<2x128x128xf32, #tpu.memory_space<vmem>> -> memref<1x128x128xf32, #tpu.memory_space<vmem>>
        %dma_start3A_95 = tpu.memref_squeeze %dma_start3A_94 : memref<1x128x128xf32, #tpu.memory_space<vmem>> -> memref<128x128xf32, #tpu.memory_space<vmem>>
        %dma_start3A_96 = arith.constant 0 : i32
        %dma_start3A_97 = tpu.memref_slice %arg10[%add3A_73, %dma_start3A_96] : memref<32x128xi32, #tpu.memory_space<vmem>> -> memref<1x128xi32, #tpu.memory_space<vmem>>
        %dma_start3A_98 = tpu.memref_squeeze %dma_start3A_97 : memref<1x128xi32, #tpu.memory_space<vmem>> -> memref<128xi32, #tpu.memory_space<vmem>>
        %dma_start3A_99 = arith.constant 0 : i32
        %dma_start3A_100 = arith.constant 0 : i32
        %dma_start3A_101 = tpu.memref_slice %arg7[%dma_start3A_99, %dma_start3A_100] : memref<10112x128xf32, #tpu.memory_space<vmem_shared>> -> memref<10112x128xf32, #tpu.memory_space<vmem_shared>>
        %dma_start3A_102 = tpu.memref_slice %arg12[%dma_start3A_91] : memref<2x!tpu.dma_semaphore, #tpu.memory_space<semaphore_mem>> -> memref<1x!tpu.dma_semaphore, #tpu.memory_space<semaphore_mem>>
        %dma_start3A_103 = tpu.memref_squeeze %dma_start3A_102 : memref<1x!tpu.dma_semaphore, #tpu.memory_space<semaphore_mem>> -> memref<!tpu.dma_semaphore, #tpu.memory_space<semaphore_mem>>
        tpu.enqueue_indirect_dma source(%dma_start3A_95 : memref<128x128xf32, #tpu.memory_space<vmem>>) target(%dma_start3A_101 : memref<10112x128xf32, #tpu.memory_space<vmem_shared>>) offsets(%dma_start3A_98 : memref<128xi32, #tpu.memory_space<vmem>>) semaphore(%dma_start3A_103 : memref<!tpu.dma_semaphore, #tpu.memory_space<semaphore_mem>>) {add = true}
        %dma_wait3A_104 = arith.constant 1 : i32
        %dma_wait3A_105 = arith.constant 1 : i32
        %dma_wait3A_106 = arith.constant 0 : i32
        %dma_wait3A_107 = arith.constant 0 : i32
        %dma_wait3A_108 = tpu.memref_slice %arg8[%dma_wait3A_104, %dma_wait3A_106, %dma_wait3A_107] : memref<2x128x128xf32, #tpu.memory_space<vmem>> -> memref<1x128x128xf32, #tpu.memory_space<vmem>>
        %dma_wait3A_109 = tpu.memref_squeeze %dma_wait3A_108 : memref<1x128x128xf32, #tpu.memory_space<vmem>> -> memref<128x128xf32, #tpu.memory_space<vmem>>
        %dma_wait3A_110 = arith.constant 0 : i32
        %dma_wait3A_111 = tpu.memref_slice %arg10[%add3A_73, %dma_wait3A_110] : memref<32x128xi32, #tpu.memory_space<vmem>> -> memref<1x128xi32, #tpu.memory_space<vmem>>
        %dma_wait3A_112 = tpu.memref_squeeze %dma_wait3A_111 : memref<1x128xi32, #tpu.memory_space<vmem>> -> memref<128xi32, #tpu.memory_space<vmem>>
        %dma_wait3A_113 = arith.constant 0 : i32
        %dma_wait3A_114 = arith.constant 0 : i32
        %dma_wait3A_115 = tpu.memref_slice %arg7[%dma_wait3A_113, %dma_wait3A_114] : memref<10112x128xf32, #tpu.memory_space<vmem_shared>> -> memref<10112x128xf32, #tpu.memory_space<vmem_shared>>
        %dma_wait3A_116 = tpu.memref_slice %arg12[%dma_wait3A_105] : memref<2x!tpu.dma_semaphore, #tpu.memory_space<semaphore_mem>> -> memref<1x!tpu.dma_semaphore, #tpu.memory_space<semaphore_mem>>
        %dma_wait3A_117 = tpu.memref_squeeze %dma_wait3A_116 : memref<1x!tpu.dma_semaphore, #tpu.memory_space<semaphore_mem>> -> memref<!tpu.dma_semaphore, #tpu.memory_space<semaphore_mem>>
        tpu.wait_indirect_dma semaphore(%dma_wait3A_117 : memref<!tpu.dma_semaphore, #tpu.memory_space<semaphore_mem>>) src(%dma_wait3A_109 : memref<128x128xf32, #tpu.memory_space<vmem>>) dst(%dma_wait3A_115 : memref<10112x128xf32, #tpu.memory_space<vmem_shared>>)
        %add3A_118 = arith.constant 2 : i32
        %add3A_119 = arith.addi %add3A_73, %add3A_118 : i32
        %lt3A_120 = arith.cmpi slt, %add3A_119, %select_n3A : i32
        %convert_element_type3A_121 = arith.extui %lt3A_120 : i1 to i32
        %cond3A_122 = arith.constant 0 : i32
        %cond3A_123 = arith.cmpi ne, %convert_element_type3A_121, %cond3A_122 : i32
        scf.if %cond3A_123 {
          %add3A_124 = arith.constant 2 : i32
          %add3A_125 = arith.addi %add3A_73, %add3A_124 : i32
          %dma_start3A_126 = arith.constant 1 : i32
          %dma_start3A_127 = arith.constant 1 : i32
          %dma_start3A_128 = arith.constant 0 : i32
          %dma_start3A_129 = arith.constant 0 : i32
          %dma_start3A_130 = tpu.memref_slice %arg8[%dma_start3A_126, %dma_start3A_128, %dma_start3A_129] : memref<2x128x128xf32, #tpu.memory_space<vmem>> -> memref<1x128x128xf32, #tpu.memory_space<vmem>>
          %dma_start3A_131 = tpu.memref_squeeze %dma_start3A_130 : memref<1x128x128xf32, #tpu.memory_space<vmem>> -> memref<128x128xf32, #tpu.memory_space<vmem>>
          %dma_start3A_132 = arith.constant 0 : i32
          %dma_start3A_133 = tpu.memref_slice %arg9[%add3A_125, %dma_start3A_132] : memref<32x128xi32, #tpu.memory_space<vmem>> -> memref<1x128xi32, #tpu.memory_space<vmem>>
          %dma_start3A_134 = tpu.memref_squeeze %dma_start3A_133 : memref<1x128xi32, #tpu.memory_space<vmem>> -> memref<128xi32, #tpu.memory_space<vmem>>
          %dma_start3A_135 = arith.constant 0 : i32
          %dma_start3A_136 = arith.constant 0 : i32
          %dma_start3A_137 = tpu.memref_slice %arg2[%dma_start3A_135, %dma_start3A_136] : memref<10000x128xf32, #tpu.memory_space<hbm>> -> memref<10000x128xf32, #tpu.memory_space<hbm>>
          %dma_start3A_138 = tpu.memref_slice %arg11[%dma_start3A_127] : memref<2x!tpu.dma_semaphore, #tpu.memory_space<semaphore_mem>> -> memref<1x!tpu.dma_semaphore, #tpu.memory_space<semaphore_mem>>
          %dma_start3A_139 = tpu.memref_squeeze %dma_start3A_138 : memref<1x!tpu.dma_semaphore, #tpu.memory_space<semaphore_mem>> -> memref<!tpu.dma_semaphore, #tpu.memory_space<semaphore_mem>>
          tpu.enqueue_indirect_dma source(%dma_start3A_137 : memref<10000x128xf32, #tpu.memory_space<hbm>>) target(%dma_start3A_131 : memref<128x128xf32, #tpu.memory_space<vmem>>) offsets(%dma_start3A_134 : memref<128xi32, #tpu.memory_space<vmem>>) semaphore(%dma_start3A_139 : memref<!tpu.dma_semaphore, #tpu.memory_space<semaphore_mem>>)
        } else {
        }
      } else {
      }
    }
    %scan3A_58 = arith.constant 16 : i32
    %barrier3A_59 = arith.constant 0 : index
    tpu.barrier barrier_id(%barrier3A_59)
    "tpu.region"() ({
      %run_scoped3A = tpu.sem_alloc : memref<!tpu.dma_semaphore, #tpu.memory_space<semaphore_mem>>
      %dma_start3A = arith.constant 0 : i32
      %dma_start3A_60 = tpu.memref_slice %arg6[%arg0, %mul3A_0, %dma_start3A] : memref<2x10112x128xf32, #tpu.memory_space<hbm>> -> memref<1x632x128xf32, #tpu.memory_space<hbm>>
      %dma_start3A_61 = tpu.memref_squeeze %dma_start3A_60 : memref<1x632x128xf32, #tpu.memory_space<hbm>> -> memref<632x128xf32, #tpu.memory_space<hbm>>
      %dma_start3A_62 = arith.constant 0 : i32
      %dma_start3A_63 = tpu.memref_slice %arg7[%mul3A_0, %dma_start3A_62] : memref<10112x128xf32, #tpu.memory_space<vmem_shared>> -> memref<632x128xf32, #tpu.memory_space<vmem_shared>>
      tpu.enqueue_dma source(%dma_start3A_63 : memref<632x128xf32, #tpu.memory_space<vmem_shared>>) target(%dma_start3A_61 : memref<632x128xf32, #tpu.memory_space<hbm>>) target_semaphore(%run_scoped3A : memref<!tpu.dma_semaphore, #tpu.memory_space<semaphore_mem>>)
      %dma_wait3A = arith.constant 0 : i32
      %dma_wait3A_64 = tpu.memref_slice %arg6[%arg0, %mul3A_0, %dma_wait3A] : memref<2x10112x128xf32, #tpu.memory_space<hbm>> -> memref<1x632x128xf32, #tpu.memory_space<hbm>>
      %dma_wait3A_65 = tpu.memref_squeeze %dma_wait3A_64 : memref<1x632x128xf32, #tpu.memory_space<hbm>> -> memref<632x128xf32, #tpu.memory_space<hbm>>
      %dma_wait3A_66 = arith.constant 0 : i32
      %dma_wait3A_67 = tpu.memref_slice %arg7[%mul3A_0, %dma_wait3A_66] : memref<10112x128xf32, #tpu.memory_space<vmem_shared>> -> memref<632x128xf32, #tpu.memory_space<vmem_shared>>
      tpu.wait_dma2 semaphore(%run_scoped3A : memref<!tpu.dma_semaphore, #tpu.memory_space<semaphore_mem>>) src(%dma_wait3A_67 : memref<632x128xf32, #tpu.memory_space<vmem_shared>>) dst(%dma_wait3A_65 : memref<632x128xf32, #tpu.memory_space<hbm>>)
      tpu.yield
    }) : () -> ()
    return
  }
}

#map = affine_map<(d0, d1) -> (0, 0)>
#map1 = affine_map<(d0, d1) -> (0, 0, 0)>
module attributes {stable_mosaic.version = 14 : i64} {
  func.func @k(%arg0: i32, %arg1: i32, %arg2: memref<10000x128xf32, #tpu.memory_space<hbm>>, %arg3: memref<2592x128xi32, #tpu.memory_space<hbm>>, %arg4: memref<2592x128xi32, #tpu.memory_space<hbm>>, %arg5: memref<10112x128xf32, #tpu.memory_space<hbm>>, %arg6: memref<2x10112x128xf32, #tpu.memory_space<hbm>>, %arg7: memref<10112x128xf32, #tpu.memory_space<vmem_shared>>, %arg8: memref<2x128x128xf32, #tpu.memory_space<vmem>>, %arg9: memref<32x128xi32, #tpu.memory_space<vmem>>, %arg10: memref<32x128xi32, #tpu.memory_space<vmem>>, %arg11: memref<2x!tpu.dma_semaphore, #tpu.memory_space<semaphore_mem>>, %arg12: memref<2x!tpu.dma_semaphore, #tpu.memory_space<semaphore_mem>>) attributes {dimension_semantics = [#tpu.dimension_semantics<core_parallel>, #tpu.dimension_semantics<subcore_parallel>], iteration_bounds = array<i64: 2, 16>, scalar_prefetch = 0 : i64, scratch_operands = 6 : i64, tpu.core_type = #tpu.core_type<sc_vector_subcore>, window_params = [{transform_indices = #map}, {transform_indices = #map}, {transform_indices = #map}, {transform_indices = #map}, {transform_indices = #map1}]} {
    %mul3A = arith.constant 632 : i32
    %mul3A_0 = arith.muli %arg1, %mul3A : i32
    "tpu.region"() ({
      %run_scoped3A = tpu.sem_alloc : memref<!tpu.dma_semaphore, #tpu.memory_space<semaphore_mem>>
      %dma_start3A = arith.constant 0 : i32
      %dma_start3A_60 = tpu.memref_slice %arg7[%mul3A_0, %dma_start3A] : memref<10112x128xf32, #tpu.memory_space<vmem_shared>> -> memref<632x128xf32, #tpu.memory_space<vmem_shared>>
      %dma_start3A_61 = arith.constant 0 : i32
      %dma_start3A_62 = tpu.memref_slice %arg5[%mul3A_0, %dma_start3A_61] : memref<10112x128xf32, #tpu.memory_space<hbm>> -> memref<632x128xf32, #tpu.memory_space<hbm>>
      tpu.enqueue_dma source(%dma_start3A_62 : memref<632x128xf32, #tpu.memory_space<hbm>>) target(%dma_start3A_60 : memref<632x128xf32, #tpu.memory_space<vmem_shared>>) target_semaphore(%run_scoped3A : memref<!tpu.dma_semaphore, #tpu.memory_space<semaphore_mem>>)
      %dma_wait3A = arith.constant 0 : i32
      %dma_wait3A_63 = tpu.memref_slice %arg7[%mul3A_0, %dma_wait3A] : memref<10112x128xf32, #tpu.memory_space<vmem_shared>> -> memref<632x128xf32, #tpu.memory_space<vmem_shared>>
      %dma_wait3A_64 = arith.constant 0 : i32
      %dma_wait3A_65 = tpu.memref_slice %arg5[%mul3A_0, %dma_wait3A_64] : memref<10112x128xf32, #tpu.memory_space<hbm>> -> memref<632x128xf32, #tpu.memory_space<hbm>>
      tpu.wait_dma2 semaphore(%run_scoped3A : memref<!tpu.dma_semaphore, #tpu.memory_space<semaphore_mem>>) src(%dma_wait3A_65 : memref<632x128xf32, #tpu.memory_space<hbm>>) dst(%dma_wait3A_63 : memref<632x128xf32, #tpu.memory_space<vmem_shared>>)
      tpu.yield
    }) : () -> ()
    %barrier3A = arith.constant 0 : index
    tpu.barrier barrier_id(%barrier3A)
    %eq3A = arith.constant 0 : i32
    %eq3A_1 = arith.cmpi eq, %arg0, %eq3A : i32
    %jit3A = arith.constant 32 : i32
    %jit3A_2 = arith.constant 8 : i32
    %select_n3A = arith.select %eq3A_1, %jit3A, %jit3A_2 : i32
    %eq3A_3 = arith.constant 0 : i32
    %eq3A_4 = arith.cmpi eq, %arg0, %eq3A_3 : i32
    %mul3A_5 = arith.constant 128 : i32
    %mul3A_6 = arith.muli %arg1, %mul3A_5 : i32
    %mul3A_7 = arith.constant 32 : i32
    %mul3A_8 = arith.muli %arg1, %mul3A_7 : i32
    %add3A = arith.constant 2048 : i32
    %add3A_9 = arith.addi %add3A, %mul3A_8 : i32
    %select_n3A_10 = arith.select %eq3A_4, %mul3A_6, %add3A_9 : i32
    %mul3A_11 = arith.constant 0 : i32
    %mul3A_12 = arith.muli %mul3A_11, %select_n3A : i32
    %add3A_13 = arith.addi %select_n3A_10, %mul3A_12 : i32
    %gt3A = arith.constant 0 : i32
    %gt3A_14 = arith.cmpi sgt, %select_n3A, %gt3A : i32
    %convert_element_type3A = arith.extui %gt3A_14 : i1 to i32
    %cond3A = arith.constant 0 : i32
    %cond3A_15 = arith.cmpi ne, %convert_element_type3A, %cond3A : i32
    scf.if %cond3A_15 {
      "tpu.region"() ({
        %run_scoped3A = tpu.sem_alloc : memref<!tpu.dma_semaphore, #tpu.memory_space<semaphore_mem>>
        %dma_start3A_89 = arith.constant 0 : i32
        %dma_start3A_90 = tpu.memref_slice %arg3[%add3A_13, %dma_start3A_89] : memref<2592x128xi32, #tpu.memory_space<hbm>> -> memref<32x128xi32, #tpu.memory_space<hbm>>
        %dma_start3A_91 = arith.constant 0 : i32
        %dma_start3A_92 = tpu.memref_slice %arg3[%add3A_13, %dma_start3A_91] : memref<2592x128xi32, #tpu.memory_space<hbm>> -> memref<32x128xi32, #tpu.memory_space<hbm>>
        tpu.enqueue_dma source(%dma_start3A_92 : memref<32x128xi32, #tpu.memory_space<hbm>>) target(%arg9 : memref<32x128xi32, #tpu.memory_space<vmem>>) target_semaphore(%run_scoped3A : memref<!tpu.dma_semaphore, #tpu.memory_space<semaphore_mem>>)
        %dma_wait3A = arith.constant 0 : i32
        %dma_wait3A_93 = tpu.memref_slice %arg3[%add3A_13, %dma_wait3A] : memref<2592x128xi32, #tpu.memory_space<hbm>> -> memref<32x128xi32, #tpu.memory_space<hbm>>
        %dma_wait3A_94 = arith.constant 0 : i32
        %dma_wait3A_95 = tpu.memref_slice %arg3[%add3A_13, %dma_wait3A_94] : memref<2592x128xi32, #tpu.memory_space<hbm>> -> memref<32x128xi32, #tpu.memory_space<hbm>>
        tpu.wait_dma2 semaphore(%run_scoped3A : memref<!tpu.dma_semaphore, #tpu.memory_space<semaphore_mem>>) src(%dma_wait3A_95 : memref<32x128xi32, #tpu.memory_space<hbm>>) dst(%arg9 : memref<32x128xi32, #tpu.memory_space<vmem>>)
        tpu.yield
      }) : () -> ()
      "tpu.region"() ({
        %run_scoped3A = tpu.sem_alloc : memref<!tpu.dma_semaphore, #tpu.memory_space<semaphore_mem>>
        %dma_start3A_89 = arith.constant 0 : i32
        %dma_start3A_90 = tpu.memref_slice %arg4[%add3A_13, %dma_start3A_89] : memref<2592x128xi32, #tpu.memory_space<hbm>> -> memref<32x128xi32, #tpu.memory_space<hbm>>
        %dma_start3A_91 = arith.constant 0 : i32
        %dma_start3A_92 = tpu.memref_slice %arg4[%add3A_13, %dma_start3A_91] : memref<2592x128xi32, #tpu.memory_space<hbm>> -> memref<32x128xi32, #tpu.memory_space<hbm>>
        tpu.enqueue_dma source(%dma_start3A_92 : memref<32x128xi32, #tpu.memory_space<hbm>>) target(%arg10 : memref<32x128xi32, #tpu.memory_space<vmem>>) target_semaphore(%run_scoped3A : memref<!tpu.dma_semaphore, #tpu.memory_space<semaphore_mem>>)
        %dma_wait3A = arith.constant 0 : i32
        %dma_wait3A_93 = tpu.memref_slice %arg4[%add3A_13, %dma_wait3A] : memref<2592x128xi32, #tpu.memory_space<hbm>> -> memref<32x128xi32, #tpu.memory_space<hbm>>
        %dma_wait3A_94 = arith.constant 0 : i32
        %dma_wait3A_95 = tpu.memref_slice %arg4[%add3A_13, %dma_wait3A_94] : memref<2592x128xi32, #tpu.memory_space<hbm>> -> memref<32x128xi32, #tpu.memory_space<hbm>>
        tpu.wait_dma2 semaphore(%run_scoped3A : memref<!tpu.dma_semaphore, #tpu.memory_space<semaphore_mem>>) src(%dma_wait3A_95 : memref<32x128xi32, #tpu.memory_space<hbm>>) dst(%arg10 : memref<32x128xi32, #tpu.memory_space<vmem>>)
        tpu.yield
      }) : () -> ()
      %dma_start3A = arith.constant 0 : i32
      %dma_start3A_60 = arith.constant 0 : i32
      %dma_start3A_61 = arith.constant 0 : i32
      %dma_start3A_62 = arith.constant 0 : i32
      %dma_start3A_63 = arith.constant 0 : i32
      %dma_start3A_64 = tpu.memref_slice %arg8[%dma_start3A_60, %dma_start3A_62, %dma_start3A_63] : memref<2x128x128xf32, #tpu.memory_space<vmem>> -> memref<1x128x128xf32, #tpu.memory_space<vmem>>
      %dma_start3A_65 = tpu.memref_squeeze %dma_start3A_64 : memref<1x128x128xf32, #tpu.memory_space<vmem>> -> memref<128x128xf32, #tpu.memory_space<vmem>>
      %dma_start3A_66 = arith.constant 0 : i32
      %dma_start3A_67 = tpu.memref_slice %arg9[%dma_start3A, %dma_start3A_66] : memref<32x128xi32, #tpu.memory_space<vmem>> -> memref<1x128xi32, #tpu.memory_space<vmem>>
      %dma_start3A_68 = tpu.memref_squeeze %dma_start3A_67 : memref<1x128xi32, #tpu.memory_space<vmem>> -> memref<128xi32, #tpu.memory_space<vmem>>
      %dma_start3A_69 = arith.constant 0 : i32
      %dma_start3A_70 = arith.constant 0 : i32
      %dma_start3A_71 = tpu.memref_slice %arg2[%dma_start3A_69, %dma_start3A_70] : memref<10000x128xf32, #tpu.memory_space<hbm>> -> memref<10000x128xf32, #tpu.memory_space<hbm>>
      %dma_start3A_72 = tpu.memref_slice %arg11[%dma_start3A_61] : memref<2x!tpu.dma_semaphore, #tpu.memory_space<semaphore_mem>> -> memref<1x!tpu.dma_semaphore, #tpu.memory_space<semaphore_mem>>
      %dma_start3A_73 = tpu.memref_squeeze %dma_start3A_72 : memref<1x!tpu.dma_semaphore, #tpu.memory_space<semaphore_mem>> -> memref<!tpu.dma_semaphore, #tpu.memory_space<semaphore_mem>>
      tpu.enqueue_indirect_dma source(%dma_start3A_71 : memref<10000x128xf32, #tpu.memory_space<hbm>>) target(%dma_start3A_65 : memref<128x128xf32, #tpu.memory_space<vmem>>) offsets(%dma_start3A_68 : memref<128xi32, #tpu.memory_space<vmem>>) semaphore(%dma_start3A_73 : memref<!tpu.dma_semaphore, #tpu.memory_space<semaphore_mem>>)
      %dma_start3A_74 = arith.constant 1 : i32
      %dma_start3A_75 = arith.constant 1 : i32
      %dma_start3A_76 = arith.constant 1 : i32
      %dma_start3A_77 = arith.constant 0 : i32
      %dma_start3A_78 = arith.constant 0 : i32
      %dma_start3A_79 = tpu.memref_slice %arg8[%dma_start3A_75, %dma_start3A_77, %dma_start3A_78] : memref<2x128x128xf32, #tpu.memory_space<vmem>> -> memref<1x128x128xf32, #tpu.memory_space<vmem>>
      %dma_start3A_80 = tpu.memref_squeeze %dma_start3A_79 : memref<1x128x128xf32, #tpu.memory_space<vmem>> -> memref<128x128xf32, #tpu.memory_space<vmem>>
      %dma_start3A_81 = arith.constant 0 : i32
      %dma_start3A_82 = tpu.memref_slice %arg9[%dma_start3A_74, %dma_start3A_81] : memref<32x128xi32, #tpu.memory_space<vmem>> -> memref<1x128xi32, #tpu.memory_space<vmem>>
      %dma_start3A_83 = tpu.memref_squeeze %dma_start3A_82 : memref<1x128xi32, #tpu.memory_space<vmem>> -> memref<128xi32, #tpu.memory_space<vmem>>
      %dma_start3A_84 = arith.constant 0 : i32
      %dma_start3A_85 = arith.constant 0 : i32
      %dma_start3A_86 = tpu.memref_slice %arg2[%dma_start3A_84, %dma_start3A_85] : memref<10000x128xf32, #tpu.memory_space<hbm>> -> memref<10000x128xf32, #tpu.memory_space<hbm>>
      %dma_start3A_87 = tpu.memref_slice %arg11[%dma_start3A_76] : memref<2x!tpu.dma_semaphore, #tpu.memory_space<semaphore_mem>> -> memref<1x!tpu.dma_semaphore, #tpu.memory_space<semaphore_mem>>
      %dma_start3A_88 = tpu.memref_squeeze %dma_start3A_87 : memref<1x!tpu.dma_semaphore, #tpu.memory_space<semaphore_mem>> -> memref<!tpu.dma_semaphore, #tpu.memory_space<semaphore_mem>>
      tpu.enqueue_indirect_dma source(%dma_start3A_86 : memref<10000x128xf32, #tpu.memory_space<hbm>>) target(%dma_start3A_80 : memref<128x128xf32, #tpu.memory_space<vmem>>) offsets(%dma_start3A_83 : memref<128xi32, #tpu.memory_space<vmem>>) semaphore(%dma_start3A_88 : memref<!tpu.dma_semaphore, #tpu.memory_space<semaphore_mem>>)
    } else {
    }
    %scan3A = arith.constant 0 : i32
    %scan3A_16 = arith.constant 16 : i32
    %scan3A_17 = arith.addi %scan3A, %scan3A_16 : i32
    %scan3A_18 = arith.constant 1 : i32
    scf.for %scan3A_60 = %scan3A to %scan3A_17 step %scan3A_18  : i32 {
      %mul3A_61 = arith.constant 1 : i32
      %mul3A_62 = arith.muli %scan3A_60, %mul3A_61 : i32
      %add3A_63 = arith.constant 0 : i32
      %add3A_64 = arith.addi %add3A_63, %mul3A_62 : i32
      %mul3A_65 = arith.constant 2 : i32
      %mul3A_66 = arith.muli %add3A_64, %mul3A_65 : i32
      %add3A_67 = arith.constant 0 : i32
      %add3A_68 = arith.addi %mul3A_66, %add3A_67 : i32
      %lt3A = arith.cmpi slt, %add3A_68, %select_n3A : i32
      %convert_element_type3A_69 = arith.extui %lt3A : i1 to i32
      %cond3A_70 = arith.constant 0 : i32
      %cond3A_71 = arith.cmpi ne, %convert_element_type3A_69, %cond3A_70 : i32
      scf.if %cond3A_71 {
        %dma_wait3A = arith.constant 0 : i32
        %dma_wait3A_78 = arith.constant 0 : i32
        %dma_wait3A_79 = arith.constant 0 : i32
        %dma_wait3A_80 = arith.constant 0 : i32
        %dma_wait3A_81 = tpu.memref_slice %arg8[%dma_wait3A, %dma_wait3A_79, %dma_wait3A_80] : memref<2x128x128xf32, #tpu.memory_space<vmem>> -> memref<1x128x128xf32, #tpu.memory_space<vmem>>
        %dma_wait3A_82 = tpu.memref_squeeze %dma_wait3A_81 : memref<1x128x128xf32, #tpu.memory_space<vmem>> -> memref<128x128xf32, #tpu.memory_space<vmem>>
        %dma_wait3A_83 = arith.constant 0 : i32
        %dma_wait3A_84 = tpu.memref_slice %arg9[%add3A_68, %dma_wait3A_83] : memref<32x128xi32, #tpu.memory_space<vmem>> -> memref<1x128xi32, #tpu.memory_space<vmem>>
        %dma_wait3A_85 = tpu.memref_squeeze %dma_wait3A_84 : memref<1x128xi32, #tpu.memory_space<vmem>> -> memref<128xi32, #tpu.memory_space<vmem>>
        %dma_wait3A_86 = arith.constant 0 : i32
        %dma_wait3A_87 = arith.constant 0 : i32
        %dma_wait3A_88 = tpu.memref_slice %arg2[%dma_wait3A_86, %dma_wait3A_87] : memref<10000x128xf32, #tpu.memory_space<hbm>> -> memref<10000x128xf32, #tpu.memory_space<hbm>>
        %dma_wait3A_89 = tpu.memref_slice %arg11[%dma_wait3A_78] : memref<2x!tpu.dma_semaphore, #tpu.memory_space<semaphore_mem>> -> memref<1x!tpu.dma_semaphore, #tpu.memory_space<semaphore_mem>>
        %dma_wait3A_90 = tpu.memref_squeeze %dma_wait3A_89 : memref<1x!tpu.dma_semaphore, #tpu.memory_space<semaphore_mem>> -> memref<!tpu.dma_semaphore, #tpu.memory_space<semaphore_mem>>
        tpu.wait_indirect_dma semaphore(%dma_wait3A_90 : memref<!tpu.dma_semaphore, #tpu.memory_space<semaphore_mem>>) src(%dma_wait3A_88 : memref<10000x128xf32, #tpu.memory_space<hbm>>) dst(%dma_wait3A_82 : memref<128x128xf32, #tpu.memory_space<vmem>>)
        %dma_start3A = arith.constant 0 : i32
        %dma_start3A_91 = arith.constant 0 : i32
        %dma_start3A_92 = arith.constant 0 : i32
        %dma_start3A_93 = arith.constant 0 : i32
        %dma_start3A_94 = tpu.memref_slice %arg8[%dma_start3A, %dma_start3A_92, %dma_start3A_93] : memref<2x128x128xf32, #tpu.memory_space<vmem>> -> memref<1x128x128xf32, #tpu.memory_space<vmem>>
        %dma_start3A_95 = tpu.memref_squeeze %dma_start3A_94 : memref<1x128x128xf32, #tpu.memory_space<vmem>> -> memref<128x128xf32, #tpu.memory_space<vmem>>
        %dma_start3A_96 = arith.constant 0 : i32
        %dma_start3A_97 = tpu.memref_slice %arg10[%add3A_68, %dma_start3A_96] : memref<32x128xi32, #tpu.memory_space<vmem>> -> memref<1x128xi32, #tpu.memory_space<vmem>>
        %dma_start3A_98 = tpu.memref_squeeze %dma_start3A_97 : memref<1x128xi32, #tpu.memory_space<vmem>> -> memref<128xi32, #tpu.memory_space<vmem>>
        %dma_start3A_99 = arith.constant 0 : i32
        %dma_start3A_100 = arith.constant 0 : i32
        %dma_start3A_101 = tpu.memref_slice %arg7[%dma_start3A_99, %dma_start3A_100] : memref<10112x128xf32, #tpu.memory_space<vmem_shared>> -> memref<10112x128xf32, #tpu.memory_space<vmem_shared>>
        %dma_start3A_102 = tpu.memref_slice %arg12[%dma_start3A_91] : memref<2x!tpu.dma_semaphore, #tpu.memory_space<semaphore_mem>> -> memref<1x!tpu.dma_semaphore, #tpu.memory_space<semaphore_mem>>
        %dma_start3A_103 = tpu.memref_squeeze %dma_start3A_102 : memref<1x!tpu.dma_semaphore, #tpu.memory_space<semaphore_mem>> -> memref<!tpu.dma_semaphore, #tpu.memory_space<semaphore_mem>>
        tpu.enqueue_indirect_dma source(%dma_start3A_95 : memref<128x128xf32, #tpu.memory_space<vmem>>) target(%dma_start3A_101 : memref<10112x128xf32, #tpu.memory_space<vmem_shared>>) offsets(%dma_start3A_98 : memref<128xi32, #tpu.memory_space<vmem>>) semaphore(%dma_start3A_103 : memref<!tpu.dma_semaphore, #tpu.memory_space<semaphore_mem>>) {add = true}
        %dma_wait3A_104 = arith.constant 0 : i32
        %dma_wait3A_105 = arith.constant 0 : i32
        %dma_wait3A_106 = arith.constant 0 : i32
        %dma_wait3A_107 = arith.constant 0 : i32
        %dma_wait3A_108 = tpu.memref_slice %arg8[%dma_wait3A_104, %dma_wait3A_106, %dma_wait3A_107] : memref<2x128x128xf32, #tpu.memory_space<vmem>> -> memref<1x128x128xf32, #tpu.memory_space<vmem>>
        %dma_wait3A_109 = tpu.memref_squeeze %dma_wait3A_108 : memref<1x128x128xf32, #tpu.memory_space<vmem>> -> memref<128x128xf32, #tpu.memory_space<vmem>>
        %dma_wait3A_110 = arith.constant 0 : i32
        %dma_wait3A_111 = tpu.memref_slice %arg10[%add3A_68, %dma_wait3A_110] : memref<32x128xi32, #tpu.memory_space<vmem>> -> memref<1x128xi32, #tpu.memory_space<vmem>>
        %dma_wait3A_112 = tpu.memref_squeeze %dma_wait3A_111 : memref<1x128xi32, #tpu.memory_space<vmem>> -> memref<128xi32, #tpu.memory_space<vmem>>
        %dma_wait3A_113 = arith.constant 0 : i32
        %dma_wait3A_114 = arith.constant 0 : i32
        %dma_wait3A_115 = tpu.memref_slice %arg7[%dma_wait3A_113, %dma_wait3A_114] : memref<10112x128xf32, #tpu.memory_space<vmem_shared>> -> memref<10112x128xf32, #tpu.memory_space<vmem_shared>>
        %dma_wait3A_116 = tpu.memref_slice %arg12[%dma_wait3A_105] : memref<2x!tpu.dma_semaphore, #tpu.memory_space<semaphore_mem>> -> memref<1x!tpu.dma_semaphore, #tpu.memory_space<semaphore_mem>>
        %dma_wait3A_117 = tpu.memref_squeeze %dma_wait3A_116 : memref<1x!tpu.dma_semaphore, #tpu.memory_space<semaphore_mem>> -> memref<!tpu.dma_semaphore, #tpu.memory_space<semaphore_mem>>
        tpu.wait_indirect_dma semaphore(%dma_wait3A_117 : memref<!tpu.dma_semaphore, #tpu.memory_space<semaphore_mem>>) src(%dma_wait3A_109 : memref<128x128xf32, #tpu.memory_space<vmem>>) dst(%dma_wait3A_115 : memref<10112x128xf32, #tpu.memory_space<vmem_shared>>)
        %add3A_118 = arith.constant 2 : i32
        %add3A_119 = arith.addi %add3A_68, %add3A_118 : i32
        %lt3A_120 = arith.cmpi slt, %add3A_119, %select_n3A : i32
        %convert_element_type3A_121 = arith.extui %lt3A_120 : i1 to i32
        %cond3A_122 = arith.constant 0 : i32
        %cond3A_123 = arith.cmpi ne, %convert_element_type3A_121, %cond3A_122 : i32
        scf.if %cond3A_123 {
          %add3A_124 = arith.constant 2 : i32
          %add3A_125 = arith.addi %add3A_68, %add3A_124 : i32
          %dma_start3A_126 = arith.constant 0 : i32
          %dma_start3A_127 = arith.constant 0 : i32
          %dma_start3A_128 = arith.constant 0 : i32
          %dma_start3A_129 = arith.constant 0 : i32
          %dma_start3A_130 = tpu.memref_slice %arg8[%dma_start3A_126, %dma_start3A_128, %dma_start3A_129] : memref<2x128x128xf32, #tpu.memory_space<vmem>> -> memref<1x128x128xf32, #tpu.memory_space<vmem>>
          %dma_start3A_131 = tpu.memref_squeeze %dma_start3A_130 : memref<1x128x128xf32, #tpu.memory_space<vmem>> -> memref<128x128xf32, #tpu.memory_space<vmem>>
          %dma_start3A_132 = arith.constant 0 : i32
          %dma_start3A_133 = tpu.memref_slice %arg9[%add3A_125, %dma_start3A_132] : memref<32x128xi32, #tpu.memory_space<vmem>> -> memref<1x128xi32, #tpu.memory_space<vmem>>
          %dma_start3A_134 = tpu.memref_squeeze %dma_start3A_133 : memref<1x128xi32, #tpu.memory_space<vmem>> -> memref<128xi32, #tpu.memory_space<vmem>>
          %dma_start3A_135 = arith.constant 0 : i32
          %dma_start3A_136 = arith.constant 0 : i32
          %dma_start3A_137 = tpu.memref_slice %arg2[%dma_start3A_135, %dma_start3A_136] : memref<10000x128xf32, #tpu.memory_space<hbm>> -> memref<10000x128xf32, #tpu.memory_space<hbm>>
          %dma_start3A_138 = tpu.memref_slice %arg11[%dma_start3A_127] : memref<2x!tpu.dma_semaphore, #tpu.memory_space<semaphore_mem>> -> memref<1x!tpu.dma_semaphore, #tpu.memory_space<semaphore_mem>>
          %dma_start3A_139 = tpu.memref_squeeze %dma_start3A_138 : memref<1x!tpu.dma_semaphore, #tpu.memory_space<semaphore_mem>> -> memref<!tpu.dma_semaphore, #tpu.memory_space<semaphore_mem>>
          tpu.enqueue_indirect_dma source(%dma_start3A_137 : memref<10000x128xf32, #tpu.memory_space<hbm>>) target(%dma_start3A_131 : memref<128x128xf32, #tpu.memory_space<vmem>>) offsets(%dma_start3A_134 : memref<128xi32, #tpu.memory_space<vmem>>) semaphore(%dma_start3A_139 : memref<!tpu.dma_semaphore, #tpu.memory_space<semaphore_mem>>)
        } else {
        }
      } else {
      }
      %add3A_72 = arith.constant 1 : i32
      %add3A_73 = arith.addi %mul3A_66, %add3A_72 : i32
      %lt3A_74 = arith.cmpi slt, %add3A_73, %select_n3A : i32
      %convert_element_type3A_75 = arith.extui %lt3A_74 : i1 to i32
      %cond3A_76 = arith.constant 0 : i32
      %cond3A_77 = arith.cmpi ne, %convert_element_type3A_75, %cond3A_76 : i32
      scf.if %cond3A_77 {
        %dma_wait3A = arith.constant 1 : i32
        %dma_wait3A_78 = arith.constant 1 : i32
        %dma_wait3A_79 = arith.constant 0 : i32
        %dma_wait3A_80 = arith.constant 0 : i32
        %dma_wait3A_81 = tpu.memref_slice %arg8[%dma_wait3A, %dma_wait3A_79, %dma_wait3A_80] : memref<2x128x128xf32, #tpu.memory_space<vmem>> -> memref<1x128x128xf32, #tpu.memory_space<vmem>>
        %dma_wait3A_82 = tpu.memref_squeeze %dma_wait3A_81 : memref<1x128x128xf32, #tpu.memory_space<vmem>> -> memref<128x128xf32, #tpu.memory_space<vmem>>
        %dma_wait3A_83 = arith.constant 0 : i32
        %dma_wait3A_84 = tpu.memref_slice %arg9[%add3A_73, %dma_wait3A_83] : memref<32x128xi32, #tpu.memory_space<vmem>> -> memref<1x128xi32, #tpu.memory_space<vmem>>
        %dma_wait3A_85 = tpu.memref_squeeze %dma_wait3A_84 : memref<1x128xi32, #tpu.memory_space<vmem>> -> memref<128xi32, #tpu.memory_space<vmem>>
        %dma_wait3A_86 = arith.constant 0 : i32
        %dma_wait3A_87 = arith.constant 0 : i32
        %dma_wait3A_88 = tpu.memref_slice %arg2[%dma_wait3A_86, %dma_wait3A_87] : memref<10000x128xf32, #tpu.memory_space<hbm>> -> memref<10000x128xf32, #tpu.memory_space<hbm>>
        %dma_wait3A_89 = tpu.memref_slice %arg11[%dma_wait3A_78] : memref<2x!tpu.dma_semaphore, #tpu.memory_space<semaphore_mem>> -> memref<1x!tpu.dma_semaphore, #tpu.memory_space<semaphore_mem>>
        %dma_wait3A_90 = tpu.memref_squeeze %dma_wait3A_89 : memref<1x!tpu.dma_semaphore, #tpu.memory_space<semaphore_mem>> -> memref<!tpu.dma_semaphore, #tpu.memory_space<semaphore_mem>>
        tpu.wait_indirect_dma semaphore(%dma_wait3A_90 : memref<!tpu.dma_semaphore, #tpu.memory_space<semaphore_mem>>) src(%dma_wait3A_88 : memref<10000x128xf32, #tpu.memory_space<hbm>>) dst(%dma_wait3A_82 : memref<128x128xf32, #tpu.memory_space<vmem>>)
        %dma_start3A = arith.constant 1 : i32
        %dma_start3A_91 = arith.constant 1 : i32
        %dma_start3A_92 = arith.constant 0 : i32
        %dma_start3A_93 = arith.constant 0 : i32
        %dma_start3A_94 = tpu.memref_slice %arg8[%dma_start3A, %dma_start3A_92, %dma_start3A_93] : memref<2x128x128xf32, #tpu.memory_space<vmem>> -> memref<1x128x128xf32, #tpu.memory_space<vmem>>
        %dma_start3A_95 = tpu.memref_squeeze %dma_start3A_94 : memref<1x128x128xf32, #tpu.memory_space<vmem>> -> memref<128x128xf32, #tpu.memory_space<vmem>>
        %dma_start3A_96 = arith.constant 0 : i32
        %dma_start3A_97 = tpu.memref_slice %arg10[%add3A_73, %dma_start3A_96] : memref<32x128xi32, #tpu.memory_space<vmem>> -> memref<1x128xi32, #tpu.memory_space<vmem>>
        %dma_start3A_98 = tpu.memref_squeeze %dma_start3A_97 : memref<1x128xi32, #tpu.memory_space<vmem>> -> memref<128xi32, #tpu.memory_space<vmem>>
        %dma_start3A_99 = arith.constant 0 : i32
        %dma_start3A_100 = arith.constant 0 : i32
        %dma_start3A_101 = tpu.memref_slice %arg7[%dma_start3A_99, %dma_start3A_100] : memref<10112x128xf32, #tpu.memory_space<vmem_shared>> -> memref<10112x128xf32, #tpu.memory_space<vmem_shared>>
        %dma_start3A_102 = tpu.memref_slice %arg12[%dma_start3A_91] : memref<2x!tpu.dma_semaphore, #tpu.memory_space<semaphore_mem>> -> memref<1x!tpu.dma_semaphore, #tpu.memory_space<semaphore_mem>>
        %dma_start3A_103 = tpu.memref_squeeze %dma_start3A_102 : memref<1x!tpu.dma_semaphore, #tpu.memory_space<semaphore_mem>> -> memref<!tpu.dma_semaphore, #tpu.memory_space<semaphore_mem>>
        tpu.enqueue_indirect_dma source(%dma_start3A_95 : memref<128x128xf32, #tpu.memory_space<vmem>>) target(%dma_start3A_101 : memref<10112x128xf32, #tpu.memory_space<vmem_shared>>) offsets(%dma_start3A_98 : memref<128xi32, #tpu.memory_space<vmem>>) semaphore(%dma_start3A_103 : memref<!tpu.dma_semaphore, #tpu.memory_space<semaphore_mem>>) {add = true}
        %dma_wait3A_104 = arith.constant 1 : i32
        %dma_wait3A_105 = arith.constant 1 : i32
        %dma_wait3A_106 = arith.constant 0 : i32
        %dma_wait3A_107 = arith.constant 0 : i32
        %dma_wait3A_108 = tpu.memref_slice %arg8[%dma_wait3A_104, %dma_wait3A_106, %dma_wait3A_107] : memref<2x128x128xf32, #tpu.memory_space<vmem>> -> memref<1x128x128xf32, #tpu.memory_space<vmem>>
        %dma_wait3A_109 = tpu.memref_squeeze %dma_wait3A_108 : memref<1x128x128xf32, #tpu.memory_space<vmem>> -> memref<128x128xf32, #tpu.memory_space<vmem>>
        %dma_wait3A_110 = arith.constant 0 : i32
        %dma_wait3A_111 = tpu.memref_slice %arg10[%add3A_73, %dma_wait3A_110] : memref<32x128xi32, #tpu.memory_space<vmem>> -> memref<1x128xi32, #tpu.memory_space<vmem>>
        %dma_wait3A_112 = tpu.memref_squeeze %dma_wait3A_111 : memref<1x128xi32, #tpu.memory_space<vmem>> -> memref<128xi32, #tpu.memory_space<vmem>>
        %dma_wait3A_113 = arith.constant 0 : i32
        %dma_wait3A_114 = arith.constant 0 : i32
        %dma_wait3A_115 = tpu.memref_slice %arg7[%dma_wait3A_113, %dma_wait3A_114] : memref<10112x128xf32, #tpu.memory_space<vmem_shared>> -> memref<10112x128xf32, #tpu.memory_space<vmem_shared>>
        %dma_wait3A_116 = tpu.memref_slice %arg12[%dma_wait3A_105] : memref<2x!tpu.dma_semaphore, #tpu.memory_space<semaphore_mem>> -> memref<1x!tpu.dma_semaphore, #tpu.memory_space<semaphore_mem>>
        %dma_wait3A_117 = tpu.memref_squeeze %dma_wait3A_116 : memref<1x!tpu.dma_semaphore, #tpu.memory_space<semaphore_mem>> -> memref<!tpu.dma_semaphore, #tpu.memory_space<semaphore_mem>>
        tpu.wait_indirect_dma semaphore(%dma_wait3A_117 : memref<!tpu.dma_semaphore, #tpu.memory_space<semaphore_mem>>) src(%dma_wait3A_109 : memref<128x128xf32, #tpu.memory_space<vmem>>) dst(%dma_wait3A_115 : memref<10112x128xf32, #tpu.memory_space<vmem_shared>>)
        %add3A_118 = arith.constant 2 : i32
        %add3A_119 = arith.addi %add3A_73, %add3A_118 : i32
        %lt3A_120 = arith.cmpi slt, %add3A_119, %select_n3A : i32
        %convert_element_type3A_121 = arith.extui %lt3A_120 : i1 to i32
        %cond3A_122 = arith.constant 0 : i32
        %cond3A_123 = arith.cmpi ne, %convert_element_type3A_121, %cond3A_122 : i32
        scf.if %cond3A_123 {
          %add3A_124 = arith.constant 2 : i32
          %add3A_125 = arith.addi %add3A_73, %add3A_124 : i32
          %dma_start3A_126 = arith.constant 1 : i32
          %dma_start3A_127 = arith.constant 1 : i32
          %dma_start3A_128 = arith.constant 0 : i32
          %dma_start3A_129 = arith.constant 0 : i32
          %dma_start3A_130 = tpu.memref_slice %arg8[%dma_start3A_126, %dma_start3A_128, %dma_start3A_129] : memref<2x128x128xf32, #tpu.memory_space<vmem>> -> memref<1x128x128xf32, #tpu.memory_space<vmem>>
          %dma_start3A_131 = tpu.memref_squeeze %dma_start3A_130 : memref<1x128x128xf32, #tpu.memory_space<vmem>> -> memref<128x128xf32, #tpu.memory_space<vmem>>
          %dma_start3A_132 = arith.constant 0 : i32
          %dma_start3A_133 = tpu.memref_slice %arg9[%add3A_125, %dma_start3A_132] : memref<32x128xi32, #tpu.memory_space<vmem>> -> memref<1x128xi32, #tpu.memory_space<vmem>>
          %dma_start3A_134 = tpu.memref_squeeze %dma_start3A_133 : memref<1x128xi32, #tpu.memory_space<vmem>> -> memref<128xi32, #tpu.memory_space<vmem>>
          %dma_start3A_135 = arith.constant 0 : i32
          %dma_start3A_136 = arith.constant 0 : i32
          %dma_start3A_137 = tpu.memref_slice %arg2[%dma_start3A_135, %dma_start3A_136] : memref<10000x128xf32, #tpu.memory_space<hbm>> -> memref<10000x128xf32, #tpu.memory_space<hbm>>
          %dma_start3A_138 = tpu.memref_slice %arg11[%dma_start3A_127] : memref<2x!tpu.dma_semaphore, #tpu.memory_space<semaphore_mem>> -> memref<1x!tpu.dma_semaphore, #tpu.memory_space<semaphore_mem>>
          %dma_start3A_139 = tpu.memref_squeeze %dma_start3A_138 : memref<1x!tpu.dma_semaphore, #tpu.memory_space<semaphore_mem>> -> memref<!tpu.dma_semaphore, #tpu.memory_space<semaphore_mem>>
          tpu.enqueue_indirect_dma source(%dma_start3A_137 : memref<10000x128xf32, #tpu.memory_space<hbm>>) target(%dma_start3A_131 : memref<128x128xf32, #tpu.memory_space<vmem>>) offsets(%dma_start3A_134 : memref<128xi32, #tpu.memory_space<vmem>>) semaphore(%dma_start3A_139 : memref<!tpu.dma_semaphore, #tpu.memory_space<semaphore_mem>>)
        } else {
        }
      } else {
      }
    }
    %scan3A_19 = arith.constant 16 : i32
    %mul3A_20 = arith.constant 1 : i32
    %mul3A_21 = arith.muli %mul3A_20, %select_n3A : i32
    %add3A_22 = arith.addi %select_n3A_10, %mul3A_21 : i32
    %gt3A_23 = arith.constant 0 : i32
    %gt3A_24 = arith.cmpi sgt, %select_n3A, %gt3A_23 : i32
    %convert_element_type3A_25 = arith.extui %gt3A_24 : i1 to i32
    %cond3A_26 = arith.constant 0 : i32
    %cond3A_27 = arith.cmpi ne, %convert_element_type3A_25, %cond3A_26 : i32
    scf.if %cond3A_27 {
      "tpu.region"() ({
        %run_scoped3A = tpu.sem_alloc : memref<!tpu.dma_semaphore, #tpu.memory_space<semaphore_mem>>
        %dma_start3A_89 = arith.constant 0 : i32
        %dma_start3A_90 = tpu.memref_slice %arg3[%add3A_22, %dma_start3A_89] : memref<2592x128xi32, #tpu.memory_space<hbm>> -> memref<32x128xi32, #tpu.memory_space<hbm>>
        %dma_start3A_91 = arith.constant 0 : i32
        %dma_start3A_92 = tpu.memref_slice %arg3[%add3A_22, %dma_start3A_91] : memref<2592x128xi32, #tpu.memory_space<hbm>> -> memref<32x128xi32, #tpu.memory_space<hbm>>
        tpu.enqueue_dma source(%dma_start3A_92 : memref<32x128xi32, #tpu.memory_space<hbm>>) target(%arg9 : memref<32x128xi32, #tpu.memory_space<vmem>>) target_semaphore(%run_scoped3A : memref<!tpu.dma_semaphore, #tpu.memory_space<semaphore_mem>>)
        %dma_wait3A = arith.constant 0 : i32
        %dma_wait3A_93 = tpu.memref_slice %arg3[%add3A_22, %dma_wait3A] : memref<2592x128xi32, #tpu.memory_space<hbm>> -> memref<32x128xi32, #tpu.memory_space<hbm>>
        %dma_wait3A_94 = arith.constant 0 : i32
        %dma_wait3A_95 = tpu.memref_slice %arg3[%add3A_22, %dma_wait3A_94] : memref<2592x128xi32, #tpu.memory_space<hbm>> -> memref<32x128xi32, #tpu.memory_space<hbm>>
        tpu.wait_dma2 semaphore(%run_scoped3A : memref<!tpu.dma_semaphore, #tpu.memory_space<semaphore_mem>>) src(%dma_wait3A_95 : memref<32x128xi32, #tpu.memory_space<hbm>>) dst(%arg9 : memref<32x128xi32, #tpu.memory_space<vmem>>)
        tpu.yield
      }) : () -> ()
      "tpu.region"() ({
        %run_scoped3A = tpu.sem_alloc : memref<!tpu.dma_semaphore, #tpu.memory_space<semaphore_mem>>
        %dma_start3A_89 = arith.constant 0 : i32
        %dma_start3A_90 = tpu.memref_slice %arg4[%add3A_22, %dma_start3A_89] : memref<2592x128xi32, #tpu.memory_space<hbm>> -> memref<32x128xi32, #tpu.memory_space<hbm>>
        %dma_start3A_91 = arith.constant 0 : i32
        %dma_start3A_92 = tpu.memref_slice %arg4[%add3A_22, %dma_start3A_91] : memref<2592x128xi32, #tpu.memory_space<hbm>> -> memref<32x128xi32, #tpu.memory_space<hbm>>
        tpu.enqueue_dma source(%dma_start3A_92 : memref<32x128xi32, #tpu.memory_space<hbm>>) target(%arg10 : memref<32x128xi32, #tpu.memory_space<vmem>>) target_semaphore(%run_scoped3A : memref<!tpu.dma_semaphore, #tpu.memory_space<semaphore_mem>>)
        %dma_wait3A = arith.constant 0 : i32
        %dma_wait3A_93 = tpu.memref_slice %arg4[%add3A_22, %dma_wait3A] : memref<2592x128xi32, #tpu.memory_space<hbm>> -> memref<32x128xi32, #tpu.memory_space<hbm>>
        %dma_wait3A_94 = arith.constant 0 : i32
        %dma_wait3A_95 = tpu.memref_slice %arg4[%add3A_22, %dma_wait3A_94] : memref<2592x128xi32, #tpu.memory_space<hbm>> -> memref<32x128xi32, #tpu.memory_space<hbm>>
        tpu.wait_dma2 semaphore(%run_scoped3A : memref<!tpu.dma_semaphore, #tpu.memory_space<semaphore_mem>>) src(%dma_wait3A_95 : memref<32x128xi32, #tpu.memory_space<hbm>>) dst(%arg10 : memref<32x128xi32, #tpu.memory_space<vmem>>)
        tpu.yield
      }) : () -> ()
      %dma_start3A = arith.constant 0 : i32
      %dma_start3A_60 = arith.constant 0 : i32
      %dma_start3A_61 = arith.constant 0 : i32
      %dma_start3A_62 = arith.constant 0 : i32
      %dma_start3A_63 = arith.constant 0 : i32
      %dma_start3A_64 = tpu.memref_slice %arg8[%dma_start3A_60, %dma_start3A_62, %dma_start3A_63] : memref<2x128x128xf32, #tpu.memory_space<vmem>> -> memref<1x128x128xf32, #tpu.memory_space<vmem>>
      %dma_start3A_65 = tpu.memref_squeeze %dma_start3A_64 : memref<1x128x128xf32, #tpu.memory_space<vmem>> -> memref<128x128xf32, #tpu.memory_space<vmem>>
      %dma_start3A_66 = arith.constant 0 : i32
      %dma_start3A_67 = tpu.memref_slice %arg9[%dma_start3A, %dma_start3A_66] : memref<32x128xi32, #tpu.memory_space<vmem>> -> memref<1x128xi32, #tpu.memory_space<vmem>>
      %dma_start3A_68 = tpu.memref_squeeze %dma_start3A_67 : memref<1x128xi32, #tpu.memory_space<vmem>> -> memref<128xi32, #tpu.memory_space<vmem>>
      %dma_start3A_69 = arith.constant 0 : i32
      %dma_start3A_70 = arith.constant 0 : i32
      %dma_start3A_71 = tpu.memref_slice %arg2[%dma_start3A_69, %dma_start3A_70] : memref<10000x128xf32, #tpu.memory_space<hbm>> -> memref<10000x128xf32, #tpu.memory_space<hbm>>
      %dma_start3A_72 = tpu.memref_slice %arg11[%dma_start3A_61] : memref<2x!tpu.dma_semaphore, #tpu.memory_space<semaphore_mem>> -> memref<1x!tpu.dma_semaphore, #tpu.memory_space<semaphore_mem>>
      %dma_start3A_73 = tpu.memref_squeeze %dma_start3A_72 : memref<1x!tpu.dma_semaphore, #tpu.memory_space<semaphore_mem>> -> memref<!tpu.dma_semaphore, #tpu.memory_space<semaphore_mem>>
      tpu.enqueue_indirect_dma source(%dma_start3A_71 : memref<10000x128xf32, #tpu.memory_space<hbm>>) target(%dma_start3A_65 : memref<128x128xf32, #tpu.memory_space<vmem>>) offsets(%dma_start3A_68 : memref<128xi32, #tpu.memory_space<vmem>>) semaphore(%dma_start3A_73 : memref<!tpu.dma_semaphore, #tpu.memory_space<semaphore_mem>>)
      %dma_start3A_74 = arith.constant 1 : i32
      %dma_start3A_75 = arith.constant 1 : i32
      %dma_start3A_76 = arith.constant 1 : i32
      %dma_start3A_77 = arith.constant 0 : i32
      %dma_start3A_78 = arith.constant 0 : i32
      %dma_start3A_79 = tpu.memref_slice %arg8[%dma_start3A_75, %dma_start3A_77, %dma_start3A_78] : memref<2x128x128xf32, #tpu.memory_space<vmem>> -> memref<1x128x128xf32, #tpu.memory_space<vmem>>
      %dma_start3A_80 = tpu.memref_squeeze %dma_start3A_79 : memref<1x128x128xf32, #tpu.memory_space<vmem>> -> memref<128x128xf32, #tpu.memory_space<vmem>>
      %dma_start3A_81 = arith.constant 0 : i32
      %dma_start3A_82 = tpu.memref_slice %arg9[%dma_start3A_74, %dma_start3A_81] : memref<32x128xi32, #tpu.memory_space<vmem>> -> memref<1x128xi32, #tpu.memory_space<vmem>>
      %dma_start3A_83 = tpu.memref_squeeze %dma_start3A_82 : memref<1x128xi32, #tpu.memory_space<vmem>> -> memref<128xi32, #tpu.memory_space<vmem>>
      %dma_start3A_84 = arith.constant 0 : i32
      %dma_start3A_85 = arith.constant 0 : i32
      %dma_start3A_86 = tpu.memref_slice %arg2[%dma_start3A_84, %dma_start3A_85] : memref<10000x128xf32, #tpu.memory_space<hbm>> -> memref<10000x128xf32, #tpu.memory_space<hbm>>
      %dma_start3A_87 = tpu.memref_slice %arg11[%dma_start3A_76] : memref<2x!tpu.dma_semaphore, #tpu.memory_space<semaphore_mem>> -> memref<1x!tpu.dma_semaphore, #tpu.memory_space<semaphore_mem>>
      %dma_start3A_88 = tpu.memref_squeeze %dma_start3A_87 : memref<1x!tpu.dma_semaphore, #tpu.memory_space<semaphore_mem>> -> memref<!tpu.dma_semaphore, #tpu.memory_space<semaphore_mem>>
      tpu.enqueue_indirect_dma source(%dma_start3A_86 : memref<10000x128xf32, #tpu.memory_space<hbm>>) target(%dma_start3A_80 : memref<128x128xf32, #tpu.memory_space<vmem>>) offsets(%dma_start3A_83 : memref<128xi32, #tpu.memory_space<vmem>>) semaphore(%dma_start3A_88 : memref<!tpu.dma_semaphore, #tpu.memory_space<semaphore_mem>>)
    } else {
    }
    %scan3A_28 = arith.constant 0 : i32
    %scan3A_29 = arith.constant 16 : i32
    %scan3A_30 = arith.addi %scan3A_28, %scan3A_29 : i32
    %scan3A_31 = arith.constant 1 : i32
    scf.for %scan3A_60 = %scan3A_28 to %scan3A_30 step %scan3A_31  : i32 {
      %mul3A_61 = arith.constant 1 : i32
      %mul3A_62 = arith.muli %scan3A_60, %mul3A_61 : i32
      %add3A_63 = arith.constant 0 : i32
      %add3A_64 = arith.addi %add3A_63, %mul3A_62 : i32
      %mul3A_65 = arith.constant 2 : i32
      %mul3A_66 = arith.muli %add3A_64, %mul3A_65 : i32
      %add3A_67 = arith.constant 0 : i32
      %add3A_68 = arith.addi %mul3A_66, %add3A_67 : i32
      %lt3A = arith.cmpi slt, %add3A_68, %select_n3A : i32
      %convert_element_type3A_69 = arith.extui %lt3A : i1 to i32
      %cond3A_70 = arith.constant 0 : i32
      %cond3A_71 = arith.cmpi ne, %convert_element_type3A_69, %cond3A_70 : i32
      scf.if %cond3A_71 {
        %dma_wait3A = arith.constant 0 : i32
        %dma_wait3A_78 = arith.constant 0 : i32
        %dma_wait3A_79 = arith.constant 0 : i32
        %dma_wait3A_80 = arith.constant 0 : i32
        %dma_wait3A_81 = tpu.memref_slice %arg8[%dma_wait3A, %dma_wait3A_79, %dma_wait3A_80] : memref<2x128x128xf32, #tpu.memory_space<vmem>> -> memref<1x128x128xf32, #tpu.memory_space<vmem>>
        %dma_wait3A_82 = tpu.memref_squeeze %dma_wait3A_81 : memref<1x128x128xf32, #tpu.memory_space<vmem>> -> memref<128x128xf32, #tpu.memory_space<vmem>>
        %dma_wait3A_83 = arith.constant 0 : i32
        %dma_wait3A_84 = tpu.memref_slice %arg9[%add3A_68, %dma_wait3A_83] : memref<32x128xi32, #tpu.memory_space<vmem>> -> memref<1x128xi32, #tpu.memory_space<vmem>>
        %dma_wait3A_85 = tpu.memref_squeeze %dma_wait3A_84 : memref<1x128xi32, #tpu.memory_space<vmem>> -> memref<128xi32, #tpu.memory_space<vmem>>
        %dma_wait3A_86 = arith.constant 0 : i32
        %dma_wait3A_87 = arith.constant 0 : i32
        %dma_wait3A_88 = tpu.memref_slice %arg2[%dma_wait3A_86, %dma_wait3A_87] : memref<10000x128xf32, #tpu.memory_space<hbm>> -> memref<10000x128xf32, #tpu.memory_space<hbm>>
        %dma_wait3A_89 = tpu.memref_slice %arg11[%dma_wait3A_78] : memref<2x!tpu.dma_semaphore, #tpu.memory_space<semaphore_mem>> -> memref<1x!tpu.dma_semaphore, #tpu.memory_space<semaphore_mem>>
        %dma_wait3A_90 = tpu.memref_squeeze %dma_wait3A_89 : memref<1x!tpu.dma_semaphore, #tpu.memory_space<semaphore_mem>> -> memref<!tpu.dma_semaphore, #tpu.memory_space<semaphore_mem>>
        tpu.wait_indirect_dma semaphore(%dma_wait3A_90 : memref<!tpu.dma_semaphore, #tpu.memory_space<semaphore_mem>>) src(%dma_wait3A_88 : memref<10000x128xf32, #tpu.memory_space<hbm>>) dst(%dma_wait3A_82 : memref<128x128xf32, #tpu.memory_space<vmem>>)
        %dma_start3A = arith.constant 0 : i32
        %dma_start3A_91 = arith.constant 0 : i32
        %dma_start3A_92 = arith.constant 0 : i32
        %dma_start3A_93 = arith.constant 0 : i32
        %dma_start3A_94 = tpu.memref_slice %arg8[%dma_start3A, %dma_start3A_92, %dma_start3A_93] : memref<2x128x128xf32, #tpu.memory_space<vmem>> -> memref<1x128x128xf32, #tpu.memory_space<vmem>>
        %dma_start3A_95 = tpu.memref_squeeze %dma_start3A_94 : memref<1x128x128xf32, #tpu.memory_space<vmem>> -> memref<128x128xf32, #tpu.memory_space<vmem>>
        %dma_start3A_96 = arith.constant 0 : i32
        %dma_start3A_97 = tpu.memref_slice %arg10[%add3A_68, %dma_start3A_96] : memref<32x128xi32, #tpu.memory_space<vmem>> -> memref<1x128xi32, #tpu.memory_space<vmem>>
        %dma_start3A_98 = tpu.memref_squeeze %dma_start3A_97 : memref<1x128xi32, #tpu.memory_space<vmem>> -> memref<128xi32, #tpu.memory_space<vmem>>
        %dma_start3A_99 = arith.constant 0 : i32
        %dma_start3A_100 = arith.constant 0 : i32
        %dma_start3A_101 = tpu.memref_slice %arg7[%dma_start3A_99, %dma_start3A_100] : memref<10112x128xf32, #tpu.memory_space<vmem_shared>> -> memref<10112x128xf32, #tpu.memory_space<vmem_shared>>
        %dma_start3A_102 = tpu.memref_slice %arg12[%dma_start3A_91] : memref<2x!tpu.dma_semaphore, #tpu.memory_space<semaphore_mem>> -> memref<1x!tpu.dma_semaphore, #tpu.memory_space<semaphore_mem>>
        %dma_start3A_103 = tpu.memref_squeeze %dma_start3A_102 : memref<1x!tpu.dma_semaphore, #tpu.memory_space<semaphore_mem>> -> memref<!tpu.dma_semaphore, #tpu.memory_space<semaphore_mem>>
        tpu.enqueue_indirect_dma source(%dma_start3A_95 : memref<128x128xf32, #tpu.memory_space<vmem>>) target(%dma_start3A_101 : memref<10112x128xf32, #tpu.memory_space<vmem_shared>>) offsets(%dma_start3A_98 : memref<128xi32, #tpu.memory_space<vmem>>) semaphore(%dma_start3A_103 : memref<!tpu.dma_semaphore, #tpu.memory_space<semaphore_mem>>) {add = true}
        %dma_wait3A_104 = arith.constant 0 : i32
        %dma_wait3A_105 = arith.constant 0 : i32
        %dma_wait3A_106 = arith.constant 0 : i32
        %dma_wait3A_107 = arith.constant 0 : i32
        %dma_wait3A_108 = tpu.memref_slice %arg8[%dma_wait3A_104, %dma_wait3A_106, %dma_wait3A_107] : memref<2x128x128xf32, #tpu.memory_space<vmem>> -> memref<1x128x128xf32, #tpu.memory_space<vmem>>
        %dma_wait3A_109 = tpu.memref_squeeze %dma_wait3A_108 : memref<1x128x128xf32, #tpu.memory_space<vmem>> -> memref<128x128xf32, #tpu.memory_space<vmem>>
        %dma_wait3A_110 = arith.constant 0 : i32
        %dma_wait3A_111 = tpu.memref_slice %arg10[%add3A_68, %dma_wait3A_110] : memref<32x128xi32, #tpu.memory_space<vmem>> -> memref<1x128xi32, #tpu.memory_space<vmem>>
        %dma_wait3A_112 = tpu.memref_squeeze %dma_wait3A_111 : memref<1x128xi32, #tpu.memory_space<vmem>> -> memref<128xi32, #tpu.memory_space<vmem>>
        %dma_wait3A_113 = arith.constant 0 : i32
        %dma_wait3A_114 = arith.constant 0 : i32
        %dma_wait3A_115 = tpu.memref_slice %arg7[%dma_wait3A_113, %dma_wait3A_114] : memref<10112x128xf32, #tpu.memory_space<vmem_shared>> -> memref<10112x128xf32, #tpu.memory_space<vmem_shared>>
        %dma_wait3A_116 = tpu.memref_slice %arg12[%dma_wait3A_105] : memref<2x!tpu.dma_semaphore, #tpu.memory_space<semaphore_mem>> -> memref<1x!tpu.dma_semaphore, #tpu.memory_space<semaphore_mem>>
        %dma_wait3A_117 = tpu.memref_squeeze %dma_wait3A_116 : memref<1x!tpu.dma_semaphore, #tpu.memory_space<semaphore_mem>> -> memref<!tpu.dma_semaphore, #tpu.memory_space<semaphore_mem>>
        tpu.wait_indirect_dma semaphore(%dma_wait3A_117 : memref<!tpu.dma_semaphore, #tpu.memory_space<semaphore_mem>>) src(%dma_wait3A_109 : memref<128x128xf32, #tpu.memory_space<vmem>>) dst(%dma_wait3A_115 : memref<10112x128xf32, #tpu.memory_space<vmem_shared>>)
        %add3A_118 = arith.constant 2 : i32
        %add3A_119 = arith.addi %add3A_68, %add3A_118 : i32
        %lt3A_120 = arith.cmpi slt, %add3A_119, %select_n3A : i32
        %convert_element_type3A_121 = arith.extui %lt3A_120 : i1 to i32
        %cond3A_122 = arith.constant 0 : i32
        %cond3A_123 = arith.cmpi ne, %convert_element_type3A_121, %cond3A_122 : i32
        scf.if %cond3A_123 {
          %add3A_124 = arith.constant 2 : i32
          %add3A_125 = arith.addi %add3A_68, %add3A_124 : i32
          %dma_start3A_126 = arith.constant 0 : i32
          %dma_start3A_127 = arith.constant 0 : i32
          %dma_start3A_128 = arith.constant 0 : i32
          %dma_start3A_129 = arith.constant 0 : i32
          %dma_start3A_130 = tpu.memref_slice %arg8[%dma_start3A_126, %dma_start3A_128, %dma_start3A_129] : memref<2x128x128xf32, #tpu.memory_space<vmem>> -> memref<1x128x128xf32, #tpu.memory_space<vmem>>
          %dma_start3A_131 = tpu.memref_squeeze %dma_start3A_130 : memref<1x128x128xf32, #tpu.memory_space<vmem>> -> memref<128x128xf32, #tpu.memory_space<vmem>>
          %dma_start3A_132 = arith.constant 0 : i32
          %dma_start3A_133 = tpu.memref_slice %arg9[%add3A_125, %dma_start3A_132] : memref<32x128xi32, #tpu.memory_space<vmem>> -> memref<1x128xi32, #tpu.memory_space<vmem>>
          %dma_start3A_134 = tpu.memref_squeeze %dma_start3A_133 : memref<1x128xi32, #tpu.memory_space<vmem>> -> memref<128xi32, #tpu.memory_space<vmem>>
          %dma_start3A_135 = arith.constant 0 : i32
          %dma_start3A_136 = arith.constant 0 : i32
          %dma_start3A_137 = tpu.memref_slice %arg2[%dma_start3A_135, %dma_start3A_136] : memref<10000x128xf32, #tpu.memory_space<hbm>> -> memref<10000x128xf32, #tpu.memory_space<hbm>>
          %dma_start3A_138 = tpu.memref_slice %arg11[%dma_start3A_127] : memref<2x!tpu.dma_semaphore, #tpu.memory_space<semaphore_mem>> -> memref<1x!tpu.dma_semaphore, #tpu.memory_space<semaphore_mem>>
          %dma_start3A_139 = tpu.memref_squeeze %dma_start3A_138 : memref<1x!tpu.dma_semaphore, #tpu.memory_space<semaphore_mem>> -> memref<!tpu.dma_semaphore, #tpu.memory_space<semaphore_mem>>
          tpu.enqueue_indirect_dma source(%dma_start3A_137 : memref<10000x128xf32, #tpu.memory_space<hbm>>) target(%dma_start3A_131 : memref<128x128xf32, #tpu.memory_space<vmem>>) offsets(%dma_start3A_134 : memref<128xi32, #tpu.memory_space<vmem>>) semaphore(%dma_start3A_139 : memref<!tpu.dma_semaphore, #tpu.memory_space<semaphore_mem>>)
        } else {
        }
      } else {
      }
      %add3A_72 = arith.constant 1 : i32
      %add3A_73 = arith.addi %mul3A_66, %add3A_72 : i32
      %lt3A_74 = arith.cmpi slt, %add3A_73, %select_n3A : i32
      %convert_element_type3A_75 = arith.extui %lt3A_74 : i1 to i32
      %cond3A_76 = arith.constant 0 : i32
      %cond3A_77 = arith.cmpi ne, %convert_element_type3A_75, %cond3A_76 : i32
      scf.if %cond3A_77 {
        %dma_wait3A = arith.constant 1 : i32
        %dma_wait3A_78 = arith.constant 1 : i32
        %dma_wait3A_79 = arith.constant 0 : i32
        %dma_wait3A_80 = arith.constant 0 : i32
        %dma_wait3A_81 = tpu.memref_slice %arg8[%dma_wait3A, %dma_wait3A_79, %dma_wait3A_80] : memref<2x128x128xf32, #tpu.memory_space<vmem>> -> memref<1x128x128xf32, #tpu.memory_space<vmem>>
        %dma_wait3A_82 = tpu.memref_squeeze %dma_wait3A_81 : memref<1x128x128xf32, #tpu.memory_space<vmem>> -> memref<128x128xf32, #tpu.memory_space<vmem>>
        %dma_wait3A_83 = arith.constant 0 : i32
        %dma_wait3A_84 = tpu.memref_slice %arg9[%add3A_73, %dma_wait3A_83] : memref<32x128xi32, #tpu.memory_space<vmem>> -> memref<1x128xi32, #tpu.memory_space<vmem>>
        %dma_wait3A_85 = tpu.memref_squeeze %dma_wait3A_84 : memref<1x128xi32, #tpu.memory_space<vmem>> -> memref<128xi32, #tpu.memory_space<vmem>>
        %dma_wait3A_86 = arith.constant 0 : i32
        %dma_wait3A_87 = arith.constant 0 : i32
        %dma_wait3A_88 = tpu.memref_slice %arg2[%dma_wait3A_86, %dma_wait3A_87] : memref<10000x128xf32, #tpu.memory_space<hbm>> -> memref<10000x128xf32, #tpu.memory_space<hbm>>
        %dma_wait3A_89 = tpu.memref_slice %arg11[%dma_wait3A_78] : memref<2x!tpu.dma_semaphore, #tpu.memory_space<semaphore_mem>> -> memref<1x!tpu.dma_semaphore, #tpu.memory_space<semaphore_mem>>
        %dma_wait3A_90 = tpu.memref_squeeze %dma_wait3A_89 : memref<1x!tpu.dma_semaphore, #tpu.memory_space<semaphore_mem>> -> memref<!tpu.dma_semaphore, #tpu.memory_space<semaphore_mem>>
        tpu.wait_indirect_dma semaphore(%dma_wait3A_90 : memref<!tpu.dma_semaphore, #tpu.memory_space<semaphore_mem>>) src(%dma_wait3A_88 : memref<10000x128xf32, #tpu.memory_space<hbm>>) dst(%dma_wait3A_82 : memref<128x128xf32, #tpu.memory_space<vmem>>)
        %dma_start3A = arith.constant 1 : i32
        %dma_start3A_91 = arith.constant 1 : i32
        %dma_start3A_92 = arith.constant 0 : i32
        %dma_start3A_93 = arith.constant 0 : i32
        %dma_start3A_94 = tpu.memref_slice %arg8[%dma_start3A, %dma_start3A_92, %dma_start3A_93] : memref<2x128x128xf32, #tpu.memory_space<vmem>> -> memref<1x128x128xf32, #tpu.memory_space<vmem>>
        %dma_start3A_95 = tpu.memref_squeeze %dma_start3A_94 : memref<1x128x128xf32, #tpu.memory_space<vmem>> -> memref<128x128xf32, #tpu.memory_space<vmem>>
        %dma_start3A_96 = arith.constant 0 : i32
        %dma_start3A_97 = tpu.memref_slice %arg10[%add3A_73, %dma_start3A_96] : memref<32x128xi32, #tpu.memory_space<vmem>> -> memref<1x128xi32, #tpu.memory_space<vmem>>
        %dma_start3A_98 = tpu.memref_squeeze %dma_start3A_97 : memref<1x128xi32, #tpu.memory_space<vmem>> -> memref<128xi32, #tpu.memory_space<vmem>>
        %dma_start3A_99 = arith.constant 0 : i32
        %dma_start3A_100 = arith.constant 0 : i32
        %dma_start3A_101 = tpu.memref_slice %arg7[%dma_start3A_99, %dma_start3A_100] : memref<10112x128xf32, #tpu.memory_space<vmem_shared>> -> memref<10112x128xf32, #tpu.memory_space<vmem_shared>>
        %dma_start3A_102 = tpu.memref_slice %arg12[%dma_start3A_91] : memref<2x!tpu.dma_semaphore, #tpu.memory_space<semaphore_mem>> -> memref<1x!tpu.dma_semaphore, #tpu.memory_space<semaphore_mem>>
        %dma_start3A_103 = tpu.memref_squeeze %dma_start3A_102 : memref<1x!tpu.dma_semaphore, #tpu.memory_space<semaphore_mem>> -> memref<!tpu.dma_semaphore, #tpu.memory_space<semaphore_mem>>
        tpu.enqueue_indirect_dma source(%dma_start3A_95 : memref<128x128xf32, #tpu.memory_space<vmem>>) target(%dma_start3A_101 : memref<10112x128xf32, #tpu.memory_space<vmem_shared>>) offsets(%dma_start3A_98 : memref<128xi32, #tpu.memory_space<vmem>>) semaphore(%dma_start3A_103 : memref<!tpu.dma_semaphore, #tpu.memory_space<semaphore_mem>>) {add = true}
        %dma_wait3A_104 = arith.constant 1 : i32
        %dma_wait3A_105 = arith.constant 1 : i32
        %dma_wait3A_106 = arith.constant 0 : i32
        %dma_wait3A_107 = arith.constant 0 : i32
        %dma_wait3A_108 = tpu.memref_slice %arg8[%dma_wait3A_104, %dma_wait3A_106, %dma_wait3A_107] : memref<2x128x128xf32, #tpu.memory_space<vmem>> -> memref<1x128x128xf32, #tpu.memory_space<vmem>>
        %dma_wait3A_109 = tpu.memref_squeeze %dma_wait3A_108 : memref<1x128x128xf32, #tpu.memory_space<vmem>> -> memref<128x128xf32, #tpu.memory_space<vmem>>
        %dma_wait3A_110 = arith.constant 0 : i32
        %dma_wait3A_111 = tpu.memref_slice %arg10[%add3A_73, %dma_wait3A_110] : memref<32x128xi32, #tpu.memory_space<vmem>> -> memref<1x128xi32, #tpu.memory_space<vmem>>
        %dma_wait3A_112 = tpu.memref_squeeze %dma_wait3A_111 : memref<1x128xi32, #tpu.memory_space<vmem>> -> memref<128xi32, #tpu.memory_space<vmem>>
        %dma_wait3A_113 = arith.constant 0 : i32
        %dma_wait3A_114 = arith.constant 0 : i32
        %dma_wait3A_115 = tpu.memref_slice %arg7[%dma_wait3A_113, %dma_wait3A_114] : memref<10112x128xf32, #tpu.memory_space<vmem_shared>> -> memref<10112x128xf32, #tpu.memory_space<vmem_shared>>
        %dma_wait3A_116 = tpu.memref_slice %arg12[%dma_wait3A_105] : memref<2x!tpu.dma_semaphore, #tpu.memory_space<semaphore_mem>> -> memref<1x!tpu.dma_semaphore, #tpu.memory_space<semaphore_mem>>
        %dma_wait3A_117 = tpu.memref_squeeze %dma_wait3A_116 : memref<1x!tpu.dma_semaphore, #tpu.memory_space<semaphore_mem>> -> memref<!tpu.dma_semaphore, #tpu.memory_space<semaphore_mem>>
        tpu.wait_indirect_dma semaphore(%dma_wait3A_117 : memref<!tpu.dma_semaphore, #tpu.memory_space<semaphore_mem>>) src(%dma_wait3A_109 : memref<128x128xf32, #tpu.memory_space<vmem>>) dst(%dma_wait3A_115 : memref<10112x128xf32, #tpu.memory_space<vmem_shared>>)
        %add3A_118 = arith.constant 2 : i32
        %add3A_119 = arith.addi %add3A_73, %add3A_118 : i32
        %lt3A_120 = arith.cmpi slt, %add3A_119, %select_n3A : i32
        %convert_element_type3A_121 = arith.extui %lt3A_120 : i1 to i32
        %cond3A_122 = arith.constant 0 : i32
        %cond3A_123 = arith.cmpi ne, %convert_element_type3A_121, %cond3A_122 : i32
        scf.if %cond3A_123 {
          %add3A_124 = arith.constant 2 : i32
          %add3A_125 = arith.addi %add3A_73, %add3A_124 : i32
          %dma_start3A_126 = arith.constant 1 : i32
          %dma_start3A_127 = arith.constant 1 : i32
          %dma_start3A_128 = arith.constant 0 : i32
          %dma_start3A_129 = arith.constant 0 : i32
          %dma_start3A_130 = tpu.memref_slice %arg8[%dma_start3A_126, %dma_start3A_128, %dma_start3A_129] : memref<2x128x128xf32, #tpu.memory_space<vmem>> -> memref<1x128x128xf32, #tpu.memory_space<vmem>>
          %dma_start3A_131 = tpu.memref_squeeze %dma_start3A_130 : memref<1x128x128xf32, #tpu.memory_space<vmem>> -> memref<128x128xf32, #tpu.memory_space<vmem>>
          %dma_start3A_132 = arith.constant 0 : i32
          %dma_start3A_133 = tpu.memref_slice %arg9[%add3A_125, %dma_start3A_132] : memref<32x128xi32, #tpu.memory_space<vmem>> -> memref<1x128xi32, #tpu.memory_space<vmem>>
          %dma_start3A_134 = tpu.memref_squeeze %dma_start3A_133 : memref<1x128xi32, #tpu.memory_space<vmem>> -> memref<128xi32, #tpu.memory_space<vmem>>
          %dma_start3A_135 = arith.constant 0 : i32
          %dma_start3A_136 = arith.constant 0 : i32
          %dma_start3A_137 = tpu.memref_slice %arg2[%dma_start3A_135, %dma_start3A_136] : memref<10000x128xf32, #tpu.memory_space<hbm>> -> memref<10000x128xf32, #tpu.memory_space<hbm>>
          %dma_start3A_138 = tpu.memref_slice %arg11[%dma_start3A_127] : memref<2x!tpu.dma_semaphore, #tpu.memory_space<semaphore_mem>> -> memref<1x!tpu.dma_semaphore, #tpu.memory_space<semaphore_mem>>
          %dma_start3A_139 = tpu.memref_squeeze %dma_start3A_138 : memref<1x!tpu.dma_semaphore, #tpu.memory_space<semaphore_mem>> -> memref<!tpu.dma_semaphore, #tpu.memory_space<semaphore_mem>>
          tpu.enqueue_indirect_dma source(%dma_start3A_137 : memref<10000x128xf32, #tpu.memory_space<hbm>>) target(%dma_start3A_131 : memref<128x128xf32, #tpu.memory_space<vmem>>) offsets(%dma_start3A_134 : memref<128xi32, #tpu.memory_space<vmem>>) semaphore(%dma_start3A_139 : memref<!tpu.dma_semaphore, #tpu.memory_space<semaphore_mem>>)
        } else {
        }
      } else {
      }
    }
    %scan3A_32 = arith.constant 16 : i32
    %mul3A_33 = arith.constant 2 : i32
    %mul3A_34 = arith.muli %mul3A_33, %select_n3A : i32
    %add3A_35 = arith.addi %select_n3A_10, %mul3A_34 : i32
    %gt3A_36 = arith.constant 0 : i32
    %gt3A_37 = arith.cmpi sgt, %select_n3A, %gt3A_36 : i32
    %convert_element_type3A_38 = arith.extui %gt3A_37 : i1 to i32
    %cond3A_39 = arith.constant 0 : i32
    %cond3A_40 = arith.cmpi ne, %convert_element_type3A_38, %cond3A_39 : i32
    scf.if %cond3A_40 {
      "tpu.region"() ({
        %run_scoped3A = tpu.sem_alloc : memref<!tpu.dma_semaphore, #tpu.memory_space<semaphore_mem>>
        %dma_start3A_89 = arith.constant 0 : i32
        %dma_start3A_90 = tpu.memref_slice %arg3[%add3A_35, %dma_start3A_89] : memref<2592x128xi32, #tpu.memory_space<hbm>> -> memref<32x128xi32, #tpu.memory_space<hbm>>
        %dma_start3A_91 = arith.constant 0 : i32
        %dma_start3A_92 = tpu.memref_slice %arg3[%add3A_35, %dma_start3A_91] : memref<2592x128xi32, #tpu.memory_space<hbm>> -> memref<32x128xi32, #tpu.memory_space<hbm>>
        tpu.enqueue_dma source(%dma_start3A_92 : memref<32x128xi32, #tpu.memory_space<hbm>>) target(%arg9 : memref<32x128xi32, #tpu.memory_space<vmem>>) target_semaphore(%run_scoped3A : memref<!tpu.dma_semaphore, #tpu.memory_space<semaphore_mem>>)
        %dma_wait3A = arith.constant 0 : i32
        %dma_wait3A_93 = tpu.memref_slice %arg3[%add3A_35, %dma_wait3A] : memref<2592x128xi32, #tpu.memory_space<hbm>> -> memref<32x128xi32, #tpu.memory_space<hbm>>
        %dma_wait3A_94 = arith.constant 0 : i32
        %dma_wait3A_95 = tpu.memref_slice %arg3[%add3A_35, %dma_wait3A_94] : memref<2592x128xi32, #tpu.memory_space<hbm>> -> memref<32x128xi32, #tpu.memory_space<hbm>>
        tpu.wait_dma2 semaphore(%run_scoped3A : memref<!tpu.dma_semaphore, #tpu.memory_space<semaphore_mem>>) src(%dma_wait3A_95 : memref<32x128xi32, #tpu.memory_space<hbm>>) dst(%arg9 : memref<32x128xi32, #tpu.memory_space<vmem>>)
        tpu.yield
      }) : () -> ()
      "tpu.region"() ({
        %run_scoped3A = tpu.sem_alloc : memref<!tpu.dma_semaphore, #tpu.memory_space<semaphore_mem>>
        %dma_start3A_89 = arith.constant 0 : i32
        %dma_start3A_90 = tpu.memref_slice %arg4[%add3A_35, %dma_start3A_89] : memref<2592x128xi32, #tpu.memory_space<hbm>> -> memref<32x128xi32, #tpu.memory_space<hbm>>
        %dma_start3A_91 = arith.constant 0 : i32
        %dma_start3A_92 = tpu.memref_slice %arg4[%add3A_35, %dma_start3A_91] : memref<2592x128xi32, #tpu.memory_space<hbm>> -> memref<32x128xi32, #tpu.memory_space<hbm>>
        tpu.enqueue_dma source(%dma_start3A_92 : memref<32x128xi32, #tpu.memory_space<hbm>>) target(%arg10 : memref<32x128xi32, #tpu.memory_space<vmem>>) target_semaphore(%run_scoped3A : memref<!tpu.dma_semaphore, #tpu.memory_space<semaphore_mem>>)
        %dma_wait3A = arith.constant 0 : i32
        %dma_wait3A_93 = tpu.memref_slice %arg4[%add3A_35, %dma_wait3A] : memref<2592x128xi32, #tpu.memory_space<hbm>> -> memref<32x128xi32, #tpu.memory_space<hbm>>
        %dma_wait3A_94 = arith.constant 0 : i32
        %dma_wait3A_95 = tpu.memref_slice %arg4[%add3A_35, %dma_wait3A_94] : memref<2592x128xi32, #tpu.memory_space<hbm>> -> memref<32x128xi32, #tpu.memory_space<hbm>>
        tpu.wait_dma2 semaphore(%run_scoped3A : memref<!tpu.dma_semaphore, #tpu.memory_space<semaphore_mem>>) src(%dma_wait3A_95 : memref<32x128xi32, #tpu.memory_space<hbm>>) dst(%arg10 : memref<32x128xi32, #tpu.memory_space<vmem>>)
        tpu.yield
      }) : () -> ()
      %dma_start3A = arith.constant 0 : i32
      %dma_start3A_60 = arith.constant 0 : i32
      %dma_start3A_61 = arith.constant 0 : i32
      %dma_start3A_62 = arith.constant 0 : i32
      %dma_start3A_63 = arith.constant 0 : i32
      %dma_start3A_64 = tpu.memref_slice %arg8[%dma_start3A_60, %dma_start3A_62, %dma_start3A_63] : memref<2x128x128xf32, #tpu.memory_space<vmem>> -> memref<1x128x128xf32, #tpu.memory_space<vmem>>
      %dma_start3A_65 = tpu.memref_squeeze %dma_start3A_64 : memref<1x128x128xf32, #tpu.memory_space<vmem>> -> memref<128x128xf32, #tpu.memory_space<vmem>>
      %dma_start3A_66 = arith.constant 0 : i32
      %dma_start3A_67 = tpu.memref_slice %arg9[%dma_start3A, %dma_start3A_66] : memref<32x128xi32, #tpu.memory_space<vmem>> -> memref<1x128xi32, #tpu.memory_space<vmem>>
      %dma_start3A_68 = tpu.memref_squeeze %dma_start3A_67 : memref<1x128xi32, #tpu.memory_space<vmem>> -> memref<128xi32, #tpu.memory_space<vmem>>
      %dma_start3A_69 = arith.constant 0 : i32
      %dma_start3A_70 = arith.constant 0 : i32
      %dma_start3A_71 = tpu.memref_slice %arg2[%dma_start3A_69, %dma_start3A_70] : memref<10000x128xf32, #tpu.memory_space<hbm>> -> memref<10000x128xf32, #tpu.memory_space<hbm>>
      %dma_start3A_72 = tpu.memref_slice %arg11[%dma_start3A_61] : memref<2x!tpu.dma_semaphore, #tpu.memory_space<semaphore_mem>> -> memref<1x!tpu.dma_semaphore, #tpu.memory_space<semaphore_mem>>
      %dma_start3A_73 = tpu.memref_squeeze %dma_start3A_72 : memref<1x!tpu.dma_semaphore, #tpu.memory_space<semaphore_mem>> -> memref<!tpu.dma_semaphore, #tpu.memory_space<semaphore_mem>>
      tpu.enqueue_indirect_dma source(%dma_start3A_71 : memref<10000x128xf32, #tpu.memory_space<hbm>>) target(%dma_start3A_65 : memref<128x128xf32, #tpu.memory_space<vmem>>) offsets(%dma_start3A_68 : memref<128xi32, #tpu.memory_space<vmem>>) semaphore(%dma_start3A_73 : memref<!tpu.dma_semaphore, #tpu.memory_space<semaphore_mem>>)
      %dma_start3A_74 = arith.constant 1 : i32
      %dma_start3A_75 = arith.constant 1 : i32
      %dma_start3A_76 = arith.constant 1 : i32
      %dma_start3A_77 = arith.constant 0 : i32
      %dma_start3A_78 = arith.constant 0 : i32
      %dma_start3A_79 = tpu.memref_slice %arg8[%dma_start3A_75, %dma_start3A_77, %dma_start3A_78] : memref<2x128x128xf32, #tpu.memory_space<vmem>> -> memref<1x128x128xf32, #tpu.memory_space<vmem>>
      %dma_start3A_80 = tpu.memref_squeeze %dma_start3A_79 : memref<1x128x128xf32, #tpu.memory_space<vmem>> -> memref<128x128xf32, #tpu.memory_space<vmem>>
      %dma_start3A_81 = arith.constant 0 : i32
      %dma_start3A_82 = tpu.memref_slice %arg9[%dma_start3A_74, %dma_start3A_81] : memref<32x128xi32, #tpu.memory_space<vmem>> -> memref<1x128xi32, #tpu.memory_space<vmem>>
      %dma_start3A_83 = tpu.memref_squeeze %dma_start3A_82 : memref<1x128xi32, #tpu.memory_space<vmem>> -> memref<128xi32, #tpu.memory_space<vmem>>
      %dma_start3A_84 = arith.constant 0 : i32
      %dma_start3A_85 = arith.constant 0 : i32
      %dma_start3A_86 = tpu.memref_slice %arg2[%dma_start3A_84, %dma_start3A_85] : memref<10000x128xf32, #tpu.memory_space<hbm>> -> memref<10000x128xf32, #tpu.memory_space<hbm>>
      %dma_start3A_87 = tpu.memref_slice %arg11[%dma_start3A_76] : memref<2x!tpu.dma_semaphore, #tpu.memory_space<semaphore_mem>> -> memref<1x!tpu.dma_semaphore, #tpu.memory_space<semaphore_mem>>
      %dma_start3A_88 = tpu.memref_squeeze %dma_start3A_87 : memref<1x!tpu.dma_semaphore, #tpu.memory_space<semaphore_mem>> -> memref<!tpu.dma_semaphore, #tpu.memory_space<semaphore_mem>>
      tpu.enqueue_indirect_dma source(%dma_start3A_86 : memref<10000x128xf32, #tpu.memory_space<hbm>>) target(%dma_start3A_80 : memref<128x128xf32, #tpu.memory_space<vmem>>) offsets(%dma_start3A_83 : memref<128xi32, #tpu.memory_space<vmem>>) semaphore(%dma_start3A_88 : memref<!tpu.dma_semaphore, #tpu.memory_space<semaphore_mem>>)
    } else {
    }
    %scan3A_41 = arith.constant 0 : i32
    %scan3A_42 = arith.constant 16 : i32
    %scan3A_43 = arith.addi %scan3A_41, %scan3A_42 : i32
    %scan3A_44 = arith.constant 1 : i32
    scf.for %scan3A_60 = %scan3A_41 to %scan3A_43 step %scan3A_44  : i32 {
      %mul3A_61 = arith.constant 1 : i32
      %mul3A_62 = arith.muli %scan3A_60, %mul3A_61 : i32
      %add3A_63 = arith.constant 0 : i32
      %add3A_64 = arith.addi %add3A_63, %mul3A_62 : i32
      %mul3A_65 = arith.constant 2 : i32
      %mul3A_66 = arith.muli %add3A_64, %mul3A_65 : i32
      %add3A_67 = arith.constant 0 : i32
      %add3A_68 = arith.addi %mul3A_66, %add3A_67 : i32
      %lt3A = arith.cmpi slt, %add3A_68, %select_n3A : i32
      %convert_element_type3A_69 = arith.extui %lt3A : i1 to i32
      %cond3A_70 = arith.constant 0 : i32
      %cond3A_71 = arith.cmpi ne, %convert_element_type3A_69, %cond3A_70 : i32
      scf.if %cond3A_71 {
        %dma_wait3A = arith.constant 0 : i32
        %dma_wait3A_78 = arith.constant 0 : i32
        %dma_wait3A_79 = arith.constant 0 : i32
        %dma_wait3A_80 = arith.constant 0 : i32
        %dma_wait3A_81 = tpu.memref_slice %arg8[%dma_wait3A, %dma_wait3A_79, %dma_wait3A_80] : memref<2x128x128xf32, #tpu.memory_space<vmem>> -> memref<1x128x128xf32, #tpu.memory_space<vmem>>
        %dma_wait3A_82 = tpu.memref_squeeze %dma_wait3A_81 : memref<1x128x128xf32, #tpu.memory_space<vmem>> -> memref<128x128xf32, #tpu.memory_space<vmem>>
        %dma_wait3A_83 = arith.constant 0 : i32
        %dma_wait3A_84 = tpu.memref_slice %arg9[%add3A_68, %dma_wait3A_83] : memref<32x128xi32, #tpu.memory_space<vmem>> -> memref<1x128xi32, #tpu.memory_space<vmem>>
        %dma_wait3A_85 = tpu.memref_squeeze %dma_wait3A_84 : memref<1x128xi32, #tpu.memory_space<vmem>> -> memref<128xi32, #tpu.memory_space<vmem>>
        %dma_wait3A_86 = arith.constant 0 : i32
        %dma_wait3A_87 = arith.constant 0 : i32
        %dma_wait3A_88 = tpu.memref_slice %arg2[%dma_wait3A_86, %dma_wait3A_87] : memref<10000x128xf32, #tpu.memory_space<hbm>> -> memref<10000x128xf32, #tpu.memory_space<hbm>>
        %dma_wait3A_89 = tpu.memref_slice %arg11[%dma_wait3A_78] : memref<2x!tpu.dma_semaphore, #tpu.memory_space<semaphore_mem>> -> memref<1x!tpu.dma_semaphore, #tpu.memory_space<semaphore_mem>>
        %dma_wait3A_90 = tpu.memref_squeeze %dma_wait3A_89 : memref<1x!tpu.dma_semaphore, #tpu.memory_space<semaphore_mem>> -> memref<!tpu.dma_semaphore, #tpu.memory_space<semaphore_mem>>
        tpu.wait_indirect_dma semaphore(%dma_wait3A_90 : memref<!tpu.dma_semaphore, #tpu.memory_space<semaphore_mem>>) src(%dma_wait3A_88 : memref<10000x128xf32, #tpu.memory_space<hbm>>) dst(%dma_wait3A_82 : memref<128x128xf32, #tpu.memory_space<vmem>>)
        %dma_start3A = arith.constant 0 : i32
        %dma_start3A_91 = arith.constant 0 : i32
        %dma_start3A_92 = arith.constant 0 : i32
        %dma_start3A_93 = arith.constant 0 : i32
        %dma_start3A_94 = tpu.memref_slice %arg8[%dma_start3A, %dma_start3A_92, %dma_start3A_93] : memref<2x128x128xf32, #tpu.memory_space<vmem>> -> memref<1x128x128xf32, #tpu.memory_space<vmem>>
        %dma_start3A_95 = tpu.memref_squeeze %dma_start3A_94 : memref<1x128x128xf32, #tpu.memory_space<vmem>> -> memref<128x128xf32, #tpu.memory_space<vmem>>
        %dma_start3A_96 = arith.constant 0 : i32
        %dma_start3A_97 = tpu.memref_slice %arg10[%add3A_68, %dma_start3A_96] : memref<32x128xi32, #tpu.memory_space<vmem>> -> memref<1x128xi32, #tpu.memory_space<vmem>>
        %dma_start3A_98 = tpu.memref_squeeze %dma_start3A_97 : memref<1x128xi32, #tpu.memory_space<vmem>> -> memref<128xi32, #tpu.memory_space<vmem>>
        %dma_start3A_99 = arith.constant 0 : i32
        %dma_start3A_100 = arith.constant 0 : i32
        %dma_start3A_101 = tpu.memref_slice %arg7[%dma_start3A_99, %dma_start3A_100] : memref<10112x128xf32, #tpu.memory_space<vmem_shared>> -> memref<10112x128xf32, #tpu.memory_space<vmem_shared>>
        %dma_start3A_102 = tpu.memref_slice %arg12[%dma_start3A_91] : memref<2x!tpu.dma_semaphore, #tpu.memory_space<semaphore_mem>> -> memref<1x!tpu.dma_semaphore, #tpu.memory_space<semaphore_mem>>
        %dma_start3A_103 = tpu.memref_squeeze %dma_start3A_102 : memref<1x!tpu.dma_semaphore, #tpu.memory_space<semaphore_mem>> -> memref<!tpu.dma_semaphore, #tpu.memory_space<semaphore_mem>>
        tpu.enqueue_indirect_dma source(%dma_start3A_95 : memref<128x128xf32, #tpu.memory_space<vmem>>) target(%dma_start3A_101 : memref<10112x128xf32, #tpu.memory_space<vmem_shared>>) offsets(%dma_start3A_98 : memref<128xi32, #tpu.memory_space<vmem>>) semaphore(%dma_start3A_103 : memref<!tpu.dma_semaphore, #tpu.memory_space<semaphore_mem>>) {add = true}
        %dma_wait3A_104 = arith.constant 0 : i32
        %dma_wait3A_105 = arith.constant 0 : i32
        %dma_wait3A_106 = arith.constant 0 : i32
        %dma_wait3A_107 = arith.constant 0 : i32
        %dma_wait3A_108 = tpu.memref_slice %arg8[%dma_wait3A_104, %dma_wait3A_106, %dma_wait3A_107] : memref<2x128x128xf32, #tpu.memory_space<vmem>> -> memref<1x128x128xf32, #tpu.memory_space<vmem>>
        %dma_wait3A_109 = tpu.memref_squeeze %dma_wait3A_108 : memref<1x128x128xf32, #tpu.memory_space<vmem>> -> memref<128x128xf32, #tpu.memory_space<vmem>>
        %dma_wait3A_110 = arith.constant 0 : i32
        %dma_wait3A_111 = tpu.memref_slice %arg10[%add3A_68, %dma_wait3A_110] : memref<32x128xi32, #tpu.memory_space<vmem>> -> memref<1x128xi32, #tpu.memory_space<vmem>>
        %dma_wait3A_112 = tpu.memref_squeeze %dma_wait3A_111 : memref<1x128xi32, #tpu.memory_space<vmem>> -> memref<128xi32, #tpu.memory_space<vmem>>
        %dma_wait3A_113 = arith.constant 0 : i32
        %dma_wait3A_114 = arith.constant 0 : i32
        %dma_wait3A_115 = tpu.memref_slice %arg7[%dma_wait3A_113, %dma_wait3A_114] : memref<10112x128xf32, #tpu.memory_space<vmem_shared>> -> memref<10112x128xf32, #tpu.memory_space<vmem_shared>>
        %dma_wait3A_116 = tpu.memref_slice %arg12[%dma_wait3A_105] : memref<2x!tpu.dma_semaphore, #tpu.memory_space<semaphore_mem>> -> memref<1x!tpu.dma_semaphore, #tpu.memory_space<semaphore_mem>>
        %dma_wait3A_117 = tpu.memref_squeeze %dma_wait3A_116 : memref<1x!tpu.dma_semaphore, #tpu.memory_space<semaphore_mem>> -> memref<!tpu.dma_semaphore, #tpu.memory_space<semaphore_mem>>
        tpu.wait_indirect_dma semaphore(%dma_wait3A_117 : memref<!tpu.dma_semaphore, #tpu.memory_space<semaphore_mem>>) src(%dma_wait3A_109 : memref<128x128xf32, #tpu.memory_space<vmem>>) dst(%dma_wait3A_115 : memref<10112x128xf32, #tpu.memory_space<vmem_shared>>)
        %add3A_118 = arith.constant 2 : i32
        %add3A_119 = arith.addi %add3A_68, %add3A_118 : i32
        %lt3A_120 = arith.cmpi slt, %add3A_119, %select_n3A : i32
        %convert_element_type3A_121 = arith.extui %lt3A_120 : i1 to i32
        %cond3A_122 = arith.constant 0 : i32
        %cond3A_123 = arith.cmpi ne, %convert_element_type3A_121, %cond3A_122 : i32
        scf.if %cond3A_123 {
          %add3A_124 = arith.constant 2 : i32
          %add3A_125 = arith.addi %add3A_68, %add3A_124 : i32
          %dma_start3A_126 = arith.constant 0 : i32
          %dma_start3A_127 = arith.constant 0 : i32
          %dma_start3A_128 = arith.constant 0 : i32
          %dma_start3A_129 = arith.constant 0 : i32
          %dma_start3A_130 = tpu.memref_slice %arg8[%dma_start3A_126, %dma_start3A_128, %dma_start3A_129] : memref<2x128x128xf32, #tpu.memory_space<vmem>> -> memref<1x128x128xf32, #tpu.memory_space<vmem>>
          %dma_start3A_131 = tpu.memref_squeeze %dma_start3A_130 : memref<1x128x128xf32, #tpu.memory_space<vmem>> -> memref<128x128xf32, #tpu.memory_space<vmem>>
          %dma_start3A_132 = arith.constant 0 : i32
          %dma_start3A_133 = tpu.memref_slice %arg9[%add3A_125, %dma_start3A_132] : memref<32x128xi32, #tpu.memory_space<vmem>> -> memref<1x128xi32, #tpu.memory_space<vmem>>
          %dma_start3A_134 = tpu.memref_squeeze %dma_start3A_133 : memref<1x128xi32, #tpu.memory_space<vmem>> -> memref<128xi32, #tpu.memory_space<vmem>>
          %dma_start3A_135 = arith.constant 0 : i32
          %dma_start3A_136 = arith.constant 0 : i32
          %dma_start3A_137 = tpu.memref_slice %arg2[%dma_start3A_135, %dma_start3A_136] : memref<10000x128xf32, #tpu.memory_space<hbm>> -> memref<10000x128xf32, #tpu.memory_space<hbm>>
          %dma_start3A_138 = tpu.memref_slice %arg11[%dma_start3A_127] : memref<2x!tpu.dma_semaphore, #tpu.memory_space<semaphore_mem>> -> memref<1x!tpu.dma_semaphore, #tpu.memory_space<semaphore_mem>>
          %dma_start3A_139 = tpu.memref_squeeze %dma_start3A_138 : memref<1x!tpu.dma_semaphore, #tpu.memory_space<semaphore_mem>> -> memref<!tpu.dma_semaphore, #tpu.memory_space<semaphore_mem>>
          tpu.enqueue_indirect_dma source(%dma_start3A_137 : memref<10000x128xf32, #tpu.memory_space<hbm>>) target(%dma_start3A_131 : memref<128x128xf32, #tpu.memory_space<vmem>>) offsets(%dma_start3A_134 : memref<128xi32, #tpu.memory_space<vmem>>) semaphore(%dma_start3A_139 : memref<!tpu.dma_semaphore, #tpu.memory_space<semaphore_mem>>)
        } else {
        }
      } else {
      }
      %add3A_72 = arith.constant 1 : i32
      %add3A_73 = arith.addi %mul3A_66, %add3A_72 : i32
      %lt3A_74 = arith.cmpi slt, %add3A_73, %select_n3A : i32
      %convert_element_type3A_75 = arith.extui %lt3A_74 : i1 to i32
      %cond3A_76 = arith.constant 0 : i32
      %cond3A_77 = arith.cmpi ne, %convert_element_type3A_75, %cond3A_76 : i32
      scf.if %cond3A_77 {
        %dma_wait3A = arith.constant 1 : i32
        %dma_wait3A_78 = arith.constant 1 : i32
        %dma_wait3A_79 = arith.constant 0 : i32
        %dma_wait3A_80 = arith.constant 0 : i32
        %dma_wait3A_81 = tpu.memref_slice %arg8[%dma_wait3A, %dma_wait3A_79, %dma_wait3A_80] : memref<2x128x128xf32, #tpu.memory_space<vmem>> -> memref<1x128x128xf32, #tpu.memory_space<vmem>>
        %dma_wait3A_82 = tpu.memref_squeeze %dma_wait3A_81 : memref<1x128x128xf32, #tpu.memory_space<vmem>> -> memref<128x128xf32, #tpu.memory_space<vmem>>
        %dma_wait3A_83 = arith.constant 0 : i32
        %dma_wait3A_84 = tpu.memref_slice %arg9[%add3A_73, %dma_wait3A_83] : memref<32x128xi32, #tpu.memory_space<vmem>> -> memref<1x128xi32, #tpu.memory_space<vmem>>
        %dma_wait3A_85 = tpu.memref_squeeze %dma_wait3A_84 : memref<1x128xi32, #tpu.memory_space<vmem>> -> memref<128xi32, #tpu.memory_space<vmem>>
        %dma_wait3A_86 = arith.constant 0 : i32
        %dma_wait3A_87 = arith.constant 0 : i32
        %dma_wait3A_88 = tpu.memref_slice %arg2[%dma_wait3A_86, %dma_wait3A_87] : memref<10000x128xf32, #tpu.memory_space<hbm>> -> memref<10000x128xf32, #tpu.memory_space<hbm>>
        %dma_wait3A_89 = tpu.memref_slice %arg11[%dma_wait3A_78] : memref<2x!tpu.dma_semaphore, #tpu.memory_space<semaphore_mem>> -> memref<1x!tpu.dma_semaphore, #tpu.memory_space<semaphore_mem>>
        %dma_wait3A_90 = tpu.memref_squeeze %dma_wait3A_89 : memref<1x!tpu.dma_semaphore, #tpu.memory_space<semaphore_mem>> -> memref<!tpu.dma_semaphore, #tpu.memory_space<semaphore_mem>>
        tpu.wait_indirect_dma semaphore(%dma_wait3A_90 : memref<!tpu.dma_semaphore, #tpu.memory_space<semaphore_mem>>) src(%dma_wait3A_88 : memref<10000x128xf32, #tpu.memory_space<hbm>>) dst(%dma_wait3A_82 : memref<128x128xf32, #tpu.memory_space<vmem>>)
        %dma_start3A = arith.constant 1 : i32
        %dma_start3A_91 = arith.constant 1 : i32
        %dma_start3A_92 = arith.constant 0 : i32
        %dma_start3A_93 = arith.constant 0 : i32
        %dma_start3A_94 = tpu.memref_slice %arg8[%dma_start3A, %dma_start3A_92, %dma_start3A_93] : memref<2x128x128xf32, #tpu.memory_space<vmem>> -> memref<1x128x128xf32, #tpu.memory_space<vmem>>
        %dma_start3A_95 = tpu.memref_squeeze %dma_start3A_94 : memref<1x128x128xf32, #tpu.memory_space<vmem>> -> memref<128x128xf32, #tpu.memory_space<vmem>>
        %dma_start3A_96 = arith.constant 0 : i32
        %dma_start3A_97 = tpu.memref_slice %arg10[%add3A_73, %dma_start3A_96] : memref<32x128xi32, #tpu.memory_space<vmem>> -> memref<1x128xi32, #tpu.memory_space<vmem>>
        %dma_start3A_98 = tpu.memref_squeeze %dma_start3A_97 : memref<1x128xi32, #tpu.memory_space<vmem>> -> memref<128xi32, #tpu.memory_space<vmem>>
        %dma_start3A_99 = arith.constant 0 : i32
        %dma_start3A_100 = arith.constant 0 : i32
        %dma_start3A_101 = tpu.memref_slice %arg7[%dma_start3A_99, %dma_start3A_100] : memref<10112x128xf32, #tpu.memory_space<vmem_shared>> -> memref<10112x128xf32, #tpu.memory_space<vmem_shared>>
        %dma_start3A_102 = tpu.memref_slice %arg12[%dma_start3A_91] : memref<2x!tpu.dma_semaphore, #tpu.memory_space<semaphore_mem>> -> memref<1x!tpu.dma_semaphore, #tpu.memory_space<semaphore_mem>>
        %dma_start3A_103 = tpu.memref_squeeze %dma_start3A_102 : memref<1x!tpu.dma_semaphore, #tpu.memory_space<semaphore_mem>> -> memref<!tpu.dma_semaphore, #tpu.memory_space<semaphore_mem>>
        tpu.enqueue_indirect_dma source(%dma_start3A_95 : memref<128x128xf32, #tpu.memory_space<vmem>>) target(%dma_start3A_101 : memref<10112x128xf32, #tpu.memory_space<vmem_shared>>) offsets(%dma_start3A_98 : memref<128xi32, #tpu.memory_space<vmem>>) semaphore(%dma_start3A_103 : memref<!tpu.dma_semaphore, #tpu.memory_space<semaphore_mem>>) {add = true}
        %dma_wait3A_104 = arith.constant 1 : i32
        %dma_wait3A_105 = arith.constant 1 : i32
        %dma_wait3A_106 = arith.constant 0 : i32
        %dma_wait3A_107 = arith.constant 0 : i32
        %dma_wait3A_108 = tpu.memref_slice %arg8[%dma_wait3A_104, %dma_wait3A_106, %dma_wait3A_107] : memref<2x128x128xf32, #tpu.memory_space<vmem>> -> memref<1x128x128xf32, #tpu.memory_space<vmem>>
        %dma_wait3A_109 = tpu.memref_squeeze %dma_wait3A_108 : memref<1x128x128xf32, #tpu.memory_space<vmem>> -> memref<128x128xf32, #tpu.memory_space<vmem>>
        %dma_wait3A_110 = arith.constant 0 : i32
        %dma_wait3A_111 = tpu.memref_slice %arg10[%add3A_73, %dma_wait3A_110] : memref<32x128xi32, #tpu.memory_space<vmem>> -> memref<1x128xi32, #tpu.memory_space<vmem>>
        %dma_wait3A_112 = tpu.memref_squeeze %dma_wait3A_111 : memref<1x128xi32, #tpu.memory_space<vmem>> -> memref<128xi32, #tpu.memory_space<vmem>>
        %dma_wait3A_113 = arith.constant 0 : i32
        %dma_wait3A_114 = arith.constant 0 : i32
        %dma_wait3A_115 = tpu.memref_slice %arg7[%dma_wait3A_113, %dma_wait3A_114] : memref<10112x128xf32, #tpu.memory_space<vmem_shared>> -> memref<10112x128xf32, #tpu.memory_space<vmem_shared>>
        %dma_wait3A_116 = tpu.memref_slice %arg12[%dma_wait3A_105] : memref<2x!tpu.dma_semaphore, #tpu.memory_space<semaphore_mem>> -> memref<1x!tpu.dma_semaphore, #tpu.memory_space<semaphore_mem>>
        %dma_wait3A_117 = tpu.memref_squeeze %dma_wait3A_116 : memref<1x!tpu.dma_semaphore, #tpu.memory_space<semaphore_mem>> -> memref<!tpu.dma_semaphore, #tpu.memory_space<semaphore_mem>>
        tpu.wait_indirect_dma semaphore(%dma_wait3A_117 : memref<!tpu.dma_semaphore, #tpu.memory_space<semaphore_mem>>) src(%dma_wait3A_109 : memref<128x128xf32, #tpu.memory_space<vmem>>) dst(%dma_wait3A_115 : memref<10112x128xf32, #tpu.memory_space<vmem_shared>>)
        %add3A_118 = arith.constant 2 : i32
        %add3A_119 = arith.addi %add3A_73, %add3A_118 : i32
        %lt3A_120 = arith.cmpi slt, %add3A_119, %select_n3A : i32
        %convert_element_type3A_121 = arith.extui %lt3A_120 : i1 to i32
        %cond3A_122 = arith.constant 0 : i32
        %cond3A_123 = arith.cmpi ne, %convert_element_type3A_121, %cond3A_122 : i32
        scf.if %cond3A_123 {
          %add3A_124 = arith.constant 2 : i32
          %add3A_125 = arith.addi %add3A_73, %add3A_124 : i32
          %dma_start3A_126 = arith.constant 1 : i32
          %dma_start3A_127 = arith.constant 1 : i32
          %dma_start3A_128 = arith.constant 0 : i32
          %dma_start3A_129 = arith.constant 0 : i32
          %dma_start3A_130 = tpu.memref_slice %arg8[%dma_start3A_126, %dma_start3A_128, %dma_start3A_129] : memref<2x128x128xf32, #tpu.memory_space<vmem>> -> memref<1x128x128xf32, #tpu.memory_space<vmem>>
          %dma_start3A_131 = tpu.memref_squeeze %dma_start3A_130 : memref<1x128x128xf32, #tpu.memory_space<vmem>> -> memref<128x128xf32, #tpu.memory_space<vmem>>
          %dma_start3A_132 = arith.constant 0 : i32
          %dma_start3A_133 = tpu.memref_slice %arg9[%add3A_125, %dma_start3A_132] : memref<32x128xi32, #tpu.memory_space<vmem>> -> memref<1x128xi32, #tpu.memory_space<vmem>>
          %dma_start3A_134 = tpu.memref_squeeze %dma_start3A_133 : memref<1x128xi32, #tpu.memory_space<vmem>> -> memref<128xi32, #tpu.memory_space<vmem>>
          %dma_start3A_135 = arith.constant 0 : i32
          %dma_start3A_136 = arith.constant 0 : i32
          %dma_start3A_137 = tpu.memref_slice %arg2[%dma_start3A_135, %dma_start3A_136] : memref<10000x128xf32, #tpu.memory_space<hbm>> -> memref<10000x128xf32, #tpu.memory_space<hbm>>
          %dma_start3A_138 = tpu.memref_slice %arg11[%dma_start3A_127] : memref<2x!tpu.dma_semaphore, #tpu.memory_space<semaphore_mem>> -> memref<1x!tpu.dma_semaphore, #tpu.memory_space<semaphore_mem>>
          %dma_start3A_139 = tpu.memref_squeeze %dma_start3A_138 : memref<1x!tpu.dma_semaphore, #tpu.memory_space<semaphore_mem>> -> memref<!tpu.dma_semaphore, #tpu.memory_space<semaphore_mem>>
          tpu.enqueue_indirect_dma source(%dma_start3A_137 : memref<10000x128xf32, #tpu.memory_space<hbm>>) target(%dma_start3A_131 : memref<128x128xf32, #tpu.memory_space<vmem>>) offsets(%dma_start3A_134 : memref<128xi32, #tpu.memory_space<vmem>>) semaphore(%dma_start3A_139 : memref<!tpu.dma_semaphore, #tpu.memory_space<semaphore_mem>>)
        } else {
        }
      } else {
      }
    }
    %scan3A_45 = arith.constant 16 : i32
    %mul3A_46 = arith.constant 3 : i32
    %mul3A_47 = arith.muli %mul3A_46, %select_n3A : i32
    %add3A_48 = arith.addi %select_n3A_10, %mul3A_47 : i32
    %gt3A_49 = arith.constant 0 : i32
    %gt3A_50 = arith.cmpi sgt, %select_n3A, %gt3A_49 : i32
    %convert_element_type3A_51 = arith.extui %gt3A_50 : i1 to i32
    %cond3A_52 = arith.constant 0 : i32
    %cond3A_53 = arith.cmpi ne, %convert_element_type3A_51, %cond3A_52 : i32
    scf.if %cond3A_53 {
      "tpu.region"() ({
        %run_scoped3A = tpu.sem_alloc : memref<!tpu.dma_semaphore, #tpu.memory_space<semaphore_mem>>
        %dma_start3A_89 = arith.constant 0 : i32
        %dma_start3A_90 = tpu.memref_slice %arg3[%add3A_48, %dma_start3A_89] : memref<2592x128xi32, #tpu.memory_space<hbm>> -> memref<32x128xi32, #tpu.memory_space<hbm>>
        %dma_start3A_91 = arith.constant 0 : i32
        %dma_start3A_92 = tpu.memref_slice %arg3[%add3A_48, %dma_start3A_91] : memref<2592x128xi32, #tpu.memory_space<hbm>> -> memref<32x128xi32, #tpu.memory_space<hbm>>
        tpu.enqueue_dma source(%dma_start3A_92 : memref<32x128xi32, #tpu.memory_space<hbm>>) target(%arg9 : memref<32x128xi32, #tpu.memory_space<vmem>>) target_semaphore(%run_scoped3A : memref<!tpu.dma_semaphore, #tpu.memory_space<semaphore_mem>>)
        %dma_wait3A = arith.constant 0 : i32
        %dma_wait3A_93 = tpu.memref_slice %arg3[%add3A_48, %dma_wait3A] : memref<2592x128xi32, #tpu.memory_space<hbm>> -> memref<32x128xi32, #tpu.memory_space<hbm>>
        %dma_wait3A_94 = arith.constant 0 : i32
        %dma_wait3A_95 = tpu.memref_slice %arg3[%add3A_48, %dma_wait3A_94] : memref<2592x128xi32, #tpu.memory_space<hbm>> -> memref<32x128xi32, #tpu.memory_space<hbm>>
        tpu.wait_dma2 semaphore(%run_scoped3A : memref<!tpu.dma_semaphore, #tpu.memory_space<semaphore_mem>>) src(%dma_wait3A_95 : memref<32x128xi32, #tpu.memory_space<hbm>>) dst(%arg9 : memref<32x128xi32, #tpu.memory_space<vmem>>)
        tpu.yield
      }) : () -> ()
      "tpu.region"() ({
        %run_scoped3A = tpu.sem_alloc : memref<!tpu.dma_semaphore, #tpu.memory_space<semaphore_mem>>
        %dma_start3A_89 = arith.constant 0 : i32
        %dma_start3A_90 = tpu.memref_slice %arg4[%add3A_48, %dma_start3A_89] : memref<2592x128xi32, #tpu.memory_space<hbm>> -> memref<32x128xi32, #tpu.memory_space<hbm>>
        %dma_start3A_91 = arith.constant 0 : i32
        %dma_start3A_92 = tpu.memref_slice %arg4[%add3A_48, %dma_start3A_91] : memref<2592x128xi32, #tpu.memory_space<hbm>> -> memref<32x128xi32, #tpu.memory_space<hbm>>
        tpu.enqueue_dma source(%dma_start3A_92 : memref<32x128xi32, #tpu.memory_space<hbm>>) target(%arg10 : memref<32x128xi32, #tpu.memory_space<vmem>>) target_semaphore(%run_scoped3A : memref<!tpu.dma_semaphore, #tpu.memory_space<semaphore_mem>>)
        %dma_wait3A = arith.constant 0 : i32
        %dma_wait3A_93 = tpu.memref_slice %arg4[%add3A_48, %dma_wait3A] : memref<2592x128xi32, #tpu.memory_space<hbm>> -> memref<32x128xi32, #tpu.memory_space<hbm>>
        %dma_wait3A_94 = arith.constant 0 : i32
        %dma_wait3A_95 = tpu.memref_slice %arg4[%add3A_48, %dma_wait3A_94] : memref<2592x128xi32, #tpu.memory_space<hbm>> -> memref<32x128xi32, #tpu.memory_space<hbm>>
        tpu.wait_dma2 semaphore(%run_scoped3A : memref<!tpu.dma_semaphore, #tpu.memory_space<semaphore_mem>>) src(%dma_wait3A_95 : memref<32x128xi32, #tpu.memory_space<hbm>>) dst(%arg10 : memref<32x128xi32, #tpu.memory_space<vmem>>)
        tpu.yield
      }) : () -> ()
      %dma_start3A = arith.constant 0 : i32
      %dma_start3A_60 = arith.constant 0 : i32
      %dma_start3A_61 = arith.constant 0 : i32
      %dma_start3A_62 = arith.constant 0 : i32
      %dma_start3A_63 = arith.constant 0 : i32
      %dma_start3A_64 = tpu.memref_slice %arg8[%dma_start3A_60, %dma_start3A_62, %dma_start3A_63] : memref<2x128x128xf32, #tpu.memory_space<vmem>> -> memref<1x128x128xf32, #tpu.memory_space<vmem>>
      %dma_start3A_65 = tpu.memref_squeeze %dma_start3A_64 : memref<1x128x128xf32, #tpu.memory_space<vmem>> -> memref<128x128xf32, #tpu.memory_space<vmem>>
      %dma_start3A_66 = arith.constant 0 : i32
      %dma_start3A_67 = tpu.memref_slice %arg9[%dma_start3A, %dma_start3A_66] : memref<32x128xi32, #tpu.memory_space<vmem>> -> memref<1x128xi32, #tpu.memory_space<vmem>>
      %dma_start3A_68 = tpu.memref_squeeze %dma_start3A_67 : memref<1x128xi32, #tpu.memory_space<vmem>> -> memref<128xi32, #tpu.memory_space<vmem>>
      %dma_start3A_69 = arith.constant 0 : i32
      %dma_start3A_70 = arith.constant 0 : i32
      %dma_start3A_71 = tpu.memref_slice %arg2[%dma_start3A_69, %dma_start3A_70] : memref<10000x128xf32, #tpu.memory_space<hbm>> -> memref<10000x128xf32, #tpu.memory_space<hbm>>
      %dma_start3A_72 = tpu.memref_slice %arg11[%dma_start3A_61] : memref<2x!tpu.dma_semaphore, #tpu.memory_space<semaphore_mem>> -> memref<1x!tpu.dma_semaphore, #tpu.memory_space<semaphore_mem>>
      %dma_start3A_73 = tpu.memref_squeeze %dma_start3A_72 : memref<1x!tpu.dma_semaphore, #tpu.memory_space<semaphore_mem>> -> memref<!tpu.dma_semaphore, #tpu.memory_space<semaphore_mem>>
      tpu.enqueue_indirect_dma source(%dma_start3A_71 : memref<10000x128xf32, #tpu.memory_space<hbm>>) target(%dma_start3A_65 : memref<128x128xf32, #tpu.memory_space<vmem>>) offsets(%dma_start3A_68 : memref<128xi32, #tpu.memory_space<vmem>>) semaphore(%dma_start3A_73 : memref<!tpu.dma_semaphore, #tpu.memory_space<semaphore_mem>>)
      %dma_start3A_74 = arith.constant 1 : i32
      %dma_start3A_75 = arith.constant 1 : i32
      %dma_start3A_76 = arith.constant 1 : i32
      %dma_start3A_77 = arith.constant 0 : i32
      %dma_start3A_78 = arith.constant 0 : i32
      %dma_start3A_79 = tpu.memref_slice %arg8[%dma_start3A_75, %dma_start3A_77, %dma_start3A_78] : memref<2x128x128xf32, #tpu.memory_space<vmem>> -> memref<1x128x128xf32, #tpu.memory_space<vmem>>
      %dma_start3A_80 = tpu.memref_squeeze %dma_start3A_79 : memref<1x128x128xf32, #tpu.memory_space<vmem>> -> memref<128x128xf32, #tpu.memory_space<vmem>>
      %dma_start3A_81 = arith.constant 0 : i32
      %dma_start3A_82 = tpu.memref_slice %arg9[%dma_start3A_74, %dma_start3A_81] : memref<32x128xi32, #tpu.memory_space<vmem>> -> memref<1x128xi32, #tpu.memory_space<vmem>>
      %dma_start3A_83 = tpu.memref_squeeze %dma_start3A_82 : memref<1x128xi32, #tpu.memory_space<vmem>> -> memref<128xi32, #tpu.memory_space<vmem>>
      %dma_start3A_84 = arith.constant 0 : i32
      %dma_start3A_85 = arith.constant 0 : i32
      %dma_start3A_86 = tpu.memref_slice %arg2[%dma_start3A_84, %dma_start3A_85] : memref<10000x128xf32, #tpu.memory_space<hbm>> -> memref<10000x128xf32, #tpu.memory_space<hbm>>
      %dma_start3A_87 = tpu.memref_slice %arg11[%dma_start3A_76] : memref<2x!tpu.dma_semaphore, #tpu.memory_space<semaphore_mem>> -> memref<1x!tpu.dma_semaphore, #tpu.memory_space<semaphore_mem>>
      %dma_start3A_88 = tpu.memref_squeeze %dma_start3A_87 : memref<1x!tpu.dma_semaphore, #tpu.memory_space<semaphore_mem>> -> memref<!tpu.dma_semaphore, #tpu.memory_space<semaphore_mem>>
      tpu.enqueue_indirect_dma source(%dma_start3A_86 : memref<10000x128xf32, #tpu.memory_space<hbm>>) target(%dma_start3A_80 : memref<128x128xf32, #tpu.memory_space<vmem>>) offsets(%dma_start3A_83 : memref<128xi32, #tpu.memory_space<vmem>>) semaphore(%dma_start3A_88 : memref<!tpu.dma_semaphore, #tpu.memory_space<semaphore_mem>>)
    } else {
    }
    %scan3A_54 = arith.constant 0 : i32
    %scan3A_55 = arith.constant 16 : i32
    %scan3A_56 = arith.addi %scan3A_54, %scan3A_55 : i32
    %scan3A_57 = arith.constant 1 : i32
    scf.for %scan3A_60 = %scan3A_54 to %scan3A_56 step %scan3A_57  : i32 {
      %mul3A_61 = arith.constant 1 : i32
      %mul3A_62 = arith.muli %scan3A_60, %mul3A_61 : i32
      %add3A_63 = arith.constant 0 : i32
      %add3A_64 = arith.addi %add3A_63, %mul3A_62 : i32
      %mul3A_65 = arith.constant 2 : i32
      %mul3A_66 = arith.muli %add3A_64, %mul3A_65 : i32
      %add3A_67 = arith.constant 0 : i32
      %add3A_68 = arith.addi %mul3A_66, %add3A_67 : i32
      %lt3A = arith.cmpi slt, %add3A_68, %select_n3A : i32
      %convert_element_type3A_69 = arith.extui %lt3A : i1 to i32
      %cond3A_70 = arith.constant 0 : i32
      %cond3A_71 = arith.cmpi ne, %convert_element_type3A_69, %cond3A_70 : i32
      scf.if %cond3A_71 {
        %dma_wait3A = arith.constant 0 : i32
        %dma_wait3A_78 = arith.constant 0 : i32
        %dma_wait3A_79 = arith.constant 0 : i32
        %dma_wait3A_80 = arith.constant 0 : i32
        %dma_wait3A_81 = tpu.memref_slice %arg8[%dma_wait3A, %dma_wait3A_79, %dma_wait3A_80] : memref<2x128x128xf32, #tpu.memory_space<vmem>> -> memref<1x128x128xf32, #tpu.memory_space<vmem>>
        %dma_wait3A_82 = tpu.memref_squeeze %dma_wait3A_81 : memref<1x128x128xf32, #tpu.memory_space<vmem>> -> memref<128x128xf32, #tpu.memory_space<vmem>>
        %dma_wait3A_83 = arith.constant 0 : i32
        %dma_wait3A_84 = tpu.memref_slice %arg9[%add3A_68, %dma_wait3A_83] : memref<32x128xi32, #tpu.memory_space<vmem>> -> memref<1x128xi32, #tpu.memory_space<vmem>>
        %dma_wait3A_85 = tpu.memref_squeeze %dma_wait3A_84 : memref<1x128xi32, #tpu.memory_space<vmem>> -> memref<128xi32, #tpu.memory_space<vmem>>
        %dma_wait3A_86 = arith.constant 0 : i32
        %dma_wait3A_87 = arith.constant 0 : i32
        %dma_wait3A_88 = tpu.memref_slice %arg2[%dma_wait3A_86, %dma_wait3A_87] : memref<10000x128xf32, #tpu.memory_space<hbm>> -> memref<10000x128xf32, #tpu.memory_space<hbm>>
        %dma_wait3A_89 = tpu.memref_slice %arg11[%dma_wait3A_78] : memref<2x!tpu.dma_semaphore, #tpu.memory_space<semaphore_mem>> -> memref<1x!tpu.dma_semaphore, #tpu.memory_space<semaphore_mem>>
        %dma_wait3A_90 = tpu.memref_squeeze %dma_wait3A_89 : memref<1x!tpu.dma_semaphore, #tpu.memory_space<semaphore_mem>> -> memref<!tpu.dma_semaphore, #tpu.memory_space<semaphore_mem>>
        tpu.wait_indirect_dma semaphore(%dma_wait3A_90 : memref<!tpu.dma_semaphore, #tpu.memory_space<semaphore_mem>>) src(%dma_wait3A_88 : memref<10000x128xf32, #tpu.memory_space<hbm>>) dst(%dma_wait3A_82 : memref<128x128xf32, #tpu.memory_space<vmem>>)
        %dma_start3A = arith.constant 0 : i32
        %dma_start3A_91 = arith.constant 0 : i32
        %dma_start3A_92 = arith.constant 0 : i32
        %dma_start3A_93 = arith.constant 0 : i32
        %dma_start3A_94 = tpu.memref_slice %arg8[%dma_start3A, %dma_start3A_92, %dma_start3A_93] : memref<2x128x128xf32, #tpu.memory_space<vmem>> -> memref<1x128x128xf32, #tpu.memory_space<vmem>>
        %dma_start3A_95 = tpu.memref_squeeze %dma_start3A_94 : memref<1x128x128xf32, #tpu.memory_space<vmem>> -> memref<128x128xf32, #tpu.memory_space<vmem>>
        %dma_start3A_96 = arith.constant 0 : i32
        %dma_start3A_97 = tpu.memref_slice %arg10[%add3A_68, %dma_start3A_96] : memref<32x128xi32, #tpu.memory_space<vmem>> -> memref<1x128xi32, #tpu.memory_space<vmem>>
        %dma_start3A_98 = tpu.memref_squeeze %dma_start3A_97 : memref<1x128xi32, #tpu.memory_space<vmem>> -> memref<128xi32, #tpu.memory_space<vmem>>
        %dma_start3A_99 = arith.constant 0 : i32
        %dma_start3A_100 = arith.constant 0 : i32
        %dma_start3A_101 = tpu.memref_slice %arg7[%dma_start3A_99, %dma_start3A_100] : memref<10112x128xf32, #tpu.memory_space<vmem_shared>> -> memref<10112x128xf32, #tpu.memory_space<vmem_shared>>
        %dma_start3A_102 = tpu.memref_slice %arg12[%dma_start3A_91] : memref<2x!tpu.dma_semaphore, #tpu.memory_space<semaphore_mem>> -> memref<1x!tpu.dma_semaphore, #tpu.memory_space<semaphore_mem>>
        %dma_start3A_103 = tpu.memref_squeeze %dma_start3A_102 : memref<1x!tpu.dma_semaphore, #tpu.memory_space<semaphore_mem>> -> memref<!tpu.dma_semaphore, #tpu.memory_space<semaphore_mem>>
        tpu.enqueue_indirect_dma source(%dma_start3A_95 : memref<128x128xf32, #tpu.memory_space<vmem>>) target(%dma_start3A_101 : memref<10112x128xf32, #tpu.memory_space<vmem_shared>>) offsets(%dma_start3A_98 : memref<128xi32, #tpu.memory_space<vmem>>) semaphore(%dma_start3A_103 : memref<!tpu.dma_semaphore, #tpu.memory_space<semaphore_mem>>) {add = true}
        %dma_wait3A_104 = arith.constant 0 : i32
        %dma_wait3A_105 = arith.constant 0 : i32
        %dma_wait3A_106 = arith.constant 0 : i32
        %dma_wait3A_107 = arith.constant 0 : i32
        %dma_wait3A_108 = tpu.memref_slice %arg8[%dma_wait3A_104, %dma_wait3A_106, %dma_wait3A_107] : memref<2x128x128xf32, #tpu.memory_space<vmem>> -> memref<1x128x128xf32, #tpu.memory_space<vmem>>
        %dma_wait3A_109 = tpu.memref_squeeze %dma_wait3A_108 : memref<1x128x128xf32, #tpu.memory_space<vmem>> -> memref<128x128xf32, #tpu.memory_space<vmem>>
        %dma_wait3A_110 = arith.constant 0 : i32
        %dma_wait3A_111 = tpu.memref_slice %arg10[%add3A_68, %dma_wait3A_110] : memref<32x128xi32, #tpu.memory_space<vmem>> -> memref<1x128xi32, #tpu.memory_space<vmem>>
        %dma_wait3A_112 = tpu.memref_squeeze %dma_wait3A_111 : memref<1x128xi32, #tpu.memory_space<vmem>> -> memref<128xi32, #tpu.memory_space<vmem>>
        %dma_wait3A_113 = arith.constant 0 : i32
        %dma_wait3A_114 = arith.constant 0 : i32
        %dma_wait3A_115 = tpu.memref_slice %arg7[%dma_wait3A_113, %dma_wait3A_114] : memref<10112x128xf32, #tpu.memory_space<vmem_shared>> -> memref<10112x128xf32, #tpu.memory_space<vmem_shared>>
        %dma_wait3A_116 = tpu.memref_slice %arg12[%dma_wait3A_105] : memref<2x!tpu.dma_semaphore, #tpu.memory_space<semaphore_mem>> -> memref<1x!tpu.dma_semaphore, #tpu.memory_space<semaphore_mem>>
        %dma_wait3A_117 = tpu.memref_squeeze %dma_wait3A_116 : memref<1x!tpu.dma_semaphore, #tpu.memory_space<semaphore_mem>> -> memref<!tpu.dma_semaphore, #tpu.memory_space<semaphore_mem>>
        tpu.wait_indirect_dma semaphore(%dma_wait3A_117 : memref<!tpu.dma_semaphore, #tpu.memory_space<semaphore_mem>>) src(%dma_wait3A_109 : memref<128x128xf32, #tpu.memory_space<vmem>>) dst(%dma_wait3A_115 : memref<10112x128xf32, #tpu.memory_space<vmem_shared>>)
        %add3A_118 = arith.constant 2 : i32
        %add3A_119 = arith.addi %add3A_68, %add3A_118 : i32
        %lt3A_120 = arith.cmpi slt, %add3A_119, %select_n3A : i32
        %convert_element_type3A_121 = arith.extui %lt3A_120 : i1 to i32
        %cond3A_122 = arith.constant 0 : i32
        %cond3A_123 = arith.cmpi ne, %convert_element_type3A_121, %cond3A_122 : i32
        scf.if %cond3A_123 {
          %add3A_124 = arith.constant 2 : i32
          %add3A_125 = arith.addi %add3A_68, %add3A_124 : i32
          %dma_start3A_126 = arith.constant 0 : i32
          %dma_start3A_127 = arith.constant 0 : i32
          %dma_start3A_128 = arith.constant 0 : i32
          %dma_start3A_129 = arith.constant 0 : i32
          %dma_start3A_130 = tpu.memref_slice %arg8[%dma_start3A_126, %dma_start3A_128, %dma_start3A_129] : memref<2x128x128xf32, #tpu.memory_space<vmem>> -> memref<1x128x128xf32, #tpu.memory_space<vmem>>
          %dma_start3A_131 = tpu.memref_squeeze %dma_start3A_130 : memref<1x128x128xf32, #tpu.memory_space<vmem>> -> memref<128x128xf32, #tpu.memory_space<vmem>>
          %dma_start3A_132 = arith.constant 0 : i32
          %dma_start3A_133 = tpu.memref_slice %arg9[%add3A_125, %dma_start3A_132] : memref<32x128xi32, #tpu.memory_space<vmem>> -> memref<1x128xi32, #tpu.memory_space<vmem>>
          %dma_start3A_134 = tpu.memref_squeeze %dma_start3A_133 : memref<1x128xi32, #tpu.memory_space<vmem>> -> memref<128xi32, #tpu.memory_space<vmem>>
          %dma_start3A_135 = arith.constant 0 : i32
          %dma_start3A_136 = arith.constant 0 : i32
          %dma_start3A_137 = tpu.memref_slice %arg2[%dma_start3A_135, %dma_start3A_136] : memref<10000x128xf32, #tpu.memory_space<hbm>> -> memref<10000x128xf32, #tpu.memory_space<hbm>>
          %dma_start3A_138 = tpu.memref_slice %arg11[%dma_start3A_127] : memref<2x!tpu.dma_semaphore, #tpu.memory_space<semaphore_mem>> -> memref<1x!tpu.dma_semaphore, #tpu.memory_space<semaphore_mem>>
          %dma_start3A_139 = tpu.memref_squeeze %dma_start3A_138 : memref<1x!tpu.dma_semaphore, #tpu.memory_space<semaphore_mem>> -> memref<!tpu.dma_semaphore, #tpu.memory_space<semaphore_mem>>
          tpu.enqueue_indirect_dma source(%dma_start3A_137 : memref<10000x128xf32, #tpu.memory_space<hbm>>) target(%dma_start3A_131 : memref<128x128xf32, #tpu.memory_space<vmem>>) offsets(%dma_start3A_134 : memref<128xi32, #tpu.memory_space<vmem>>) semaphore(%dma_start3A_139 : memref<!tpu.dma_semaphore, #tpu.memory_space<semaphore_mem>>)
        } else {
        }
      } else {
      }
      %add3A_72 = arith.constant 1 : i32
      %add3A_73 = arith.addi %mul3A_66, %add3A_72 : i32
      %lt3A_74 = arith.cmpi slt, %add3A_73, %select_n3A : i32
      %convert_element_type3A_75 = arith.extui %lt3A_74 : i1 to i32
      %cond3A_76 = arith.constant 0 : i32
      %cond3A_77 = arith.cmpi ne, %convert_element_type3A_75, %cond3A_76 : i32
      scf.if %cond3A_77 {
        %dma_wait3A = arith.constant 1 : i32
        %dma_wait3A_78 = arith.constant 1 : i32
        %dma_wait3A_79 = arith.constant 0 : i32
        %dma_wait3A_80 = arith.constant 0 : i32
        %dma_wait3A_81 = tpu.memref_slice %arg8[%dma_wait3A, %dma_wait3A_79, %dma_wait3A_80] : memref<2x128x128xf32, #tpu.memory_space<vmem>> -> memref<1x128x128xf32, #tpu.memory_space<vmem>>
        %dma_wait3A_82 = tpu.memref_squeeze %dma_wait3A_81 : memref<1x128x128xf32, #tpu.memory_space<vmem>> -> memref<128x128xf32, #tpu.memory_space<vmem>>
        %dma_wait3A_83 = arith.constant 0 : i32
        %dma_wait3A_84 = tpu.memref_slice %arg9[%add3A_73, %dma_wait3A_83] : memref<32x128xi32, #tpu.memory_space<vmem>> -> memref<1x128xi32, #tpu.memory_space<vmem>>
        %dma_wait3A_85 = tpu.memref_squeeze %dma_wait3A_84 : memref<1x128xi32, #tpu.memory_space<vmem>> -> memref<128xi32, #tpu.memory_space<vmem>>
        %dma_wait3A_86 = arith.constant 0 : i32
        %dma_wait3A_87 = arith.constant 0 : i32
        %dma_wait3A_88 = tpu.memref_slice %arg2[%dma_wait3A_86, %dma_wait3A_87] : memref<10000x128xf32, #tpu.memory_space<hbm>> -> memref<10000x128xf32, #tpu.memory_space<hbm>>
        %dma_wait3A_89 = tpu.memref_slice %arg11[%dma_wait3A_78] : memref<2x!tpu.dma_semaphore, #tpu.memory_space<semaphore_mem>> -> memref<1x!tpu.dma_semaphore, #tpu.memory_space<semaphore_mem>>
        %dma_wait3A_90 = tpu.memref_squeeze %dma_wait3A_89 : memref<1x!tpu.dma_semaphore, #tpu.memory_space<semaphore_mem>> -> memref<!tpu.dma_semaphore, #tpu.memory_space<semaphore_mem>>
        tpu.wait_indirect_dma semaphore(%dma_wait3A_90 : memref<!tpu.dma_semaphore, #tpu.memory_space<semaphore_mem>>) src(%dma_wait3A_88 : memref<10000x128xf32, #tpu.memory_space<hbm>>) dst(%dma_wait3A_82 : memref<128x128xf32, #tpu.memory_space<vmem>>)
        %dma_start3A = arith.constant 1 : i32
        %dma_start3A_91 = arith.constant 1 : i32
        %dma_start3A_92 = arith.constant 0 : i32
        %dma_start3A_93 = arith.constant 0 : i32
        %dma_start3A_94 = tpu.memref_slice %arg8[%dma_start3A, %dma_start3A_92, %dma_start3A_93] : memref<2x128x128xf32, #tpu.memory_space<vmem>> -> memref<1x128x128xf32, #tpu.memory_space<vmem>>
        %dma_start3A_95 = tpu.memref_squeeze %dma_start3A_94 : memref<1x128x128xf32, #tpu.memory_space<vmem>> -> memref<128x128xf32, #tpu.memory_space<vmem>>
        %dma_start3A_96 = arith.constant 0 : i32
        %dma_start3A_97 = tpu.memref_slice %arg10[%add3A_73, %dma_start3A_96] : memref<32x128xi32, #tpu.memory_space<vmem>> -> memref<1x128xi32, #tpu.memory_space<vmem>>
        %dma_start3A_98 = tpu.memref_squeeze %dma_start3A_97 : memref<1x128xi32, #tpu.memory_space<vmem>> -> memref<128xi32, #tpu.memory_space<vmem>>
        %dma_start3A_99 = arith.constant 0 : i32
        %dma_start3A_100 = arith.constant 0 : i32
        %dma_start3A_101 = tpu.memref_slice %arg7[%dma_start3A_99, %dma_start3A_100] : memref<10112x128xf32, #tpu.memory_space<vmem_shared>> -> memref<10112x128xf32, #tpu.memory_space<vmem_shared>>
        %dma_start3A_102 = tpu.memref_slice %arg12[%dma_start3A_91] : memref<2x!tpu.dma_semaphore, #tpu.memory_space<semaphore_mem>> -> memref<1x!tpu.dma_semaphore, #tpu.memory_space<semaphore_mem>>
        %dma_start3A_103 = tpu.memref_squeeze %dma_start3A_102 : memref<1x!tpu.dma_semaphore, #tpu.memory_space<semaphore_mem>> -> memref<!tpu.dma_semaphore, #tpu.memory_space<semaphore_mem>>
        tpu.enqueue_indirect_dma source(%dma_start3A_95 : memref<128x128xf32, #tpu.memory_space<vmem>>) target(%dma_start3A_101 : memref<10112x128xf32, #tpu.memory_space<vmem_shared>>) offsets(%dma_start3A_98 : memref<128xi32, #tpu.memory_space<vmem>>) semaphore(%dma_start3A_103 : memref<!tpu.dma_semaphore, #tpu.memory_space<semaphore_mem>>) {add = true}
        %dma_wait3A_104 = arith.constant 1 : i32
        %dma_wait3A_105 = arith.constant 1 : i32
        %dma_wait3A_106 = arith.constant 0 : i32
        %dma_wait3A_107 = arith.constant 0 : i32
        %dma_wait3A_108 = tpu.memref_slice %arg8[%dma_wait3A_104, %dma_wait3A_106, %dma_wait3A_107] : memref<2x128x128xf32, #tpu.memory_space<vmem>> -> memref<1x128x128xf32, #tpu.memory_space<vmem>>
        %dma_wait3A_109 = tpu.memref_squeeze %dma_wait3A_108 : memref<1x128x128xf32, #tpu.memory_space<vmem>> -> memref<128x128xf32, #tpu.memory_space<vmem>>
        %dma_wait3A_110 = arith.constant 0 : i32
        %dma_wait3A_111 = tpu.memref_slice %arg10[%add3A_73, %dma_wait3A_110] : memref<32x128xi32, #tpu.memory_space<vmem>> -> memref<1x128xi32, #tpu.memory_space<vmem>>
        %dma_wait3A_112 = tpu.memref_squeeze %dma_wait3A_111 : memref<1x128xi32, #tpu.memory_space<vmem>> -> memref<128xi32, #tpu.memory_space<vmem>>
        %dma_wait3A_113 = arith.constant 0 : i32
        %dma_wait3A_114 = arith.constant 0 : i32
        %dma_wait3A_115 = tpu.memref_slice %arg7[%dma_wait3A_113, %dma_wait3A_114] : memref<10112x128xf32, #tpu.memory_space<vmem_shared>> -> memref<10112x128xf32, #tpu.memory_space<vmem_shared>>
        %dma_wait3A_116 = tpu.memref_slice %arg12[%dma_wait3A_105] : memref<2x!tpu.dma_semaphore, #tpu.memory_space<semaphore_mem>> -> memref<1x!tpu.dma_semaphore, #tpu.memory_space<semaphore_mem>>
        %dma_wait3A_117 = tpu.memref_squeeze %dma_wait3A_116 : memref<1x!tpu.dma_semaphore, #tpu.memory_space<semaphore_mem>> -> memref<!tpu.dma_semaphore, #tpu.memory_space<semaphore_mem>>
        tpu.wait_indirect_dma semaphore(%dma_wait3A_117 : memref<!tpu.dma_semaphore, #tpu.memory_space<semaphore_mem>>) src(%dma_wait3A_109 : memref<128x128xf32, #tpu.memory_space<vmem>>) dst(%dma_wait3A_115 : memref<10112x128xf32, #tpu.memory_space<vmem_shared>>)
        %add3A_118 = arith.constant 2 : i32
        %add3A_119 = arith.addi %add3A_73, %add3A_118 : i32
        %lt3A_120 = arith.cmpi slt, %add3A_119, %select_n3A : i32
        %convert_element_type3A_121 = arith.extui %lt3A_120 : i1 to i32
        %cond3A_122 = arith.constant 0 : i32
        %cond3A_123 = arith.cmpi ne, %convert_element_type3A_121, %cond3A_122 : i32
        scf.if %cond3A_123 {
          %add3A_124 = arith.constant 2 : i32
          %add3A_125 = arith.addi %add3A_73, %add3A_124 : i32
          %dma_start3A_126 = arith.constant 1 : i32
          %dma_start3A_127 = arith.constant 1 : i32
          %dma_start3A_128 = arith.constant 0 : i32
          %dma_start3A_129 = arith.constant 0 : i32
          %dma_start3A_130 = tpu.memref_slice %arg8[%dma_start3A_126, %dma_start3A_128, %dma_start3A_129] : memref<2x128x128xf32, #tpu.memory_space<vmem>> -> memref<1x128x128xf32, #tpu.memory_space<vmem>>
          %dma_start3A_131 = tpu.memref_squeeze %dma_start3A_130 : memref<1x128x128xf32, #tpu.memory_space<vmem>> -> memref<128x128xf32, #tpu.memory_space<vmem>>
          %dma_start3A_132 = arith.constant 0 : i32
          %dma_start3A_133 = tpu.memref_slice %arg9[%add3A_125, %dma_start3A_132] : memref<32x128xi32, #tpu.memory_space<vmem>> -> memref<1x128xi32, #tpu.memory_space<vmem>>
          %dma_start3A_134 = tpu.memref_squeeze %dma_start3A_133 : memref<1x128xi32, #tpu.memory_space<vmem>> -> memref<128xi32, #tpu.memory_space<vmem>>
          %dma_start3A_135 = arith.constant 0 : i32
          %dma_start3A_136 = arith.constant 0 : i32
          %dma_start3A_137 = tpu.memref_slice %arg2[%dma_start3A_135, %dma_start3A_136] : memref<10000x128xf32, #tpu.memory_space<hbm>> -> memref<10000x128xf32, #tpu.memory_space<hbm>>
          %dma_start3A_138 = tpu.memref_slice %arg11[%dma_start3A_127] : memref<2x!tpu.dma_semaphore, #tpu.memory_space<semaphore_mem>> -> memref<1x!tpu.dma_semaphore, #tpu.memory_space<semaphore_mem>>
          %dma_start3A_139 = tpu.memref_squeeze %dma_start3A_138 : memref<1x!tpu.dma_semaphore, #tpu.memory_space<semaphore_mem>> -> memref<!tpu.dma_semaphore, #tpu.memory_space<semaphore_mem>>
          tpu.enqueue_indirect_dma source(%dma_start3A_137 : memref<10000x128xf32, #tpu.memory_space<hbm>>) target(%dma_start3A_131 : memref<128x128xf32, #tpu.memory_space<vmem>>) offsets(%dma_start3A_134 : memref<128xi32, #tpu.memory_space<vmem>>) semaphore(%dma_start3A_139 : memref<!tpu.dma_semaphore, #tpu.memory_space<semaphore_mem>>)
        } else {
        }
      } else {
      }
    }
    %scan3A_58 = arith.constant 16 : i32
    %barrier3A_59 = arith.constant 0 : index
    tpu.barrier barrier_id(%barrier3A_59)
    "tpu.region"() ({
      %run_scoped3A = tpu.sem_alloc : memref<!tpu.dma_semaphore, #tpu.memory_space<semaphore_mem>>
      %dma_start3A = arith.constant 0 : i32
      %dma_start3A_60 = tpu.memref_slice %arg6[%arg0, %mul3A_0, %dma_start3A] : memref<2x10112x128xf32, #tpu.memory_space<hbm>> -> memref<1x632x128xf32, #tpu.memory_space<hbm>>
      %dma_start3A_61 = tpu.memref_squeeze %dma_start3A_60 : memref<1x632x128xf32, #tpu.memory_space<hbm>> -> memref<632x128xf32, #tpu.memory_space<hbm>>
      %dma_start3A_62 = arith.constant 0 : i32
      %dma_start3A_63 = tpu.memref_slice %arg7[%mul3A_0, %dma_start3A_62] : memref<10112x128xf32, #tpu.memory_space<vmem_shared>> -> memref<632x128xf32, #tpu.memory_space<vmem_shared>>
      tpu.enqueue_dma source(%dma_start3A_63 : memref<632x128xf32, #tpu.memory_space<vmem_shared>>) target(%dma_start3A_61 : memref<632x128xf32, #tpu.memory_space<hbm>>) target_semaphore(%run_scoped3A : memref<!tpu.dma_semaphore, #tpu.memory_space<semaphore_mem>>)
      %dma_wait3A = arith.constant 0 : i32
      %dma_wait3A_64 = tpu.memref_slice %arg6[%arg0, %mul3A_0, %dma_wait3A] : memref<2x10112x128xf32, #tpu.memory_space<hbm>> -> memref<1x632x128xf32, #tpu.memory_space<hbm>>
      %dma_wait3A_65 = tpu.memref_squeeze %dma_wait3A_64 : memref<1x632x128xf32, #tpu.memory_space<hbm>> -> memref<632x128xf32, #tpu.memory_space<hbm>>
      %dma_wait3A_66 = arith.constant 0 : i32
      %dma_wait3A_67 = tpu.memref_slice %arg7[%mul3A_0, %dma_wait3A_66] : memref<10112x128xf32, #tpu.memory_space<vmem_shared>> -> memref<632x128xf32, #tpu.memory_space<vmem_shared>>
      tpu.wait_dma2 semaphore(%run_scoped3A : memref<!tpu.dma_semaphore, #tpu.memory_space<semaphore_mem>>) src(%dma_wait3A_67 : memref<632x128xf32, #tpu.memory_space<vmem_shared>>) dst(%dma_wait3A_65 : memref<632x128xf32, #tpu.memory_space<hbm>>)
      tpu.yield
    }) : () -> ()
    return
  }
}

module attributes {stable_mosaic.version = 14 : i64} {
  func.func @body(%arg0: i32, %arg1: memref<1000x128xf32, #tpu.memory_space<vmem>>, %arg2: memref<128x128xf32, #tpu.memory_space<vmem>>, %arg3: memref<1000x128xf32, #tpu.memory_space<vmem>>) attributes {dimension_semantics = [#tpu.dimension_semantics<arbitrary>], iteration_bounds = array<i64: 10>, scalar_prefetch = 0 : i64, scratch_operands = 0 : i64, tpu.core_type = #tpu.core_type<tc>, window_params = [{transform_indices = @transform_0, window_bounds = array<i64: 1000, 128>}, {pipeline_mode = #tpu.pipeline_mode<synchronous>, transform_indices = @transform_1, window_bounds = array<i64: 128, 128>}, {transform_indices = @transform_2, window_bounds = array<i64: 1000, 128>}]} {
    %get3A = arith.constant 0 : index
    %get3A_0 = arith.constant 0 : index
    %get3A_1 = vector.load %arg1[%get3A, %get3A_0] : memref<1000x128xf32, #tpu.memory_space<vmem>>, vector<1000x128xf32>
    %get3A_2 = arith.constant 0 : index
    %get3A_3 = arith.constant 0 : index
    %get3A_4 = vector.load %arg2[%get3A_2, %get3A_3] : memref<128x128xf32, #tpu.memory_space<vmem>>, vector<128x128xf32>
    %dot_general3A = arith.constant dense<0.000000e+00> : vector<1000x128xf32>
    %dot_general3A_5 = tpu.matmul %get3A_1, %get3A_4, %dot_general3A {dimension_numbers = #tpu.dot_dimension_numbers<[1], [0], [0], [1], [0, 0, 1, 1], [], []>, precision = #tpu.contract_precision<fp32>, transpose_lhs_hint = false} : vector<1000x128xf32>, vector<128x128xf32>, vector<1000x128xf32> -> vector<1000x128xf32>
    %swap3A = arith.constant 0 : index
    %swap3A_6 = arith.constant 0 : index
    %swap3A_7 = vector.load %arg3[%swap3A, %swap3A_6] : memref<1000x128xf32, #tpu.memory_space<vmem>>, vector<1000x128xf32>
    tpu.vector_store %arg3[%swap3A, %swap3A_6], %dot_general3A_5 {strides = array<i32>} : memref<1000x128xf32, #tpu.memory_space<vmem>>, vector<1000x128xf32>,
    return
  }
  func.func @transform_0(%arg0: i32) -> (i32, i32) {
    %c0_i32 = arith.constant 0 : i32
    %c0_i32_0 = arith.constant 0 : i32
    return %arg0, %c0_i32 : i32, i32
  }
  func.func @transform_1(%arg0: i32) -> (i32, i32) {
    %c0_i32 = arith.constant 0 : i32
    %c0_i32_0 = arith.constant 0 : i32
    %c0_i32_1 = arith.constant 0 : i32
    return %c0_i32, %c0_i32_0 : i32, i32
  }
  func.func @transform_2(%arg0: i32) -> (i32, i32) {
    %c0_i32 = arith.constant 0 : i32
    %c0_i32_0 = arith.constant 0 : i32
    return %arg0, %c0_i32 : i32, i32
  }
}

module attributes {stable_mosaic.version = 14 : i64} {
  func.func @body(%arg0: i32, %arg1: memref<2x1000x128xf32, #tpu.memory_space<vmem>>, %arg2: memref<1000x128xf32, #tpu.memory_space<vmem>>, %arg3: memref<1000x1xf32, #tpu.memory_space<vmem>>, %arg4: memref<1000x128xf32, #tpu.memory_space<vmem>>) attributes {dimension_semantics = [#tpu.dimension_semantics<arbitrary>], iteration_bounds = array<i64: 10>, scalar_prefetch = 0 : i64, scratch_operands = 0 : i64, tpu.core_type = #tpu.core_type<tc>, window_params = [{transform_indices = @transform_0, window_bounds = array<i64: 2, 1000, 128>}, {transform_indices = @transform_1, window_bounds = array<i64: 1000, 128>}, {transform_indices = @transform_2, window_bounds = array<i64: 1000, 1>}, {transform_indices = @transform_3, window_bounds = array<i64: 1000, 128>}]} {
    %get3A = arith.constant 0 : index
    %get3A_0 = arith.constant 0 : index
    %get3A_1 = arith.constant 0 : index
    %get3A_2 = vector.load %arg1[%get3A, %get3A_0, %get3A_1] : memref<2x1000x128xf32, #tpu.memory_space<vmem>>, vector<1x1000x1xf32>
    %get3A_3 = vector.shape_cast %get3A_2 : vector<1x1000x1xf32> to vector<1000x1xf32>
    %get3A_4 = arith.constant 1 : index
    %get3A_5 = arith.constant 0 : index
    %get3A_6 = arith.constant 0 : index
    %get3A_7 = vector.load %arg1[%get3A_4, %get3A_5, %get3A_6] : memref<2x1000x128xf32, #tpu.memory_space<vmem>>, vector<1x1000x1xf32>
    %get3A_8 = vector.shape_cast %get3A_7 : vector<1x1000x1xf32> to vector<1000x1xf32>
    %add3A = arith.addf %get3A_3, %get3A_8 : vector<1000x1xf32>
    %add3A_9 = arith.constant 1.000000e+00 : f32
    %add3A_10 = vector.broadcast %add3A_9 : f32 to vector<1000x1xf32>
    %add3A_11 = arith.addf %add3A, %add3A_10 : vector<1000x1xf32>
    %rsqrt3A = math.rsqrt %add3A_11 : vector<1000x1xf32>
    %swap3A = arith.constant 0 : index
    %swap3A_12 = arith.constant 0 : index
    %swap3A_13 = vector.load %arg3[%swap3A, %swap3A_12] : memref<1000x1xf32, #tpu.memory_space<vmem>>, vector<1000x1xf32>
    tpu.vector_store %arg3[%swap3A, %swap3A_12], %rsqrt3A {strides = array<i32>} : memref<1000x1xf32, #tpu.memory_space<vmem>>, vector<1000x1xf32>,
    %get3A_14 = arith.constant 0 : index
    %get3A_15 = arith.constant 0 : index
    %get3A_16 = vector.load %arg2[%get3A_14, %get3A_15] : memref<1000x128xf32, #tpu.memory_space<vmem>>, vector<1000x128xf32>
    %mul3A = vector.broadcast %rsqrt3A : vector<1000x1xf32> to vector<1000x128xf32>
    %mul3A_17 = arith.mulf %get3A_16, %mul3A : vector<1000x128xf32>
    %swap3A_18 = arith.constant 0 : index
    %swap3A_19 = arith.constant 0 : index
    %swap3A_20 = vector.load %arg4[%swap3A_18, %swap3A_19] : memref<1000x128xf32, #tpu.memory_space<vmem>>, vector<1000x128xf32>
    tpu.vector_store %arg4[%swap3A_18, %swap3A_19], %mul3A_17 {strides = array<i32>} : memref<1000x128xf32, #tpu.memory_space<vmem>>, vector<1000x128xf32>,
    return
  }
  func.func @transform_0(%arg0: i32) -> (i32, i32, i32) {
    %c0_i32 = arith.constant 0 : i32
    %c0_i32_0 = arith.constant 0 : i32
    %c0_i32_1 = arith.constant 0 : i32
    return %c0_i32, %arg0, %c0_i32_0 : i32, i32, i32
  }
  func.func @transform_1(%arg0: i32) -> (i32, i32) {
    %c0_i32 = arith.constant 0 : i32
    %c0_i32_0 = arith.constant 0 : i32
    return %arg0, %c0_i32 : i32, i32
  }
  func.func @transform_2(%arg0: i32) -> (i32, i32) {
    %c0_i32 = arith.constant 0 : i32
    %c0_i32_0 = arith.constant 0 : i32
    return %arg0, %c0_i32 : i32, i32
  }
  func.func @transform_3(%arg0: i32) -> (i32, i32) {
    %c0_i32 = arith.constant 0 : i32
    %c0_i32_0 = arith.constant 0 : i32
    return %arg0, %c0_i32 : i32, i32
  }
}

module attributes {stable_mosaic.version = 14 : i64} {
  func.func @body(%arg0: i32, %arg1: memref<2x1000x128xf32, #tpu.memory_space<vmem>>, %arg2: memref<1000x128xf32, #tpu.memory_space<vmem>>, %arg3: memref<1000x1xf32, #tpu.memory_space<vmem>>, %arg4: memref<1x128xf32, #tpu.memory_space<vmem>>, %arg5: memref<1000x128xf32, #tpu.memory_space<vmem>>) attributes {dimension_semantics = [#tpu.dimension_semantics<arbitrary>], iteration_bounds = array<i64: 10>, scalar_prefetch = 0 : i64, scratch_operands = 0 : i64, tpu.core_type = #tpu.core_type<tc>, window_params = [{transform_indices = @transform_0, window_bounds = array<i64: 2, 1000, 128>}, {transform_indices = @transform_1, window_bounds = array<i64: 1000, 128>}, {transform_indices = @transform_2, window_bounds = array<i64: 1000, 1>}, {pipeline_mode = #tpu.pipeline_mode<synchronous>, transform_indices = @transform_3, window_bounds = array<i64: 1, 128>}, {transform_indices = @transform_4, window_bounds = array<i64: 1000, 128>}]} {
    %get3A = arith.constant 0 : index
    %get3A_0 = arith.constant 0 : index
    %get3A_1 = arith.constant 0 : index
    %get3A_2 = vector.load %arg1[%get3A, %get3A_0, %get3A_1] : memref<2x1000x128xf32, #tpu.memory_space<vmem>>, vector<1x1000x128xf32>
    %get3A_3 = vector.shape_cast %get3A_2 : vector<1x1000x128xf32> to vector<1000x128xf32>
    %get3A_4 = arith.constant 1 : index
    %get3A_5 = arith.constant 0 : index
    %get3A_6 = arith.constant 0 : index
    %get3A_7 = vector.load %arg1[%get3A_4, %get3A_5, %get3A_6] : memref<2x1000x128xf32, #tpu.memory_space<vmem>>, vector<1x1000x128xf32>
    %get3A_8 = vector.shape_cast %get3A_7 : vector<1x1000x128xf32> to vector<1000x128xf32>
    %add3A = arith.addf %get3A_3, %get3A_8 : vector<1000x128xf32>
    %get3A_9 = arith.constant 0 : index
    %get3A_10 = arith.constant 0 : index
    %get3A_11 = vector.load %arg2[%get3A_9, %get3A_10] : memref<1000x128xf32, #tpu.memory_space<vmem>>, vector<1000x128xf32>
    %add3A_12 = arith.addf %add3A, %get3A_11 : vector<1000x128xf32>
    %get3A_13 = arith.constant 0 : index
    %get3A_14 = arith.constant 0 : index
    %get3A_15 = vector.load %arg3[%get3A_13, %get3A_14] : memref<1000x1xf32, #tpu.memory_space<vmem>>, vector<1000x1xf32>
    %mul3A = vector.broadcast %get3A_15 : vector<1000x1xf32> to vector<1000x128xf32>
    %mul3A_16 = arith.mulf %add3A_12, %mul3A : vector<1000x128xf32>
    %get3A_17 = arith.constant 0 : index
    %get3A_18 = arith.constant 0 : index
    %get3A_19 = vector.load %arg4[%get3A_17, %get3A_18] : memref<1x128xf32, #tpu.memory_space<vmem>>, vector<1x128xf32>
    %add3A_20 = vector.broadcast %get3A_19 : vector<1x128xf32> to vector<1000x128xf32>
    %add3A_21 = arith.addf %mul3A_16, %add3A_20 : vector<1000x128xf32>
    %tanh3A = math.tanh %add3A_21 : vector<1000x128xf32>
    %swap3A = arith.constant 0 : index
    %swap3A_22 = arith.constant 0 : index
    %swap3A_23 = vector.load %arg5[%swap3A, %swap3A_22] : memref<1000x128xf32, #tpu.memory_space<vmem>>, vector<1000x128xf32>
    tpu.vector_store %arg5[%swap3A, %swap3A_22], %tanh3A {strides = array<i32>} : memref<1000x128xf32, #tpu.memory_space<vmem>>, vector<1000x128xf32>,
    return
  }
  func.func @transform_0(%arg0: i32) -> (i32, i32, i32) {
    %c0_i32 = arith.constant 0 : i32
    %c0_i32_0 = arith.constant 0 : i32
    %c0_i32_1 = arith.constant 0 : i32
    return %c0_i32, %arg0, %c0_i32_0 : i32, i32, i32
  }
  func.func @transform_1(%arg0: i32) -> (i32, i32) {
    %c0_i32 = arith.constant 0 : i32
    %c0_i32_0 = arith.constant 0 : i32
    return %arg0, %c0_i32 : i32, i32
  }
  func.func @transform_2(%arg0: i32) -> (i32, i32) {
    %c0_i32 = arith.constant 0 : i32
    %c0_i32_0 = arith.constant 0 : i32
    return %arg0, %c0_i32 : i32, i32
  }
  func.func @transform_3(%arg0: i32) -> (i32, i32) {
    %c0_i32 = arith.constant 0 : i32
    %c0_i32_0 = arith.constant 0 : i32
    %c0_i32_1 = arith.constant 0 : i32
    return %c0_i32, %c0_i32_0 : i32, i32
  }
  func.func @transform_4(%arg0: i32) -> (i32, i32) {
    %c0_i32 = arith.constant 0 : i32
    %c0_i32_0 = arith.constant 0 : i32
    return %arg0, %c0_i32 : i32, i32
  }
}

module attributes {stable_mosaic.version = 14 : i64} {
  func.func @body(%arg0: i32, %arg1: memref<1000x128xf32, #tpu.memory_space<vmem>>, %arg2: memref<128x128xf32, #tpu.memory_space<vmem>>, %arg3: memref<1000x1xf32, #tpu.memory_space<vmem>>, %arg4: memref<1000x128xf32, #tpu.memory_space<vmem>>) attributes {dimension_semantics = [#tpu.dimension_semantics<arbitrary>], iteration_bounds = array<i64: 10>, scalar_prefetch = 0 : i64, scratch_operands = 0 : i64, tpu.core_type = #tpu.core_type<tc>, window_params = [{transform_indices = @transform_0, window_bounds = array<i64: 1000, 128>}, {pipeline_mode = #tpu.pipeline_mode<synchronous>, transform_indices = @transform_1, window_bounds = array<i64: 128, 128>}, {transform_indices = @transform_2, window_bounds = array<i64: 1000, 1>}, {transform_indices = @transform_3, window_bounds = array<i64: 1000, 128>}]} {
    %get3A = arith.constant 0 : index
    %get3A_0 = arith.constant 0 : index
    %get3A_1 = vector.load %arg1[%get3A, %get3A_0] : memref<1000x128xf32, #tpu.memory_space<vmem>>, vector<1000x128xf32>
    %get3A_2 = arith.constant 0 : index
    %get3A_3 = arith.constant 0 : index
    %get3A_4 = vector.load %arg2[%get3A_2, %get3A_3] : memref<128x128xf32, #tpu.memory_space<vmem>>, vector<128x128xf32>
    %dot_general3A = arith.constant dense<0.000000e+00> : vector<1000x128xf32>
    %dot_general3A_5 = tpu.matmul %get3A_1, %get3A_4, %dot_general3A {dimension_numbers = #tpu.dot_dimension_numbers<[1], [0], [0], [1], [0, 0, 1, 1], [], []>, precision = #tpu.contract_precision<fp32>, transpose_lhs_hint = false} : vector<1000x128xf32>, vector<128x128xf32>, vector<1000x128xf32> -> vector<1000x128xf32>
    %get3A_6 = arith.constant 0 : index
    %get3A_7 = arith.constant 0 : index
    %get3A_8 = vector.load %arg3[%get3A_6, %get3A_7] : memref<1000x1xf32, #tpu.memory_space<vmem>>, vector<1000x1xf32>
    %mul3A = vector.broadcast %get3A_8 : vector<1000x1xf32> to vector<1000x128xf32>
    %mul3A_9 = arith.mulf %dot_general3A_5, %mul3A : vector<1000x128xf32>
    %swap3A = arith.constant 0 : index
    %swap3A_10 = arith.constant 0 : index
    %swap3A_11 = vector.load %arg4[%swap3A, %swap3A_10] : memref<1000x128xf32, #tpu.memory_space<vmem>>, vector<1000x128xf32>
    tpu.vector_store %arg4[%swap3A, %swap3A_10], %mul3A_9 {strides = array<i32>} : memref<1000x128xf32, #tpu.memory_space<vmem>>, vector<1000x128xf32>,
    return
  }
  func.func @transform_0(%arg0: i32) -> (i32, i32) {
    %c0_i32 = arith.constant 0 : i32
    %c0_i32_0 = arith.constant 0 : i32
    return %arg0, %c0_i32 : i32, i32
  }
  func.func @transform_1(%arg0: i32) -> (i32, i32) {
    %c0_i32 = arith.constant 0 : i32
    %c0_i32_0 = arith.constant 0 : i32
    %c0_i32_1 = arith.constant 0 : i32
    return %c0_i32, %c0_i32_0 : i32, i32
  }
  func.func @transform_2(%arg0: i32) -> (i32, i32) {
    %c0_i32 = arith.constant 0 : i32
    %c0_i32_0 = arith.constant 0 : i32
    return %arg0, %c0_i32 : i32, i32
  }
  func.func @transform_3(%arg0: i32) -> (i32, i32) {
    %c0_i32 = arith.constant 0 : i32
    %c0_i32_0 = arith.constant 0 : i32
    return %arg0, %c0_i32 : i32, i32
  }
}

module attributes {stable_mosaic.version = 14 : i64} {
  func.func @body(%arg0: i32, %arg1: memref<2x1000x128xf32, #tpu.memory_space<vmem>>, %arg2: memref<1000x128xf32, #tpu.memory_space<vmem>>, %arg3: memref<1000x1xf32, #tpu.memory_space<vmem>>, %arg4: memref<1x128xf32, #tpu.memory_space<vmem>>, %arg5: memref<1000x128xf32, #tpu.memory_space<vmem>>) attributes {dimension_semantics = [#tpu.dimension_semantics<arbitrary>], iteration_bounds = array<i64: 10>, scalar_prefetch = 0 : i64, scratch_operands = 0 : i64, tpu.core_type = #tpu.core_type<tc>, window_params = [{transform_indices = @transform_0, window_bounds = array<i64: 2, 1000, 128>}, {transform_indices = @transform_1, window_bounds = array<i64: 1000, 128>}, {transform_indices = @transform_2, window_bounds = array<i64: 1000, 1>}, {pipeline_mode = #tpu.pipeline_mode<synchronous>, transform_indices = @transform_3, window_bounds = array<i64: 1, 128>}, {transform_indices = @transform_4, window_bounds = array<i64: 1000, 128>}]} {
    %get3A = arith.constant 0 : index
    %get3A_0 = arith.constant 0 : index
    %get3A_1 = arith.constant 0 : index
    %get3A_2 = vector.load %arg1[%get3A, %get3A_0, %get3A_1] : memref<2x1000x128xf32, #tpu.memory_space<vmem>>, vector<1x1000x128xf32>
    %get3A_3 = vector.shape_cast %get3A_2 : vector<1x1000x128xf32> to vector<1000x128xf32>
    %get3A_4 = arith.constant 1 : index
    %get3A_5 = arith.constant 0 : index
    %get3A_6 = arith.constant 0 : index
    %get3A_7 = vector.load %arg1[%get3A_4, %get3A_5, %get3A_6] : memref<2x1000x128xf32, #tpu.memory_space<vmem>>, vector<1x1000x128xf32>
    %get3A_8 = vector.shape_cast %get3A_7 : vector<1x1000x128xf32> to vector<1000x128xf32>
    %add3A = arith.addf %get3A_3, %get3A_8 : vector<1000x128xf32>
    %get3A_9 = arith.constant 0 : index
    %get3A_10 = arith.constant 0 : index
    %get3A_11 = vector.load %arg2[%get3A_9, %get3A_10] : memref<1000x128xf32, #tpu.memory_space<vmem>>, vector<1000x128xf32>
    %add3A_12 = arith.addf %add3A, %get3A_11 : vector<1000x128xf32>
    %get3A_13 = arith.constant 0 : index
    %get3A_14 = arith.constant 0 : index
    %get3A_15 = vector.load %arg3[%get3A_13, %get3A_14] : memref<1000x1xf32, #tpu.memory_space<vmem>>, vector<1000x1xf32>
    %mul3A = vector.broadcast %get3A_15 : vector<1000x1xf32> to vector<1000x128xf32>
    %mul3A_16 = arith.mulf %add3A_12, %mul3A : vector<1000x128xf32>
    %get3A_17 = arith.constant 0 : index
    %get3A_18 = arith.constant 0 : index
    %get3A_19 = vector.load %arg4[%get3A_17, %get3A_18] : memref<1x128xf32, #tpu.memory_space<vmem>>, vector<1x128xf32>
    %add3A_20 = vector.broadcast %get3A_19 : vector<1x128xf32> to vector<1000x128xf32>
    %add3A_21 = arith.addf %mul3A_16, %add3A_20 : vector<1000x128xf32>
    %swap3A = arith.constant 0 : index
    %swap3A_22 = arith.constant 0 : index
    %swap3A_23 = vector.load %arg5[%swap3A, %swap3A_22] : memref<1000x128xf32, #tpu.memory_space<vmem>>, vector<1000x128xf32>
    tpu.vector_store %arg5[%swap3A, %swap3A_22], %add3A_21 {strides = array<i32>} : memref<1000x128xf32, #tpu.memory_space<vmem>>, vector<1000x128xf32>,
    return
  }
  func.func @transform_0(%arg0: i32) -> (i32, i32, i32) {
    %c0_i32 = arith.constant 0 : i32
    %c0_i32_0 = arith.constant 0 : i32
    %c0_i32_1 = arith.constant 0 : i32
    return %c0_i32, %arg0, %c0_i32_0 : i32, i32, i32
  }
  func.func @transform_1(%arg0: i32) -> (i32, i32) {
    %c0_i32 = arith.constant 0 : i32
    %c0_i32_0 = arith.constant 0 : i32
    return %arg0, %c0_i32 : i32, i32
  }
  func.func @transform_2(%arg0: i32) -> (i32, i32) {
    %c0_i32 = arith.constant 0 : i32
    %c0_i32_0 = arith.constant 0 : i32
    return %arg0, %c0_i32 : i32, i32
  }
  func.func @transform_3(%arg0: i32) -> (i32, i32) {
    %c0_i32 = arith.constant 0 : i32
    %c0_i32_0 = arith.constant 0 : i32
    %c0_i32_1 = arith.constant 0 : i32
    return %c0_i32, %c0_i32_0 : i32, i32
  }
  func.func @transform_4(%arg0: i32) -> (i32, i32) {
    %c0_i32 = arith.constant 0 : i32
    %c0_i32_0 = arith.constant 0 : i32
    return %arg0, %c0_i32 : i32, i32
  }
}

</mosaic_0001>

<sc_bundles>
// kernel: kernel.10.cloned.1.call-start
scs
__scs_entry_jumppad:
0x0: {  	(pc) =	sbr.rel $0x88, $3  }
0x1: {  	(tag) =	ssettag $0x0;
	lr =	simm.s32 $0x1  }
0x2: {  	[smem:$0x3F9B] =	sst lr;
	_ =	strace $0xD0000000  }
0x3: {  	_ = 	snop  }
0x4: {  	_ = 	snop  }
0x5: {  	_ = 	snop  }
0x6: {  	_ = 	snop  }
0x7: {  	_ = 	snop  }
__scs_overlays_trampoline_lowered:
0x8: {  	[smem:$0x3FAA] =	sst s0  }
0x9: {  	[smem:$0x3FAB] =	sst s1  }
0xa: {  	[smem:$0x3FAC] =	sst s2  }
0xb: {  	[smem:$0x3FAD] =	sst s3  }
0xc: {  	[smem:$0x3FAE] =	sst s4  }
0xd: {  	[smem:$0x3FAF] =	sst s5  }
0xe: {  	[smem:$0x3FB0] =	sst s6  }
0xf: {  	[smem:$0x3FB1] =	sst s7  }
0x10: {  	[smem:$0x3FB2] =	sst s8  }
0x11: {  	[smem:$0x3FB3] =	sst s9;
	s0 =	simm.s32 @!p0 $0x0  }
0x12: {  	s1 =	sld [smem:$0x3F99];
	s0 =	simm.s32 @p0 $0x1  }
0x13: {  	[smem:$0x3FB4] =	sst s0;
	s0 =	simm.s32 @!p1 $0x0  }
0x14: {  	s2 =	sld [smem:$0x3F98];
	s0 =	simm.s32 @p1 $0x1  }
0x15: {  	[smem:$0x3FB5] =	sst s0;
	s0 =	simm.s32 @!p2 $0x0  }
0x16: {  	s3 =	sld [smem:$0x3FDB];
	s0 =	simm.s32 @p2 $0x1  }
0x17: {  	s4 =	simm.s32 $0x1BF5;
	[smem:$0x3FB7] =	sst s0  }
0x18: {  	s0 =	sld [smem:$0x3F9A];
	_ =	swait.ge [sflag:s4], $0x0  }
0x19: {  	s7 =	sld [smem:$0x3F9B]  }
0x1a: {  	s8 =	sadd.s32 $0xFFFFE003, lr  }
0x1b: {  	s9 =	sadd.s32 $0xFFFFFEF7, lr;
	s5 =	simm.s32 $0xFFFFFFFF;
	p2 =	slt.u32 s8, $0xFFFFF086  }
0x1c: {  	p1 =	slt.u32 s9, $0xF7A;
	s5 =	simm.s32 @!p2 $0x0  }
0x1d: {  	s5 =	simm.s32 @p1 $0x1;
	p0 =	seq.s32 s7, s2  }
0x1e: {  	s7 =	smul.u32 @!p0 $0xF7A, s2;
	p2 =	seq.s32 @!p0 s5, $0x0  }
0x1f: {  	s9 =	smul.u32 $0xF7A, s1;
	s8 =	simm.s32 @!p0 $0x1BF5;
	p2 =	por !p2, p0  }
0x20: {  	[sflag:s8] =	ssyncset.s32 @!p0 $0xFFFFF086;
	s6 =	sadd.s32 @!p0 s3, s7;
	s7 =	simm.s32 @!p0 $0x108  }
0x21: {  	s3 =	sadd.s32 s3, s9;
	s6 =	sadd.s32 @!p0 $0x88, s6;
	s7 =	simm.s32 @p2 $0x1082  }
0x22: {  	[simem:s7], [sflag:s8] =	dma.local @!p0 [hbm:s6], $0xF7A  }
0x23: {  	s9 =	sor.u32 $0xD0000000, s2;
	s6 =	simm.s32 $0x108;
	_ =	swait.ge @!p0 [sflag:s8], $0x0  }
0x24: {  	s3 =	sadd.s32 $0x88, s3;
	s6 =	simm.s32 @!p1 $0x1082;
	[sflag:s4] =	ssyncset.s32 $0xFFFFF086  }
0x25: {  	[simem:s6], [sflag:s4] =	dma.local [hbm:s3], $0xF7A  }
0x26: {  	[smem:$0x3F9B] =	sst s1;
	(tag) =	ssettag s2;
	_ =	strace s9  }
0x27: {  	s1 =	sld [smem:$0x3FAB]  }
0x28: {  	s2 =	sld [smem:$0x3FAC]  }
0x29: {  	s4 =	sld [smem:$0x3FAE]  }
0x2a: {  	p0 =	seq.s32 s5, $0x0;
	s5 =	sld [smem:$0x3FAF]  }
0x2b: {  	s6 =	sld [smem:$0x3FB0]  }
0x2c: {  	s7 =	sld [smem:$0x3FB1]  }
0x2d: {  	s3 =	simm.s32 $0x108;
	s8 =	sld [smem:$0x3FB2]  }
0x2e: {  	s3 =	simm.s32 @!p0 $0x1082;
	s9 =	sld [smem:$0x3FB3]  }
0x2f: {  	lr =	sadd.s32 s0, s3;
	s0 =	sld [smem:$0x3FAA]  }
0x30: {  	s3 =	sld [smem:$0x3FAD]  }
0x31: {  	[smem:$0x3FB6] =	sst s10  }
0x32: {  	s10 =	sld [smem:$0x3FB4];
	_ =	sdelay $0x3  }
0x33: {  	p0 =	seq.s32 s10, $0x1;
	s10 =	sld [smem:$0x3FB6];
	_ =	sdelay $0x3  }
0x34: {  	[smem:$0x3FB6] =	sst s10  }
0x35: {  	s10 =	sld [smem:$0x3FB5];
	_ =	sdelay $0x3  }
0x36: {  	p1 =	seq.s32 s10, $0x1;
	s10 =	sld [smem:$0x3FB6];
	_ =	sdelay $0x3  }
0x37: {  	[smem:$0x3FB6] =	sst s10  }
0x38: {  	s10 =	sld [smem:$0x3FB7]  }
0x39: {  	_ = 	snop;
	(pc) =	sbr.ind lr, $3  }
0x3a: {  	_ = 	snop  }
0x3b: {  	_ = 	snop  }
0x3c: {  	p2 =	seq.s32 s10, $0x1;
	s10 =	sld [smem:$0x3FB6]  }
0x3d: {  	_ =	shalt  }
0x3e: {  	_ =	shalt  }
0x3f: {  	_ =	shalt  }
0x40: {  	_ =	shalt  }
0x41: {  	_ =	shalt  }
0x42: {  	_ =	shalt  }
0x43: {  	_ =	shalt  }
0x44: {  	_ =	shalt  }
0x45: {  	_ =	shalt  }
0x46: {  	_ =	shalt  }
0x47: {  	_ =	shalt  }
0x48: {  	_ =	shalt  }
0x49: {  	_ =	shalt  }
0x4a: {  	_ =	shalt  }
0x4b: {  	_ =	shalt  }
0x4c: {  	_ =	shalt  }
0x4d: {  	_ =	shalt  }
0x4e: {  	_ =	shalt  }
0x4f: {  	_ =	shalt  }
0x50: {  	_ =	shalt  }
0x51: {  	_ =	shalt  }
0x52: {  	_ =	shalt  }
0x53: {  	_ =	shalt  }
0x54: {  	_ =	shalt  }
0x55: {  	_ =	shalt  }
0x56: {  	_ =	shalt  }
0x57: {  	_ =	shalt  }
0x58: {  	_ =	shalt  }
0x59: {  	_ =	shalt  }
0x5a: {  	_ =	shalt  }
0x5b: {  	_ =	shalt  }
0x5c: {  	_ =	shalt  }
0x5d: {  	_ =	shalt  }
0x5e: {  	_ =	shalt  }
0x5f: {  	_ =	shalt  }
0x60: {  	_ =	shalt  }
0x61: {  	_ =	shalt  }
0x62: {  	_ =	shalt  }
0x63: {  	_ =	shalt  }
0x64: {  	_ =	shalt  }
0x65: {  	_ =	shalt  }
0x66: {  	_ =	shalt  }
0x67: {  	_ =	shalt  }
0x68: {  	_ =	shalt  }
0x69: {  	_ =	shalt  }
0x6a: {  	_ =	shalt  }
0x6b: {  	_ =	shalt  }
0x6c: {  	_ =	shalt  }
0x6d: {  	_ =	shalt  }
0x6e: {  	_ =	shalt  }
0x6f: {  	_ =	shalt  }
0x70: {  	_ =	shalt  }
0x71: {  	_ =	shalt  }
0x72: {  	_ =	shalt  }
0x73: {  	_ =	shalt  }
0x74: {  	_ =	shalt  }
0x75: {  	_ =	shalt  }
0x76: {  	_ =	shalt  }
0x77: {  	_ =	shalt  }
0x78: {  	_ =	shalt  }
0x79: {  	_ =	shalt  }
0x7a: {  	_ =	shalt  }
0x7b: {  	_ =	shalt  }
0x7c: {  	_ =	shalt  }
0x7d: {  	_ =	shalt  }
0x7e: {  	_ =	shalt  }
0x7f: {  	_ =	shalt  }
0x80: {  	_ =	shalt  }
0x81: {  	_ =	shalt  }
0x82: {  	_ =	shalt  }
0x83: {  	_ =	shalt  }
0x84: {  	_ =	shalt  }
0x85: {  	_ =	shalt  }
0x86: {  	_ =	shalt  }
0x87: {  	_ =	shalt  }
.Lfunc_end0:
.L_simem_size_0:
called_computation_lowered:
.L_overlay_start_0:
0x88: {  	s2 =	sld [smem:$0x3FD9]  }
0x89: {  	s3 =	sld [smem:$0x3FFE];
	_ =	sdelay $0x1  }
0x8a: {  	s1 =	srdreg.scid  }
0x8b: {  	s0 =	sand.u32 $0x1, s1  }
0x8c: {  	s17 =	sshll.u32 s0, $0xA;
	s2 =	sadd.s32 s3, s2  }
0x8d: {  	s2 =	sadd.s32 s2, s17  }
0x8e: {  	[smem:$0x3FC2] =	sst s2  }
0x8f: {  	_ = 	snop  }
0x90: {  	s2 =	sld [smem:$0x3FD0];
	(tm) =	ssettm $0x1  }
0x91: {  	s18 =	sld [smem:$0x3FFB];
	_ =	sdelay $0x3  }
0x92: {  	_ =	strace s18  }
0x93: {  	s3 =	sld [smem:$0x3FFC];
	_ =	sdelay $0x3  }
0x94: {  	_ =	strace s3  }
0x95: {  	s3 =	sld [smem:$0x3FFD];
	_ =	sdelay $0x3  }
0x96: {  	_ =	strace s3  }
0x97: {  	_ =	strace $0x8FFFFFFF  }
0x98: {  	s19 =	sld [smem:$0x3FDB];
	_ =	sdelay $0x1  }
0x99: {  	s4 =	simm.s32 $_scs_section_size  }
0x9a: {  	s5 =	simm.s32 $_size__tile_overlayer_lowered;
	s6 =	simm.s32 $_tile_overlayer_lowered  }
0x9b: {  	s22 =	simm.s32 $0x1BFF;
	s21 =	sshll.u32 s6, $0x1;
	s3 =	sadd.s32 s4, s19  }
0x9c: {  	s7 =	simm.s32 $0x0;
	s20 =	sshll.u32 s5, $0x1;
	s5 =	sadd.s32 s21, s3  }
0x9d: {  	[timem:s7], [sflag:s22] =	dma.local [hbm:s5], s20  }
0x9e: {  	_ =	swait.ge [sflag:s22], s20  }
0x9f: {  	s4 =	ssub.s32 $0x0, s20;
	[sflag:s22] =	ssyncset.done $0x0  }
0xa0: {  	[sflag:s22] =	ssyncadd.s32 s4;
	_ =	sdelay $0x1  }
0xa1: {  	s23 =	simm.s32 $0x1B8B  }
0xa2: {  	_ =	swait.ge [sflag:s23], $0x1  }
0xa3: {  	[sflag:s23] =	ssyncset.done $0x0  }
0xa4: {  	s25 =	simm.s32 $0x1B8E;
	s24 =	sld [smem:$0x3FFE];
	[sflag:s23] =	ssyncadd.s32 $0xFFFFFFFF  }
0xa5: {  	s26 =	simm.s32 $execute0_lowered;
	[smem:$0x3FD2] =	sst s25  }
0xa6: {  	s5 =	sshll.u32 s26, $0x1;
	_ =	strace $0x80000046;
	[dreg:$0x1] =	wrdreg $0xFFFFFFFF  }
0xa7: {  	s28 =	simm.s32 $_size_execute0_lowered;
	s3 =	sadd.s32 s3, s5;
	[dreg:$0x0] =	wrdreg $0x0  }
0xa8: {  	s5 =	sshll.u32 s28, $0x1;
	[dreg:$0x2] =	wrdreg s3  }
0xa9: {  	[dreg:$0x3] =	wrdreg s5  }
0xaa: {  	[dreg:$0x4] =	wrdreg $0xC0  }
0xab: {  	_ =	task [dreg:s7], $0x5FFFF  }
0xac: {  	[dreg:$0x1] =	wrdreg $0xFFFFFFFF  }
0xad: {  	[dreg:$0x0] =	wrdreg $0x60  }
0xae: {  	[dreg:$0x2] =	wrdreg s24  }
0xaf: {  	[dreg:$0x3] =	wrdreg s2  }
0xb0: {  	[dreg:$0x4] =	wrdreg $0x0  }
0xb1: {  	[dreg:$0x5] =	wrdreg $0x9  }
0xb2: {  	_ =	task.clear_ibuf [dreg:s7], $0x6FFFF;
	_ =	strace $0x90000046  }
0xb3: {  	s29 =	simm.s32 $0x9;
	_ =	strace $0x80000048  }
0xb4: {  	_ =	swait.ge [sflag:s29], $0x1  }
0xb5: {  	[sflag:s29] =	ssyncadd.s32 $0xFFFFFFFF  }
0xb6: {  	_ =	strace $0x90000048  }
0xb7: {  	_ =	sfence  }
0xb8: {  	s30 =	sld [smem:$0x0];
	_ =	sdelay $0x2  }
0xb9: {  	s31 =	sshll.u32 s1, $0xD;
	s1 =	sshrl.u32 s1, $0x2  }
0xba: {  	s3 =	sand.u32 $0x4000, s31;
	s1 =	sadd.s32 s1, s30  }
0xbb: {  	s0 =	sor.u32 s3, s0;
	s1 =	sshll.u32 s1, $0x11  }
0xbc: {  	s0 =	sor.u32 s1, s0  }
0xbd: {  	s0 =	sadd.s32 $0x8F2B, s0  }
0xbe: {  	[sflag:s0] =	ssyncadd.remote.s32 $0x1  }
0xbf: {  	_ =	sfence.sel $0xFFFF  }
0xc0: {  	[dreg:$0x0] =	wrdreg $0xFFFFFFFF;
	(pc) =	sbr.abs _section_cstart, $3  }
0xc1: {  	[dreg:$0x1] =	wrdreg $0xFFFFFFFF  }
0xc2: {  	_ =	task.clear_ibuf [dreg:s7], $0x2FFFF;
	_ =	strace $0x9FFFFFFF  }
0xc3: {  	(tm) =	ssettm $0x7FFFFFFF  }
tec
execute0_lowered:
.L_overlay_start_1:
0x0: {  	(tag) =	ssettag $0x1  }
0x1: {  	s6 =	rddreg [dreg:$0x0]  }
0x2: {  	s2 =	rddreg [dreg:$0x1]  }
0x3: {  	s0 =	srdreg.scid;
	s3 =	rddreg [dreg:$0x2]  }
0x4: {  	s4 =	simm.s32 $0x0;
	s13 =	simm.s32 $0x17C00;
	s14 =	simm.s32 $0x80  }
0x5: {  	s15 =	simm.s32 $0x1;
	s5 =	sand.u32 $0x1, s0;
	s0 =	stileid.u32  }
0x6: {  	s16 =	simm.s32 $0x2;
	s17 =	simm.s32 $0x3;
	s8 =	smul.u32 $0x13C00, s0  }
0x7: {  	s18 =	simm.s32 $0x4;
	s19 =	simm.s32 $0x0;
	s9 =	smul.u32 $0x13C000, s5  }
0x8: {  	[smem:$0x7FF] =	sst s4;
	s1 =	sshll.u32 s5, $0x4;
	s29 =	smul.u32 $0x4F000, s0  }
0x9: {  	s5 =	ssub.s32 $0x2, s5;
	s31 =	sshll.u32 s0, $0x6;
	s1 =	sor.u32 s0, s1  }
0xa: {  	s30 =	sshrl.u32 s5, $0x1;
	s7 =	smul.u32 $0x500, s1;
	s1 =	rddreg [dreg:$0x3]  }
0xb: {  	_ =	strace $0x80000047;
	s10 =	sshrl.u32 s8, $0x3;
	s8 =	sadd.s32 s8, s9  }
0xc: {  	s9 =	sshrl.u32 s29, $0x2;
	s11 =	ssub.s32 s5, s30;
	s10 =	sadd.s32 s10, s6  }
0xd: {  	s8 =	sshrl.u32 s8, $0x3;
	s12 =	sadd.s32 s9, s3;
	s9 =	smax.u32 s11, $0x1  }
0xe: {  	s11 =	simm.s32 $0x5;
	s7 =	sadd.s32 s7, s6;
	s8 =	sadd.s32 s8, s6  }
0xf: {  	s5 =	sadd.s32 $0x16C00, s10;
	s6 =	sor.u32 $0x1C05, s31;
	s10 =	sshrl.u32 s12, $0x3  }
0x10: {  	s12 =	simm.s32 $0x13C00;
	s7 =	sadd.s32 $0xCA00, s7;
	s8 =	sadd.s32 $0x3E400, s8  }
.LBB2_1:
0x11: {  	[spmem:s10], [sflag:s6] =	dma.local [hbm:s5], $0x2780  }
0x12: {  	_ =	swait.ge [sflag:s11], $0x2780  }
0x13: {  	[sflag:s11] =	ssyncset.done $0x0  }
0x14: {  	[sflag:s11] =	ssyncadd.s32 $0xFFFFD880  }
0x15: {  	[tilespmem:s12], [sflag:$0x5] =	stream.linear.gather [hbm4b:s2+s4], $0x4000, $0x38;
	[tilespmem:$0x1A400] =	vst v63  }
0x16: {  	_ =	swait.ge [sflag:s11], $0x4000  }
0x17: {  	[sflag:s11] =	ssyncset.done $0x0  }
0x18: {  	[sflag:s11] =	ssyncadd.s32 $0xFFFFC000  }
0x19: {  	[tilespmem:s13], [sflag:$0x5] =	stream.linear.gather [hbm4b:s7+s4], $0x2800, $0x38;
	[tilespmem:$0x1A400] =	vst v63  }
0x1a: {  	_ =	swait.ge [sflag:s11], $0x2800  }
0x1b: {  	[sflag:s11] =	ssyncset.done $0x0  }
0x1c: {  	[sflag:s11] =	ssyncadd.s32 $0xFFFFD800  }
0x1d: {  	s20 =	simm.s32 $0x17C00;
	[bflag:$0x0] =	sbarrier.arrive $0xFFFF  }
0x1e: {  	[spmem:s3] =	stream.indirect.scatter.add.f32 [tilespmem:s12], [sflag:$0x1], $0x80, s20, s14, $0xb8;
	[tilespmem:$0x1A400] =	vst v63  }
0x1f: {  	s29 =	simm.s32 $0x17C80  }
0x20: {  	[spmem:s3] =	stream.indirect.scatter.add.f32 [tilespmem:s12], [sflag:$0x2], $0x80, s29, s14, $0xb8;
	[tilespmem:$0x1A400] =	vst v63  }
0x21: {  	s30 =	simm.s32 $0x17D00  }
0x22: {  	[spmem:s3] =	stream.indirect.scatter.add.f32 [tilespmem:s12], [sflag:$0x3], $0x80, s30, s14, $0xb8;
	[tilespmem:$0x1A400] =	vst v63  }
0x23: {  	s31 =	simm.s32 $0x17D80  }
0x24: {  	[spmem:s3] =	stream.indirect.scatter.add.f32 [tilespmem:s12], [sflag:$0x4], $0x80, s31, s14, $0xb8;
	[tilespmem:$0x1A400] =	vst v63  }
0x25: {  	_ =	swait.ge [sflag:s15], $0x4000  }
0x26: {  	[sflag:s15] =	ssyncset.done $0x0  }
0x27: {  	[sflag:s15] =	ssyncadd.s32 $0xFFFFC000  }
0x28: {  	_ =	swait.ge [sflag:s16], $0x4000  }
0x29: {  	[sflag:s16] =	ssyncset.done $0x0  }
0x2a: {  	[sflag:s16] =	ssyncadd.s32 $0xFFFFC000  }
0x2b: {  	_ =	swait.ge [sflag:s17], $0x4000  }
0x2c: {  	[sflag:s17] =	ssyncset.done $0x0  }
0x2d: {  	[sflag:s17] =	ssyncadd.s32 $0xFFFFC000  }
0x2e: {  	_ =	swait.ge [sflag:s18], $0x4000  }
0x2f: {  	s21 =	simm.s32 $0x1000;
	s20 =	simm.s32 $0x200;
	[sflag:s18] =	ssyncset.done $0x0  }
.LBB2_2:
0x30: {  	s22 =	sadd.s32 $0x17C00, s20  }
0x31: {  	[sflag:s18] =	ssyncadd.s32 $0xFFFFC000;
	s23 =	smov.u32 s21;
	s24 =	sadd.s32 $0x800, s21  }
0x32: {  	[spmem:s3] =	stream.indirect.scatter.add.f32 [tilespmem:s12], [sflag:$0x1], $0x80, s22, s14, $0xb8;
	[tilespmem:$0x1A400] =	vst v63  }
0x33: {  	p0 =	sne.s32 s21, $0x9800;
	s21 =	sadd.s32 $0x17C80, s20  }
0x34: {  	[spmem:s3] =	stream.indirect.scatter.add.f32 [tilespmem:s12], [sflag:$0x2], $0x80, s21, s14, $0xb8;
	[tilespmem:$0x1A400] =	vst v63  }
0x35: {  	s21 =	sadd.s32 $0x17D00, s20  }
0x36: {  	[spmem:s3] =	stream.indirect.scatter.add.f32 [tilespmem:s12], [sflag:$0x3], $0x80, s21, s14, $0xb8;
	[tilespmem:$0x1A400] =	vst v63  }
0x37: {  	s20 =	sadd.s32 $0x17D80, s20  }
0x38: {  	[spmem:s3] =	stream.indirect.scatter.add.f32 [tilespmem:s12], [sflag:$0x4], $0x80, s20, s14, $0xb8;
	[tilespmem:$0x1A400] =	vst v63  }
0x39: {  	_ =	swait.ge [sflag:s15], $0x4000  }
0x3a: {  	[sflag:s15] =	ssyncset.done $0x0  }
0x3b: {  	[sflag:s15] =	ssyncadd.s32 $0xFFFFC000  }
0x3c: {  	_ =	swait.ge [sflag:s16], $0x4000  }
0x3d: {  	[sflag:s16] =	ssyncset.done $0x0  }
0x3e: {  	[sflag:s16] =	ssyncadd.s32 $0xFFFFC000  }
.Ltmp0:
0x3f: {  	_ =	swait.ge [sflag:s17], $0x4000;
	(pc) =	sbr.rel @p0 .LBB2_2-.Ltmp0, $4  }
0x40: {  	[sflag:s17] =	ssyncset.done $0x0  }
0x41: {  	[sflag:s17] =	ssyncadd.s32 $0xFFFFC000  }
0x42: {  	_ =	swait.ge [sflag:s18], $0x4000  }
0x43: {  	s21 =	smov.u32 s24;
	s20 =	sshra.s32 s23, $0x2;
	[sflag:s18] =	ssyncset.done $0x0  }
0x44: {  	s21 =	sadd.s32 $0x17C00, s20;
	[sflag:s18] =	ssyncadd.s32 $0xFFFFC000  }
0x45: {  	[spmem:s3] =	stream.indirect.scatter.add.f32 [tilespmem:s12], [sflag:$0x1], $0x80, s21, s14, $0xb8;
	[tilespmem:$0x1A400] =	vst v63  }
0x46: {  	s29 =	sadd.s32 $0x17C80, s20  }
0x47: {  	[spmem:s3] =	stream.indirect.scatter.add.f32 [tilespmem:s12], [sflag:$0x2], $0x80, s29, s14, $0xb8;
	[tilespmem:$0x1A400] =	vst v63  }
0x48: {  	s30 =	sadd.s32 $0x17D00, s20  }
0x49: {  	[spmem:s3] =	stream.indirect.scatter.add.f32 [tilespmem:s12], [sflag:$0x3], $0x80, s30, s14, $0xb8;
	[tilespmem:$0x1A400] =	vst v63  }
0x4a: {  	s31 =	sadd.s32 $0x17D80, s20  }
0x4b: {  	[spmem:s3] =	stream.indirect.scatter.add.f32 [tilespmem:s12], [sflag:$0x4], $0x80, s31, s14, $0xb8;
	[tilespmem:$0x1A400] =	vst v63  }
0x4c: {  	_ =	swait.ge [sflag:s15], $0x4000  }
0x4d: {  	[sflag:s15] =	ssyncset.done $0x0  }
0x4e: {  	[sflag:s15] =	ssyncadd.s32 $0xFFFFC000  }
0x4f: {  	_ =	swait.ge [sflag:s16], $0x4000  }
0x50: {  	[sflag:s16] =	ssyncset.done $0x0  }
0x51: {  	[sflag:s16] =	ssyncadd.s32 $0xFFFFC000  }
0x52: {  	_ =	swait.ge [sflag:s17], $0x4000  }
0x53: {  	[sflag:s17] =	ssyncset.done $0x0  }
0x54: {  	[sflag:s17] =	ssyncadd.s32 $0xFFFFC000  }
0x55: {  	_ =	swait.ge [sflag:s18], $0x4000  }
0x56: {  	s19 =	sadd.s32 $0x1, s19;
	[sflag:s18] =	ssyncset.done $0x0  }
0x57: {  	p0 =	sne.s32 s19, s9;
	[sflag:s18] =	ssyncadd.s32 $0xFFFFC000  }
.Ltmp1:
0x58: {  	[bflag:$0x0] =	sbarrier.arrive $0xFFFF;
	(pc) =	sbr.rel @p0 .LBB2_1-.Ltmp1, $4  }
0x59: {  	[hbm:s8], [sflag:s6] =	dma.local [spmem:s10], $0x2780  }
0x5a: {  	_ =	swait.ge [sflag:s11], $0x2780  }
0x5b: {  	[sflag:s11] =	ssyncset.done $0x0  }
0x5c: {  	[sflag:s11] =	ssyncadd.s32 $0xFFFFD880  }
0x5d: {  	_ =	sfence.sel $0x180000  }
0x5e: {  	[bflag:$0x0] =	sbarrier.arrive $0xFFFF  }
0x5f: {  	p0 =	sne.s32 s0, $0x0;
	_ =	strace $0x90000047  }
0x60: {  	s0 =	sadd.s32 @!p0 $0x100000, s1;
	[bflag:$0x2] =	sbarrier.arrive $0xFFFF  }
0x61: {  	[sflag:s0] =	ssyncadd.tile.s32 @!p0 $0x1;
	_ =	shalt  }
.Lfunc_end2:
_tile_overlayer_lowered:
.L_overlay_start_2:
0x62: {  	(tag) =	ssettag $0x2  }
0x63: {  	s0 =	rddreg [dreg:$0x0];
	s2 =	stileid.u32  }
0x64: {  	s1 =	rddreg [dreg:$0x1];
	p0 =	sne.s32 s2, $0x0  }
0x65: {  	s3 =	rddreg [dreg:$0x2];
	[bflag:$0x3] =	sbarrier.arrive $0xFFFF;
	s2 =	simm.s32 @!p0 $0x1C05  }
0x66: {  	[timem:s3], [sflag:s2] =	dma.local @!p0 [hbm:s0], s1  }
0x67: {  	s0 =	simm.s32 @!p0 $0x5  }
0x68: {  	_ =	swait.ge @!p0 [sflag:s0], s1  }
0x69: {  	s1 =	ssub.s32 @!p0 $0x0, s1;
	[sflag:s0] =	ssyncset.done @!p0 $0x0  }
0x6a: {  	[sflag:s0] =	ssyncadd.s32 @!p0 s1  }
0x6b: {  	[bflag:$0x3] =	sbarrier.arrive $0xFFFF  }
0x6c: {  	_ =	shalt  }

// kernel: kernel.13.cloned.1.call-start
scs
__scs_entry_jumppad:
0x0: {  	(pc) =	sbr.rel $0x88, $3  }
0x1: {  	(tag) =	ssettag $0x0;
	lr =	simm.s32 $0x1  }
0x2: {  	[smem:$0x3F9B] =	sst lr;
	_ =	strace $0xD0000000  }
0x3: {  	_ = 	snop  }
0x4: {  	_ = 	snop  }
0x5: {  	_ = 	snop  }
0x6: {  	_ = 	snop  }
0x7: {  	_ = 	snop  }
__scs_overlays_trampoline_lowered:
0x8: {  	[smem:$0x3FAA] =	sst s0  }
0x9: {  	[smem:$0x3FAB] =	sst s1  }
0xa: {  	[smem:$0x3FAC] =	sst s2  }
0xb: {  	[smem:$0x3FAD] =	sst s3  }
0xc: {  	[smem:$0x3FAE] =	sst s4  }
0xd: {  	[smem:$0x3FAF] =	sst s5  }
0xe: {  	[smem:$0x3FB0] =	sst s6  }
0xf: {  	[smem:$0x3FB1] =	sst s7  }
0x10: {  	[smem:$0x3FB2] =	sst s8  }
0x11: {  	[smem:$0x3FB3] =	sst s9;
	s0 =	simm.s32 @!p0 $0x0  }
0x12: {  	s1 =	sld [smem:$0x3F99];
	s0 =	simm.s32 @p0 $0x1  }
0x13: {  	[smem:$0x3FB4] =	sst s0;
	s0 =	simm.s32 @!p1 $0x0  }
0x14: {  	s2 =	sld [smem:$0x3F98];
	s0 =	simm.s32 @p1 $0x1  }
0x15: {  	[smem:$0x3FB5] =	sst s0;
	s0 =	simm.s32 @!p2 $0x0  }
0x16: {  	s3 =	sld [smem:$0x3FDB];
	s0 =	simm.s32 @p2 $0x1  }
0x17: {  	s4 =	simm.s32 $0x1BF5;
	[smem:$0x3FB7] =	sst s0  }
0x18: {  	s0 =	sld [smem:$0x3F9A];
	_ =	swait.ge [sflag:s4], $0x0  }
0x19: {  	s7 =	sld [smem:$0x3F9B]  }
0x1a: {  	s8 =	sadd.s32 $0xFFFFE003, lr  }
0x1b: {  	s9 =	sadd.s32 $0xFFFFFEF7, lr;
	s5 =	simm.s32 $0xFFFFFFFF;
	p2 =	slt.u32 s8, $0xFFFFF086  }
0x1c: {  	p1 =	slt.u32 s9, $0xF7A;
	s5 =	simm.s32 @!p2 $0x0  }
0x1d: {  	s5 =	simm.s32 @p1 $0x1;
	p0 =	seq.s32 s7, s2  }
0x1e: {  	s7 =	smul.u32 @!p0 $0xF7A, s2;
	p2 =	seq.s32 @!p0 s5, $0x0  }
0x1f: {  	s9 =	smul.u32 $0xF7A, s1;
	s8 =	simm.s32 @!p0 $0x1BF5;
	p2 =	por !p2, p0  }
0x20: {  	[sflag:s8] =	ssyncset.s32 @!p0 $0xFFFFF086;
	s6 =	sadd.s32 @!p0 s3, s7;
	s7 =	simm.s32 @!p0 $0x108  }
0x21: {  	s3 =	sadd.s32 s3, s9;
	s6 =	sadd.s32 @!p0 $0x88, s6;
	s7 =	simm.s32 @p2 $0x1082  }
0x22: {  	[simem:s7], [sflag:s8] =	dma.local @!p0 [hbm:s6], $0xF7A  }
0x23: {  	s9 =	sor.u32 $0xD0000000, s2;
	s6 =	simm.s32 $0x108;
	_ =	swait.ge @!p0 [sflag:s8], $0x0  }
0x24: {  	s3 =	sadd.s32 $0x88, s3;
	s6 =	simm.s32 @!p1 $0x1082;
	[sflag:s4] =	ssyncset.s32 $0xFFFFF086  }
0x25: {  	[simem:s6], [sflag:s4] =	dma.local [hbm:s3], $0xF7A  }
0x26: {  	[smem:$0x3F9B] =	sst s1;
	(tag) =	ssettag s2;
	_ =	strace s9  }
0x27: {  	s1 =	sld [smem:$0x3FAB]  }
0x28: {  	s2 =	sld [smem:$0x3FAC]  }
0x29: {  	s4 =	sld [smem:$0x3FAE]  }
0x2a: {  	p0 =	seq.s32 s5, $0x0;
	s5 =	sld [smem:$0x3FAF]  }
0x2b: {  	s6 =	sld [smem:$0x3FB0]  }
0x2c: {  	s7 =	sld [smem:$0x3FB1]  }
0x2d: {  	s3 =	simm.s32 $0x108;
	s8 =	sld [smem:$0x3FB2]  }
0x2e: {  	s3 =	simm.s32 @!p0 $0x1082;
	s9 =	sld [smem:$0x3FB3]  }
0x2f: {  	lr =	sadd.s32 s0, s3;
	s0 =	sld [smem:$0x3FAA]  }
0x30: {  	s3 =	sld [smem:$0x3FAD]  }
0x31: {  	[smem:$0x3FB6] =	sst s10  }
0x32: {  	s10 =	sld [smem:$0x3FB4];
	_ =	sdelay $0x3  }
0x33: {  	p0 =	seq.s32 s10, $0x1;
	s10 =	sld [smem:$0x3FB6];
	_ =	sdelay $0x3  }
0x34: {  	[smem:$0x3FB6] =	sst s10  }
0x35: {  	s10 =	sld [smem:$0x3FB5];
	_ =	sdelay $0x3  }
0x36: {  	p1 =	seq.s32 s10, $0x1;
	s10 =	sld [smem:$0x3FB6];
	_ =	sdelay $0x3  }
0x37: {  	[smem:$0x3FB6] =	sst s10  }
0x38: {  	s10 =	sld [smem:$0x3FB7]  }
0x39: {  	_ = 	snop;
	(pc) =	sbr.ind lr, $3  }
0x3a: {  	_ = 	snop  }
0x3b: {  	_ = 	snop  }
0x3c: {  	p2 =	seq.s32 s10, $0x1;
	s10 =	sld [smem:$0x3FB6]  }
0x3d: {  	_ =	shalt  }
0x3e: {  	_ =	shalt  }
0x3f: {  	_ =	shalt  }
0x40: {  	_ =	shalt  }
0x41: {  	_ =	shalt  }
0x42: {  	_ =	shalt  }
0x43: {  	_ =	shalt  }
0x44: {  	_ =	shalt  }
0x45: {  	_ =	shalt  }
0x46: {  	_ =	shalt  }
0x47: {  	_ =	shalt  }
0x48: {  	_ =	shalt  }
0x49: {  	_ =	shalt  }
0x4a: {  	_ =	shalt  }
0x4b: {  	_ =	shalt  }
0x4c: {  	_ =	shalt  }
0x4d: {  	_ =	shalt  }
0x4e: {  	_ =	shalt  }
0x4f: {  	_ =	shalt  }
0x50: {  	_ =	shalt  }
0x51: {  	_ =	shalt  }
0x52: {  	_ =	shalt  }
0x53: {  	_ =	shalt  }
0x54: {  	_ =	shalt  }
0x55: {  	_ =	shalt  }
0x56: {  	_ =	shalt  }
0x57: {  	_ =	shalt  }
0x58: {  	_ =	shalt  }
0x59: {  	_ =	shalt  }
0x5a: {  	_ =	shalt  }
0x5b: {  	_ =	shalt  }
0x5c: {  	_ =	shalt  }
0x5d: {  	_ =	shalt  }
0x5e: {  	_ =	shalt  }
0x5f: {  	_ =	shalt  }
0x60: {  	_ =	shalt  }
0x61: {  	_ =	shalt  }
0x62: {  	_ =	shalt  }
0x63: {  	_ =	shalt  }
0x64: {  	_ =	shalt  }
0x65: {  	_ =	shalt  }
0x66: {  	_ =	shalt  }
0x67: {  	_ =	shalt  }
0x68: {  	_ =	shalt  }
0x69: {  	_ =	shalt  }
0x6a: {  	_ =	shalt  }
0x6b: {  	_ =	shalt  }
0x6c: {  	_ =	shalt  }
0x6d: {  	_ =	shalt  }
0x6e: {  	_ =	shalt  }
0x6f: {  	_ =	shalt  }
0x70: {  	_ =	shalt  }
0x71: {  	_ =	shalt  }
0x72: {  	_ =	shalt  }
0x73: {  	_ =	shalt  }
0x74: {  	_ =	shalt  }
0x75: {  	_ =	shalt  }
0x76: {  	_ =	shalt  }
0x77: {  	_ =	shalt  }
0x78: {  	_ =	shalt  }
0x79: {  	_ =	shalt  }
0x7a: {  	_ =	shalt  }
0x7b: {  	_ =	shalt  }
0x7c: {  	_ =	shalt  }
0x7d: {  	_ =	shalt  }
0x7e: {  	_ =	shalt  }
0x7f: {  	_ =	shalt  }
0x80: {  	_ =	shalt  }
0x81: {  	_ =	shalt  }
0x82: {  	_ =	shalt  }
0x83: {  	_ =	shalt  }
0x84: {  	_ =	shalt  }
0x85: {  	_ =	shalt  }
0x86: {  	_ =	shalt  }
0x87: {  	_ =	shalt  }
.Lfunc_end0:
.L_simem_size_0:
called_computation.1_lowered:
.L_overlay_start_0:
0x88: {  	s2 =	sld [smem:$0x3FD9]  }
0x89: {  	s3 =	sld [smem:$0x3FFE];
	_ =	sdelay $0x1  }
0x8a: {  	s1 =	srdreg.scid  }
0x8b: {  	s0 =	sand.u32 $0x1, s1  }
0x8c: {  	s17 =	sshll.u32 s0, $0xA;
	s2 =	sadd.s32 s3, s2  }
0x8d: {  	s2 =	sadd.s32 s2, s17  }
0x8e: {  	[smem:$0x3FC2] =	sst s2  }
0x8f: {  	_ = 	snop  }
0x90: {  	s2 =	sld [smem:$0x3FD0];
	(tm) =	ssettm $0x1  }
0x91: {  	s18 =	sld [smem:$0x3FFB];
	_ =	sdelay $0x3  }
0x92: {  	_ =	strace s18  }
0x93: {  	s3 =	sld [smem:$0x3FFC];
	_ =	sdelay $0x3  }
0x94: {  	_ =	strace s3  }
0x95: {  	s3 =	sld [smem:$0x3FFD];
	_ =	sdelay $0x3  }
0x96: {  	_ =	strace s3  }
0x97: {  	_ =	strace $0x8FFFFFFF  }
0x98: {  	s19 =	sld [smem:$0x3FDB];
	_ =	sdelay $0x1  }
0x99: {  	s4 =	simm.s32 $_scs_section_size  }
0x9a: {  	s5 =	simm.s32 $_size__tile_overlayer_lowered;
	s6 =	simm.s32 $_tile_overlayer_lowered  }
0x9b: {  	s22 =	simm.s32 $0x1BFF;
	s21 =	sshll.u32 s6, $0x1;
	s3 =	sadd.s32 s4, s19  }
0x9c: {  	s7 =	simm.s32 $0x0;
	s20 =	sshll.u32 s5, $0x1;
	s5 =	sadd.s32 s21, s3  }
0x9d: {  	[timem:s7], [sflag:s22] =	dma.local [hbm:s5], s20  }
0x9e: {  	_ =	swait.ge [sflag:s22], s20  }
0x9f: {  	s4 =	ssub.s32 $0x0, s20;
	[sflag:s22] =	ssyncset.done $0x0  }
0xa0: {  	[sflag:s22] =	ssyncadd.s32 s4;
	_ =	sdelay $0x1  }
0xa1: {  	s23 =	simm.s32 $0x1B8B  }
0xa2: {  	_ =	swait.ge [sflag:s23], $0x1  }
0xa3: {  	[sflag:s23] =	ssyncset.done $0x0  }
0xa4: {  	s25 =	simm.s32 $0x1B8E;
	s24 =	sld [smem:$0x3FFE];
	[sflag:s23] =	ssyncadd.s32 $0xFFFFFFFF  }
0xa5: {  	s26 =	simm.s32 $execute0_lowered;
	[smem:$0x3FD2] =	sst s25  }
0xa6: {  	s5 =	sshll.u32 s26, $0x1;
	_ =	strace $0x80000049;
	[dreg:$0x1] =	wrdreg $0xFFFFFFFF  }
0xa7: {  	s28 =	simm.s32 $_size_execute0_lowered;
	s3 =	sadd.s32 s3, s5;
	[dreg:$0x0] =	wrdreg $0x0  }
0xa8: {  	s5 =	sshll.u32 s28, $0x1;
	[dreg:$0x2] =	wrdreg s3  }
0xa9: {  	[dreg:$0x3] =	wrdreg s5  }
0xaa: {  	[dreg:$0x4] =	wrdreg $0xC0  }
0xab: {  	_ =	task [dreg:s7], $0x5FFFF  }
0xac: {  	[dreg:$0x1] =	wrdreg $0xFFFFFFFF  }
0xad: {  	[dreg:$0x0] =	wrdreg $0x60  }
0xae: {  	[dreg:$0x2] =	wrdreg s2  }
0xaf: {  	[dreg:$0x3] =	wrdreg s24  }
0xb0: {  	[dreg:$0x4] =	wrdreg $0x0  }
0xb1: {  	[dreg:$0x5] =	wrdreg $0x9  }
0xb2: {  	_ =	task.clear_ibuf [dreg:s7], $0x6FFFF;
	_ =	strace $0x90000049  }
0xb3: {  	s29 =	simm.s32 $0x9;
	_ =	strace $0x8000004B  }
0xb4: {  	_ =	swait.ge [sflag:s29], $0x1  }
0xb5: {  	[sflag:s29] =	ssyncadd.s32 $0xFFFFFFFF  }
0xb6: {  	_ =	strace $0x9000004B  }
0xb7: {  	_ =	sfence  }
0xb8: {  	s30 =	sld [smem:$0x0];
	_ =	sdelay $0x2  }
0xb9: {  	s31 =	sshll.u32 s1, $0xD;
	s1 =	sshrl.u32 s1, $0x2  }
0xba: {  	s3 =	sand.u32 $0x4000, s31;
	s1 =	sadd.s32 s1, s30  }
0xbb: {  	s0 =	sor.u32 s3, s0;
	s1 =	sshll.u32 s1, $0x11  }
0xbc: {  	s0 =	sor.u32 s1, s0  }
0xbd: {  	s0 =	sadd.s32 $0x8F2B, s0  }
0xbe: {  	[sflag:s0] =	ssyncadd.remote.s32 $0x1  }
0xbf: {  	_ =	sfence.sel $0xFFFF  }
0xc0: {  	[dreg:$0x0] =	wrdreg $0xFFFFFFFF;
	(pc) =	sbr.abs _section_cstart, $3  }
0xc1: {  	[dreg:$0x1] =	wrdreg $0xFFFFFFFF  }
0xc2: {  	_ =	task.clear_ibuf [dreg:s7], $0x2FFFF;
	_ =	strace $0x9FFFFFFF  }
0xc3: {  	(tm) =	ssettm $0x7FFFFFFF  }
tec
execute0_lowered:
.L_overlay_start_1:
0x0: {  	(tag) =	ssettag $0x1  }
0x1: {  	s1 =	rddreg [dreg:$0x0]  }
0x2: {  	s0 =	rddreg [dreg:$0x1]  }
0x3: {  	s3 =	rddreg [dreg:$0x2];
	s5 =	simm.s32 $0x0;
	s4 =	stileid.u32  }
0x4: {  	s2 =	srdreg.scid;
	s19 =	simm.s32 $0x5;
	s20 =	simm.s32 $0x1BC00  }
0x5: {  	s21 =	simm.s32 $0x80;
	s22 =	simm.s32 $0x13C00;
	s23 =	simm.s32 $0x1BC80  }
0x6: {  	[smem:$0x7FF] =	sst s5;
	s24 =	smul.u32 $0x13C00, s4;
	s2 =	sand.u32 $0x1, s2  }
0x7: {  	s15 =	sadd.s32 $0x2800, s0;
	s16 =	sadd.s32 $0xCA00, s0;
	s8 =	smul.u32 $0x4F000, s4  }
0x8: {  	s29 =	sshll.u32 s4, $0x6;
	s30 =	sshll.u32 s4, $0x5;
	s11 =	sshll.u32 s4, $0x7  }
0x9: {  	_ =	strace $0x8000004A;
	s6 =	smul.u32 $0x13C000, s2;
	s25 =	ssub.s32 $0x2, s2  }
0xa: {  	p0 =	seq.s32 s2, $0x0;
	s10 =	sor.u32 $0x20, s11;
	s12 =	sor.u32 $0x808, s30  }
0xb: {  	s17 =	sor.u32 $0x60, s11;
	s2 =	sor.u32 $0x818, s30;
	s7 =	sshrl.u32 s24, $0x3  }
0xc: {  	s9 =	sshrl.u32 s25, $0x1;
	s26 =	sshrl.u32 s8, $0x2;
	s8 =	simm.s32 $0x20  }
0xd: {  	s12 =	smov.u32 @p0 s10;
	s2 =	smov.u32 @p0 s17;
	s5 =	sadd.s32 s24, s6  }
0xe: {  	s7 =	sadd.s32 s7, s0;
	s18 =	ssub.s32 s25, s9;
	s9 =	sor.u32 $0x800, s30  }
0xf: {  	s8 =	simm.s32 @!p0 $0x8;
	s12 =	sshll.u32 s12, $0x4;
	s2 =	sshll.u32 s2, $0x4  }
0x10: {  	s24 =	simm.s32 $0x17C00;
	s25 =	simm.s32 $0x0;
	s5 =	sshrl.u32 s5, $0x3  }
0x11: {  	s28 =	sadd.s32 $0x16C00, s7;
	s7 =	sor.u32 $0x1C05, s29;
	s9 =	smov.u32 @p0 s11  }
0x12: {  	s14 =	sshll.u32 s8, $0x5;
	s11 =	sadd.s32 s15, s12;
	s12 =	sadd.s32 s16, s12  }
0x13: {  	s0 =	sadd.s32 s5, s0;
	s5 =	sadd.s32 s26, s3;
	[dreg:$0x5] =	wrdreg s28  }
0x14: {  	s18 =	smax.u32 s18, $0x1;
	s13 =	sshll.u32 s9, $0x4;
	[dreg:$0x4] =	wrdreg s5  }
0x15: {  	s31 =	sadd.s32 s15, s13;
	s10 =	sadd.s32 s16, s13;
	s14 =	sadd.s32 s14, s13  }
0x16: {  	s17 =	sadd.s32 $0x3E400, s0;
	[dreg:$0x6] =	wrdreg s31;
	s13 =	sadd.s32 s15, s14  }
0x17: {  	s14 =	sadd.s32 s16, s14;
	s15 =	sadd.s32 s15, s2;
	s16 =	sadd.s32 s16, s2  }
.LBB2_1:
0x18: {  	s0 =	rddreg [dreg:$0x4]  }
0x19: {  	s6 =	rddreg [dreg:$0x5];
	s26 =	sshrl.u32 s0, $0x3  }
0x1a: {  	[spmem:s26], [sflag:s7] =	dma.local [hbm:s6], $0x2780  }
0x1b: {  	_ =	swait.ge [sflag:s19], $0x2780  }
0x1c: {  	[sflag:s19] =	ssyncset.done $0x0  }
0x1d: {  	[sflag:s19] =	ssyncadd.s32 $0xFFFFD880  }
0x1e: {  	[bflag:$0x0] =	sbarrier.arrive $0xFFFF  }
0x1f: {  	s2 =	simm.s32 $0x0;
	s9 =	rddreg [dreg:$0x6]  }
0x20: {  	[tilespmem:s20], [sflag:$0x5] =	stream.linear.gather [hbm4b:s9+s2], $0x1000, $0x38;
	[tilespmem:$0x1DC00] =	vst v63  }
0x21: {  	_ =	swait.ge [sflag:s19], $0x1000  }
0x22: {  	[sflag:s19] =	ssyncset.done $0x0  }
0x23: {  	s0 =	simm.s32 $0x1CC00;
	[sflag:s19] =	ssyncadd.s32 $0xFFFFF000  }
0x24: {  	[tilespmem:s0], [sflag:$0x5] =	stream.linear.gather [hbm4b:s10+s2], $0x1000, $0x38;
	[tilespmem:$0x1DC00] =	vst v63  }
0x25: {  	_ =	swait.ge [sflag:s19], $0x1000  }
0x26: {  	[sflag:s19] =	ssyncset.done $0x0  }
0x27: {  	p0 =	sle.u32 s8, $0x0;
	[sflag:s19] =	ssyncadd.s32 $0xFFFFF000  }
0x28: {  	[tilespmem:s22], [sflag:$0x1] =	stream.indirect.gather [hbm4b:s1+s21], $0x80, s20, s21, $0xb8;
	[tilespmem:$0x1DC00] =	vst v63  }
0x29: {  	s2 =	simm.s32 @!p0 $0x1  }
0x2a: {  	[tilespmem:s24], [sflag:$0x2] =	stream.indirect.gather [hbm4b:s1+s21], $0x80, s23, s21, $0xb8;
	[tilespmem:$0x1DC00] =	vst v63  }
0x2b: {  	_ =	swait.ge @!p0 [sflag:s2], $0x4000  }
0x2c: {  	p1 =	sle.u32 @!p0 s8, $0x2;
	s28 =	simm.s32 @!p0 $0x3;
	[sflag:s2] =	ssyncset.done @!p0 $0x0  }
0x2d: {  	s29 =	simm.s32 @!p0 $0x13C00;
	[sflag:s2] =	ssyncadd.s32 @!p0 $0xFFFFC000;
	s2 =	simm.s32 @!p0 $0x80  }
0x2e: {  	[spmem:s3] =	stream.indirect.scatter.add.f32 @!p0 [tilespmem:s29], [sflag:$0x3], $0x80, s0, s2, $0xb8;
	[tilespmem:$0x1DC00] =	vst v63  }
0x2f: {  	p1 =	por p1, p0;
	_ =	swait.ge @!p0 [sflag:s28], $0x4000  }
0x30: {  	s0 =	simm.s32 $0x1BD00;
	s2 =	simm.s32 @!p1 $0x13C00;
	[sflag:s28] =	ssyncset.done @!p0 $0x0  }
0x31: {  	[sflag:s28] =	ssyncadd.s32 @!p0 $0xFFFFC000;
	s28 =	simm.s32 @!p1 $0x80;
	p0 =	sle.u32 s8, $0x1  }
0x32: {  	[tilespmem:s2], [sflag:$0x1] =	stream.indirect.gather @!p1 [hbm4b:s1+s28], $0x80, s0, s28, $0xb8;
	[tilespmem:$0x1DC00] =	vst v63  }
0x33: {  	s29 =	simm.s32 $0x1BE00;
	s0 =	simm.s32 @!p0 $0x2  }
0x34: {  	s2 =	simm.s32 @!p0 $0x80;
	s30 =	simm.s32 @!p0 $0x17C00;
	_ =	swait.ge @!p0 [sflag:s0], $0x4000  }
0x35: {  	s4 =	simm.s32 @!p0 $0x1CC80;
	p1 =	sle.u32 @!p0 s8, $0x3;
	[sflag:s0] =	ssyncset.done @!p0 $0x0  }
0x36: {  	s31 =	simm.s32 @!p0 $0x4;
	p3 =	por p1, p0;
	[sflag:s0] =	ssyncadd.s32 @!p0 $0xFFFFC000  }
0x37: {  	[spmem:s3] =	stream.indirect.scatter.add.f32 @!p0 [tilespmem:s30], [sflag:$0x4], $0x80, s4, s2, $0xb8;
	[tilespmem:$0x1DC00] =	vst v63  }
0x38: {  	s28 =	simm.s32 $0x2;
	s0 =	simm.s32 @!p3 $0x1BD80;
	_ =	swait.ge @!p0 [sflag:s31], $0x4000  }
0x39: {  	s30 =	simm.s32 $0x1CD00;
	s2 =	simm.s32 @!p3 $0x17C00;
	[sflag:s31] =	ssyncset.done @!p0 $0x0  }
.LBB2_2:
0x3a: {  	p2 =	sge.u32 s28, s8;
	[sflag:s31] =	ssyncadd.s32 @!p0 $0xFFFFC000  }
0x3b: {  	s4 =	simm.s32 @!p3 $0x80;
	s31 =	smov.u32 s28;
	s5 =	smov.u32 s29  }
0x3c: {  	[tilespmem:s2], [sflag:$0x2] =	stream.indirect.gather @!p3 [hbm4b:s1+s4], $0x80, s0, s4, $0xb8;
	[tilespmem:$0x1DC00] =	vst v63  }
0x3d: {  	s28 =	sadd.s32 $0x2, s28;
	s0 =	simm.s32 @!p2 $0x1;
	s2 =	sadd.s32 @!p2 $0x2, s31  }
0x3e: {  	p1 =	sne.s32 s28, $0x20;
	p0 =	sge.u32 @!p2 s2, s8;
	_ =	swait.ge @!p2 [sflag:s0], $0x4000  }
0x3f: {  	s2 =	simm.s32 @!p2 $0x3;
	p3 =	por p0, p2;
	[sflag:s0] =	ssyncset.done @!p2 $0x0  }
0x40: {  	s4 =	simm.s32 @!p2 $0x13C00;
	[sflag:s0] =	ssyncadd.s32 @!p2 $0xFFFFC000;
	s0 =	simm.s32 @!p2 $0x80  }
0x41: {  	[spmem:s3] =	stream.indirect.scatter.add.f32 @!p2 [tilespmem:s4], [sflag:$0x3], $0x80, s30, s0, $0xb8;
	[tilespmem:$0x1DC00] =	vst v63  }
0x42: {  	_ =	swait.ge @!p2 [sflag:s2], $0x4000  }
0x43: {  	s0 =	simm.s32 @!p3 $0x13C00;
	s4 =	sadd.s32 $0x1, s31;
	[sflag:s2] =	ssyncset.done @!p2 $0x0  }
0x44: {  	p0 =	sge.u32 s4, s8;
	[sflag:s2] =	ssyncadd.s32 @!p2 $0xFFFFC000;
	s2 =	simm.s32 @!p3 $0x80  }
0x45: {  	[tilespmem:s0], [sflag:$0x1] =	stream.indirect.gather @!p3 [hbm4b:s1+s2], $0x80, s29, s2, $0xb8;
	[tilespmem:$0x1DC00] =	vst v63  }
0x46: {  	s0 =	simm.s32 @!p0 $0x2;
	s2 =	sadd.s32 @!p0 $0x3, s31;
	s29 =	sadd.s32 $0x100, s29  }
0x47: {  	s4 =	simm.s32 @!p0 $0x80;
	s6 =	simm.s32 @!p0 $0x17C00;
	_ =	swait.ge @!p0 [sflag:s0], $0x4000  }
.Ltmp0:
0x48: {  	s9 =	sadd.s32 @!p0 $0x80, s30;
	[sflag:s0] =	ssyncset.done @!p0 $0x0;
	(pc) =	sbr.rel @p1 .LBB2_2-.Ltmp0, $4  }
0x49: {  	s31 =	simm.s32 @!p0 $0x4;
	p2 =	sge.u32 @!p0 s2, s8;
	[sflag:s0] =	ssyncadd.s32 @!p0 $0xFFFFC000  }
0x4a: {  	[spmem:s3] =	stream.indirect.scatter.add.f32 @!p0 [tilespmem:s6], [sflag:$0x4], $0x80, s9, s4, $0xb8;
	[tilespmem:$0x1DC00] =	vst v63  }
0x4b: {  	s30 =	sadd.s32 $0x100, s30;
	p3 =	por p2, p0;
	_ =	swait.ge @!p0 [sflag:s31], $0x4000  }
0x4c: {  	s2 =	simm.s32 @!p3 $0x17C00;
	s0 =	sadd.s32 @!p3 $0x80, s5;
	[sflag:s31] =	ssyncset.done @!p0 $0x0  }
0x4d: {  	[sflag:s31] =	ssyncadd.s32 @!p0 $0xFFFFC000;
	s4 =	simm.s32 @!p3 $0x80  }
0x4e: {  	[tilespmem:s2], [sflag:$0x2] =	stream.indirect.gather @!p3 [hbm4b:s1+s4], $0x80, s0, s4, $0xb8;
	[tilespmem:$0x1DC00] =	vst v63  }
0x4f: {  	s9 =	simm.s32 $0x0  }
0x50: {  	[tilespmem:s20], [sflag:$0x5] =	stream.linear.gather [hbm4b:s11+s9], $0x1000, $0x38;
	[tilespmem:$0x1DC00] =	vst v63  }
0x51: {  	_ =	swait.ge [sflag:s19], $0x1000  }
0x52: {  	[sflag:s19] =	ssyncset.done $0x0  }
0x53: {  	s2 =	simm.s32 $0x1CC00;
	[sflag:s19] =	ssyncadd.s32 $0xFFFFF000  }
0x54: {  	[tilespmem:s2], [sflag:$0x5] =	stream.linear.gather [hbm4b:s12+s9], $0x1000, $0x38;
	[tilespmem:$0x1DC00] =	vst v63  }
0x55: {  	_ =	swait.ge [sflag:s19], $0x1000  }
0x56: {  	[sflag:s19] =	ssyncset.done $0x0  }
0x57: {  	p0 =	sle.u32 s8, $0x0;
	[sflag:s19] =	ssyncadd.s32 $0xFFFFF000  }
0x58: {  	[tilespmem:s22], [sflag:$0x1] =	stream.indirect.gather [hbm4b:s1+s21], $0x80, s20, s21, $0xb8;
	[tilespmem:$0x1DC00] =	vst v63  }
0x59: {  	s0 =	simm.s32 @!p0 $0x1  }
0x5a: {  	[tilespmem:s24], [sflag:$0x2] =	stream.indirect.gather [hbm4b:s1+s21], $0x80, s23, s21, $0xb8;
	[tilespmem:$0x1DC00] =	vst v63  }
0x5b: {  	_ =	swait.ge @!p0 [sflag:s0], $0x4000  }
0x5c: {  	p1 =	sle.u32 @!p0 s8, $0x2;
	s4 =	simm.s32 @!p0 $0x3;
	[sflag:s0] =	ssyncset.done @!p0 $0x0  }
0x5d: {  	s5 =	simm.s32 @!p0 $0x13C00;
	[sflag:s0] =	ssyncadd.s32 @!p0 $0xFFFFC000;
	s0 =	simm.s32 @!p0 $0x80  }
0x5e: {  	[spmem:s3] =	stream.indirect.scatter.add.f32 @!p0 [tilespmem:s5], [sflag:$0x3], $0x80, s2, s0, $0xb8;
	[tilespmem:$0x1DC00] =	vst v63  }
0x5f: {  	p1 =	por p1, p0;
	_ =	swait.ge @!p0 [sflag:s4], $0x4000  }
0x60: {  	s0 =	simm.s32 $0x1BD00;
	s2 =	simm.s32 @!p1 $0x13C00;
	[sflag:s4] =	ssyncset.done @!p0 $0x0  }
0x61: {  	[sflag:s4] =	ssyncadd.s32 @!p0 $0xFFFFC000;
	s4 =	simm.s32 @!p1 $0x80;
	p0 =	sle.u32 s8, $0x1  }
0x62: {  	[tilespmem:s2], [sflag:$0x1] =	stream.indirect.gather @!p1 [hbm4b:s1+s4], $0x80, s0, s4, $0xb8;
	[tilespmem:$0x1DC00] =	vst v63  }
0x63: {  	s28 =	simm.s32 $0x2;
	s0 =	simm.s32 @!p0 $0x2  }
0x64: {  	s29 =	simm.s32 $0x1BE00;
	s2 =	simm.s32 @!p0 $0x80;
	_ =	swait.ge @!p0 [sflag:s0], $0x4000  }
0x65: {  	s4 =	simm.s32 @!p0 $0x17C00;
	s5 =	simm.s32 @!p0 $0x1CC80;
	[sflag:s0] =	ssyncset.done @!p0 $0x0  }
0x66: {  	s31 =	simm.s32 @!p0 $0x4;
	p1 =	sle.u32 @!p0 s8, $0x3;
	[sflag:s0] =	ssyncadd.s32 @!p0 $0xFFFFC000  }
0x67: {  	[spmem:s3] =	stream.indirect.scatter.add.f32 @!p0 [tilespmem:s4], [sflag:$0x4], $0x80, s5, s2, $0xb8;
	[tilespmem:$0x1DC00] =	vst v63  }
0x68: {  	s30 =	simm.s32 $0x1CD00;
	p3 =	por p1, p0;
	_ =	swait.ge @!p0 [sflag:s31], $0x4000  }
0x69: {  	s0 =	simm.s32 @!p3 $0x1BD80;
	s2 =	simm.s32 @!p3 $0x17C00;
	[sflag:s31] =	ssyncset.done @!p0 $0x0  }
.LBB2_4:
0x6a: {  	p2 =	sge.u32 s28, s8;
	[sflag:s31] =	ssyncadd.s32 @!p0 $0xFFFFC000  }
0x6b: {  	s4 =	simm.s32 @!p3 $0x80;
	s5 =	smov.u32 s28;
	s6 =	smov.u32 s29  }
0x6c: {  	[tilespmem:s2], [sflag:$0x2] =	stream.indirect.gather @!p3 [hbm4b:s1+s4], $0x80, s0, s4, $0xb8;
	[tilespmem:$0x1DC00] =	vst v63  }
0x6d: {  	s28 =	sadd.s32 $0x2, s28;
	s0 =	simm.s32 @!p2 $0x1;
	s2 =	sadd.s32 @!p2 $0x2, s5  }
0x6e: {  	p1 =	sne.s32 s28, $0x20;
	p0 =	sge.u32 @!p2 s2, s8;
	_ =	swait.ge @!p2 [sflag:s0], $0x4000  }
0x6f: {  	s2 =	simm.s32 @!p2 $0x3;
	p3 =	por p0, p2;
	[sflag:s0] =	ssyncset.done @!p2 $0x0  }
0x70: {  	s4 =	simm.s32 @!p2 $0x13C00;
	[sflag:s0] =	ssyncadd.s32 @!p2 $0xFFFFC000;
	s0 =	simm.s32 @!p2 $0x80  }
0x71: {  	[spmem:s3] =	stream.indirect.scatter.add.f32 @!p2 [tilespmem:s4], [sflag:$0x3], $0x80, s30, s0, $0xb8;
	[tilespmem:$0x1DC00] =	vst v63  }
0x72: {  	_ =	swait.ge @!p2 [sflag:s2], $0x4000  }
0x73: {  	s0 =	simm.s32 @!p3 $0x13C00;
	s4 =	sadd.s32 $0x1, s5;
	[sflag:s2] =	ssyncset.done @!p2 $0x0  }
0x74: {  	p0 =	sge.u32 s4, s8;
	[sflag:s2] =	ssyncadd.s32 @!p2 $0xFFFFC000;
	s2 =	simm.s32 @!p3 $0x80  }
0x75: {  	[tilespmem:s0], [sflag:$0x1] =	stream.indirect.gather @!p3 [hbm4b:s1+s2], $0x80, s29, s2, $0xb8;
	[tilespmem:$0x1DC00] =	vst v63  }
0x76: {  	s0 =	simm.s32 @!p0 $0x2;
	s2 =	sadd.s32 @!p0 $0x3, s5;
	s29 =	sadd.s32 $0x100, s29  }
0x77: {  	s4 =	simm.s32 @!p0 $0x80;
	s5 =	simm.s32 @!p0 $0x17C00;
	_ =	swait.ge @!p0 [sflag:s0], $0x4000  }
.Ltmp1:
0x78: {  	s9 =	sadd.s32 @!p0 $0x80, s30;
	[sflag:s0] =	ssyncset.done @!p0 $0x0;
	(pc) =	sbr.rel @p1 .LBB2_4-.Ltmp1, $4  }
0x79: {  	s31 =	simm.s32 @!p0 $0x4;
	p2 =	sge.u32 @!p0 s2, s8;
	[sflag:s0] =	ssyncadd.s32 @!p0 $0xFFFFC000  }
0x7a: {  	[spmem:s3] =	stream.indirect.scatter.add.f32 @!p0 [tilespmem:s5], [sflag:$0x4], $0x80, s9, s4, $0xb8;
	[tilespmem:$0x1DC00] =	vst v63  }
0x7b: {  	s30 =	sadd.s32 $0x100, s30;
	p3 =	por p2, p0;
	_ =	swait.ge @!p0 [sflag:s31], $0x4000  }
0x7c: {  	s2 =	simm.s32 @!p3 $0x17C00;
	s0 =	sadd.s32 @!p3 $0x80, s6;
	[sflag:s31] =	ssyncset.done @!p0 $0x0  }
0x7d: {  	[sflag:s31] =	ssyncadd.s32 @!p0 $0xFFFFC000;
	s4 =	simm.s32 @!p3 $0x80  }
0x7e: {  	[tilespmem:s2], [sflag:$0x2] =	stream.indirect.gather @!p3 [hbm4b:s1+s4], $0x80, s0, s4, $0xb8;
	[tilespmem:$0x1DC00] =	vst v63  }
0x7f: {  	s9 =	simm.s32 $0x0  }
0x80: {  	[tilespmem:s20], [sflag:$0x5] =	stream.linear.gather [hbm4b:s13+s9], $0x1000, $0x38;
	[tilespmem:$0x1DC00] =	vst v63  }
0x81: {  	_ =	swait.ge [sflag:s19], $0x1000  }
0x82: {  	[sflag:s19] =	ssyncset.done $0x0  }
0x83: {  	s2 =	simm.s32 $0x1CC00;
	[sflag:s19] =	ssyncadd.s32 $0xFFFFF000  }
0x84: {  	[tilespmem:s2], [sflag:$0x5] =	stream.linear.gather [hbm4b:s14+s9], $0x1000, $0x38;
	[tilespmem:$0x1DC00] =	vst v63  }
0x85: {  	_ =	swait.ge [sflag:s19], $0x1000  }
0x86: {  	[sflag:s19] =	ssyncset.done $0x0  }
0x87: {  	p0 =	sle.u32 s8, $0x0;
	[sflag:s19] =	ssyncadd.s32 $0xFFFFF000  }
0x88: {  	[tilespmem:s22], [sflag:$0x1] =	stream.indirect.gather [hbm4b:s1+s21], $0x80, s20, s21, $0xb8;
	[tilespmem:$0x1DC00] =	vst v63  }
0x89: {  	s0 =	simm.s32 @!p0 $0x1  }
0x8a: {  	[tilespmem:s24], [sflag:$0x2] =	stream.indirect.gather [hbm4b:s1+s21], $0x80, s23, s21, $0xb8;
	[tilespmem:$0x1DC00] =	vst v63  }
0x8b: {  	_ =	swait.ge @!p0 [sflag:s0], $0x4000  }
0x8c: {  	p1 =	sle.u32 @!p0 s8, $0x2;
	s4 =	simm.s32 @!p0 $0x3;
	[sflag:s0] =	ssyncset.done @!p0 $0x0  }
0x8d: {  	s5 =	simm.s32 @!p0 $0x13C00;
	[sflag:s0] =	ssyncadd.s32 @!p0 $0xFFFFC000;
	s0 =	simm.s32 @!p0 $0x80  }
0x8e: {  	[spmem:s3] =	stream.indirect.scatter.add.f32 @!p0 [tilespmem:s5], [sflag:$0x3], $0x80, s2, s0, $0xb8;
	[tilespmem:$0x1DC00] =	vst v63  }
0x8f: {  	p1 =	por p1, p0;
	_ =	swait.ge @!p0 [sflag:s4], $0x4000  }
0x90: {  	s0 =	simm.s32 $0x1BD00;
	s2 =	simm.s32 @!p1 $0x13C00;
	[sflag:s4] =	ssyncset.done @!p0 $0x0  }
0x91: {  	[sflag:s4] =	ssyncadd.s32 @!p0 $0xFFFFC000;
	s4 =	simm.s32 @!p1 $0x80;
	p0 =	sle.u32 s8, $0x1  }
0x92: {  	[tilespmem:s2], [sflag:$0x1] =	stream.indirect.gather @!p1 [hbm4b:s1+s4], $0x80, s0, s4, $0xb8;
	[tilespmem:$0x1DC00] =	vst v63  }
0x93: {  	s28 =	simm.s32 $0x2;
	s0 =	simm.s32 @!p0 $0x2  }
0x94: {  	s29 =	simm.s32 $0x1BE00;
	s2 =	simm.s32 @!p0 $0x80;
	_ =	swait.ge @!p0 [sflag:s0], $0x4000  }
0x95: {  	s4 =	simm.s32 @!p0 $0x17C00;
	s5 =	simm.s32 @!p0 $0x1CC80;
	[sflag:s0] =	ssyncset.done @!p0 $0x0  }
0x96: {  	s31 =	simm.s32 @!p0 $0x4;
	p1 =	sle.u32 @!p0 s8, $0x3;
	[sflag:s0] =	ssyncadd.s32 @!p0 $0xFFFFC000  }
0x97: {  	[spmem:s3] =	stream.indirect.scatter.add.f32 @!p0 [tilespmem:s4], [sflag:$0x4], $0x80, s5, s2, $0xb8;
	[tilespmem:$0x1DC00] =	vst v63  }
0x98: {  	s30 =	simm.s32 $0x1CD00;
	p3 =	por p1, p0;
	_ =	swait.ge @!p0 [sflag:s31], $0x4000  }
0x99: {  	s0 =	simm.s32 @!p3 $0x1BD80;
	s2 =	simm.s32 @!p3 $0x17C00;
	[sflag:s31] =	ssyncset.done @!p0 $0x0  }
.LBB2_6:
0x9a: {  	p2 =	sge.u32 s28, s8;
	[sflag:s31] =	ssyncadd.s32 @!p0 $0xFFFFC000  }
0x9b: {  	s4 =	simm.s32 @!p3 $0x80;
	s5 =	smov.u32 s28;
	s6 =	smov.u32 s29  }
0x9c: {  	[tilespmem:s2], [sflag:$0x2] =	stream.indirect.gather @!p3 [hbm4b:s1+s4], $0x80, s0, s4, $0xb8;
	[tilespmem:$0x1DC00] =	vst v63  }
0x9d: {  	s28 =	sadd.s32 $0x2, s28;
	s0 =	simm.s32 @!p2 $0x1;
	s2 =	sadd.s32 @!p2 $0x2, s5  }
0x9e: {  	p1 =	sne.s32 s28, $0x20;
	p0 =	sge.u32 @!p2 s2, s8;
	_ =	swait.ge @!p2 [sflag:s0], $0x4000  }
0x9f: {  	s2 =	simm.s32 @!p2 $0x3;
	p3 =	por p0, p2;
	[sflag:s0] =	ssyncset.done @!p2 $0x0  }
0xa0: {  	s4 =	simm.s32 @!p2 $0x13C00;
	[sflag:s0] =	ssyncadd.s32 @!p2 $0xFFFFC000;
	s0 =	simm.s32 @!p2 $0x80  }
0xa1: {  	[spmem:s3] =	stream.indirect.scatter.add.f32 @!p2 [tilespmem:s4], [sflag:$0x3], $0x80, s30, s0, $0xb8;
	[tilespmem:$0x1DC00] =	vst v63  }
0xa2: {  	_ =	swait.ge @!p2 [sflag:s2], $0x4000  }
0xa3: {  	s0 =	simm.s32 @!p3 $0x13C00;
	s4 =	sadd.s32 $0x1, s5;
	[sflag:s2] =	ssyncset.done @!p2 $0x0  }
0xa4: {  	p0 =	sge.u32 s4, s8;
	[sflag:s2] =	ssyncadd.s32 @!p2 $0xFFFFC000;
	s2 =	simm.s32 @!p3 $0x80  }
0xa5: {  	[tilespmem:s0], [sflag:$0x1] =	stream.indirect.gather @!p3 [hbm4b:s1+s2], $0x80, s29, s2, $0xb8;
	[tilespmem:$0x1DC00] =	vst v63  }
0xa6: {  	s0 =	simm.s32 @!p0 $0x2;
	s2 =	sadd.s32 @!p0 $0x3, s5;
	s29 =	sadd.s32 $0x100, s29  }
0xa7: {  	s4 =	simm.s32 @!p0 $0x80;
	s5 =	simm.s32 @!p0 $0x17C00;
	_ =	swait.ge @!p0 [sflag:s0], $0x4000  }
.Ltmp2:
0xa8: {  	s9 =	sadd.s32 @!p0 $0x80, s30;
	[sflag:s0] =	ssyncset.done @!p0 $0x0;
	(pc) =	sbr.rel @p1 .LBB2_6-.Ltmp2, $4  }
0xa9: {  	s31 =	simm.s32 @!p0 $0x4;
	p2 =	sge.u32 @!p0 s2, s8;
	[sflag:s0] =	ssyncadd.s32 @!p0 $0xFFFFC000  }
0xaa: {  	[spmem:s3] =	stream.indirect.scatter.add.f32 @!p0 [tilespmem:s5], [sflag:$0x4], $0x80, s9, s4, $0xb8;
	[tilespmem:$0x1DC00] =	vst v63  }
0xab: {  	s30 =	sadd.s32 $0x100, s30;
	p3 =	por p2, p0;
	_ =	swait.ge @!p0 [sflag:s31], $0x4000  }
0xac: {  	s2 =	simm.s32 @!p3 $0x17C00;
	s0 =	sadd.s32 @!p3 $0x80, s6;
	[sflag:s31] =	ssyncset.done @!p0 $0x0  }
0xad: {  	[sflag:s31] =	ssyncadd.s32 @!p0 $0xFFFFC000;
	s4 =	simm.s32 @!p3 $0x80  }
0xae: {  	[tilespmem:s2], [sflag:$0x2] =	stream.indirect.gather @!p3 [hbm4b:s1+s4], $0x80, s0, s4, $0xb8;
	[tilespmem:$0x1DC00] =	vst v63  }
0xaf: {  	s9 =	simm.s32 $0x0  }
0xb0: {  	[tilespmem:s20], [sflag:$0x5] =	stream.linear.gather [hbm4b:s15+s9], $0x1000, $0x38;
	[tilespmem:$0x1DC00] =	vst v63  }
0xb1: {  	_ =	swait.ge [sflag:s19], $0x1000  }
0xb2: {  	[sflag:s19] =	ssyncset.done $0x0  }
0xb3: {  	s2 =	simm.s32 $0x1CC00;
	[sflag:s19] =	ssyncadd.s32 $0xFFFFF000  }
0xb4: {  	[tilespmem:s2], [sflag:$0x5] =	stream.linear.gather [hbm4b:s16+s9], $0x1000, $0x38;
	[tilespmem:$0x1DC00] =	vst v63  }
0xb5: {  	_ =	swait.ge [sflag:s19], $0x1000  }
0xb6: {  	[sflag:s19] =	ssyncset.done $0x0  }
0xb7: {  	p0 =	sle.u32 s8, $0x0;
	[sflag:s19] =	ssyncadd.s32 $0xFFFFF000  }
0xb8: {  	[tilespmem:s22], [sflag:$0x1] =	stream.indirect.gather [hbm4b:s1+s21], $0x80, s20, s21, $0xb8;
	[tilespmem:$0x1DC00] =	vst v63  }
0xb9: {  	s0 =	simm.s32 @!p0 $0x1  }
0xba: {  	[tilespmem:s24], [sflag:$0x2] =	stream.indirect.gather [hbm4b:s1+s21], $0x80, s23, s21, $0xb8;
	[tilespmem:$0x1DC00] =	vst v63  }
0xbb: {  	_ =	swait.ge @!p0 [sflag:s0], $0x4000  }
0xbc: {  	p1 =	sle.u32 @!p0 s8, $0x2;
	s4 =	simm.s32 @!p0 $0x3;
	[sflag:s0] =	ssyncset.done @!p0 $0x0  }
0xbd: {  	s5 =	simm.s32 @!p0 $0x13C00;
	[sflag:s0] =	ssyncadd.s32 @!p0 $0xFFFFC000;
	s0 =	simm.s32 @!p0 $0x80  }
0xbe: {  	[spmem:s3] =	stream.indirect.scatter.add.f32 @!p0 [tilespmem:s5], [sflag:$0x3], $0x80, s2, s0, $0xb8;
	[tilespmem:$0x1DC00] =	vst v63  }
0xbf: {  	p1 =	por p1, p0;
	_ =	swait.ge @!p0 [sflag:s4], $0x4000  }
0xc0: {  	s0 =	simm.s32 $0x1BD00;
	s2 =	simm.s32 @!p1 $0x13C00;
	[sflag:s4] =	ssyncset.done @!p0 $0x0  }
0xc1: {  	[sflag:s4] =	ssyncadd.s32 @!p0 $0xFFFFC000;
	s4 =	simm.s32 @!p1 $0x80;
	p0 =	sle.u32 s8, $0x1  }
0xc2: {  	[tilespmem:s2], [sflag:$0x1] =	stream.indirect.gather @!p1 [hbm4b:s1+s4], $0x80, s0, s4, $0xb8;
	[tilespmem:$0x1DC00] =	vst v63  }
0xc3: {  	s28 =	simm.s32 $0x2;
	s0 =	simm.s32 @!p0 $0x2  }
0xc4: {  	s29 =	simm.s32 $0x1BE00;
	s2 =	simm.s32 @!p0 $0x80;
	_ =	swait.ge @!p0 [sflag:s0], $0x4000  }
0xc5: {  	s4 =	simm.s32 @!p0 $0x17C00;
	s5 =	simm.s32 @!p0 $0x1CC80;
	[sflag:s0] =	ssyncset.done @!p0 $0x0  }
0xc6: {  	s31 =	simm.s32 @!p0 $0x4;
	p1 =	sle.u32 @!p0 s8, $0x3;
	[sflag:s0] =	ssyncadd.s32 @!p0 $0xFFFFC000  }
0xc7: {  	[spmem:s3] =	stream.indirect.scatter.add.f32 @!p0 [tilespmem:s4], [sflag:$0x4], $0x80, s5, s2, $0xb8;
	[tilespmem:$0x1DC00] =	vst v63  }
0xc8: {  	s30 =	simm.s32 $0x1CD00;
	p3 =	por p1, p0;
	_ =	swait.ge @!p0 [sflag:s31], $0x4000  }
0xc9: {  	s0 =	simm.s32 @!p3 $0x1BD80;
	s2 =	simm.s32 @!p3 $0x17C00;
	[sflag:s31] =	ssyncset.done @!p0 $0x0  }
.LBB2_8:
0xca: {  	p2 =	sge.u32 s28, s8;
	[sflag:s31] =	ssyncadd.s32 @!p0 $0xFFFFC000  }
0xcb: {  	s4 =	simm.s32 @!p3 $0x80;
	s5 =	smov.u32 s28;
	s6 =	smov.u32 s29  }
0xcc: {  	[tilespmem:s2], [sflag:$0x2] =	stream.indirect.gather @!p3 [hbm4b:s1+s4], $0x80, s0, s4, $0xb8;
	[tilespmem:$0x1DC00] =	vst v63  }
0xcd: {  	s28 =	sadd.s32 $0x2, s28;
	s0 =	simm.s32 @!p2 $0x1;
	s2 =	sadd.s32 @!p2 $0x2, s5  }
0xce: {  	p1 =	sne.s32 s28, $0x20;
	p0 =	sge.u32 @!p2 s2, s8;
	_ =	swait.ge @!p2 [sflag:s0], $0x4000  }
0xcf: {  	s2 =	simm.s32 @!p2 $0x3;
	p3 =	por p0, p2;
	[sflag:s0] =	ssyncset.done @!p2 $0x0  }
0xd0: {  	s4 =	simm.s32 @!p2 $0x13C00;
	[sflag:s0] =	ssyncadd.s32 @!p2 $0xFFFFC000;
	s0 =	simm.s32 @!p2 $0x80  }
0xd1: {  	[spmem:s3] =	stream.indirect.scatter.add.f32 @!p2 [tilespmem:s4], [sflag:$0x3], $0x80, s30, s0, $0xb8;
	[tilespmem:$0x1DC00] =	vst v63  }
0xd2: {  	_ =	swait.ge @!p2 [sflag:s2], $0x4000  }
0xd3: {  	s0 =	simm.s32 @!p3 $0x13C00;
	s4 =	sadd.s32 $0x1, s5;
	[sflag:s2] =	ssyncset.done @!p2 $0x0  }
0xd4: {  	p0 =	sge.u32 s4, s8;
	[sflag:s2] =	ssyncadd.s32 @!p2 $0xFFFFC000;
	s2 =	simm.s32 @!p3 $0x80  }
0xd5: {  	[tilespmem:s0], [sflag:$0x1] =	stream.indirect.gather @!p3 [hbm4b:s1+s2], $0x80, s29, s2, $0xb8;
	[tilespmem:$0x1DC00] =	vst v63  }
0xd6: {  	s0 =	simm.s32 @!p0 $0x2;
	s2 =	sadd.s32 @!p0 $0x3, s5;
	s29 =	sadd.s32 $0x100, s29  }
0xd7: {  	s4 =	simm.s32 @!p0 $0x80;
	s5 =	simm.s32 @!p0 $0x17C00;
	_ =	swait.ge @!p0 [sflag:s0], $0x4000  }
.Ltmp3:
0xd8: {  	s9 =	sadd.s32 @!p0 $0x80, s30;
	[sflag:s0] =	ssyncset.done @!p0 $0x0;
	(pc) =	sbr.rel @p1 .LBB2_8-.Ltmp3, $4  }
0xd9: {  	s31 =	simm.s32 @!p0 $0x4;
	p2 =	sge.u32 @!p0 s2, s8;
	[sflag:s0] =	ssyncadd.s32 @!p0 $0xFFFFC000  }
0xda: {  	[spmem:s3] =	stream.indirect.scatter.add.f32 @!p0 [tilespmem:s5], [sflag:$0x4], $0x80, s9, s4, $0xb8;
	[tilespmem:$0x1DC00] =	vst v63  }
0xdb: {  	s30 =	sadd.s32 $0x100, s30;
	p3 =	por p2, p0;
	_ =	swait.ge @!p0 [sflag:s31], $0x4000  }
0xdc: {  	s2 =	simm.s32 @!p3 $0x17C00;
	s0 =	sadd.s32 @!p3 $0x80, s6;
	[sflag:s31] =	ssyncset.done @!p0 $0x0  }
0xdd: {  	[sflag:s31] =	ssyncadd.s32 @!p0 $0xFFFFC000;
	s4 =	simm.s32 @!p3 $0x80;
	s25 =	sadd.s32 $0x1, s25  }
0xde: {  	[tilespmem:s2], [sflag:$0x2] =	stream.indirect.gather @!p3 [hbm4b:s1+s4], $0x80, s0, s4, $0xb8;
	[tilespmem:$0x1DC00] =	vst v63  }
0xdf: {  	p0 =	sne.s32 s25, s18  }
.Ltmp4:
0xe0: {  	[bflag:$0x0] =	sbarrier.arrive $0xFFFF;
	(pc) =	sbr.rel @p0 .LBB2_1-.Ltmp4, $4  }
0xe1: {  	[hbm:s17], [sflag:s7] =	dma.local [spmem:s26], $0x2780  }
0xe2: {  	_ =	swait.ge [sflag:s19], $0x2780  }
0xe3: {  	[sflag:s19] =	ssyncset.done $0x0  }
0xe4: {  	[sflag:s19] =	ssyncadd.s32 $0xFFFFD880  }
0xe5: {  	_ =	sfence.sel $0x180000  }
0xe6: {  	[bflag:$0x0] =	sbarrier.arrive $0xFFFF  }
0xe7: {  	_ =	strace $0x9000004A  }
0xe8: {  	s0 =	stileid.u32;
	[bflag:$0x2] =	sbarrier.arrive $0xFFFF  }
0xe9: {  	p0 =	sne.s32 s0, $0x0;
	s0 =	rddreg [dreg:$0x3]  }
0xea: {  	s0 =	sadd.s32 @!p0 $0x100000, s0  }
0xeb: {  	[sflag:s0] =	ssyncadd.tile.s32 @!p0 $0x1;
	_ =	shalt  }
.Lfunc_end2:
_tile_overlayer_lowered:
.L_overlay_start_2:
0xec: {  	(tag) =	ssettag $0x2  }
0xed: {  	s0 =	rddreg [dreg:$0x0];
	s2 =	stileid.u32  }
0xee: {  	s1 =	rddreg [dreg:$0x1];
	p0 =	sne.s32 s2, $0x0  }
0xef: {  	s3 =	rddreg [dreg:$0x2];
	[bflag:$0x3] =	sbarrier.arrive $0xFFFF;
	s2 =	simm.s32 @!p0 $0x1C05  }
0xf0: {  	[timem:s3], [sflag:s2] =	dma.local @!p0 [hbm:s0], s1  }
0xf1: {  	s0 =	simm.s32 @!p0 $0x5  }
0xf2: {  	_ =	swait.ge @!p0 [sflag:s0], s1  }
0xf3: {  	s1 =	ssub.s32 @!p0 $0x0, s1;
	[sflag:s0] =	ssyncset.done @!p0 $0x0  }
0xf4: {  	[sflag:s0] =	ssyncadd.s32 @!p0 s1  }
0xf5: {  	[bflag:$0x3] =	sbarrier.arrive $0xFFFF  }
0xf6: {  	_ =	shalt  }

// kernel: kernel.16.cloned.1.call-start
scs
__scs_entry_jumppad:
0x0: {  	(pc) =	sbr.rel $0x88, $3  }
0x1: {  	(tag) =	ssettag $0x0;
	lr =	simm.s32 $0x1  }
0x2: {  	[smem:$0x3F9B] =	sst lr;
	_ =	strace $0xD0000000  }
0x3: {  	_ = 	snop  }
0x4: {  	_ = 	snop  }
0x5: {  	_ = 	snop  }
0x6: {  	_ = 	snop  }
0x7: {  	_ = 	snop  }
__scs_overlays_trampoline_lowered:
0x8: {  	[smem:$0x3FAA] =	sst s0  }
0x9: {  	[smem:$0x3FAB] =	sst s1  }
0xa: {  	[smem:$0x3FAC] =	sst s2  }
0xb: {  	[smem:$0x3FAD] =	sst s3  }
0xc: {  	[smem:$0x3FAE] =	sst s4  }
0xd: {  	[smem:$0x3FAF] =	sst s5  }
0xe: {  	[smem:$0x3FB0] =	sst s6  }
0xf: {  	[smem:$0x3FB1] =	sst s7  }
0x10: {  	[smem:$0x3FB2] =	sst s8  }
0x11: {  	[smem:$0x3FB3] =	sst s9;
	s0 =	simm.s32 @!p0 $0x0  }
0x12: {  	s1 =	sld [smem:$0x3F99];
	s0 =	simm.s32 @p0 $0x1  }
0x13: {  	[smem:$0x3FB4] =	sst s0;
	s0 =	simm.s32 @!p1 $0x0  }
0x14: {  	s2 =	sld [smem:$0x3F98];
	s0 =	simm.s32 @p1 $0x1  }
0x15: {  	[smem:$0x3FB5] =	sst s0;
	s0 =	simm.s32 @!p2 $0x0  }
0x16: {  	s3 =	sld [smem:$0x3FDB];
	s0 =	simm.s32 @p2 $0x1  }
0x17: {  	s4 =	simm.s32 $0x1BF5;
	[smem:$0x3FB7] =	sst s0  }
0x18: {  	s0 =	sld [smem:$0x3F9A];
	_ =	swait.ge [sflag:s4], $0x0  }
0x19: {  	s7 =	sld [smem:$0x3F9B]  }
0x1a: {  	s8 =	sadd.s32 $0xFFFFE003, lr  }
0x1b: {  	s9 =	sadd.s32 $0xFFFFFEF7, lr;
	s5 =	simm.s32 $0xFFFFFFFF;
	p2 =	slt.u32 s8, $0xFFFFF086  }
0x1c: {  	p1 =	slt.u32 s9, $0xF7A;
	s5 =	simm.s32 @!p2 $0x0  }
0x1d: {  	s5 =	simm.s32 @p1 $0x1;
	p0 =	seq.s32 s7, s2  }
0x1e: {  	s7 =	smul.u32 @!p0 $0xF7A, s2;
	p2 =	seq.s32 @!p0 s5, $0x0  }
0x1f: {  	s9 =	smul.u32 $0xF7A, s1;
	s8 =	simm.s32 @!p0 $0x1BF5;
	p2 =	por !p2, p0  }
0x20: {  	[sflag:s8] =	ssyncset.s32 @!p0 $0xFFFFF086;
	s6 =	sadd.s32 @!p0 s3, s7;
	s7 =	simm.s32 @!p0 $0x108  }
0x21: {  	s3 =	sadd.s32 s3, s9;
	s6 =	sadd.s32 @!p0 $0x88, s6;
	s7 =	simm.s32 @p2 $0x1082  }
0x22: {  	[simem:s7], [sflag:s8] =	dma.local @!p0 [hbm:s6], $0xF7A  }
0x23: {  	s9 =	sor.u32 $0xD0000000, s2;
	s6 =	simm.s32 $0x108;
	_ =	swait.ge @!p0 [sflag:s8], $0x0  }
0x24: {  	s3 =	sadd.s32 $0x88, s3;
	s6 =	simm.s32 @!p1 $0x1082;
	[sflag:s4] =	ssyncset.s32 $0xFFFFF086  }
0x25: {  	[simem:s6], [sflag:s4] =	dma.local [hbm:s3], $0xF7A  }
0x26: {  	[smem:$0x3F9B] =	sst s1;
	(tag) =	ssettag s2;
	_ =	strace s9  }
0x27: {  	s1 =	sld [smem:$0x3FAB]  }
0x28: {  	s2 =	sld [smem:$0x3FAC]  }
0x29: {  	s4 =	sld [smem:$0x3FAE]  }
0x2a: {  	p0 =	seq.s32 s5, $0x0;
	s5 =	sld [smem:$0x3FAF]  }
0x2b: {  	s6 =	sld [smem:$0x3FB0]  }
0x2c: {  	s7 =	sld [smem:$0x3FB1]  }
0x2d: {  	s3 =	simm.s32 $0x108;
	s8 =	sld [smem:$0x3FB2]  }
0x2e: {  	s3 =	simm.s32 @!p0 $0x1082;
	s9 =	sld [smem:$0x3FB3]  }
0x2f: {  	lr =	sadd.s32 s0, s3;
	s0 =	sld [smem:$0x3FAA]  }
0x30: {  	s3 =	sld [smem:$0x3FAD]  }
0x31: {  	[smem:$0x3FB6] =	sst s10  }
0x32: {  	s10 =	sld [smem:$0x3FB4];
	_ =	sdelay $0x3  }
0x33: {  	p0 =	seq.s32 s10, $0x1;
	s10 =	sld [smem:$0x3FB6];
	_ =	sdelay $0x3  }
0x34: {  	[smem:$0x3FB6] =	sst s10  }
0x35: {  	s10 =	sld [smem:$0x3FB5];
	_ =	sdelay $0x3  }
0x36: {  	p1 =	seq.s32 s10, $0x1;
	s10 =	sld [smem:$0x3FB6];
	_ =	sdelay $0x3  }
0x37: {  	[smem:$0x3FB6] =	sst s10  }
0x38: {  	s10 =	sld [smem:$0x3FB7]  }
0x39: {  	_ = 	snop;
	(pc) =	sbr.ind lr, $3  }
0x3a: {  	_ = 	snop  }
0x3b: {  	_ = 	snop  }
0x3c: {  	p2 =	seq.s32 s10, $0x1;
	s10 =	sld [smem:$0x3FB6]  }
0x3d: {  	_ =	shalt  }
0x3e: {  	_ =	shalt  }
0x3f: {  	_ =	shalt  }
0x40: {  	_ =	shalt  }
0x41: {  	_ =	shalt  }
0x42: {  	_ =	shalt  }
0x43: {  	_ =	shalt  }
0x44: {  	_ =	shalt  }
0x45: {  	_ =	shalt  }
0x46: {  	_ =	shalt  }
0x47: {  	_ =	shalt  }
0x48: {  	_ =	shalt  }
0x49: {  	_ =	shalt  }
0x4a: {  	_ =	shalt  }
0x4b: {  	_ =	shalt  }
0x4c: {  	_ =	shalt  }
0x4d: {  	_ =	shalt  }
0x4e: {  	_ =	shalt  }
0x4f: {  	_ =	shalt  }
0x50: {  	_ =	shalt  }
0x51: {  	_ =	shalt  }
0x52: {  	_ =	shalt  }
0x53: {  	_ =	shalt  }
0x54: {  	_ =	shalt  }
0x55: {  	_ =	shalt  }
0x56: {  	_ =	shalt  }
0x57: {  	_ =	shalt  }
0x58: {  	_ =	shalt  }
0x59: {  	_ =	shalt  }
0x5a: {  	_ =	shalt  }
0x5b: {  	_ =	shalt  }
0x5c: {  	_ =	shalt  }
0x5d: {  	_ =	shalt  }
0x5e: {  	_ =	shalt  }
0x5f: {  	_ =	shalt  }
0x60: {  	_ =	shalt  }
0x61: {  	_ =	shalt  }
0x62: {  	_ =	shalt  }
0x63: {  	_ =	shalt  }
0x64: {  	_ =	shalt  }
0x65: {  	_ =	shalt  }
0x66: {  	_ =	shalt  }
0x67: {  	_ =	shalt  }
0x68: {  	_ =	shalt  }
0x69: {  	_ =	shalt  }
0x6a: {  	_ =	shalt  }
0x6b: {  	_ =	shalt  }
0x6c: {  	_ =	shalt  }
0x6d: {  	_ =	shalt  }
0x6e: {  	_ =	shalt  }
0x6f: {  	_ =	shalt  }
0x70: {  	_ =	shalt  }
0x71: {  	_ =	shalt  }
0x72: {  	_ =	shalt  }
0x73: {  	_ =	shalt  }
0x74: {  	_ =	shalt  }
0x75: {  	_ =	shalt  }
0x76: {  	_ =	shalt  }
0x77: {  	_ =	shalt  }
0x78: {  	_ =	shalt  }
0x79: {  	_ =	shalt  }
0x7a: {  	_ =	shalt  }
0x7b: {  	_ =	shalt  }
0x7c: {  	_ =	shalt  }
0x7d: {  	_ =	shalt  }
0x7e: {  	_ =	shalt  }
0x7f: {  	_ =	shalt  }
0x80: {  	_ =	shalt  }
0x81: {  	_ =	shalt  }
0x82: {  	_ =	shalt  }
0x83: {  	_ =	shalt  }
0x84: {  	_ =	shalt  }
0x85: {  	_ =	shalt  }
0x86: {  	_ =	shalt  }
0x87: {  	_ =	shalt  }
.Lfunc_end0:
.L_simem_size_0:
called_computation.2_lowered:
.L_overlay_start_0:
0x88: {  	s2 =	sld [smem:$0x3FD9]  }
0x89: {  	s3 =	sld [smem:$0x3FFE];
	_ =	sdelay $0x1  }
0x8a: {  	s1 =	srdreg.scid  }
0x8b: {  	s0 =	sand.u32 $0x1, s1  }
0x8c: {  	s17 =	sshll.u32 s0, $0xA;
	s2 =	sadd.s32 s3, s2  }
0x8d: {  	s2 =	sadd.s32 s2, s17  }
0x8e: {  	[smem:$0x3FC2] =	sst s2  }
0x8f: {  	_ = 	snop  }
0x90: {  	s2 =	sld [smem:$0x3FD0];
	(tm) =	ssettm $0x1  }
0x91: {  	s18 =	sld [smem:$0x3FFB];
	_ =	sdelay $0x3  }
0x92: {  	_ =	strace s18  }
0x93: {  	s3 =	sld [smem:$0x3FFC];
	_ =	sdelay $0x3  }
0x94: {  	_ =	strace s3  }
0x95: {  	s3 =	sld [smem:$0x3FFD];
	_ =	sdelay $0x3  }
0x96: {  	_ =	strace s3  }
0x97: {  	_ =	strace $0x8FFFFFFF  }
0x98: {  	s19 =	sld [smem:$0x3FDB];
	_ =	sdelay $0x1  }
0x99: {  	s4 =	simm.s32 $_scs_section_size  }
0x9a: {  	s5 =	simm.s32 $_size__tile_overlayer_lowered;
	s6 =	simm.s32 $_tile_overlayer_lowered  }
0x9b: {  	s22 =	simm.s32 $0x1BFF;
	s21 =	sshll.u32 s6, $0x1;
	s3 =	sadd.s32 s4, s19  }
0x9c: {  	s7 =	simm.s32 $0x0;
	s20 =	sshll.u32 s5, $0x1;
	s5 =	sadd.s32 s21, s3  }
0x9d: {  	[timem:s7], [sflag:s22] =	dma.local [hbm:s5], s20  }
0x9e: {  	_ =	swait.ge [sflag:s22], s20  }
0x9f: {  	s4 =	ssub.s32 $0x0, s20;
	[sflag:s22] =	ssyncset.done $0x0  }
0xa0: {  	[sflag:s22] =	ssyncadd.s32 s4;
	_ =	sdelay $0x1  }
0xa1: {  	s23 =	simm.s32 $0x1B8B  }
0xa2: {  	_ =	swait.ge [sflag:s23], $0x1  }
0xa3: {  	[sflag:s23] =	ssyncset.done $0x0  }
0xa4: {  	s25 =	simm.s32 $0x1B8E;
	s24 =	sld [smem:$0x3FFE];
	[sflag:s23] =	ssyncadd.s32 $0xFFFFFFFF  }
0xa5: {  	s26 =	simm.s32 $execute0_lowered;
	[smem:$0x3FD2] =	sst s25  }
0xa6: {  	s5 =	sshll.u32 s26, $0x1;
	_ =	strace $0x8000004C;
	[dreg:$0x1] =	wrdreg $0xFFFFFFFF  }
0xa7: {  	s28 =	simm.s32 $_size_execute0_lowered;
	s3 =	sadd.s32 s3, s5;
	[dreg:$0x0] =	wrdreg $0x0  }
0xa8: {  	s5 =	sshll.u32 s28, $0x1;
	[dreg:$0x2] =	wrdreg s3  }
0xa9: {  	[dreg:$0x3] =	wrdreg s5  }
0xaa: {  	[dreg:$0x4] =	wrdreg $0xC0  }
0xab: {  	_ =	task [dreg:s7], $0x5FFFF  }
0xac: {  	[dreg:$0x1] =	wrdreg $0xFFFFFFFF  }
0xad: {  	[dreg:$0x0] =	wrdreg $0x60  }
0xae: {  	[dreg:$0x2] =	wrdreg s2  }
0xaf: {  	[dreg:$0x3] =	wrdreg s24  }
0xb0: {  	[dreg:$0x4] =	wrdreg $0x0  }
0xb1: {  	[dreg:$0x5] =	wrdreg $0x9  }
0xb2: {  	_ =	task.clear_ibuf [dreg:s7], $0x6FFFF;
	_ =	strace $0x9000004C  }
0xb3: {  	s29 =	simm.s32 $0x9;
	_ =	strace $0x8000004E  }
0xb4: {  	_ =	swait.ge [sflag:s29], $0x1  }
0xb5: {  	[sflag:s29] =	ssyncadd.s32 $0xFFFFFFFF  }
0xb6: {  	_ =	strace $0x9000004E  }
0xb7: {  	_ =	sfence  }
0xb8: {  	s30 =	sld [smem:$0x0];
	_ =	sdelay $0x2  }
0xb9: {  	s31 =	sshll.u32 s1, $0xD;
	s1 =	sshrl.u32 s1, $0x2  }
0xba: {  	s3 =	sand.u32 $0x4000, s31;
	s1 =	sadd.s32 s1, s30  }
0xbb: {  	s0 =	sor.u32 s3, s0;
	s1 =	sshll.u32 s1, $0x11  }
0xbc: {  	s0 =	sor.u32 s1, s0  }
0xbd: {  	s0 =	sadd.s32 $0x8F2B, s0  }
0xbe: {  	[sflag:s0] =	ssyncadd.remote.s32 $0x1  }
0xbf: {  	_ =	sfence.sel $0xFFFF  }
0xc0: {  	[dreg:$0x0] =	wrdreg $0xFFFFFFFF;
	(pc) =	sbr.abs _section_cstart, $3  }
0xc1: {  	[dreg:$0x1] =	wrdreg $0xFFFFFFFF  }
0xc2: {  	_ =	task.clear_ibuf [dreg:s7], $0x2FFFF;
	_ =	strace $0x9FFFFFFF  }
0xc3: {  	(tm) =	ssettm $0x7FFFFFFF  }
tec
execute0_lowered:
.L_overlay_start_1:
0x0: {  	(tag) =	ssettag $0x1  }
0x1: {  	s1 =	rddreg [dreg:$0x0]  }
0x2: {  	s0 =	rddreg [dreg:$0x1]  }
0x3: {  	s3 =	rddreg [dreg:$0x2];
	s5 =	simm.s32 $0x0;
	s4 =	stileid.u32  }
0x4: {  	s2 =	srdreg.scid;
	s19 =	simm.s32 $0x5;
	s20 =	simm.s32 $0x1BC00  }
0x5: {  	s21 =	simm.s32 $0x80;
	s22 =	simm.s32 $0x13C00;
	s23 =	simm.s32 $0x1BC80  }
0x6: {  	[smem:$0x7FF] =	sst s5;
	s24 =	smul.u32 $0x13C00, s4;
	s2 =	sand.u32 $0x1, s2  }
0x7: {  	s15 =	sadd.s32 $0x2800, s0;
	s16 =	sadd.s32 $0xCA00, s0;
	s8 =	smul.u32 $0x4F000, s4  }
0x8: {  	s29 =	sshll.u32 s4, $0x6;
	s30 =	sshll.u32 s4, $0x5;
	s11 =	sshll.u32 s4, $0x7  }
0x9: {  	_ =	strace $0x8000004D;
	s6 =	smul.u32 $0x13C000, s2;
	s25 =	ssub.s32 $0x2, s2  }
0xa: {  	p0 =	seq.s32 s2, $0x0;
	s10 =	sor.u32 $0x20, s11;
	s12 =	sor.u32 $0x808, s30  }
0xb: {  	s17 =	sor.u32 $0x60, s11;
	s2 =	sor.u32 $0x818, s30;
	s7 =	sshrl.u32 s24, $0x3  }
0xc: {  	s9 =	sshrl.u32 s25, $0x1;
	s26 =	sshrl.u32 s8, $0x2;
	s8 =	simm.s32 $0x20  }
0xd: {  	s12 =	smov.u32 @p0 s10;
	s2 =	smov.u32 @p0 s17;
	s5 =	sadd.s32 s24, s6  }
0xe: {  	s7 =	sadd.s32 s7, s0;
	s18 =	ssub.s32 s25, s9;
	s9 =	sor.u32 $0x800, s30  }
0xf: {  	s8 =	simm.s32 @!p0 $0x8;
	s12 =	sshll.u32 s12, $0x4;
	s2 =	sshll.u32 s2, $0x4  }
0x10: {  	s24 =	simm.s32 $0x17C00;
	s25 =	simm.s32 $0x0;
	s5 =	sshrl.u32 s5, $0x3  }
0x11: {  	s28 =	sadd.s32 $0x16C00, s7;
	s7 =	sor.u32 $0x1C05, s29;
	s9 =	smov.u32 @p0 s11  }
0x12: {  	s14 =	sshll.u32 s8, $0x5;
	s11 =	sadd.s32 s15, s12;
	s12 =	sadd.s32 s16, s12  }
0x13: {  	s0 =	sadd.s32 s5, s0;
	s5 =	sadd.s32 s26, s3;
	[dreg:$0x5] =	wrdreg s28  }
0x14: {  	s18 =	smax.u32 s18, $0x1;
	s13 =	sshll.u32 s9, $0x4;
	[dreg:$0x4] =	wrdreg s5  }
0x15: {  	s31 =	sadd.s32 s15, s13;
	s10 =	sadd.s32 s16, s13;
	s14 =	sadd.s32 s14, s13  }
0x16: {  	s17 =	sadd.s32 $0x3E400, s0;
	[dreg:$0x6] =	wrdreg s31;
	s13 =	sadd.s32 s15, s14  }
0x17: {  	s14 =	sadd.s32 s16, s14;
	s15 =	sadd.s32 s15, s2;
	s16 =	sadd.s32 s16, s2  }
.LBB2_1:
0x18: {  	s0 =	rddreg [dreg:$0x4]  }
0x19: {  	s6 =	rddreg [dreg:$0x5];
	s26 =	sshrl.u32 s0, $0x3  }
0x1a: {  	[spmem:s26], [sflag:s7] =	dma.local [hbm:s6], $0x2780  }
0x1b: {  	_ =	swait.ge [sflag:s19], $0x2780  }
0x1c: {  	[sflag:s19] =	ssyncset.done $0x0  }
0x1d: {  	[sflag:s19] =	ssyncadd.s32 $0xFFFFD880  }
0x1e: {  	[bflag:$0x0] =	sbarrier.arrive $0xFFFF  }
0x1f: {  	s2 =	simm.s32 $0x0;
	s9 =	rddreg [dreg:$0x6]  }
0x20: {  	[tilespmem:s20], [sflag:$0x5] =	stream.linear.gather [hbm4b:s9+s2], $0x1000, $0x38;
	[tilespmem:$0x1DC00] =	vst v63  }
0x21: {  	_ =	swait.ge [sflag:s19], $0x1000  }
0x22: {  	[sflag:s19] =	ssyncset.done $0x0  }
0x23: {  	s0 =	simm.s32 $0x1CC00;
	[sflag:s19] =	ssyncadd.s32 $0xFFFFF000  }
0x24: {  	[tilespmem:s0], [sflag:$0x5] =	stream.linear.gather [hbm4b:s10+s2], $0x1000, $0x38;
	[tilespmem:$0x1DC00] =	vst v63  }
0x25: {  	_ =	swait.ge [sflag:s19], $0x1000  }
0x26: {  	[sflag:s19] =	ssyncset.done $0x0  }
0x27: {  	p0 =	sle.u32 s8, $0x0;
	[sflag:s19] =	ssyncadd.s32 $0xFFFFF000  }
0x28: {  	[tilespmem:s22], [sflag:$0x1] =	stream.indirect.gather [hbm4b:s1+s21], $0x80, s20, s21, $0xb8;
	[tilespmem:$0x1DC00] =	vst v63  }
0x29: {  	s2 =	simm.s32 @!p0 $0x1  }
0x2a: {  	[tilespmem:s24], [sflag:$0x2] =	stream.indirect.gather [hbm4b:s1+s21], $0x80, s23, s21, $0xb8;
	[tilespmem:$0x1DC00] =	vst v63  }
0x2b: {  	_ =	swait.ge @!p0 [sflag:s2], $0x4000  }
0x2c: {  	p1 =	sle.u32 @!p0 s8, $0x2;
	s28 =	simm.s32 @!p0 $0x3;
	[sflag:s2] =	ssyncset.done @!p0 $0x0  }
0x2d: {  	s29 =	simm.s32 @!p0 $0x13C00;
	[sflag:s2] =	ssyncadd.s32 @!p0 $0xFFFFC000;
	s2 =	simm.s32 @!p0 $0x80  }
0x2e: {  	[spmem:s3] =	stream.indirect.scatter.add.f32 @!p0 [tilespmem:s29], [sflag:$0x3], $0x80, s0, s2, $0xb8;
	[tilespmem:$0x1DC00] =	vst v63  }
0x2f: {  	p1 =	por p1, p0;
	_ =	swait.ge @!p0 [sflag:s28], $0x4000  }
0x30: {  	s0 =	simm.s32 $0x1BD00;
	s2 =	simm.s32 @!p1 $0x13C00;
	[sflag:s28] =	ssyncset.done @!p0 $0x0  }
0x31: {  	[sflag:s28] =	ssyncadd.s32 @!p0 $0xFFFFC000;
	s28 =	simm.s32 @!p1 $0x80;
	p0 =	sle.u32 s8, $0x1  }
0x32: {  	[tilespmem:s2], [sflag:$0x1] =	stream.indirect.gather @!p1 [hbm4b:s1+s28], $0x80, s0, s28, $0xb8;
	[tilespmem:$0x1DC00] =	vst v63  }
0x33: {  	s29 =	simm.s32 $0x1BE00;
	s0 =	simm.s32 @!p0 $0x2  }
0x34: {  	s2 =	simm.s32 @!p0 $0x80;
	s30 =	simm.s32 @!p0 $0x17C00;
	_ =	swait.ge @!p0 [sflag:s0], $0x4000  }
0x35: {  	s4 =	simm.s32 @!p0 $0x1CC80;
	p1 =	sle.u32 @!p0 s8, $0x3;
	[sflag:s0] =	ssyncset.done @!p0 $0x0  }
0x36: {  	s31 =	simm.s32 @!p0 $0x4;
	p3 =	por p1, p0;
	[sflag:s0] =	ssyncadd.s32 @!p0 $0xFFFFC000  }
0x37: {  	[spmem:s3] =	stream.indirect.scatter.add.f32 @!p0 [tilespmem:s30], [sflag:$0x4], $0x80, s4, s2, $0xb8;
	[tilespmem:$0x1DC00] =	vst v63  }
0x38: {  	s28 =	simm.s32 $0x2;
	s0 =	simm.s32 @!p3 $0x1BD80;
	_ =	swait.ge @!p0 [sflag:s31], $0x4000  }
0x39: {  	s30 =	simm.s32 $0x1CD00;
	s2 =	simm.s32 @!p3 $0x17C00;
	[sflag:s31] =	ssyncset.done @!p0 $0x0  }
.LBB2_2:
0x3a: {  	p2 =	sge.u32 s28, s8;
	[sflag:s31] =	ssyncadd.s32 @!p0 $0xFFFFC000  }
0x3b: {  	s4 =	simm.s32 @!p3 $0x80;
	s31 =	smov.u32 s28;
	s5 =	smov.u32 s29  }
0x3c: {  	[tilespmem:s2], [sflag:$0x2] =	stream.indirect.gather @!p3 [hbm4b:s1+s4], $0x80, s0, s4, $0xb8;
	[tilespmem:$0x1DC00] =	vst v63  }
0x3d: {  	s28 =	sadd.s32 $0x2, s28;
	s0 =	simm.s32 @!p2 $0x1;
	s2 =	sadd.s32 @!p2 $0x2, s31  }
0x3e: {  	p1 =	sne.s32 s28, $0x20;
	p0 =	sge.u32 @!p2 s2, s8;
	_ =	swait.ge @!p2 [sflag:s0], $0x4000  }
0x3f: {  	s2 =	simm.s32 @!p2 $0x3;
	p3 =	por p0, p2;
	[sflag:s0] =	ssyncset.done @!p2 $0x0  }
0x40: {  	s4 =	simm.s32 @!p2 $0x13C00;
	[sflag:s0] =	ssyncadd.s32 @!p2 $0xFFFFC000;
	s0 =	simm.s32 @!p2 $0x80  }
0x41: {  	[spmem:s3] =	stream.indirect.scatter.add.f32 @!p2 [tilespmem:s4], [sflag:$0x3], $0x80, s30, s0, $0xb8;
	[tilespmem:$0x1DC00] =	vst v63  }
0x42: {  	_ =	swait.ge @!p2 [sflag:s2], $0x4000  }
0x43: {  	s0 =	simm.s32 @!p3 $0x13C00;
	s4 =	sadd.s32 $0x1, s31;
	[sflag:s2] =	ssyncset.done @!p2 $0x0  }
0x44: {  	p0 =	sge.u32 s4, s8;
	[sflag:s2] =	ssyncadd.s32 @!p2 $0xFFFFC000;
	s2 =	simm.s32 @!p3 $0x80  }
0x45: {  	[tilespmem:s0], [sflag:$0x1] =	stream.indirect.gather @!p3 [hbm4b:s1+s2], $0x80, s29, s2, $0xb8;
	[tilespmem:$0x1DC00] =	vst v63  }
0x46: {  	s0 =	simm.s32 @!p0 $0x2;
	s2 =	sadd.s32 @!p0 $0x3, s31;
	s29 =	sadd.s32 $0x100, s29  }
0x47: {  	s4 =	simm.s32 @!p0 $0x80;
	s6 =	simm.s32 @!p0 $0x17C00;
	_ =	swait.ge @!p0 [sflag:s0], $0x4000  }
.Ltmp0:
0x48: {  	s9 =	sadd.s32 @!p0 $0x80, s30;
	[sflag:s0] =	ssyncset.done @!p0 $0x0;
	(pc) =	sbr.rel @p1 .LBB2_2-.Ltmp0, $4  }
0x49: {  	s31 =	simm.s32 @!p0 $0x4;
	p2 =	sge.u32 @!p0 s2, s8;
	[sflag:s0] =	ssyncadd.s32 @!p0 $0xFFFFC000  }
0x4a: {  	[spmem:s3] =	stream.indirect.scatter.add.f32 @!p0 [tilespmem:s6], [sflag:$0x4], $0x80, s9, s4, $0xb8;
	[tilespmem:$0x1DC00] =	vst v63  }
0x4b: {  	s30 =	sadd.s32 $0x100, s30;
	p3 =	por p2, p0;
	_ =	swait.ge @!p0 [sflag:s31], $0x4000  }
0x4c: {  	s2 =	simm.s32 @!p3 $0x17C00;
	s0 =	sadd.s32 @!p3 $0x80, s5;
	[sflag:s31] =	ssyncset.done @!p0 $0x0  }
0x4d: {  	[sflag:s31] =	ssyncadd.s32 @!p0 $0xFFFFC000;
	s4 =	simm.s32 @!p3 $0x80  }
0x4e: {  	[tilespmem:s2], [sflag:$0x2] =	stream.indirect.gather @!p3 [hbm4b:s1+s4], $0x80, s0, s4, $0xb8;
	[tilespmem:$0x1DC00] =	vst v63  }
0x4f: {  	s9 =	simm.s32 $0x0  }
0x50: {  	[tilespmem:s20], [sflag:$0x5] =	stream.linear.gather [hbm4b:s11+s9], $0x1000, $0x38;
	[tilespmem:$0x1DC00] =	vst v63  }
0x51: {  	_ =	swait.ge [sflag:s19], $0x1000  }
0x52: {  	[sflag:s19] =	ssyncset.done $0x0  }
0x53: {  	s2 =	simm.s32 $0x1CC00;
	[sflag:s19] =	ssyncadd.s32 $0xFFFFF000  }
0x54: {  	[tilespmem:s2], [sflag:$0x5] =	stream.linear.gather [hbm4b:s12+s9], $0x1000, $0x38;
	[tilespmem:$0x1DC00] =	vst v63  }
0x55: {  	_ =	swait.ge [sflag:s19], $0x1000  }
0x56: {  	[sflag:s19] =	ssyncset.done $0x0  }
0x57: {  	p0 =	sle.u32 s8, $0x0;
	[sflag:s19] =	ssyncadd.s32 $0xFFFFF000  }
0x58: {  	[tilespmem:s22], [sflag:$0x1] =	stream.indirect.gather [hbm4b:s1+s21], $0x80, s20, s21, $0xb8;
	[tilespmem:$0x1DC00] =	vst v63  }
0x59: {  	s0 =	simm.s32 @!p0 $0x1  }
0x5a: {  	[tilespmem:s24], [sflag:$0x2] =	stream.indirect.gather [hbm4b:s1+s21], $0x80, s23, s21, $0xb8;
	[tilespmem:$0x1DC00] =	vst v63  }
0x5b: {  	_ =	swait.ge @!p0 [sflag:s0], $0x4000  }
0x5c: {  	p1 =	sle.u32 @!p0 s8, $0x2;
	s4 =	simm.s32 @!p0 $0x3;
	[sflag:s0] =	ssyncset.done @!p0 $0x0  }
0x5d: {  	s5 =	simm.s32 @!p0 $0x13C00;
	[sflag:s0] =	ssyncadd.s32 @!p0 $0xFFFFC000;
	s0 =	simm.s32 @!p0 $0x80  }
0x5e: {  	[spmem:s3] =	stream.indirect.scatter.add.f32 @!p0 [tilespmem:s5], [sflag:$0x3], $0x80, s2, s0, $0xb8;
	[tilespmem:$0x1DC00] =	vst v63  }
0x5f: {  	p1 =	por p1, p0;
	_ =	swait.ge @!p0 [sflag:s4], $0x4000  }
0x60: {  	s0 =	simm.s32 $0x1BD00;
	s2 =	simm.s32 @!p1 $0x13C00;
	[sflag:s4] =	ssyncset.done @!p0 $0x0  }
0x61: {  	[sflag:s4] =	ssyncadd.s32 @!p0 $0xFFFFC000;
	s4 =	simm.s32 @!p1 $0x80;
	p0 =	sle.u32 s8, $0x1  }
0x62: {  	[tilespmem:s2], [sflag:$0x1] =	stream.indirect.gather @!p1 [hbm4b:s1+s4], $0x80, s0, s4, $0xb8;
	[tilespmem:$0x1DC00] =	vst v63  }
0x63: {  	s28 =	simm.s32 $0x2;
	s0 =	simm.s32 @!p0 $0x2  }
0x64: {  	s29 =	simm.s32 $0x1BE00;
	s2 =	simm.s32 @!p0 $0x80;
	_ =	swait.ge @!p0 [sflag:s0], $0x4000  }
0x65: {  	s4 =	simm.s32 @!p0 $0x17C00;
	s5 =	simm.s32 @!p0 $0x1CC80;
	[sflag:s0] =	ssyncset.done @!p0 $0x0  }
0x66: {  	s31 =	simm.s32 @!p0 $0x4;
	p1 =	sle.u32 @!p0 s8, $0x3;
	[sflag:s0] =	ssyncadd.s32 @!p0 $0xFFFFC000  }
0x67: {  	[spmem:s3] =	stream.indirect.scatter.add.f32 @!p0 [tilespmem:s4], [sflag:$0x4], $0x80, s5, s2, $0xb8;
	[tilespmem:$0x1DC00] =	vst v63  }
0x68: {  	s30 =	simm.s32 $0x1CD00;
	p3 =	por p1, p0;
	_ =	swait.ge @!p0 [sflag:s31], $0x4000  }
0x69: {  	s0 =	simm.s32 @!p3 $0x1BD80;
	s2 =	simm.s32 @!p3 $0x17C00;
	[sflag:s31] =	ssyncset.done @!p0 $0x0  }
.LBB2_4:
0x6a: {  	p2 =	sge.u32 s28, s8;
	[sflag:s31] =	ssyncadd.s32 @!p0 $0xFFFFC000  }
0x6b: {  	s4 =	simm.s32 @!p3 $0x80;
	s5 =	smov.u32 s28;
	s6 =	smov.u32 s29  }
0x6c: {  	[tilespmem:s2], [sflag:$0x2] =	stream.indirect.gather @!p3 [hbm4b:s1+s4], $0x80, s0, s4, $0xb8;
	[tilespmem:$0x1DC00] =	vst v63  }
0x6d: {  	s28 =	sadd.s32 $0x2, s28;
	s0 =	simm.s32 @!p2 $0x1;
	s2 =	sadd.s32 @!p2 $0x2, s5  }
0x6e: {  	p1 =	sne.s32 s28, $0x20;
	p0 =	sge.u32 @!p2 s2, s8;
	_ =	swait.ge @!p2 [sflag:s0], $0x4000  }
0x6f: {  	s2 =	simm.s32 @!p2 $0x3;
	p3 =	por p0, p2;
	[sflag:s0] =	ssyncset.done @!p2 $0x0  }
0x70: {  	s4 =	simm.s32 @!p2 $0x13C00;
	[sflag:s0] =	ssyncadd.s32 @!p2 $0xFFFFC000;
	s0 =	simm.s32 @!p2 $0x80  }
0x71: {  	[spmem:s3] =	stream.indirect.scatter.add.f32 @!p2 [tilespmem:s4], [sflag:$0x3], $0x80, s30, s0, $0xb8;
	[tilespmem:$0x1DC00] =	vst v63  }
0x72: {  	_ =	swait.ge @!p2 [sflag:s2], $0x4000  }
0x73: {  	s0 =	simm.s32 @!p3 $0x13C00;
	s4 =	sadd.s32 $0x1, s5;
	[sflag:s2] =	ssyncset.done @!p2 $0x0  }
0x74: {  	p0 =	sge.u32 s4, s8;
	[sflag:s2] =	ssyncadd.s32 @!p2 $0xFFFFC000;
	s2 =	simm.s32 @!p3 $0x80  }
0x75: {  	[tilespmem:s0], [sflag:$0x1] =	stream.indirect.gather @!p3 [hbm4b:s1+s2], $0x80, s29, s2, $0xb8;
	[tilespmem:$0x1DC00] =	vst v63  }
0x76: {  	s0 =	simm.s32 @!p0 $0x2;
	s2 =	sadd.s32 @!p0 $0x3, s5;
	s29 =	sadd.s32 $0x100, s29  }
0x77: {  	s4 =	simm.s32 @!p0 $0x80;
	s5 =	simm.s32 @!p0 $0x17C00;
	_ =	swait.ge @!p0 [sflag:s0], $0x4000  }
.Ltmp1:
0x78: {  	s9 =	sadd.s32 @!p0 $0x80, s30;
	[sflag:s0] =	ssyncset.done @!p0 $0x0;
	(pc) =	sbr.rel @p1 .LBB2_4-.Ltmp1, $4  }
0x79: {  	s31 =	simm.s32 @!p0 $0x4;
	p2 =	sge.u32 @!p0 s2, s8;
	[sflag:s0] =	ssyncadd.s32 @!p0 $0xFFFFC000  }
0x7a: {  	[spmem:s3] =	stream.indirect.scatter.add.f32 @!p0 [tilespmem:s5], [sflag:$0x4], $0x80, s9, s4, $0xb8;
	[tilespmem:$0x1DC00] =	vst v63  }
0x7b: {  	s30 =	sadd.s32 $0x100, s30;
	p3 =	por p2, p0;
	_ =	swait.ge @!p0 [sflag:s31], $0x4000  }
0x7c: {  	s2 =	simm.s32 @!p3 $0x17C00;
	s0 =	sadd.s32 @!p3 $0x80, s6;
	[sflag:s31] =	ssyncset.done @!p0 $0x0  }
0x7d: {  	[sflag:s31] =	ssyncadd.s32 @!p0 $0xFFFFC000;
	s4 =	simm.s32 @!p3 $0x80  }
0x7e: {  	[tilespmem:s2], [sflag:$0x2] =	stream.indirect.gather @!p3 [hbm4b:s1+s4], $0x80, s0, s4, $0xb8;
	[tilespmem:$0x1DC00] =	vst v63  }
0x7f: {  	s9 =	simm.s32 $0x0  }
0x80: {  	[tilespmem:s20], [sflag:$0x5] =	stream.linear.gather [hbm4b:s13+s9], $0x1000, $0x38;
	[tilespmem:$0x1DC00] =	vst v63  }
0x81: {  	_ =	swait.ge [sflag:s19], $0x1000  }
0x82: {  	[sflag:s19] =	ssyncset.done $0x0  }
0x83: {  	s2 =	simm.s32 $0x1CC00;
	[sflag:s19] =	ssyncadd.s32 $0xFFFFF000  }
0x84: {  	[tilespmem:s2], [sflag:$0x5] =	stream.linear.gather [hbm4b:s14+s9], $0x1000, $0x38;
	[tilespmem:$0x1DC00] =	vst v63  }
0x85: {  	_ =	swait.ge [sflag:s19], $0x1000  }
0x86: {  	[sflag:s19] =	ssyncset.done $0x0  }
0x87: {  	p0 =	sle.u32 s8, $0x0;
	[sflag:s19] =	ssyncadd.s32 $0xFFFFF000  }
0x88: {  	[tilespmem:s22], [sflag:$0x1] =	stream.indirect.gather [hbm4b:s1+s21], $0x80, s20, s21, $0xb8;
	[tilespmem:$0x1DC00] =	vst v63  }
0x89: {  	s0 =	simm.s32 @!p0 $0x1  }
0x8a: {  	[tilespmem:s24], [sflag:$0x2] =	stream.indirect.gather [hbm4b:s1+s21], $0x80, s23, s21, $0xb8;
	[tilespmem:$0x1DC00] =	vst v63  }
0x8b: {  	_ =	swait.ge @!p0 [sflag:s0], $0x4000  }
0x8c: {  	p1 =	sle.u32 @!p0 s8, $0x2;
	s4 =	simm.s32 @!p0 $0x3;
	[sflag:s0] =	ssyncset.done @!p0 $0x0  }
0x8d: {  	s5 =	simm.s32 @!p0 $0x13C00;
	[sflag:s0] =	ssyncadd.s32 @!p0 $0xFFFFC000;
	s0 =	simm.s32 @!p0 $0x80  }
0x8e: {  	[spmem:s3] =	stream.indirect.scatter.add.f32 @!p0 [tilespmem:s5], [sflag:$0x3], $0x80, s2, s0, $0xb8;
	[tilespmem:$0x1DC00] =	vst v63  }
0x8f: {  	p1 =	por p1, p0;
	_ =	swait.ge @!p0 [sflag:s4], $0x4000  }
0x90: {  	s0 =	simm.s32 $0x1BD00;
	s2 =	simm.s32 @!p1 $0x13C00;
	[sflag:s4] =	ssyncset.done @!p0 $0x0  }
0x91: {  	[sflag:s4] =	ssyncadd.s32 @!p0 $0xFFFFC000;
	s4 =	simm.s32 @!p1 $0x80;
	p0 =	sle.u32 s8, $0x1  }
0x92: {  	[tilespmem:s2], [sflag:$0x1] =	stream.indirect.gather @!p1 [hbm4b:s1+s4], $0x80, s0, s4, $0xb8;
	[tilespmem:$0x1DC00] =	vst v63  }
0x93: {  	s28 =	simm.s32 $0x2;
	s0 =	simm.s32 @!p0 $0x2  }
0x94: {  	s29 =	simm.s32 $0x1BE00;
	s2 =	simm.s32 @!p0 $0x80;
	_ =	swait.ge @!p0 [sflag:s0], $0x4000  }
0x95: {  	s4 =	simm.s32 @!p0 $0x17C00;
	s5 =	simm.s32 @!p0 $0x1CC80;
	[sflag:s0] =	ssyncset.done @!p0 $0x0  }
0x96: {  	s31 =	simm.s32 @!p0 $0x4;
	p1 =	sle.u32 @!p0 s8, $0x3;
	[sflag:s0] =	ssyncadd.s32 @!p0 $0xFFFFC000  }
0x97: {  	[spmem:s3] =	stream.indirect.scatter.add.f32 @!p0 [tilespmem:s4], [sflag:$0x4], $0x80, s5, s2, $0xb8;
	[tilespmem:$0x1DC00] =	vst v63  }
0x98: {  	s30 =	simm.s32 $0x1CD00;
	p3 =	por p1, p0;
	_ =	swait.ge @!p0 [sflag:s31], $0x4000  }
0x99: {  	s0 =	simm.s32 @!p3 $0x1BD80;
	s2 =	simm.s32 @!p3 $0x17C00;
	[sflag:s31] =	ssyncset.done @!p0 $0x0  }
.LBB2_6:
0x9a: {  	p2 =	sge.u32 s28, s8;
	[sflag:s31] =	ssyncadd.s32 @!p0 $0xFFFFC000  }
0x9b: {  	s4 =	simm.s32 @!p3 $0x80;
	s5 =	smov.u32 s28;
	s6 =	smov.u32 s29  }
0x9c: {  	[tilespmem:s2], [sflag:$0x2] =	stream.indirect.gather @!p3 [hbm4b:s1+s4], $0x80, s0, s4, $0xb8;
	[tilespmem:$0x1DC00] =	vst v63  }
0x9d: {  	s28 =	sadd.s32 $0x2, s28;
	s0 =	simm.s32 @!p2 $0x1;
	s2 =	sadd.s32 @!p2 $0x2, s5  }
0x9e: {  	p1 =	sne.s32 s28, $0x20;
	p0 =	sge.u32 @!p2 s2, s8;
	_ =	swait.ge @!p2 [sflag:s0], $0x4000  }
0x9f: {  	s2 =	simm.s32 @!p2 $0x3;
	p3 =	por p0, p2;
	[sflag:s0] =	ssyncset.done @!p2 $0x0  }
0xa0: {  	s4 =	simm.s32 @!p2 $0x13C00;
	[sflag:s0] =	ssyncadd.s32 @!p2 $0xFFFFC000;
	s0 =	simm.s32 @!p2 $0x80  }
0xa1: {  	[spmem:s3] =	stream.indirect.scatter.add.f32 @!p2 [tilespmem:s4], [sflag:$0x3], $0x80, s30, s0, $0xb8;
	[tilespmem:$0x1DC00] =	vst v63  }
0xa2: {  	_ =	swait.ge @!p2 [sflag:s2], $0x4000  }
0xa3: {  	s0 =	simm.s32 @!p3 $0x13C00;
	s4 =	sadd.s32 $0x1, s5;
	[sflag:s2] =	ssyncset.done @!p2 $0x0  }
0xa4: {  	p0 =	sge.u32 s4, s8;
	[sflag:s2] =	ssyncadd.s32 @!p2 $0xFFFFC000;
	s2 =	simm.s32 @!p3 $0x80  }
0xa5: {  	[tilespmem:s0], [sflag:$0x1] =	stream.indirect.gather @!p3 [hbm4b:s1+s2], $0x80, s29, s2, $0xb8;
	[tilespmem:$0x1DC00] =	vst v63  }
0xa6: {  	s0 =	simm.s32 @!p0 $0x2;
	s2 =	sadd.s32 @!p0 $0x3, s5;
	s29 =	sadd.s32 $0x100, s29  }
0xa7: {  	s4 =	simm.s32 @!p0 $0x80;
	s5 =	simm.s32 @!p0 $0x17C00;
	_ =	swait.ge @!p0 [sflag:s0], $0x4000  }
.Ltmp2:
0xa8: {  	s9 =	sadd.s32 @!p0 $0x80, s30;
	[sflag:s0] =	ssyncset.done @!p0 $0x0;
	(pc) =	sbr.rel @p1 .LBB2_6-.Ltmp2, $4  }
0xa9: {  	s31 =	simm.s32 @!p0 $0x4;
	p2 =	sge.u32 @!p0 s2, s8;
	[sflag:s0] =	ssyncadd.s32 @!p0 $0xFFFFC000  }
0xaa: {  	[spmem:s3] =	stream.indirect.scatter.add.f32 @!p0 [tilespmem:s5], [sflag:$0x4], $0x80, s9, s4, $0xb8;
	[tilespmem:$0x1DC00] =	vst v63  }
0xab: {  	s30 =	sadd.s32 $0x100, s30;
	p3 =	por p2, p0;
	_ =	swait.ge @!p0 [sflag:s31], $0x4000  }
0xac: {  	s2 =	simm.s32 @!p3 $0x17C00;
	s0 =	sadd.s32 @!p3 $0x80, s6;
	[sflag:s31] =	ssyncset.done @!p0 $0x0  }
0xad: {  	[sflag:s31] =	ssyncadd.s32 @!p0 $0xFFFFC000;
	s4 =	simm.s32 @!p3 $0x80  }
0xae: {  	[tilespmem:s2], [sflag:$0x2] =	stream.indirect.gather @!p3 [hbm4b:s1+s4], $0x80, s0, s4, $0xb8;
	[tilespmem:$0x1DC00] =	vst v63  }
0xaf: {  	s9 =	simm.s32 $0x0  }
0xb0: {  	[tilespmem:s20], [sflag:$0x5] =	stream.linear.gather [hbm4b:s15+s9], $0x1000, $0x38;
	[tilespmem:$0x1DC00] =	vst v63  }
0xb1: {  	_ =	swait.ge [sflag:s19], $0x1000  }
0xb2: {  	[sflag:s19] =	ssyncset.done $0x0  }
0xb3: {  	s2 =	simm.s32 $0x1CC00;
	[sflag:s19] =	ssyncadd.s32 $0xFFFFF000  }
0xb4: {  	[tilespmem:s2], [sflag:$0x5] =	stream.linear.gather [hbm4b:s16+s9], $0x1000, $0x38;
	[tilespmem:$0x1DC00] =	vst v63  }
0xb5: {  	_ =	swait.ge [sflag:s19], $0x1000  }
0xb6: {  	[sflag:s19] =	ssyncset.done $0x0  }
0xb7: {  	p0 =	sle.u32 s8, $0x0;
	[sflag:s19] =	ssyncadd.s32 $0xFFFFF000  }
0xb8: {  	[tilespmem:s22], [sflag:$0x1] =	stream.indirect.gather [hbm4b:s1+s21], $0x80, s20, s21, $0xb8;
	[tilespmem:$0x1DC00] =	vst v63  }
0xb9: {  	s0 =	simm.s32 @!p0 $0x1  }
0xba: {  	[tilespmem:s24], [sflag:$0x2] =	stream.indirect.gather [hbm4b:s1+s21], $0x80, s23, s21, $0xb8;
	[tilespmem:$0x1DC00] =	vst v63  }
0xbb: {  	_ =	swait.ge @!p0 [sflag:s0], $0x4000  }
0xbc: {  	p1 =	sle.u32 @!p0 s8, $0x2;
	s4 =	simm.s32 @!p0 $0x3;
	[sflag:s0] =	ssyncset.done @!p0 $0x0  }
0xbd: {  	s5 =	simm.s32 @!p0 $0x13C00;
	[sflag:s0] =	ssyncadd.s32 @!p0 $0xFFFFC000;
	s0 =	simm.s32 @!p0 $0x80  }
0xbe: {  	[spmem:s3] =	stream.indirect.scatter.add.f32 @!p0 [tilespmem:s5], [sflag:$0x3], $0x80, s2, s0, $0xb8;
	[tilespmem:$0x1DC00] =	vst v63  }
0xbf: {  	p1 =	por p1, p0;
	_ =	swait.ge @!p0 [sflag:s4], $0x4000  }
0xc0: {  	s0 =	simm.s32 $0x1BD00;
	s2 =	simm.s32 @!p1 $0x13C00;
	[sflag:s4] =	ssyncset.done @!p0 $0x0  }
0xc1: {  	[sflag:s4] =	ssyncadd.s32 @!p0 $0xFFFFC000;
	s4 =	simm.s32 @!p1 $0x80;
	p0 =	sle.u32 s8, $0x1  }
0xc2: {  	[tilespmem:s2], [sflag:$0x1] =	stream.indirect.gather @!p1 [hbm4b:s1+s4], $0x80, s0, s4, $0xb8;
	[tilespmem:$0x1DC00] =	vst v63  }
0xc3: {  	s28 =	simm.s32 $0x2;
	s0 =	simm.s32 @!p0 $0x2  }
0xc4: {  	s29 =	simm.s32 $0x1BE00;
	s2 =	simm.s32 @!p0 $0x80;
	_ =	swait.ge @!p0 [sflag:s0], $0x4000  }
0xc5: {  	s4 =	simm.s32 @!p0 $0x17C00;
	s5 =	simm.s32 @!p0 $0x1CC80;
	[sflag:s0] =	ssyncset.done @!p0 $0x0  }
0xc6: {  	s31 =	simm.s32 @!p0 $0x4;
	p1 =	sle.u32 @!p0 s8, $0x3;
	[sflag:s0] =	ssyncadd.s32 @!p0 $0xFFFFC000  }
0xc7: {  	[spmem:s3] =	stream.indirect.scatter.add.f32 @!p0 [tilespmem:s4], [sflag:$0x4], $0x80, s5, s2, $0xb8;
	[tilespmem:$0x1DC00] =	vst v63  }
0xc8: {  	s30 =	simm.s32 $0x1CD00;
	p3 =	por p1, p0;
	_ =	swait.ge @!p0 [sflag:s31], $0x4000  }
0xc9: {  	s0 =	simm.s32 @!p3 $0x1BD80;
	s2 =	simm.s32 @!p3 $0x17C00;
	[sflag:s31] =	ssyncset.done @!p0 $0x0  }
.LBB2_8:
0xca: {  	p2 =	sge.u32 s28, s8;
	[sflag:s31] =	ssyncadd.s32 @!p0 $0xFFFFC000  }
0xcb: {  	s4 =	simm.s32 @!p3 $0x80;
	s5 =	smov.u32 s28;
	s6 =	smov.u32 s29  }
0xcc: {  	[tilespmem:s2], [sflag:$0x2] =	stream.indirect.gather @!p3 [hbm4b:s1+s4], $0x80, s0, s4, $0xb8;
	[tilespmem:$0x1DC00] =	vst v63  }
0xcd: {  	s28 =	sadd.s32 $0x2, s28;
	s0 =	simm.s32 @!p2 $0x1;
	s2 =	sadd.s32 @!p2 $0x2, s5  }
0xce: {  	p1 =	sne.s32 s28, $0x20;
	p0 =	sge.u32 @!p2 s2, s8;
	_ =	swait.ge @!p2 [sflag:s0], $0x4000  }
0xcf: {  	s2 =	simm.s32 @!p2 $0x3;
	p3 =	por p0, p2;
	[sflag:s0] =	ssyncset.done @!p2 $0x0  }
0xd0: {  	s4 =	simm.s32 @!p2 $0x13C00;
	[sflag:s0] =	ssyncadd.s32 @!p2 $0xFFFFC000;
	s0 =	simm.s32 @!p2 $0x80  }
0xd1: {  	[spmem:s3] =	stream.indirect.scatter.add.f32 @!p2 [tilespmem:s4], [sflag:$0x3], $0x80, s30, s0, $0xb8;
	[tilespmem:$0x1DC00] =	vst v63  }
0xd2: {  	_ =	swait.ge @!p2 [sflag:s2], $0x4000  }
0xd3: {  	s0 =	simm.s32 @!p3 $0x13C00;
	s4 =	sadd.s32 $0x1, s5;
	[sflag:s2] =	ssyncset.done @!p2 $0x0  }
0xd4: {  	p0 =	sge.u32 s4, s8;
	[sflag:s2] =	ssyncadd.s32 @!p2 $0xFFFFC000;
	s2 =	simm.s32 @!p3 $0x80  }
0xd5: {  	[tilespmem:s0], [sflag:$0x1] =	stream.indirect.gather @!p3 [hbm4b:s1+s2], $0x80, s29, s2, $0xb8;
	[tilespmem:$0x1DC00] =	vst v63  }
0xd6: {  	s0 =	simm.s32 @!p0 $0x2;
	s2 =	sadd.s32 @!p0 $0x3, s5;
	s29 =	sadd.s32 $0x100, s29  }
0xd7: {  	s4 =	simm.s32 @!p0 $0x80;
	s5 =	simm.s32 @!p0 $0x17C00;
	_ =	swait.ge @!p0 [sflag:s0], $0x4000  }
.Ltmp3:
0xd8: {  	s9 =	sadd.s32 @!p0 $0x80, s30;
	[sflag:s0] =	ssyncset.done @!p0 $0x0;
	(pc) =	sbr.rel @p1 .LBB2_8-.Ltmp3, $4  }
0xd9: {  	s31 =	simm.s32 @!p0 $0x4;
	p2 =	sge.u32 @!p0 s2, s8;
	[sflag:s0] =	ssyncadd.s32 @!p0 $0xFFFFC000  }
0xda: {  	[spmem:s3] =	stream.indirect.scatter.add.f32 @!p0 [tilespmem:s5], [sflag:$0x4], $0x80, s9, s4, $0xb8;
	[tilespmem:$0x1DC00] =	vst v63  }
0xdb: {  	s30 =	sadd.s32 $0x100, s30;
	p3 =	por p2, p0;
	_ =	swait.ge @!p0 [sflag:s31], $0x4000  }
0xdc: {  	s2 =	simm.s32 @!p3 $0x17C00;
	s0 =	sadd.s32 @!p3 $0x80, s6;
	[sflag:s31] =	ssyncset.done @!p0 $0x0  }
0xdd: {  	[sflag:s31] =	ssyncadd.s32 @!p0 $0xFFFFC000;
	s4 =	simm.s32 @!p3 $0x80;
	s25 =	sadd.s32 $0x1, s25  }
0xde: {  	[tilespmem:s2], [sflag:$0x2] =	stream.indirect.gather @!p3 [hbm4b:s1+s4], $0x80, s0, s4, $0xb8;
	[tilespmem:$0x1DC00] =	vst v63  }
0xdf: {  	p0 =	sne.s32 s25, s18  }
.Ltmp4:
0xe0: {  	[bflag:$0x0] =	sbarrier.arrive $0xFFFF;
	(pc) =	sbr.rel @p0 .LBB2_1-.Ltmp4, $4  }
0xe1: {  	[hbm:s17], [sflag:s7] =	dma.local [spmem:s26], $0x2780  }
0xe2: {  	_ =	swait.ge [sflag:s19], $0x2780  }
0xe3: {  	[sflag:s19] =	ssyncset.done $0x0  }
0xe4: {  	[sflag:s19] =	ssyncadd.s32 $0xFFFFD880  }
0xe5: {  	_ =	sfence.sel $0x180000  }
0xe6: {  	[bflag:$0x0] =	sbarrier.arrive $0xFFFF  }
0xe7: {  	_ =	strace $0x9000004D  }
0xe8: {  	s0 =	stileid.u32;
	[bflag:$0x2] =	sbarrier.arrive $0xFFFF  }
0xe9: {  	p0 =	sne.s32 s0, $0x0;
	s0 =	rddreg [dreg:$0x3]  }
0xea: {  	s0 =	sadd.s32 @!p0 $0x100000, s0  }
0xeb: {  	[sflag:s0] =	ssyncadd.tile.s32 @!p0 $0x1;
	_ =	shalt  }
.Lfunc_end2:
_tile_overlayer_lowered:
.L_overlay_start_2:
0xec: {  	(tag) =	ssettag $0x2  }
0xed: {  	s0 =	rddreg [dreg:$0x0];
	s2 =	stileid.u32  }
0xee: {  	s1 =	rddreg [dreg:$0x1];
	p0 =	sne.s32 s2, $0x0  }
0xef: {  	s3 =	rddreg [dreg:$0x2];
	[bflag:$0x3] =	sbarrier.arrive $0xFFFF;
	s2 =	simm.s32 @!p0 $0x1C05  }
0xf0: {  	[timem:s3], [sflag:s2] =	dma.local @!p0 [hbm:s0], s1  }
0xf1: {  	s0 =	simm.s32 @!p0 $0x5  }
0xf2: {  	_ =	swait.ge @!p0 [sflag:s0], s1  }
0xf3: {  	s1 =	ssub.s32 @!p0 $0x0, s1;
	[sflag:s0] =	ssyncset.done @!p0 $0x0  }
0xf4: {  	[sflag:s0] =	ssyncadd.s32 @!p0 s1  }
0xf5: {  	[bflag:$0x3] =	sbarrier.arrive $0xFFFF  }
0xf6: {  	_ =	shalt  }

</sc_bundles>
